<compile_context>
chip_gen: v7x
topology: tpu7x:2x2x1
jax: 0.10.2.dev20260603
libtpu: 0.0.44.dev20260713+nightly
codegen_flags: <defaults>
</compile_context>

<pallas_src>
import functools

import jax
import jax.numpy as jnp
from jax import lax
from jax.experimental import pallas as pl
from jax.experimental.pallas import tpu as pltpu
from jax.experimental.pallas import tpu_sc as plsc

VOCAB = 1000000
DIM = 64
BATCH = 16384
SEQ = 50
NC, NS = 2, 16
NW = NC * NS
BW = BATCH // NW
SUB = 128
CPB = BW // SUB
NCHUNK = SEQ * CPB
W2ROWS = VOCAB

_mesh = plsc.VectorSubcoreMesh(core_axis_name="c", subcore_axis_name="s")


@functools.partial(
    pl.kernel,
    out_type=jax.ShapeDtypeStruct((SEQ * DIM, BATCH), jnp.float32),
    mesh=_mesh,
    scratch_types=[
        pltpu.VMEM((SEQ, BW), jnp.int32),
        pltpu.VMEM((SUB, 2 * DIM), jnp.float32),
        pltpu.VMEM((SUB, 2 * DIM), jnp.float32),
        pltpu.VMEM((DIM, SUB), jnp.float32),
        pltpu.VMEM((DIM, SUB), jnp.float32),
        pltpu.VMEM((SUB,), jnp.int32),
        pltpu.VMEM((SUB,), jnp.int32),
        pltpu.SemaphoreType.DMA,
        pltpu.SemaphoreType.DMA,
        pltpu.SemaphoreType.DMA,
        pltpu.SemaphoreType.DMA,
    ],
    compiler_params=pltpu.CompilerParams(
        use_tc_tiling_on_sc=True, needs_layout_passes=False,
        disable_bounds_checks=True),
)
def _emb_kernel(w2_hbm, xt_hbm, out_hbm, xw, g0, g1, o0, o1, i0, i1,
                gsem0, gsem1, wsem0, wsem1):
    wid = lax.axis_index("s") * NC + lax.axis_index("c")
    b0 = wid * BW
    pltpu.sync_copy(xt_hbm.at[:, pl.ds(b0, BW)], xw)

    lane = jax.lax.broadcasted_iota(jnp.int32, (16,), 0)

    def xvec(t, g):
        s = t // CPB
        col = (t % CPB) * SUB + g * 16
        row_idx = jnp.full((16,), s, jnp.int32)
        return plsc.load_gather(xw, [row_idx, lane + col])

    def compute_idx(t, ib):
        def body(g, carry):
            ib[pl.ds(g * 16, 16)] = xvec(t, g)
            return carry
        lax.fori_loop(0, 8, body, 0)

    def fire(gb, ib, gsem):
        pltpu.async_copy(w2_hbm.at[ib], gb, gsem)

    def drain(gb, gsem):
        pltpu.make_async_copy(w2_hbm.at[pl.ds(0, SUB)], gb, gsem).wait()

    def extract(t, gb, ob):
        BB = 16
        def body(g, carry):
            colb = lane + g * 16
            cv = lane
            vals, cvs = [], []
            for k in range(BB):
                vals.append(plsc.load_gather(gb, [colb, cv]))
                cvs.append(cv)
                cv = (cv + 1) & (DIM - 1)
            for blk in range(1, DIM // BB):
                nvals, ncvs = [], []
                for k in range(BB):
                    nvals.append(plsc.load_gather(gb, [colb, cv]))
                    ncvs.append(cv)
                    cv = (cv + 1) & (DIM - 1)
                for k in range(BB):
                    plsc.store_scatter(ob, [cvs[k], colb], vals[k])
                vals, cvs = nvals, ncvs
            for k in range(BB):
                plsc.store_scatter(ob, [cvs[k], colb], vals[k])
            return carry
        lax.fori_loop(0, 8, body, 0)

    def write(t, ob, wsem):
        s = t // CPB
        col = b0 + (t % CPB) * SUB
        return pltpu.async_copy(
            ob, out_hbm.at[pl.ds(s * DIM, DIM), pl.ds(col, SUB)], wsem)

    compute_idx(0, i0)
    fire(g0, i0, gsem0)
    compute_idx(1, i1)
    fire(g1, i1, gsem1)

    drain(g0, gsem0)
    compute_idx(2, i0)
    extract(0, g0, o0)
    fire(g0, i0, gsem0)
    write(0, o0, wsem0)
    drain(g1, gsem1)
    compute_idx(3, i1)
    extract(1, g1, o1)
    fire(g1, i1, gsem1)
    write(1, o1, wsem1)

    def pair_body(i, carry):
        a = 2 * i
        drain(g0, gsem0)
        compute_idx(a + 2, i0)
        pltpu.make_async_copy(o0, out_hbm.at[pl.ds(0, DIM), pl.ds(0, SUB)], wsem0).wait()
        extract(a, g0, o0)
        fire(g0, i0, gsem0)
        write(a, o0, wsem0)
        drain(g1, gsem1)
        compute_idx(a + 3, i1)
        pltpu.make_async_copy(o1, out_hbm.at[pl.ds(0, DIM), pl.ds(0, SUB)], wsem1).wait()
        extract(a + 1, g1, o1)
        fire(g1, i1, gsem1)
        write(a + 1, o1, wsem1)
        return carry

    lax.fori_loop(1, NCHUNK // 2 - 1, pair_body, 0)

    drain(g0, gsem0)
    pltpu.make_async_copy(o0, out_hbm.at[pl.ds(0, DIM), pl.ds(0, SUB)], wsem0).wait()
    extract(NCHUNK - 2, g0, o0)
    w0 = write(NCHUNK - 2, o0, wsem0)
    drain(g1, gsem1)
    pltpu.make_async_copy(o1, out_hbm.at[pl.ds(0, DIM), pl.ds(0, SUB)], wsem1).wait()
    extract(NCHUNK - 1, g1, o1)
    w1 = write(NCHUNK - 1, o1, wsem1)
    w0.wait()
    w1.wait()


def kernel(x, weight):
    w2 = jnp.pad(weight, ((0, 0), (0, DIM)))
    xt = x.T.astype(jnp.int32)
    out = _emb_kernel(w2, xt)
    return jnp.transpose(out.reshape(SEQ, DIM, BATCH), (2, 0, 1))

# --- scband reference (transcript-rebuilt; emitter-appended) ---
"""Pipeline reference for scband-parallel-embedding-59227599012422 (READ-ONLY COPY).

The authoritative reference and input builder live on the scoring server;
editing this copy changes nothing except your own understanding.
"""

import jax, jax.numpy as jnp
import numpy as np

VOCAB_SIZE = 1000000
DIM = 64

def setup_inputs(seed: int = 0) -> dict:
    key = jax.random.key(seed)
    k1, k2 = jax.random.split(key)
    x = jax.random.randint(k1, (16384, 50), 0, VOCAB_SIZE, dtype=jnp.int64 if jax.config.jax_enable_x64 else jnp.int32)
    weight = jax.random.normal(k2, (VOCAB_SIZE, DIM), dtype=jnp.float32) * 0.02
    return {"x": x, "weight": weight}

def reference(x, weight):
    # USE_DP_MODE=True, WORLD_SIZE=1: plain embedding lookup (gather)
    y = jnp.take(weight, x, axis=0)
    return y

if __name__ == "__main__":
    import jax
    _d = setup_inputs()
    print(jax.jit(kernel)(*tuple(_d.values())))

</pallas_src>

<mosaic_0001>
#map = affine_map<(d0, d1) -> (0, 0)>
module attributes {stable_mosaic.version = 14 : i64} {
  func.func @_emb_kernel(%arg0: i32, %arg1: i32, %arg2: memref<1000000x128xf32, #tpu.memory_space<hbm>>, %arg3: memref<50x16384xi32, #tpu.memory_space<hbm>>, %arg4: memref<3200x16384xf32, #tpu.memory_space<hbm>>, %arg5: memref<50x512xi32, #tpu.memory_space<vmem>>, %arg6: memref<128x128xf32, #tpu.memory_space<vmem>>, %arg7: memref<128x128xf32, #tpu.memory_space<vmem>>, %arg8: memref<64x128xf32, #tpu.memory_space<vmem>>, %arg9: memref<64x128xf32, #tpu.memory_space<vmem>>, %arg10: memref<128xi32, #tpu.memory_space<vmem>>, %arg11: memref<128xi32, #tpu.memory_space<vmem>>, %arg12: memref<!tpu.dma_semaphore, #tpu.memory_space<semaphore_mem>>, %arg13: memref<!tpu.dma_semaphore, #tpu.memory_space<semaphore_mem>>, %arg14: memref<!tpu.dma_semaphore, #tpu.memory_space<semaphore_mem>>, %arg15: memref<!tpu.dma_semaphore, #tpu.memory_space<semaphore_mem>>) attributes {dimension_semantics = [#tpu.dimension_semantics<core_parallel>, #tpu.dimension_semantics<subcore_parallel>], iteration_bounds = array<i64: 2, 16>, scalar_prefetch = 0 : i64, scratch_operands = 11 : i64, tpu.core_type = #tpu.core_type<sc_vector_subcore>, window_params = [{transform_indices = #map}, {transform_indices = #map}, {transform_indices = #map}]} {
    %mul3A = arith.constant 2 : i32
    %mul3A_0 = arith.muli %arg1, %mul3A : i32
    %add3A = arith.addi %mul3A_0, %arg0 : i32
    %mul3A_1 = arith.constant 512 : i32
    %mul3A_2 = arith.muli %add3A, %mul3A_1 : i32
    "tpu.region"() ({
      %run_scoped3A = tpu.sem_alloc : memref<!tpu.dma_semaphore, #tpu.memory_space<semaphore_mem>>
      %dma_start3A_134 = arith.constant 0 : i32
      %dma_start3A_135 = tpu.memref_slice %arg3[%dma_start3A_134, %mul3A_2] : memref<50x16384xi32, #tpu.memory_space<hbm>> -> memref<50x512xi32, #tpu.memory_space<hbm>>
      %dma_start3A_136 = arith.constant 0 : i32
      %dma_start3A_137 = tpu.memref_slice %arg3[%dma_start3A_136, %mul3A_2] : memref<50x16384xi32, #tpu.memory_space<hbm>> -> memref<50x512xi32, #tpu.memory_space<hbm>>
      tpu.enqueue_dma source(%dma_start3A_137 : memref<50x512xi32, #tpu.memory_space<hbm>>) target(%arg5 : memref<50x512xi32, #tpu.memory_space<vmem>>) target_semaphore(%run_scoped3A : memref<!tpu.dma_semaphore, #tpu.memory_space<semaphore_mem>>)
      %dma_wait3A_138 = arith.constant 0 : i32
      %dma_wait3A_139 = tpu.memref_slice %arg3[%dma_wait3A_138, %mul3A_2] : memref<50x16384xi32, #tpu.memory_space<hbm>> -> memref<50x512xi32, #tpu.memory_space<hbm>>
      %dma_wait3A_140 = arith.constant 0 : i32
      %dma_wait3A_141 = tpu.memref_slice %arg3[%dma_wait3A_140, %mul3A_2] : memref<50x16384xi32, #tpu.memory_space<hbm>> -> memref<50x512xi32, #tpu.memory_space<hbm>>
      tpu.wait_dma2 semaphore(%run_scoped3A : memref<!tpu.dma_semaphore, #tpu.memory_space<semaphore_mem>>) src(%dma_wait3A_141 : memref<50x512xi32, #tpu.memory_space<hbm>>) dst(%arg5 : memref<50x512xi32, #tpu.memory_space<vmem>>)
      tpu.yield
    }) : () -> ()
    %iota3A = tpu.iota {dimensions = array<i32: 0>} : vector<16xi32>
    %scan3A = arith.constant 0 : i32
    %scan3A_3 = arith.constant 0 : i32
    %scan3A_4 = arith.constant 8 : i32
    %scan3A_5 = arith.addi %scan3A_3, %scan3A_4 : i32
    %scan3A_6 = arith.constant 1 : i32
    scf.for %scan3A_134 = %scan3A_3 to %scan3A_5 step %scan3A_6  : i32 {
      %mul3A_135 = arith.constant 16 : i32
      %mul3A_136 = arith.muli %scan3A_134, %mul3A_135 : i32
      %add3A_137 = arith.constant 0 : i32
      %add3A_138 = arith.addi %add3A_137, %mul3A_136 : i32
      %broadcast_in_dim3A = arith.constant 0 : i32
      %broadcast_in_dim3A_139 = vector.broadcast %broadcast_in_dim3A : i32 to vector<16xi32>
      %add3A_140 = vector.broadcast %add3A_138 : i32 to vector<16xi32>
      %add3A_141 = arith.addi %iota3A, %add3A_140 : vector<16xi32>
      %gather3A = tpu.vector_load_idx %arg5[%broadcast_in_dim3A_139, %add3A_141] : memref<50x512xi32, #tpu.memory_space<vmem>>[vector<16xi32>, vector<16xi32>], vector<16xi32>,
      %mul3A_142 = arith.constant 16 : i32
      %mul3A_143 = arith.muli %scan3A_134, %mul3A_142 : i32
      %swap3A = arith.index_cast %mul3A_143 : i32 to index
      %swap3A_144 = tpu.vector_load %arg10[%swap3A] {strides = array<i32>} : memref<128xi32, #tpu.memory_space<vmem>>, vector<16xi32>,
      tpu.vector_store %arg10[%swap3A], %gather3A {strides = array<i32>} : memref<128xi32, #tpu.memory_space<vmem>>, vector<16xi32>,
    }
    %scan3A_7 = arith.constant 8 : i32
    %dma_start3A = arith.constant 0 : i32
    %dma_start3A_8 = arith.constant 0 : i32
    %dma_start3A_9 = tpu.memref_slice %arg2[%dma_start3A, %dma_start3A_8] : memref<1000000x128xf32, #tpu.memory_space<hbm>> -> memref<1000000x128xf32, #tpu.memory_space<hbm>>
    tpu.enqueue_indirect_dma source(%dma_start3A_9 : memref<1000000x128xf32, #tpu.memory_space<hbm>>) target(%arg6 : memref<128x128xf32, #tpu.memory_space<vmem>>) offsets(%arg10 : memref<128xi32, #tpu.memory_space<vmem>>) semaphore(%arg12 : memref<!tpu.dma_semaphore, #tpu.memory_space<semaphore_mem>>)
    %scan3A_10 = arith.constant 0 : i32
    %scan3A_11 = arith.constant 0 : i32
    %scan3A_12 = arith.constant 8 : i32
    %scan3A_13 = arith.addi %scan3A_11, %scan3A_12 : i32
    %scan3A_14 = arith.constant 1 : i32
    scf.for %scan3A_134 = %scan3A_11 to %scan3A_13 step %scan3A_14  : i32 {
      %mul3A_135 = arith.constant 16 : i32
      %mul3A_136 = arith.muli %scan3A_134, %mul3A_135 : i32
      %add3A_137 = arith.constant 128 : i32
      %add3A_138 = arith.addi %add3A_137, %mul3A_136 : i32
      %broadcast_in_dim3A = arith.constant 0 : i32
      %broadcast_in_dim3A_139 = vector.broadcast %broadcast_in_dim3A : i32 to vector<16xi32>
      %add3A_140 = vector.broadcast %add3A_138 : i32 to vector<16xi32>
      %add3A_141 = arith.addi %iota3A, %add3A_140 : vector<16xi32>
      %gather3A = tpu.vector_load_idx %arg5[%broadcast_in_dim3A_139, %add3A_141] : memref<50x512xi32, #tpu.memory_space<vmem>>[vector<16xi32>, vector<16xi32>], vector<16xi32>,
      %mul3A_142 = arith.constant 16 : i32
      %mul3A_143 = arith.muli %scan3A_134, %mul3A_142 : i32
      %swap3A = arith.index_cast %mul3A_143 : i32 to index
      %swap3A_144 = tpu.vector_load %arg11[%swap3A] {strides = array<i32>} : memref<128xi32, #tpu.memory_space<vmem>>, vector<16xi32>,
      tpu.vector_store %arg11[%swap3A], %gather3A {strides = array<i32>} : memref<128xi32, #tpu.memory_space<vmem>>, vector<16xi32>,
    }
    %scan3A_15 = arith.constant 8 : i32
    %dma_start3A_16 = arith.constant 0 : i32
    %dma_start3A_17 = arith.constant 0 : i32
    %dma_start3A_18 = tpu.memref_slice %arg2[%dma_start3A_16, %dma_start3A_17] : memref<1000000x128xf32, #tpu.memory_space<hbm>> -> memref<1000000x128xf32, #tpu.memory_space<hbm>>
    tpu.enqueue_indirect_dma source(%dma_start3A_18 : memref<1000000x128xf32, #tpu.memory_space<hbm>>) target(%arg7 : memref<128x128xf32, #tpu.memory_space<vmem>>) offsets(%arg11 : memref<128xi32, #tpu.memory_space<vmem>>) semaphore(%arg13 : memref<!tpu.dma_semaphore, #tpu.memory_space<semaphore_mem>>)
    %dma_wait3A = arith.constant 0 : i32
    %dma_wait3A_19 = arith.constant 0 : i32
    %dma_wait3A_20 = tpu.memref_slice %arg2[%dma_wait3A, %dma_wait3A_19] : memref<1000000x128xf32, #tpu.memory_space<hbm>> -> memref<128x128xf32, #tpu.memory_space<hbm>>
    %dma_wait3A_21 = arith.constant 0 : i32
    %dma_wait3A_22 = arith.constant 0 : i32
    %dma_wait3A_23 = tpu.memref_slice %arg2[%dma_wait3A_21, %dma_wait3A_22] : memref<1000000x128xf32, #tpu.memory_space<hbm>> -> memref<128x128xf32, #tpu.memory_space<hbm>>
    tpu.wait_dma2 semaphore(%arg12 : memref<!tpu.dma_semaphore, #tpu.memory_space<semaphore_mem>>) src(%dma_wait3A_23 : memref<128x128xf32, #tpu.memory_space<hbm>>) dst(%arg6 : memref<128x128xf32, #tpu.memory_space<vmem>>)
    %scan3A_24 = arith.constant 0 : i32
    %scan3A_25 = arith.constant 0 : i32
    %scan3A_26 = arith.constant 8 : i32
    %scan3A_27 = arith.addi %scan3A_25, %scan3A_26 : i32
    %scan3A_28 = arith.constant 1 : i32
    scf.for %scan3A_134 = %scan3A_25 to %scan3A_27 step %scan3A_28  : i32 {
      %mul3A_135 = arith.constant 16 : i32
      %mul3A_136 = arith.muli %scan3A_134, %mul3A_135 : i32
      %add3A_137 = arith.constant 256 : i32
      %add3A_138 = arith.addi %add3A_137, %mul3A_136 : i32
      %broadcast_in_dim3A = arith.constant 0 : i32
      %broadcast_in_dim3A_139 = vector.broadcast %broadcast_in_dim3A : i32 to vector<16xi32>
      %add3A_140 = vector.broadcast %add3A_138 : i32 to vector<16xi32>
      %add3A_141 = arith.addi %iota3A, %add3A_140 : vector<16xi32>
      %gather3A = tpu.vector_load_idx %arg5[%broadcast_in_dim3A_139, %add3A_141] : memref<50x512xi32, #tpu.memory_space<vmem>>[vector<16xi32>, vector<16xi32>], vector<16xi32>,
      %mul3A_142 = arith.constant 16 : i32
      %mul3A_143 = arith.muli %scan3A_134, %mul3A_142 : i32
      %swap3A = arith.index_cast %mul3A_143 : i32 to index
      %swap3A_144 = tpu.vector_load %arg10[%swap3A] {strides = array<i32>} : memref<128xi32, #tpu.memory_space<vmem>>, vector<16xi32>,
      tpu.vector_store %arg10[%swap3A], %gather3A {strides = array<i32>} : memref<128xi32, #tpu.memory_space<vmem>>, vector<16xi32>,
    }
    %scan3A_29 = arith.constant 8 : i32
    %scan3A_30 = arith.constant 0 : i32
    %scan3A_31 = arith.constant 0 : i32
    %scan3A_32 = arith.constant 8 : i32
    %scan3A_33 = arith.addi %scan3A_31, %scan3A_32 : i32
    %scan3A_34 = arith.constant 1 : i32
    scf.for %scan3A_134 = %scan3A_31 to %scan3A_33 step %scan3A_34  : i32 {
      %mul3A_135 = arith.constant 16 : i32
      %mul3A_136 = arith.muli %scan3A_134, %mul3A_135 : i32
      %add3A_137 = vector.broadcast %mul3A_136 : i32 to vector<16xi32>
      %add3A_138 = arith.addi %iota3A, %add3A_137 : vector<16xi32>
      %gather3A = tpu.vector_load_idx %arg6[%add3A_138, %iota3A] : memref<128x128xf32, #tpu.memory_space<vmem>>[vector<16xi32>, vector<16xi32>], vector<16xf32>,
      %add3A_139 = arith.constant 1 : i32
      %add3A_140 = vector.broadcast %add3A_139 : i32 to vector<16xi32>
      %add3A_141 = arith.addi %iota3A, %add3A_140 : vector<16xi32>
      %and3A = arith.constant 63 : i32
      %and3A_142 = vector.broadcast %and3A : i32 to vector<16xi32>
      %and3A_143 = arith.andi %add3A_141, %and3A_142 : vector<16xi32>
      %gather3A_144 = tpu.vector_load_idx %arg6[%add3A_138, %and3A_143] : memref<128x128xf32, #tpu.memory_space<vmem>>[vector<16xi32>, vector<16xi32>], vector<16xf32>,
      %add3A_145 = arith.constant 1 : i32
      %add3A_146 = vector.broadcast %add3A_145 : i32 to vector<16xi32>
      %add3A_147 = arith.addi %and3A_143, %add3A_146 : vector<16xi32>
      %and3A_148 = arith.constant 63 : i32
      %and3A_149 = vector.broadcast %and3A_148 : i32 to vector<16xi32>
      %and3A_150 = arith.andi %add3A_147, %and3A_149 : vector<16xi32>
      %gather3A_151 = tpu.vector_load_idx %arg6[%add3A_138, %and3A_150] : memref<128x128xf32, #tpu.memory_space<vmem>>[vector<16xi32>, vector<16xi32>], vector<16xf32>,
      %add3A_152 = arith.constant 1 : i32
      %add3A_153 = vector.broadcast %add3A_152 : i32 to vector<16xi32>
      %add3A_154 = arith.addi %and3A_150, %add3A_153 : vector<16xi32>
      %and3A_155 = arith.constant 63 : i32
      %and3A_156 = vector.broadcast %and3A_155 : i32 to vector<16xi32>
      %and3A_157 = arith.andi %add3A_154, %and3A_156 : vector<16xi32>
      %gather3A_158 = tpu.vector_load_idx %arg6[%add3A_138, %and3A_157] : memref<128x128xf32, #tpu.memory_space<vmem>>[vector<16xi32>, vector<16xi32>], vector<16xf32>,
      %add3A_159 = arith.constant 1 : i32
      %add3A_160 = vector.broadcast %add3A_159 : i32 to vector<16xi32>
      %add3A_161 = arith.addi %and3A_157, %add3A_160 : vector<16xi32>
      %and3A_162 = arith.constant 63 : i32
      %and3A_163 = vector.broadcast %and3A_162 : i32 to vector<16xi32>
      %and3A_164 = arith.andi %add3A_161, %and3A_163 : vector<16xi32>
      %gather3A_165 = tpu.vector_load_idx %arg6[%add3A_138, %and3A_164] : memref<128x128xf32, #tpu.memory_space<vmem>>[vector<16xi32>, vector<16xi32>], vector<16xf32>,
      %add3A_166 = arith.constant 1 : i32
      %add3A_167 = vector.broadcast %add3A_166 : i32 to vector<16xi32>
      %add3A_168 = arith.addi %and3A_164, %add3A_167 : vector<16xi32>
      %and3A_169 = arith.constant 63 : i32
      %and3A_170 = vector.broadcast %and3A_169 : i32 to vector<16xi32>
      %and3A_171 = arith.andi %add3A_168, %and3A_170 : vector<16xi32>
      %gather3A_172 = tpu.vector_load_idx %arg6[%add3A_138, %and3A_171] : memref<128x128xf32, #tpu.memory_space<vmem>>[vector<16xi32>, vector<16xi32>], vector<16xf32>,
      %add3A_173 = arith.constant 1 : i32
      %add3A_174 = vector.broadcast %add3A_173 : i32 to vector<16xi32>
      %add3A_175 = arith.addi %and3A_171, %add3A_174 : vector<16xi32>
      %and3A_176 = arith.constant 63 : i32
      %and3A_177 = vector.broadcast %and3A_176 : i32 to vector<16xi32>
      %and3A_178 = arith.andi %add3A_175, %and3A_177 : vector<16xi32>
      %gather3A_179 = tpu.vector_load_idx %arg6[%add3A_138, %and3A_178] : memref<128x128xf32, #tpu.memory_space<vmem>>[vector<16xi32>, vector<16xi32>], vector<16xf32>,
      %add3A_180 = arith.constant 1 : i32
      %add3A_181 = vector.broadcast %add3A_180 : i32 to vector<16xi32>
      %add3A_182 = arith.addi %and3A_178, %add3A_181 : vector<16xi32>
      %and3A_183 = arith.constant 63 : i32
      %and3A_184 = vector.broadcast %and3A_183 : i32 to vector<16xi32>
      %and3A_185 = arith.andi %add3A_182, %and3A_184 : vector<16xi32>
      %gather3A_186 = tpu.vector_load_idx %arg6[%add3A_138, %and3A_185] : memref<128x128xf32, #tpu.memory_space<vmem>>[vector<16xi32>, vector<16xi32>], vector<16xf32>,
      %add3A_187 = arith.constant 1 : i32
      %add3A_188 = vector.broadcast %add3A_187 : i32 to vector<16xi32>
      %add3A_189 = arith.addi %and3A_185, %add3A_188 : vector<16xi32>
      %and3A_190 = arith.constant 63 : i32
      %and3A_191 = vector.broadcast %and3A_190 : i32 to vector<16xi32>
      %and3A_192 = arith.andi %add3A_189, %and3A_191 : vector<16xi32>
      %gather3A_193 = tpu.vector_load_idx %arg6[%add3A_138, %and3A_192] : memref<128x128xf32, #tpu.memory_space<vmem>>[vector<16xi32>, vector<16xi32>], vector<16xf32>,
      %add3A_194 = arith.constant 1 : i32
      %add3A_195 = vector.broadcast %add3A_194 : i32 to vector<16xi32>
      %add3A_196 = arith.addi %and3A_192, %add3A_195 : vector<16xi32>
      %and3A_197 = arith.constant 63 : i32
      %and3A_198 = vector.broadcast %and3A_197 : i32 to vector<16xi32>
      %and3A_199 = arith.andi %add3A_196, %and3A_198 : vector<16xi32>
      %gather3A_200 = tpu.vector_load_idx %arg6[%add3A_138, %and3A_199] : memref<128x128xf32, #tpu.memory_space<vmem>>[vector<16xi32>, vector<16xi32>], vector<16xf32>,
      %add3A_201 = arith.constant 1 : i32
      %add3A_202 = vector.broadcast %add3A_201 : i32 to vector<16xi32>
      %add3A_203 = arith.addi %and3A_199, %add3A_202 : vector<16xi32>
      %and3A_204 = arith.constant 63 : i32
      %and3A_205 = vector.broadcast %and3A_204 : i32 to vector<16xi32>
      %and3A_206 = arith.andi %add3A_203, %and3A_205 : vector<16xi32>
      %gather3A_207 = tpu.vector_load_idx %arg6[%add3A_138, %and3A_206] : memref<128x128xf32, #tpu.memory_space<vmem>>[vector<16xi32>, vector<16xi32>], vector<16xf32>,
      %add3A_208 = arith.constant 1 : i32
      %add3A_209 = vector.broadcast %add3A_208 : i32 to vector<16xi32>
      %add3A_210 = arith.addi %and3A_206, %add3A_209 : vector<16xi32>
      %and3A_211 = arith.constant 63 : i32
      %and3A_212 = vector.broadcast %and3A_211 : i32 to vector<16xi32>
      %and3A_213 = arith.andi %add3A_210, %and3A_212 : vector<16xi32>
      %gather3A_214 = tpu.vector_load_idx %arg6[%add3A_138, %and3A_213] : memref<128x128xf32, #tpu.memory_space<vmem>>[vector<16xi32>, vector<16xi32>], vector<16xf32>,
      %add3A_215 = arith.constant 1 : i32
      %add3A_216 = vector.broadcast %add3A_215 : i32 to vector<16xi32>
      %add3A_217 = arith.addi %and3A_213, %add3A_216 : vector<16xi32>
      %and3A_218 = arith.constant 63 : i32
      %and3A_219 = vector.broadcast %and3A_218 : i32 to vector<16xi32>
      %and3A_220 = arith.andi %add3A_217, %and3A_219 : vector<16xi32>
      %gather3A_221 = tpu.vector_load_idx %arg6[%add3A_138, %and3A_220] : memref<128x128xf32, #tpu.memory_space<vmem>>[vector<16xi32>, vector<16xi32>], vector<16xf32>,
      %add3A_222 = arith.constant 1 : i32
      %add3A_223 = vector.broadcast %add3A_222 : i32 to vector<16xi32>
      %add3A_224 = arith.addi %and3A_220, %add3A_223 : vector<16xi32>
      %and3A_225 = arith.constant 63 : i32
      %and3A_226 = vector.broadcast %and3A_225 : i32 to vector<16xi32>
      %and3A_227 = arith.andi %add3A_224, %and3A_226 : vector<16xi32>
      %gather3A_228 = tpu.vector_load_idx %arg6[%add3A_138, %and3A_227] : memref<128x128xf32, #tpu.memory_space<vmem>>[vector<16xi32>, vector<16xi32>], vector<16xf32>,
      %add3A_229 = arith.constant 1 : i32
      %add3A_230 = vector.broadcast %add3A_229 : i32 to vector<16xi32>
      %add3A_231 = arith.addi %and3A_227, %add3A_230 : vector<16xi32>
      %and3A_232 = arith.constant 63 : i32
      %and3A_233 = vector.broadcast %and3A_232 : i32 to vector<16xi32>
      %and3A_234 = arith.andi %add3A_231, %and3A_233 : vector<16xi32>
      %gather3A_235 = tpu.vector_load_idx %arg6[%add3A_138, %and3A_234] : memref<128x128xf32, #tpu.memory_space<vmem>>[vector<16xi32>, vector<16xi32>], vector<16xf32>,
      %add3A_236 = arith.constant 1 : i32
      %add3A_237 = vector.broadcast %add3A_236 : i32 to vector<16xi32>
      %add3A_238 = arith.addi %and3A_234, %add3A_237 : vector<16xi32>
      %and3A_239 = arith.constant 63 : i32
      %and3A_240 = vector.broadcast %and3A_239 : i32 to vector<16xi32>
      %and3A_241 = arith.andi %add3A_238, %and3A_240 : vector<16xi32>
      %gather3A_242 = tpu.vector_load_idx %arg6[%add3A_138, %and3A_241] : memref<128x128xf32, #tpu.memory_space<vmem>>[vector<16xi32>, vector<16xi32>], vector<16xf32>,
      %add3A_243 = arith.constant 1 : i32
      %add3A_244 = vector.broadcast %add3A_243 : i32 to vector<16xi32>
      %add3A_245 = arith.addi %and3A_241, %add3A_244 : vector<16xi32>
      %and3A_246 = arith.constant 63 : i32
      %and3A_247 = vector.broadcast %and3A_246 : i32 to vector<16xi32>
      %and3A_248 = arith.andi %add3A_245, %and3A_247 : vector<16xi32>
      %gather3A_249 = tpu.vector_load_idx %arg6[%add3A_138, %and3A_248] : memref<128x128xf32, #tpu.memory_space<vmem>>[vector<16xi32>, vector<16xi32>], vector<16xf32>,
      %add3A_250 = arith.constant 1 : i32
      %add3A_251 = vector.broadcast %add3A_250 : i32 to vector<16xi32>
      %add3A_252 = arith.addi %and3A_248, %add3A_251 : vector<16xi32>
      %and3A_253 = arith.constant 63 : i32
      %and3A_254 = vector.broadcast %and3A_253 : i32 to vector<16xi32>
      %and3A_255 = arith.andi %add3A_252, %and3A_254 : vector<16xi32>
      %gather3A_256 = tpu.vector_load_idx %arg6[%add3A_138, %and3A_255] : memref<128x128xf32, #tpu.memory_space<vmem>>[vector<16xi32>, vector<16xi32>], vector<16xf32>,
      %add3A_257 = arith.constant 1 : i32
      %add3A_258 = vector.broadcast %add3A_257 : i32 to vector<16xi32>
      %add3A_259 = arith.addi %and3A_255, %add3A_258 : vector<16xi32>
      %and3A_260 = arith.constant 63 : i32
      %and3A_261 = vector.broadcast %and3A_260 : i32 to vector<16xi32>
      %and3A_262 = arith.andi %add3A_259, %and3A_261 : vector<16xi32>
      %gather3A_263 = tpu.vector_load_idx %arg6[%add3A_138, %and3A_262] : memref<128x128xf32, #tpu.memory_space<vmem>>[vector<16xi32>, vector<16xi32>], vector<16xf32>,
      %add3A_264 = arith.constant 1 : i32
      %add3A_265 = vector.broadcast %add3A_264 : i32 to vector<16xi32>
      %add3A_266 = arith.addi %and3A_262, %add3A_265 : vector<16xi32>
      %and3A_267 = arith.constant 63 : i32
      %and3A_268 = vector.broadcast %and3A_267 : i32 to vector<16xi32>
      %and3A_269 = arith.andi %add3A_266, %and3A_268 : vector<16xi32>
      %gather3A_270 = tpu.vector_load_idx %arg6[%add3A_138, %and3A_269] : memref<128x128xf32, #tpu.memory_space<vmem>>[vector<16xi32>, vector<16xi32>], vector<16xf32>,
      %add3A_271 = arith.constant 1 : i32
      %add3A_272 = vector.broadcast %add3A_271 : i32 to vector<16xi32>
      %add3A_273 = arith.addi %and3A_269, %add3A_272 : vector<16xi32>
      %and3A_274 = arith.constant 63 : i32
      %and3A_275 = vector.broadcast %and3A_274 : i32 to vector<16xi32>
      %and3A_276 = arith.andi %add3A_273, %and3A_275 : vector<16xi32>
      %gather3A_277 = tpu.vector_load_idx %arg6[%add3A_138, %and3A_276] : memref<128x128xf32, #tpu.memory_space<vmem>>[vector<16xi32>, vector<16xi32>], vector<16xf32>,
      %add3A_278 = arith.constant 1 : i32
      %add3A_279 = vector.broadcast %add3A_278 : i32 to vector<16xi32>
      %add3A_280 = arith.addi %and3A_276, %add3A_279 : vector<16xi32>
      %and3A_281 = arith.constant 63 : i32
      %and3A_282 = vector.broadcast %and3A_281 : i32 to vector<16xi32>
      %and3A_283 = arith.andi %add3A_280, %and3A_282 : vector<16xi32>
      %gather3A_284 = tpu.vector_load_idx %arg6[%add3A_138, %and3A_283] : memref<128x128xf32, #tpu.memory_space<vmem>>[vector<16xi32>, vector<16xi32>], vector<16xf32>,
      %add3A_285 = arith.constant 1 : i32
      %add3A_286 = vector.broadcast %add3A_285 : i32 to vector<16xi32>
      %add3A_287 = arith.addi %and3A_283, %add3A_286 : vector<16xi32>
      %and3A_288 = arith.constant 63 : i32
      %and3A_289 = vector.broadcast %and3A_288 : i32 to vector<16xi32>
      %and3A_290 = arith.andi %add3A_287, %and3A_289 : vector<16xi32>
      %gather3A_291 = tpu.vector_load_idx %arg6[%add3A_138, %and3A_290] : memref<128x128xf32, #tpu.memory_space<vmem>>[vector<16xi32>, vector<16xi32>], vector<16xf32>,
      %add3A_292 = arith.constant 1 : i32
      %add3A_293 = vector.broadcast %add3A_292 : i32 to vector<16xi32>
      %add3A_294 = arith.addi %and3A_290, %add3A_293 : vector<16xi32>
      %and3A_295 = arith.constant 63 : i32
      %and3A_296 = vector.broadcast %and3A_295 : i32 to vector<16xi32>
      %and3A_297 = arith.andi %add3A_294, %and3A_296 : vector<16xi32>
      %gather3A_298 = tpu.vector_load_idx %arg6[%add3A_138, %and3A_297] : memref<128x128xf32, #tpu.memory_space<vmem>>[vector<16xi32>, vector<16xi32>], vector<16xf32>,
      %add3A_299 = arith.constant 1 : i32
      %add3A_300 = vector.broadcast %add3A_299 : i32 to vector<16xi32>
      %add3A_301 = arith.addi %and3A_297, %add3A_300 : vector<16xi32>
      %and3A_302 = arith.constant 63 : i32
      %and3A_303 = vector.broadcast %and3A_302 : i32 to vector<16xi32>
      %and3A_304 = arith.andi %add3A_301, %and3A_303 : vector<16xi32>
      %gather3A_305 = tpu.vector_load_idx %arg6[%add3A_138, %and3A_304] : memref<128x128xf32, #tpu.memory_space<vmem>>[vector<16xi32>, vector<16xi32>], vector<16xf32>,
      %add3A_306 = arith.constant 1 : i32
      %add3A_307 = vector.broadcast %add3A_306 : i32 to vector<16xi32>
      %add3A_308 = arith.addi %and3A_304, %add3A_307 : vector<16xi32>
      %and3A_309 = arith.constant 63 : i32
      %and3A_310 = vector.broadcast %and3A_309 : i32 to vector<16xi32>
      %and3A_311 = arith.andi %add3A_308, %and3A_310 : vector<16xi32>
      %gather3A_312 = tpu.vector_load_idx %arg6[%add3A_138, %and3A_311] : memref<128x128xf32, #tpu.memory_space<vmem>>[vector<16xi32>, vector<16xi32>], vector<16xf32>,
      %add3A_313 = arith.constant 1 : i32
      %add3A_314 = vector.broadcast %add3A_313 : i32 to vector<16xi32>
      %add3A_315 = arith.addi %and3A_311, %add3A_314 : vector<16xi32>
      %and3A_316 = arith.constant 63 : i32
      %and3A_317 = vector.broadcast %and3A_316 : i32 to vector<16xi32>
      %and3A_318 = arith.andi %add3A_315, %and3A_317 : vector<16xi32>
      %gather3A_319 = tpu.vector_load_idx %arg6[%add3A_138, %and3A_318] : memref<128x128xf32, #tpu.memory_space<vmem>>[vector<16xi32>, vector<16xi32>], vector<16xf32>,
      %add3A_320 = arith.constant 1 : i32
      %add3A_321 = vector.broadcast %add3A_320 : i32 to vector<16xi32>
      %add3A_322 = arith.addi %and3A_318, %add3A_321 : vector<16xi32>
      %and3A_323 = arith.constant 63 : i32
      %and3A_324 = vector.broadcast %and3A_323 : i32 to vector<16xi32>
      %and3A_325 = arith.andi %add3A_322, %and3A_324 : vector<16xi32>
      %gather3A_326 = tpu.vector_load_idx %arg6[%add3A_138, %and3A_325] : memref<128x128xf32, #tpu.memory_space<vmem>>[vector<16xi32>, vector<16xi32>], vector<16xf32>,
      %add3A_327 = arith.constant 1 : i32
      %add3A_328 = vector.broadcast %add3A_327 : i32 to vector<16xi32>
      %add3A_329 = arith.addi %and3A_325, %add3A_328 : vector<16xi32>
      %and3A_330 = arith.constant 63 : i32
      %and3A_331 = vector.broadcast %and3A_330 : i32 to vector<16xi32>
      %and3A_332 = arith.andi %add3A_329, %and3A_331 : vector<16xi32>
      %gather3A_333 = tpu.vector_load_idx %arg6[%add3A_138, %and3A_332] : memref<128x128xf32, #tpu.memory_space<vmem>>[vector<16xi32>, vector<16xi32>], vector<16xf32>,
      %add3A_334 = arith.constant 1 : i32
      %add3A_335 = vector.broadcast %add3A_334 : i32 to vector<16xi32>
      %add3A_336 = arith.addi %and3A_332, %add3A_335 : vector<16xi32>
      %and3A_337 = arith.constant 63 : i32
      %and3A_338 = vector.broadcast %and3A_337 : i32 to vector<16xi32>
      %and3A_339 = arith.andi %add3A_336, %and3A_338 : vector<16xi32>
      %gather3A_340 = tpu.vector_load_idx %arg6[%add3A_138, %and3A_339] : memref<128x128xf32, #tpu.memory_space<vmem>>[vector<16xi32>, vector<16xi32>], vector<16xf32>,
      %add3A_341 = arith.constant 1 : i32
      %add3A_342 = vector.broadcast %add3A_341 : i32 to vector<16xi32>
      %add3A_343 = arith.addi %and3A_339, %add3A_342 : vector<16xi32>
      %and3A_344 = arith.constant 63 : i32
      %and3A_345 = vector.broadcast %and3A_344 : i32 to vector<16xi32>
      %and3A_346 = arith.andi %add3A_343, %and3A_345 : vector<16xi32>
      %gather3A_347 = tpu.vector_load_idx %arg6[%add3A_138, %and3A_346] : memref<128x128xf32, #tpu.memory_space<vmem>>[vector<16xi32>, vector<16xi32>], vector<16xf32>,
      %add3A_348 = arith.constant 1 : i32
      %add3A_349 = vector.broadcast %add3A_348 : i32 to vector<16xi32>
      %add3A_350 = arith.addi %and3A_346, %add3A_349 : vector<16xi32>
      %and3A_351 = arith.constant 63 : i32
      %and3A_352 = vector.broadcast %and3A_351 : i32 to vector<16xi32>
      %and3A_353 = arith.andi %add3A_350, %and3A_352 : vector<16xi32>
      %gather3A_354 = tpu.vector_load_idx %arg6[%add3A_138, %and3A_353] : memref<128x128xf32, #tpu.memory_space<vmem>>[vector<16xi32>, vector<16xi32>], vector<16xf32>,
      %add3A_355 = arith.constant 1 : i32
      %add3A_356 = vector.broadcast %add3A_355 : i32 to vector<16xi32>
      %add3A_357 = arith.addi %and3A_353, %add3A_356 : vector<16xi32>
      %and3A_358 = arith.constant 63 : i32
      %and3A_359 = vector.broadcast %and3A_358 : i32 to vector<16xi32>
      %and3A_360 = arith.andi %add3A_357, %and3A_359 : vector<16xi32>
      tpu.vector_store_idx %arg8[%iota3A, %add3A_138], %gather3A : memref<64x128xf32, #tpu.memory_space<vmem>>[vector<16xi32>, vector<16xi32>], vector<16xf32>,
      tpu.vector_store_idx %arg8[%and3A_143, %add3A_138], %gather3A_144 : memref<64x128xf32, #tpu.memory_space<vmem>>[vector<16xi32>, vector<16xi32>], vector<16xf32>,
      tpu.vector_store_idx %arg8[%and3A_150, %add3A_138], %gather3A_151 : memref<64x128xf32, #tpu.memory_space<vmem>>[vector<16xi32>, vector<16xi32>], vector<16xf32>,
      tpu.vector_store_idx %arg8[%and3A_157, %add3A_138], %gather3A_158 : memref<64x128xf32, #tpu.memory_space<vmem>>[vector<16xi32>, vector<16xi32>], vector<16xf32>,
      tpu.vector_store_idx %arg8[%and3A_164, %add3A_138], %gather3A_165 : memref<64x128xf32, #tpu.memory_space<vmem>>[vector<16xi32>, vector<16xi32>], vector<16xf32>,
      tpu.vector_store_idx %arg8[%and3A_171, %add3A_138], %gather3A_172 : memref<64x128xf32, #tpu.memory_space<vmem>>[vector<16xi32>, vector<16xi32>], vector<16xf32>,
      tpu.vector_store_idx %arg8[%and3A_178, %add3A_138], %gather3A_179 : memref<64x128xf32, #tpu.memory_space<vmem>>[vector<16xi32>, vector<16xi32>], vector<16xf32>,
      tpu.vector_store_idx %arg8[%and3A_185, %add3A_138], %gather3A_186 : memref<64x128xf32, #tpu.memory_space<vmem>>[vector<16xi32>, vector<16xi32>], vector<16xf32>,
      tpu.vector_store_idx %arg8[%and3A_192, %add3A_138], %gather3A_193 : memref<64x128xf32, #tpu.memory_space<vmem>>[vector<16xi32>, vector<16xi32>], vector<16xf32>,
      tpu.vector_store_idx %arg8[%and3A_199, %add3A_138], %gather3A_200 : memref<64x128xf32, #tpu.memory_space<vmem>>[vector<16xi32>, vector<16xi32>], vector<16xf32>,
      tpu.vector_store_idx %arg8[%and3A_206, %add3A_138], %gather3A_207 : memref<64x128xf32, #tpu.memory_space<vmem>>[vector<16xi32>, vector<16xi32>], vector<16xf32>,
      tpu.vector_store_idx %arg8[%and3A_213, %add3A_138], %gather3A_214 : memref<64x128xf32, #tpu.memory_space<vmem>>[vector<16xi32>, vector<16xi32>], vector<16xf32>,
      tpu.vector_store_idx %arg8[%and3A_220, %add3A_138], %gather3A_221 : memref<64x128xf32, #tpu.memory_space<vmem>>[vector<16xi32>, vector<16xi32>], vector<16xf32>,
      tpu.vector_store_idx %arg8[%and3A_227, %add3A_138], %gather3A_228 : memref<64x128xf32, #tpu.memory_space<vmem>>[vector<16xi32>, vector<16xi32>], vector<16xf32>,
      tpu.vector_store_idx %arg8[%and3A_234, %add3A_138], %gather3A_235 : memref<64x128xf32, #tpu.memory_space<vmem>>[vector<16xi32>, vector<16xi32>], vector<16xf32>,
      tpu.vector_store_idx %arg8[%and3A_241, %add3A_138], %gather3A_242 : memref<64x128xf32, #tpu.memory_space<vmem>>[vector<16xi32>, vector<16xi32>], vector<16xf32>,
      %gather3A_361 = tpu.vector_load_idx %arg6[%add3A_138, %and3A_360] : memref<128x128xf32, #tpu.memory_space<vmem>>[vector<16xi32>, vector<16xi32>], vector<16xf32>,
      %add3A_362 = arith.constant 1 : i32
      %add3A_363 = vector.broadcast %add3A_362 : i32 to vector<16xi32>
      %add3A_364 = arith.addi %and3A_360, %add3A_363 : vector<16xi32>
      %and3A_365 = arith.constant 63 : i32
      %and3A_366 = vector.broadcast %and3A_365 : i32 to vector<16xi32>
      %and3A_367 = arith.andi %add3A_364, %and3A_366 : vector<16xi32>
      %gather3A_368 = tpu.vector_load_idx %arg6[%add3A_138, %and3A_367] : memref<128x128xf32, #tpu.memory_space<vmem>>[vector<16xi32>, vector<16xi32>], vector<16xf32>,
      %add3A_369 = arith.constant 1 : i32
      %add3A_370 = vector.broadcast %add3A_369 : i32 to vector<16xi32>
      %add3A_371 = arith.addi %and3A_367, %add3A_370 : vector<16xi32>
      %and3A_372 = arith.constant 63 : i32
      %and3A_373 = vector.broadcast %and3A_372 : i32 to vector<16xi32>
      %and3A_374 = arith.andi %add3A_371, %and3A_373 : vector<16xi32>
      %gather3A_375 = tpu.vector_load_idx %arg6[%add3A_138, %and3A_374] : memref<128x128xf32, #tpu.memory_space<vmem>>[vector<16xi32>, vector<16xi32>], vector<16xf32>,
      %add3A_376 = arith.constant 1 : i32
      %add3A_377 = vector.broadcast %add3A_376 : i32 to vector<16xi32>
      %add3A_378 = arith.addi %and3A_374, %add3A_377 : vector<16xi32>
      %and3A_379 = arith.constant 63 : i32
      %and3A_380 = vector.broadcast %and3A_379 : i32 to vector<16xi32>
      %and3A_381 = arith.andi %add3A_378, %and3A_380 : vector<16xi32>
      %gather3A_382 = tpu.vector_load_idx %arg6[%add3A_138, %and3A_381] : memref<128x128xf32, #tpu.memory_space<vmem>>[vector<16xi32>, vector<16xi32>], vector<16xf32>,
      %add3A_383 = arith.constant 1 : i32
      %add3A_384 = vector.broadcast %add3A_383 : i32 to vector<16xi32>
      %add3A_385 = arith.addi %and3A_381, %add3A_384 : vector<16xi32>
      %and3A_386 = arith.constant 63 : i32
      %and3A_387 = vector.broadcast %and3A_386 : i32 to vector<16xi32>
      %and3A_388 = arith.andi %add3A_385, %and3A_387 : vector<16xi32>
      %gather3A_389 = tpu.vector_load_idx %arg6[%add3A_138, %and3A_388] : memref<128x128xf32, #tpu.memory_space<vmem>>[vector<16xi32>, vector<16xi32>], vector<16xf32>,
      %add3A_390 = arith.constant 1 : i32
      %add3A_391 = vector.broadcast %add3A_390 : i32 to vector<16xi32>
      %add3A_392 = arith.addi %and3A_388, %add3A_391 : vector<16xi32>
      %and3A_393 = arith.constant 63 : i32
      %and3A_394 = vector.broadcast %and3A_393 : i32 to vector<16xi32>
      %and3A_395 = arith.andi %add3A_392, %and3A_394 : vector<16xi32>
      %gather3A_396 = tpu.vector_load_idx %arg6[%add3A_138, %and3A_395] : memref<128x128xf32, #tpu.memory_space<vmem>>[vector<16xi32>, vector<16xi32>], vector<16xf32>,
      %add3A_397 = arith.constant 1 : i32
      %add3A_398 = vector.broadcast %add3A_397 : i32 to vector<16xi32>
      %add3A_399 = arith.addi %and3A_395, %add3A_398 : vector<16xi32>
      %and3A_400 = arith.constant 63 : i32
      %and3A_401 = vector.broadcast %and3A_400 : i32 to vector<16xi32>
      %and3A_402 = arith.andi %add3A_399, %and3A_401 : vector<16xi32>
      %gather3A_403 = tpu.vector_load_idx %arg6[%add3A_138, %and3A_402] : memref<128x128xf32, #tpu.memory_space<vmem>>[vector<16xi32>, vector<16xi32>], vector<16xf32>,
      %add3A_404 = arith.constant 1 : i32
      %add3A_405 = vector.broadcast %add3A_404 : i32 to vector<16xi32>
      %add3A_406 = arith.addi %and3A_402, %add3A_405 : vector<16xi32>
      %and3A_407 = arith.constant 63 : i32
      %and3A_408 = vector.broadcast %and3A_407 : i32 to vector<16xi32>
      %and3A_409 = arith.andi %add3A_406, %and3A_408 : vector<16xi32>
      %gather3A_410 = tpu.vector_load_idx %arg6[%add3A_138, %and3A_409] : memref<128x128xf32, #tpu.memory_space<vmem>>[vector<16xi32>, vector<16xi32>], vector<16xf32>,
      %add3A_411 = arith.constant 1 : i32
      %add3A_412 = vector.broadcast %add3A_411 : i32 to vector<16xi32>
      %add3A_413 = arith.addi %and3A_409, %add3A_412 : vector<16xi32>
      %and3A_414 = arith.constant 63 : i32
      %and3A_415 = vector.broadcast %and3A_414 : i32 to vector<16xi32>
      %and3A_416 = arith.andi %add3A_413, %and3A_415 : vector<16xi32>
      %gather3A_417 = tpu.vector_load_idx %arg6[%add3A_138, %and3A_416] : memref<128x128xf32, #tpu.memory_space<vmem>>[vector<16xi32>, vector<16xi32>], vector<16xf32>,
      %add3A_418 = arith.constant 1 : i32
      %add3A_419 = vector.broadcast %add3A_418 : i32 to vector<16xi32>
      %add3A_420 = arith.addi %and3A_416, %add3A_419 : vector<16xi32>
      %and3A_421 = arith.constant 63 : i32
      %and3A_422 = vector.broadcast %and3A_421 : i32 to vector<16xi32>
      %and3A_423 = arith.andi %add3A_420, %and3A_422 : vector<16xi32>
      %gather3A_424 = tpu.vector_load_idx %arg6[%add3A_138, %and3A_423] : memref<128x128xf32, #tpu.memory_space<vmem>>[vector<16xi32>, vector<16xi32>], vector<16xf32>,
      %add3A_425 = arith.constant 1 : i32
      %add3A_426 = vector.broadcast %add3A_425 : i32 to vector<16xi32>
      %add3A_427 = arith.addi %and3A_423, %add3A_426 : vector<16xi32>
      %and3A_428 = arith.constant 63 : i32
      %and3A_429 = vector.broadcast %and3A_428 : i32 to vector<16xi32>
      %and3A_430 = arith.andi %add3A_427, %and3A_429 : vector<16xi32>
      %gather3A_431 = tpu.vector_load_idx %arg6[%add3A_138, %and3A_430] : memref<128x128xf32, #tpu.memory_space<vmem>>[vector<16xi32>, vector<16xi32>], vector<16xf32>,
      %add3A_432 = arith.constant 1 : i32
      %add3A_433 = vector.broadcast %add3A_432 : i32 to vector<16xi32>
      %add3A_434 = arith.addi %and3A_430, %add3A_433 : vector<16xi32>
      %and3A_435 = arith.constant 63 : i32
      %and3A_436 = vector.broadcast %and3A_435 : i32 to vector<16xi32>
      %and3A_437 = arith.andi %add3A_434, %and3A_436 : vector<16xi32>
      %gather3A_438 = tpu.vector_load_idx %arg6[%add3A_138, %and3A_437] : memref<128x128xf32, #tpu.memory_space<vmem>>[vector<16xi32>, vector<16xi32>], vector<16xf32>,
      %add3A_439 = arith.constant 1 : i32
      %add3A_440 = vector.broadcast %add3A_439 : i32 to vector<16xi32>
      %add3A_441 = arith.addi %and3A_437, %add3A_440 : vector<16xi32>
      %and3A_442 = arith.constant 63 : i32
      %and3A_443 = vector.broadcast %and3A_442 : i32 to vector<16xi32>
      %and3A_444 = arith.andi %add3A_441, %and3A_443 : vector<16xi32>
      %gather3A_445 = tpu.vector_load_idx %arg6[%add3A_138, %and3A_444] : memref<128x128xf32, #tpu.memory_space<vmem>>[vector<16xi32>, vector<16xi32>], vector<16xf32>,
      %add3A_446 = arith.constant 1 : i32
      %add3A_447 = vector.broadcast %add3A_446 : i32 to vector<16xi32>
      %add3A_448 = arith.addi %and3A_444, %add3A_447 : vector<16xi32>
      %and3A_449 = arith.constant 63 : i32
      %and3A_450 = vector.broadcast %and3A_449 : i32 to vector<16xi32>
      %and3A_451 = arith.andi %add3A_448, %and3A_450 : vector<16xi32>
      %gather3A_452 = tpu.vector_load_idx %arg6[%add3A_138, %and3A_451] : memref<128x128xf32, #tpu.memory_space<vmem>>[vector<16xi32>, vector<16xi32>], vector<16xf32>,
      %add3A_453 = arith.constant 1 : i32
      %add3A_454 = vector.broadcast %add3A_453 : i32 to vector<16xi32>
      %add3A_455 = arith.addi %and3A_451, %add3A_454 : vector<16xi32>
      %and3A_456 = arith.constant 63 : i32
      %and3A_457 = vector.broadcast %and3A_456 : i32 to vector<16xi32>
      %and3A_458 = arith.andi %add3A_455, %and3A_457 : vector<16xi32>
      %gather3A_459 = tpu.vector_load_idx %arg6[%add3A_138, %and3A_458] : memref<128x128xf32, #tpu.memory_space<vmem>>[vector<16xi32>, vector<16xi32>], vector<16xf32>,
      %add3A_460 = arith.constant 1 : i32
      %add3A_461 = vector.broadcast %add3A_460 : i32 to vector<16xi32>
      %add3A_462 = arith.addi %and3A_458, %add3A_461 : vector<16xi32>
      %and3A_463 = arith.constant 63 : i32
      %and3A_464 = vector.broadcast %and3A_463 : i32 to vector<16xi32>
      %and3A_465 = arith.andi %add3A_462, %and3A_464 : vector<16xi32>
      %gather3A_466 = tpu.vector_load_idx %arg6[%add3A_138, %and3A_465] : memref<128x128xf32, #tpu.memory_space<vmem>>[vector<16xi32>, vector<16xi32>], vector<16xf32>,
      %add3A_467 = arith.constant 1 : i32
      %add3A_468 = vector.broadcast %add3A_467 : i32 to vector<16xi32>
      %add3A_469 = arith.addi %and3A_465, %add3A_468 : vector<16xi32>
      %and3A_470 = arith.constant 63 : i32
      %and3A_471 = vector.broadcast %and3A_470 : i32 to vector<16xi32>
      %and3A_472 = arith.andi %add3A_469, %and3A_471 : vector<16xi32>
      tpu.vector_store_idx %arg8[%and3A_248, %add3A_138], %gather3A_249 : memref<64x128xf32, #tpu.memory_space<vmem>>[vector<16xi32>, vector<16xi32>], vector<16xf32>,
      tpu.vector_store_idx %arg8[%and3A_255, %add3A_138], %gather3A_256 : memref<64x128xf32, #tpu.memory_space<vmem>>[vector<16xi32>, vector<16xi32>], vector<16xf32>,
      tpu.vector_store_idx %arg8[%and3A_262, %add3A_138], %gather3A_263 : memref<64x128xf32, #tpu.memory_space<vmem>>[vector<16xi32>, vector<16xi32>], vector<16xf32>,
      tpu.vector_store_idx %arg8[%and3A_269, %add3A_138], %gather3A_270 : memref<64x128xf32, #tpu.memory_space<vmem>>[vector<16xi32>, vector<16xi32>], vector<16xf32>,
      tpu.vector_store_idx %arg8[%and3A_276, %add3A_138], %gather3A_277 : memref<64x128xf32, #tpu.memory_space<vmem>>[vector<16xi32>, vector<16xi32>], vector<16xf32>,
      tpu.vector_store_idx %arg8[%and3A_283, %add3A_138], %gather3A_284 : memref<64x128xf32, #tpu.memory_space<vmem>>[vector<16xi32>, vector<16xi32>], vector<16xf32>,
      tpu.vector_store_idx %arg8[%and3A_290, %add3A_138], %gather3A_291 : memref<64x128xf32, #tpu.memory_space<vmem>>[vector<16xi32>, vector<16xi32>], vector<16xf32>,
      tpu.vector_store_idx %arg8[%and3A_297, %add3A_138], %gather3A_298 : memref<64x128xf32, #tpu.memory_space<vmem>>[vector<16xi32>, vector<16xi32>], vector<16xf32>,
      tpu.vector_store_idx %arg8[%and3A_304, %add3A_138], %gather3A_305 : memref<64x128xf32, #tpu.memory_space<vmem>>[vector<16xi32>, vector<16xi32>], vector<16xf32>,
      tpu.vector_store_idx %arg8[%and3A_311, %add3A_138], %gather3A_312 : memref<64x128xf32, #tpu.memory_space<vmem>>[vector<16xi32>, vector<16xi32>], vector<16xf32>,
      tpu.vector_store_idx %arg8[%and3A_318, %add3A_138], %gather3A_319 : memref<64x128xf32, #tpu.memory_space<vmem>>[vector<16xi32>, vector<16xi32>], vector<16xf32>,
      tpu.vector_store_idx %arg8[%and3A_325, %add3A_138], %gather3A_326 : memref<64x128xf32, #tpu.memory_space<vmem>>[vector<16xi32>, vector<16xi32>], vector<16xf32>,
      tpu.vector_store_idx %arg8[%and3A_332, %add3A_138], %gather3A_333 : memref<64x128xf32, #tpu.memory_space<vmem>>[vector<16xi32>, vector<16xi32>], vector<16xf32>,
      tpu.vector_store_idx %arg8[%and3A_339, %add3A_138], %gather3A_340 : memref<64x128xf32, #tpu.memory_space<vmem>>[vector<16xi32>, vector<16xi32>], vector<16xf32>,
      tpu.vector_store_idx %arg8[%and3A_346, %add3A_138], %gather3A_347 : memref<64x128xf32, #tpu.memory_space<vmem>>[vector<16xi32>, vector<16xi32>], vector<16xf32>,
      tpu.vector_store_idx %arg8[%and3A_353, %add3A_138], %gather3A_354 : memref<64x128xf32, #tpu.memory_space<vmem>>[vector<16xi32>, vector<16xi32>], vector<16xf32>,
      %gather3A_473 = tpu.vector_load_idx %arg6[%add3A_138, %and3A_472] : memref<128x128xf32, #tpu.memory_space<vmem>>[vector<16xi32>, vector<16xi32>], vector<16xf32>,
      %add3A_474 = arith.constant 1 : i32
      %add3A_475 = vector.broadcast %add3A_474 : i32 to vector<16xi32>
      %add3A_476 = arith.addi %and3A_472, %add3A_475 : vector<16xi32>
      %and3A_477 = arith.constant 63 : i32
      %and3A_478 = vector.broadcast %and3A_477 : i32 to vector<16xi32>
      %and3A_479 = arith.andi %add3A_476, %and3A_478 : vector<16xi32>
      %gather3A_480 = tpu.vector_load_idx %arg6[%add3A_138, %and3A_479] : memref<128x128xf32, #tpu.memory_space<vmem>>[vector<16xi32>, vector<16xi32>], vector<16xf32>,
      %add3A_481 = arith.constant 1 : i32
      %add3A_482 = vector.broadcast %add3A_481 : i32 to vector<16xi32>
      %add3A_483 = arith.addi %and3A_479, %add3A_482 : vector<16xi32>
      %and3A_484 = arith.constant 63 : i32
      %and3A_485 = vector.broadcast %and3A_484 : i32 to vector<16xi32>
      %and3A_486 = arith.andi %add3A_483, %and3A_485 : vector<16xi32>
      %gather3A_487 = tpu.vector_load_idx %arg6[%add3A_138, %and3A_486] : memref<128x128xf32, #tpu.memory_space<vmem>>[vector<16xi32>, vector<16xi32>], vector<16xf32>,
      %add3A_488 = arith.constant 1 : i32
      %add3A_489 = vector.broadcast %add3A_488 : i32 to vector<16xi32>
      %add3A_490 = arith.addi %and3A_486, %add3A_489 : vector<16xi32>
      %and3A_491 = arith.constant 63 : i32
      %and3A_492 = vector.broadcast %and3A_491 : i32 to vector<16xi32>
      %and3A_493 = arith.andi %add3A_490, %and3A_492 : vector<16xi32>
      %gather3A_494 = tpu.vector_load_idx %arg6[%add3A_138, %and3A_493] : memref<128x128xf32, #tpu.memory_space<vmem>>[vector<16xi32>, vector<16xi32>], vector<16xf32>,
      %add3A_495 = arith.constant 1 : i32
      %add3A_496 = vector.broadcast %add3A_495 : i32 to vector<16xi32>
      %add3A_497 = arith.addi %and3A_493, %add3A_496 : vector<16xi32>
      %and3A_498 = arith.constant 63 : i32
      %and3A_499 = vector.broadcast %and3A_498 : i32 to vector<16xi32>
      %and3A_500 = arith.andi %add3A_497, %and3A_499 : vector<16xi32>
      %gather3A_501 = tpu.vector_load_idx %arg6[%add3A_138, %and3A_500] : memref<128x128xf32, #tpu.memory_space<vmem>>[vector<16xi32>, vector<16xi32>], vector<16xf32>,
      %add3A_502 = arith.constant 1 : i32
      %add3A_503 = vector.broadcast %add3A_502 : i32 to vector<16xi32>
      %add3A_504 = arith.addi %and3A_500, %add3A_503 : vector<16xi32>
      %and3A_505 = arith.constant 63 : i32
      %and3A_506 = vector.broadcast %and3A_505 : i32 to vector<16xi32>
      %and3A_507 = arith.andi %add3A_504, %and3A_506 : vector<16xi32>
      %gather3A_508 = tpu.vector_load_idx %arg6[%add3A_138, %and3A_507] : memref<128x128xf32, #tpu.memory_space<vmem>>[vector<16xi32>, vector<16xi32>], vector<16xf32>,
      %add3A_509 = arith.constant 1 : i32
      %add3A_510 = vector.broadcast %add3A_509 : i32 to vector<16xi32>
      %add3A_511 = arith.addi %and3A_507, %add3A_510 : vector<16xi32>
      %and3A_512 = arith.constant 63 : i32
      %and3A_513 = vector.broadcast %and3A_512 : i32 to vector<16xi32>
      %and3A_514 = arith.andi %add3A_511, %and3A_513 : vector<16xi32>
      %gather3A_515 = tpu.vector_load_idx %arg6[%add3A_138, %and3A_514] : memref<128x128xf32, #tpu.memory_space<vmem>>[vector<16xi32>, vector<16xi32>], vector<16xf32>,
      %add3A_516 = arith.constant 1 : i32
      %add3A_517 = vector.broadcast %add3A_516 : i32 to vector<16xi32>
      %add3A_518 = arith.addi %and3A_514, %add3A_517 : vector<16xi32>
      %and3A_519 = arith.constant 63 : i32
      %and3A_520 = vector.broadcast %and3A_519 : i32 to vector<16xi32>
      %and3A_521 = arith.andi %add3A_518, %and3A_520 : vector<16xi32>
      %gather3A_522 = tpu.vector_load_idx %arg6[%add3A_138, %and3A_521] : memref<128x128xf32, #tpu.memory_space<vmem>>[vector<16xi32>, vector<16xi32>], vector<16xf32>,
      %add3A_523 = arith.constant 1 : i32
      %add3A_524 = vector.broadcast %add3A_523 : i32 to vector<16xi32>
      %add3A_525 = arith.addi %and3A_521, %add3A_524 : vector<16xi32>
      %and3A_526 = arith.constant 63 : i32
      %and3A_527 = vector.broadcast %and3A_526 : i32 to vector<16xi32>
      %and3A_528 = arith.andi %add3A_525, %and3A_527 : vector<16xi32>
      %gather3A_529 = tpu.vector_load_idx %arg6[%add3A_138, %and3A_528] : memref<128x128xf32, #tpu.memory_space<vmem>>[vector<16xi32>, vector<16xi32>], vector<16xf32>,
      %add3A_530 = arith.constant 1 : i32
      %add3A_531 = vector.broadcast %add3A_530 : i32 to vector<16xi32>
      %add3A_532 = arith.addi %and3A_528, %add3A_531 : vector<16xi32>
      %and3A_533 = arith.constant 63 : i32
      %and3A_534 = vector.broadcast %and3A_533 : i32 to vector<16xi32>
      %and3A_535 = arith.andi %add3A_532, %and3A_534 : vector<16xi32>
      %gather3A_536 = tpu.vector_load_idx %arg6[%add3A_138, %and3A_535] : memref<128x128xf32, #tpu.memory_space<vmem>>[vector<16xi32>, vector<16xi32>], vector<16xf32>,
      %add3A_537 = arith.constant 1 : i32
      %add3A_538 = vector.broadcast %add3A_537 : i32 to vector<16xi32>
      %add3A_539 = arith.addi %and3A_535, %add3A_538 : vector<16xi32>
      %and3A_540 = arith.constant 63 : i32
      %and3A_541 = vector.broadcast %and3A_540 : i32 to vector<16xi32>
      %and3A_542 = arith.andi %add3A_539, %and3A_541 : vector<16xi32>
      %gather3A_543 = tpu.vector_load_idx %arg6[%add3A_138, %and3A_542] : memref<128x128xf32, #tpu.memory_space<vmem>>[vector<16xi32>, vector<16xi32>], vector<16xf32>,
      %add3A_544 = arith.constant 1 : i32
      %add3A_545 = vector.broadcast %add3A_544 : i32 to vector<16xi32>
      %add3A_546 = arith.addi %and3A_542, %add3A_545 : vector<16xi32>
      %and3A_547 = arith.constant 63 : i32
      %and3A_548 = vector.broadcast %and3A_547 : i32 to vector<16xi32>
      %and3A_549 = arith.andi %add3A_546, %and3A_548 : vector<16xi32>
      %gather3A_550 = tpu.vector_load_idx %arg6[%add3A_138, %and3A_549] : memref<128x128xf32, #tpu.memory_space<vmem>>[vector<16xi32>, vector<16xi32>], vector<16xf32>,
      %add3A_551 = arith.constant 1 : i32
      %add3A_552 = vector.broadcast %add3A_551 : i32 to vector<16xi32>
      %add3A_553 = arith.addi %and3A_549, %add3A_552 : vector<16xi32>
      %and3A_554 = arith.constant 63 : i32
      %and3A_555 = vector.broadcast %and3A_554 : i32 to vector<16xi32>
      %and3A_556 = arith.andi %add3A_553, %and3A_555 : vector<16xi32>
      %gather3A_557 = tpu.vector_load_idx %arg6[%add3A_138, %and3A_556] : memref<128x128xf32, #tpu.memory_space<vmem>>[vector<16xi32>, vector<16xi32>], vector<16xf32>,
      %add3A_558 = arith.constant 1 : i32
      %add3A_559 = vector.broadcast %add3A_558 : i32 to vector<16xi32>
      %add3A_560 = arith.addi %and3A_556, %add3A_559 : vector<16xi32>
      %and3A_561 = arith.constant 63 : i32
      %and3A_562 = vector.broadcast %and3A_561 : i32 to vector<16xi32>
      %and3A_563 = arith.andi %add3A_560, %and3A_562 : vector<16xi32>
      %gather3A_564 = tpu.vector_load_idx %arg6[%add3A_138, %and3A_563] : memref<128x128xf32, #tpu.memory_space<vmem>>[vector<16xi32>, vector<16xi32>], vector<16xf32>,
      %add3A_565 = arith.constant 1 : i32
      %add3A_566 = vector.broadcast %add3A_565 : i32 to vector<16xi32>
      %add3A_567 = arith.addi %and3A_563, %add3A_566 : vector<16xi32>
      %and3A_568 = arith.constant 63 : i32
      %and3A_569 = vector.broadcast %and3A_568 : i32 to vector<16xi32>
      %and3A_570 = arith.andi %add3A_567, %and3A_569 : vector<16xi32>
      %gather3A_571 = tpu.vector_load_idx %arg6[%add3A_138, %and3A_570] : memref<128x128xf32, #tpu.memory_space<vmem>>[vector<16xi32>, vector<16xi32>], vector<16xf32>,
      %add3A_572 = arith.constant 1 : i32
      %add3A_573 = vector.broadcast %add3A_572 : i32 to vector<16xi32>
      %add3A_574 = arith.addi %and3A_570, %add3A_573 : vector<16xi32>
      %and3A_575 = arith.constant 63 : i32
      %and3A_576 = vector.broadcast %and3A_575 : i32 to vector<16xi32>
      %and3A_577 = arith.andi %add3A_574, %and3A_576 : vector<16xi32>
      %gather3A_578 = tpu.vector_load_idx %arg6[%add3A_138, %and3A_577] : memref<128x128xf32, #tpu.memory_space<vmem>>[vector<16xi32>, vector<16xi32>], vector<16xf32>,
      %add3A_579 = arith.constant 1 : i32
      %add3A_580 = vector.broadcast %add3A_579 : i32 to vector<16xi32>
      %add3A_581 = arith.addi %and3A_577, %add3A_580 : vector<16xi32>
      %and3A_582 = arith.constant 63 : i32
      %and3A_583 = vector.broadcast %and3A_582 : i32 to vector<16xi32>
      %and3A_584 = arith.andi %add3A_581, %and3A_583 : vector<16xi32>
      tpu.vector_store_idx %arg8[%and3A_360, %add3A_138], %gather3A_361 : memref<64x128xf32, #tpu.memory_space<vmem>>[vector<16xi32>, vector<16xi32>], vector<16xf32>,
      tpu.vector_store_idx %arg8[%and3A_367, %add3A_138], %gather3A_368 : memref<64x128xf32, #tpu.memory_space<vmem>>[vector<16xi32>, vector<16xi32>], vector<16xf32>,
      tpu.vector_store_idx %arg8[%and3A_374, %add3A_138], %gather3A_375 : memref<64x128xf32, #tpu.memory_space<vmem>>[vector<16xi32>, vector<16xi32>], vector<16xf32>,
      tpu.vector_store_idx %arg8[%and3A_381, %add3A_138], %gather3A_382 : memref<64x128xf32, #tpu.memory_space<vmem>>[vector<16xi32>, vector<16xi32>], vector<16xf32>,
      tpu.vector_store_idx %arg8[%and3A_388, %add3A_138], %gather3A_389 : memref<64x128xf32, #tpu.memory_space<vmem>>[vector<16xi32>, vector<16xi32>], vector<16xf32>,
      tpu.vector_store_idx %arg8[%and3A_395, %add3A_138], %gather3A_396 : memref<64x128xf32, #tpu.memory_space<vmem>>[vector<16xi32>, vector<16xi32>], vector<16xf32>,
      tpu.vector_store_idx %arg8[%and3A_402, %add3A_138], %gather3A_403 : memref<64x128xf32, #tpu.memory_space<vmem>>[vector<16xi32>, vector<16xi32>], vector<16xf32>,
      tpu.vector_store_idx %arg8[%and3A_409, %add3A_138], %gather3A_410 : memref<64x128xf32, #tpu.memory_space<vmem>>[vector<16xi32>, vector<16xi32>], vector<16xf32>,
      tpu.vector_store_idx %arg8[%and3A_416, %add3A_138], %gather3A_417 : memref<64x128xf32, #tpu.memory_space<vmem>>[vector<16xi32>, vector<16xi32>], vector<16xf32>,
      tpu.vector_store_idx %arg8[%and3A_423, %add3A_138], %gather3A_424 : memref<64x128xf32, #tpu.memory_space<vmem>>[vector<16xi32>, vector<16xi32>], vector<16xf32>,
      tpu.vector_store_idx %arg8[%and3A_430, %add3A_138], %gather3A_431 : memref<64x128xf32, #tpu.memory_space<vmem>>[vector<16xi32>, vector<16xi32>], vector<16xf32>,
      tpu.vector_store_idx %arg8[%and3A_437, %add3A_138], %gather3A_438 : memref<64x128xf32, #tpu.memory_space<vmem>>[vector<16xi32>, vector<16xi32>], vector<16xf32>,
      tpu.vector_store_idx %arg8[%and3A_444, %add3A_138], %gather3A_445 : memref<64x128xf32, #tpu.memory_space<vmem>>[vector<16xi32>, vector<16xi32>], vector<16xf32>,
      tpu.vector_store_idx %arg8[%and3A_451, %add3A_138], %gather3A_452 : memref<64x128xf32, #tpu.memory_space<vmem>>[vector<16xi32>, vector<16xi32>], vector<16xf32>,
      tpu.vector_store_idx %arg8[%and3A_458, %add3A_138], %gather3A_459 : memref<64x128xf32, #tpu.memory_space<vmem>>[vector<16xi32>, vector<16xi32>], vector<16xf32>,
      tpu.vector_store_idx %arg8[%and3A_465, %add3A_138], %gather3A_466 : memref<64x128xf32, #tpu.memory_space<vmem>>[vector<16xi32>, vector<16xi32>], vector<16xf32>,
      tpu.vector_store_idx %arg8[%and3A_472, %add3A_138], %gather3A_473 : memref<64x128xf32, #tpu.memory_space<vmem>>[vector<16xi32>, vector<16xi32>], vector<16xf32>,
      tpu.vector_store_idx %arg8[%and3A_479, %add3A_138], %gather3A_480 : memref<64x128xf32, #tpu.memory_space<vmem>>[vector<16xi32>, vector<16xi32>], vector<16xf32>,
      tpu.vector_store_idx %arg8[%and3A_486, %add3A_138], %gather3A_487 : memref<64x128xf32, #tpu.memory_space<vmem>>[vector<16xi32>, vector<16xi32>], vector<16xf32>,
      tpu.vector_store_idx %arg8[%and3A_493, %add3A_138], %gather3A_494 : memref<64x128xf32, #tpu.memory_space<vmem>>[vector<16xi32>, vector<16xi32>], vector<16xf32>,
      tpu.vector_store_idx %arg8[%and3A_500, %add3A_138], %gather3A_501 : memref<64x128xf32, #tpu.memory_space<vmem>>[vector<16xi32>, vector<16xi32>], vector<16xf32>,
      tpu.vector_store_idx %arg8[%and3A_507, %add3A_138], %gather3A_508 : memref<64x128xf32, #tpu.memory_space<vmem>>[vector<16xi32>, vector<16xi32>], vector<16xf32>,
      tpu.vector_store_idx %arg8[%and3A_514, %add3A_138], %gather3A_515 : memref<64x128xf32, #tpu.memory_space<vmem>>[vector<16xi32>, vector<16xi32>], vector<16xf32>,
      tpu.vector_store_idx %arg8[%and3A_521, %add3A_138], %gather3A_522 : memref<64x128xf32, #tpu.memory_space<vmem>>[vector<16xi32>, vector<16xi32>], vector<16xf32>,
      tpu.vector_store_idx %arg8[%and3A_528, %add3A_138], %gather3A_529 : memref<64x128xf32, #tpu.memory_space<vmem>>[vector<16xi32>, vector<16xi32>], vector<16xf32>,
      tpu.vector_store_idx %arg8[%and3A_535, %add3A_138], %gather3A_536 : memref<64x128xf32, #tpu.memory_space<vmem>>[vector<16xi32>, vector<16xi32>], vector<16xf32>,
      tpu.vector_store_idx %arg8[%and3A_542, %add3A_138], %gather3A_543 : memref<64x128xf32, #tpu.memory_space<vmem>>[vector<16xi32>, vector<16xi32>], vector<16xf32>,
      tpu.vector_store_idx %arg8[%and3A_549, %add3A_138], %gather3A_550 : memref<64x128xf32, #tpu.memory_space<vmem>>[vector<16xi32>, vector<16xi32>], vector<16xf32>,
      tpu.vector_store_idx %arg8[%and3A_556, %add3A_138], %gather3A_557 : memref<64x128xf32, #tpu.memory_space<vmem>>[vector<16xi32>, vector<16xi32>], vector<16xf32>,
      tpu.vector_store_idx %arg8[%and3A_563, %add3A_138], %gather3A_564 : memref<64x128xf32, #tpu.memory_space<vmem>>[vector<16xi32>, vector<16xi32>], vector<16xf32>,
      tpu.vector_store_idx %arg8[%and3A_570, %add3A_138], %gather3A_571 : memref<64x128xf32, #tpu.memory_space<vmem>>[vector<16xi32>, vector<16xi32>], vector<16xf32>,
      tpu.vector_store_idx %arg8[%and3A_577, %add3A_138], %gather3A_578 : memref<64x128xf32, #tpu.memory_space<vmem>>[vector<16xi32>, vector<16xi32>], vector<16xf32>,
    }
    %scan3A_35 = arith.constant 8 : i32
    %dma_start3A_36 = arith.constant 0 : i32
    %dma_start3A_37 = arith.constant 0 : i32
    %dma_start3A_38 = tpu.memref_slice %arg2[%dma_start3A_36, %dma_start3A_37] : memref<1000000x128xf32, #tpu.memory_space<hbm>> -> memref<1000000x128xf32, #tpu.memory_space<hbm>>
    tpu.enqueue_indirect_dma source(%dma_start3A_38 : memref<1000000x128xf32, #tpu.memory_space<hbm>>) target(%arg6 : memref<128x128xf32, #tpu.memory_space<vmem>>) offsets(%arg10 : memref<128xi32, #tpu.memory_space<vmem>>) semaphore(%arg12 : memref<!tpu.dma_semaphore, #tpu.memory_space<semaphore_mem>>)
    %add3A_39 = arith.constant 0 : i32
    %add3A_40 = arith.addi %mul3A_2, %add3A_39 : i32
    %dma_start3A_41 = arith.constant 0 : i32
    %dma_start3A_42 = tpu.memref_slice %arg4[%dma_start3A_41, %add3A_40] : memref<3200x16384xf32, #tpu.memory_space<hbm>> -> memref<64x128xf32, #tpu.memory_space<hbm>>
    %dma_start3A_43 = arith.constant 0 : i32
    %dma_start3A_44 = tpu.memref_slice %arg4[%dma_start3A_43, %add3A_40] : memref<3200x16384xf32, #tpu.memory_space<hbm>> -> memref<64x128xf32, #tpu.memory_space<hbm>>
    tpu.enqueue_dma source(%arg8 : memref<64x128xf32, #tpu.memory_space<vmem>>) target(%dma_start3A_44 : memref<64x128xf32, #tpu.memory_space<hbm>>) target_semaphore(%arg14 : memref<!tpu.dma_semaphore, #tpu.memory_space<semaphore_mem>>)
    %dma_wait3A_45 = arith.constant 0 : i32
    %dma_wait3A_46 = arith.constant 0 : i32
    %dma_wait3A_47 = tpu.memref_slice %arg2[%dma_wait3A_45, %dma_wait3A_46] : memref<1000000x128xf32, #tpu.memory_space<hbm>> -> memref<128x128xf32, #tpu.memory_space<hbm>>
    %dma_wait3A_48 = arith.constant 0 : i32
    %dma_wait3A_49 = arith.constant 0 : i32
    %dma_wait3A_50 = tpu.memref_slice %arg2[%dma_wait3A_48, %dma_wait3A_49] : memref<1000000x128xf32, #tpu.memory_space<hbm>> -> memref<128x128xf32, #tpu.memory_space<hbm>>
    tpu.wait_dma2 semaphore(%arg13 : memref<!tpu.dma_semaphore, #tpu.memory_space<semaphore_mem>>) src(%dma_wait3A_50 : memref<128x128xf32, #tpu.memory_space<hbm>>) dst(%arg7 : memref<128x128xf32, #tpu.memory_space<vmem>>)
    %scan3A_51 = arith.constant 0 : i32
    %scan3A_52 = arith.constant 0 : i32
    %scan3A_53 = arith.constant 8 : i32
    %scan3A_54 = arith.addi %scan3A_52, %scan3A_53 : i32
    %scan3A_55 = arith.constant 1 : i32
    scf.for %scan3A_134 = %scan3A_52 to %scan3A_54 step %scan3A_55  : i32 {
      %mul3A_135 = arith.constant 16 : i32
      %mul3A_136 = arith.muli %scan3A_134, %mul3A_135 : i32
      %add3A_137 = arith.constant 384 : i32
      %add3A_138 = arith.addi %add3A_137, %mul3A_136 : i32
      %broadcast_in_dim3A = arith.constant 0 : i32
      %broadcast_in_dim3A_139 = vector.broadcast %broadcast_in_dim3A : i32 to vector<16xi32>
      %add3A_140 = vector.broadcast %add3A_138 : i32 to vector<16xi32>
      %add3A_141 = arith.addi %iota3A, %add3A_140 : vector<16xi32>
      %gather3A = tpu.vector_load_idx %arg5[%broadcast_in_dim3A_139, %add3A_141] : memref<50x512xi32, #tpu.memory_space<vmem>>[vector<16xi32>, vector<16xi32>], vector<16xi32>,
      %mul3A_142 = arith.constant 16 : i32
      %mul3A_143 = arith.muli %scan3A_134, %mul3A_142 : i32
      %swap3A = arith.index_cast %mul3A_143 : i32 to index
      %swap3A_144 = tpu.vector_load %arg11[%swap3A] {strides = array<i32>} : memref<128xi32, #tpu.memory_space<vmem>>, vector<16xi32>,
      tpu.vector_store %arg11[%swap3A], %gather3A {strides = array<i32>} : memref<128xi32, #tpu.memory_space<vmem>>, vector<16xi32>,
    }
    %scan3A_56 = arith.constant 8 : i32
    %scan3A_57 = arith.constant 0 : i32
    %scan3A_58 = arith.constant 0 : i32
    %scan3A_59 = arith.constant 8 : i32
    %scan3A_60 = arith.addi %scan3A_58, %scan3A_59 : i32
    %scan3A_61 = arith.constant 1 : i32
    scf.for %scan3A_134 = %scan3A_58 to %scan3A_60 step %scan3A_61  : i32 {
      %mul3A_135 = arith.constant 16 : i32
      %mul3A_136 = arith.muli %scan3A_134, %mul3A_135 : i32
      %add3A_137 = vector.broadcast %mul3A_136 : i32 to vector<16xi32>
      %add3A_138 = arith.addi %iota3A, %add3A_137 : vector<16xi32>
      %gather3A = tpu.vector_load_idx %arg7[%add3A_138, %iota3A] : memref<128x128xf32, #tpu.memory_space<vmem>>[vector<16xi32>, vector<16xi32>], vector<16xf32>,
      %add3A_139 = arith.constant 1 : i32
      %add3A_140 = vector.broadcast %add3A_139 : i32 to vector<16xi32>
      %add3A_141 = arith.addi %iota3A, %add3A_140 : vector<16xi32>
      %and3A = arith.constant 63 : i32
      %and3A_142 = vector.broadcast %and3A : i32 to vector<16xi32>
      %and3A_143 = arith.andi %add3A_141, %and3A_142 : vector<16xi32>
      %gather3A_144 = tpu.vector_load_idx %arg7[%add3A_138, %and3A_143] : memref<128x128xf32, #tpu.memory_space<vmem>>[vector<16xi32>, vector<16xi32>], vector<16xf32>,
      %add3A_145 = arith.constant 1 : i32
      %add3A_146 = vector.broadcast %add3A_145 : i32 to vector<16xi32>
      %add3A_147 = arith.addi %and3A_143, %add3A_146 : vector<16xi32>
      %and3A_148 = arith.constant 63 : i32
      %and3A_149 = vector.broadcast %and3A_148 : i32 to vector<16xi32>
      %and3A_150 = arith.andi %add3A_147, %and3A_149 : vector<16xi32>
      %gather3A_151 = tpu.vector_load_idx %arg7[%add3A_138, %and3A_150] : memref<128x128xf32, #tpu.memory_space<vmem>>[vector<16xi32>, vector<16xi32>], vector<16xf32>,
      %add3A_152 = arith.constant 1 : i32
      %add3A_153 = vector.broadcast %add3A_152 : i32 to vector<16xi32>
      %add3A_154 = arith.addi %and3A_150, %add3A_153 : vector<16xi32>
      %and3A_155 = arith.constant 63 : i32
      %and3A_156 = vector.broadcast %and3A_155 : i32 to vector<16xi32>
      %and3A_157 = arith.andi %add3A_154, %and3A_156 : vector<16xi32>
      %gather3A_158 = tpu.vector_load_idx %arg7[%add3A_138, %and3A_157] : memref<128x128xf32, #tpu.memory_space<vmem>>[vector<16xi32>, vector<16xi32>], vector<16xf32>,
      %add3A_159 = arith.constant 1 : i32
      %add3A_160 = vector.broadcast %add3A_159 : i32 to vector<16xi32>
      %add3A_161 = arith.addi %and3A_157, %add3A_160 : vector<16xi32>
      %and3A_162 = arith.constant 63 : i32
      %and3A_163 = vector.broadcast %and3A_162 : i32 to vector<16xi32>
      %and3A_164 = arith.andi %add3A_161, %and3A_163 : vector<16xi32>
      %gather3A_165 = tpu.vector_load_idx %arg7[%add3A_138, %and3A_164] : memref<128x128xf32, #tpu.memory_space<vmem>>[vector<16xi32>, vector<16xi32>], vector<16xf32>,
      %add3A_166 = arith.constant 1 : i32
      %add3A_167 = vector.broadcast %add3A_166 : i32 to vector<16xi32>
      %add3A_168 = arith.addi %and3A_164, %add3A_167 : vector<16xi32>
      %and3A_169 = arith.constant 63 : i32
      %and3A_170 = vector.broadcast %and3A_169 : i32 to vector<16xi32>
      %and3A_171 = arith.andi %add3A_168, %and3A_170 : vector<16xi32>
      %gather3A_172 = tpu.vector_load_idx %arg7[%add3A_138, %and3A_171] : memref<128x128xf32, #tpu.memory_space<vmem>>[vector<16xi32>, vector<16xi32>], vector<16xf32>,
      %add3A_173 = arith.constant 1 : i32
      %add3A_174 = vector.broadcast %add3A_173 : i32 to vector<16xi32>
      %add3A_175 = arith.addi %and3A_171, %add3A_174 : vector<16xi32>
      %and3A_176 = arith.constant 63 : i32
      %and3A_177 = vector.broadcast %and3A_176 : i32 to vector<16xi32>
      %and3A_178 = arith.andi %add3A_175, %and3A_177 : vector<16xi32>
      %gather3A_179 = tpu.vector_load_idx %arg7[%add3A_138, %and3A_178] : memref<128x128xf32, #tpu.memory_space<vmem>>[vector<16xi32>, vector<16xi32>], vector<16xf32>,
      %add3A_180 = arith.constant 1 : i32
      %add3A_181 = vector.broadcast %add3A_180 : i32 to vector<16xi32>
      %add3A_182 = arith.addi %and3A_178, %add3A_181 : vector<16xi32>
      %and3A_183 = arith.constant 63 : i32
      %and3A_184 = vector.broadcast %and3A_183 : i32 to vector<16xi32>
      %and3A_185 = arith.andi %add3A_182, %and3A_184 : vector<16xi32>
      %gather3A_186 = tpu.vector_load_idx %arg7[%add3A_138, %and3A_185] : memref<128x128xf32, #tpu.memory_space<vmem>>[vector<16xi32>, vector<16xi32>], vector<16xf32>,
      %add3A_187 = arith.constant 1 : i32
      %add3A_188 = vector.broadcast %add3A_187 : i32 to vector<16xi32>
      %add3A_189 = arith.addi %and3A_185, %add3A_188 : vector<16xi32>
      %and3A_190 = arith.constant 63 : i32
      %and3A_191 = vector.broadcast %and3A_190 : i32 to vector<16xi32>
      %and3A_192 = arith.andi %add3A_189, %and3A_191 : vector<16xi32>
      %gather3A_193 = tpu.vector_load_idx %arg7[%add3A_138, %and3A_192] : memref<128x128xf32, #tpu.memory_space<vmem>>[vector<16xi32>, vector<16xi32>], vector<16xf32>,
      %add3A_194 = arith.constant 1 : i32
      %add3A_195 = vector.broadcast %add3A_194 : i32 to vector<16xi32>
      %add3A_196 = arith.addi %and3A_192, %add3A_195 : vector<16xi32>
      %and3A_197 = arith.constant 63 : i32
      %and3A_198 = vector.broadcast %and3A_197 : i32 to vector<16xi32>
      %and3A_199 = arith.andi %add3A_196, %and3A_198 : vector<16xi32>
      %gather3A_200 = tpu.vector_load_idx %arg7[%add3A_138, %and3A_199] : memref<128x128xf32, #tpu.memory_space<vmem>>[vector<16xi32>, vector<16xi32>], vector<16xf32>,
      %add3A_201 = arith.constant 1 : i32
      %add3A_202 = vector.broadcast %add3A_201 : i32 to vector<16xi32>
      %add3A_203 = arith.addi %and3A_199, %add3A_202 : vector<16xi32>
      %and3A_204 = arith.constant 63 : i32
      %and3A_205 = vector.broadcast %and3A_204 : i32 to vector<16xi32>
      %and3A_206 = arith.andi %add3A_203, %and3A_205 : vector<16xi32>
      %gather3A_207 = tpu.vector_load_idx %arg7[%add3A_138, %and3A_206] : memref<128x128xf32, #tpu.memory_space<vmem>>[vector<16xi32>, vector<16xi32>], vector<16xf32>,
      %add3A_208 = arith.constant 1 : i32
      %add3A_209 = vector.broadcast %add3A_208 : i32 to vector<16xi32>
      %add3A_210 = arith.addi %and3A_206, %add3A_209 : vector<16xi32>
      %and3A_211 = arith.constant 63 : i32
      %and3A_212 = vector.broadcast %and3A_211 : i32 to vector<16xi32>
      %and3A_213 = arith.andi %add3A_210, %and3A_212 : vector<16xi32>
      %gather3A_214 = tpu.vector_load_idx %arg7[%add3A_138, %and3A_213] : memref<128x128xf32, #tpu.memory_space<vmem>>[vector<16xi32>, vector<16xi32>], vector<16xf32>,
      %add3A_215 = arith.constant 1 : i32
      %add3A_216 = vector.broadcast %add3A_215 : i32 to vector<16xi32>
      %add3A_217 = arith.addi %and3A_213, %add3A_216 : vector<16xi32>
      %and3A_218 = arith.constant 63 : i32
      %and3A_219 = vector.broadcast %and3A_218 : i32 to vector<16xi32>
      %and3A_220 = arith.andi %add3A_217, %and3A_219 : vector<16xi32>
      %gather3A_221 = tpu.vector_load_idx %arg7[%add3A_138, %and3A_220] : memref<128x128xf32, #tpu.memory_space<vmem>>[vector<16xi32>, vector<16xi32>], vector<16xf32>,
      %add3A_222 = arith.constant 1 : i32
      %add3A_223 = vector.broadcast %add3A_222 : i32 to vector<16xi32>
      %add3A_224 = arith.addi %and3A_220, %add3A_223 : vector<16xi32>
      %and3A_225 = arith.constant 63 : i32
      %and3A_226 = vector.broadcast %and3A_225 : i32 to vector<16xi32>
      %and3A_227 = arith.andi %add3A_224, %and3A_226 : vector<16xi32>
      %gather3A_228 = tpu.vector_load_idx %arg7[%add3A_138, %and3A_227] : memref<128x128xf32, #tpu.memory_space<vmem>>[vector<16xi32>, vector<16xi32>], vector<16xf32>,
      %add3A_229 = arith.constant 1 : i32
      %add3A_230 = vector.broadcast %add3A_229 : i32 to vector<16xi32>
      %add3A_231 = arith.addi %and3A_227, %add3A_230 : vector<16xi32>
      %and3A_232 = arith.constant 63 : i32
      %and3A_233 = vector.broadcast %and3A_232 : i32 to vector<16xi32>
      %and3A_234 = arith.andi %add3A_231, %and3A_233 : vector<16xi32>
      %gather3A_235 = tpu.vector_load_idx %arg7[%add3A_138, %and3A_234] : memref<128x128xf32, #tpu.memory_space<vmem>>[vector<16xi32>, vector<16xi32>], vector<16xf32>,
      %add3A_236 = arith.constant 1 : i32
      %add3A_237 = vector.broadcast %add3A_236 : i32 to vector<16xi32>
      %add3A_238 = arith.addi %and3A_234, %add3A_237 : vector<16xi32>
      %and3A_239 = arith.constant 63 : i32
      %and3A_240 = vector.broadcast %and3A_239 : i32 to vector<16xi32>
      %and3A_241 = arith.andi %add3A_238, %and3A_240 : vector<16xi32>
      %gather3A_242 = tpu.vector_load_idx %arg7[%add3A_138, %and3A_241] : memref<128x128xf32, #tpu.memory_space<vmem>>[vector<16xi32>, vector<16xi32>], vector<16xf32>,
      %add3A_243 = arith.constant 1 : i32
      %add3A_244 = vector.broadcast %add3A_243 : i32 to vector<16xi32>
      %add3A_245 = arith.addi %and3A_241, %add3A_244 : vector<16xi32>
      %and3A_246 = arith.constant 63 : i32
      %and3A_247 = vector.broadcast %and3A_246 : i32 to vector<16xi32>
      %and3A_248 = arith.andi %add3A_245, %and3A_247 : vector<16xi32>
      %gather3A_249 = tpu.vector_load_idx %arg7[%add3A_138, %and3A_248] : memref<128x128xf32, #tpu.memory_space<vmem>>[vector<16xi32>, vector<16xi32>], vector<16xf32>,
      %add3A_250 = arith.constant 1 : i32
      %add3A_251 = vector.broadcast %add3A_250 : i32 to vector<16xi32>
      %add3A_252 = arith.addi %and3A_248, %add3A_251 : vector<16xi32>
      %and3A_253 = arith.constant 63 : i32
      %and3A_254 = vector.broadcast %and3A_253 : i32 to vector<16xi32>
      %and3A_255 = arith.andi %add3A_252, %and3A_254 : vector<16xi32>
      %gather3A_256 = tpu.vector_load_idx %arg7[%add3A_138, %and3A_255] : memref<128x128xf32, #tpu.memory_space<vmem>>[vector<16xi32>, vector<16xi32>], vector<16xf32>,
      %add3A_257 = arith.constant 1 : i32
      %add3A_258 = vector.broadcast %add3A_257 : i32 to vector<16xi32>
      %add3A_259 = arith.addi %and3A_255, %add3A_258 : vector<16xi32>
      %and3A_260 = arith.constant 63 : i32
      %and3A_261 = vector.broadcast %and3A_260 : i32 to vector<16xi32>
      %and3A_262 = arith.andi %add3A_259, %and3A_261 : vector<16xi32>
      %gather3A_263 = tpu.vector_load_idx %arg7[%add3A_138, %and3A_262] : memref<128x128xf32, #tpu.memory_space<vmem>>[vector<16xi32>, vector<16xi32>], vector<16xf32>,
      %add3A_264 = arith.constant 1 : i32
      %add3A_265 = vector.broadcast %add3A_264 : i32 to vector<16xi32>
      %add3A_266 = arith.addi %and3A_262, %add3A_265 : vector<16xi32>
      %and3A_267 = arith.constant 63 : i32
      %and3A_268 = vector.broadcast %and3A_267 : i32 to vector<16xi32>
      %and3A_269 = arith.andi %add3A_266, %and3A_268 : vector<16xi32>
      %gather3A_270 = tpu.vector_load_idx %arg7[%add3A_138, %and3A_269] : memref<128x128xf32, #tpu.memory_space<vmem>>[vector<16xi32>, vector<16xi32>], vector<16xf32>,
      %add3A_271 = arith.constant 1 : i32
      %add3A_272 = vector.broadcast %add3A_271 : i32 to vector<16xi32>
      %add3A_273 = arith.addi %and3A_269, %add3A_272 : vector<16xi32>
      %and3A_274 = arith.constant 63 : i32
      %and3A_275 = vector.broadcast %and3A_274 : i32 to vector<16xi32>
      %and3A_276 = arith.andi %add3A_273, %and3A_275 : vector<16xi32>
      %gather3A_277 = tpu.vector_load_idx %arg7[%add3A_138, %and3A_276] : memref<128x128xf32, #tpu.memory_space<vmem>>[vector<16xi32>, vector<16xi32>], vector<16xf32>,
      %add3A_278 = arith.constant 1 : i32
      %add3A_279 = vector.broadcast %add3A_278 : i32 to vector<16xi32>
      %add3A_280 = arith.addi %and3A_276, %add3A_279 : vector<16xi32>
      %and3A_281 = arith.constant 63 : i32
      %and3A_282 = vector.broadcast %and3A_281 : i32 to vector<16xi32>
      %and3A_283 = arith.andi %add3A_280, %and3A_282 : vector<16xi32>
      %gather3A_284 = tpu.vector_load_idx %arg7[%add3A_138, %and3A_283] : memref<128x128xf32, #tpu.memory_space<vmem>>[vector<16xi32>, vector<16xi32>], vector<16xf32>,
      %add3A_285 = arith.constant 1 : i32
      %add3A_286 = vector.broadcast %add3A_285 : i32 to vector<16xi32>
      %add3A_287 = arith.addi %and3A_283, %add3A_286 : vector<16xi32>
      %and3A_288 = arith.constant 63 : i32
      %and3A_289 = vector.broadcast %and3A_288 : i32 to vector<16xi32>
      %and3A_290 = arith.andi %add3A_287, %and3A_289 : vector<16xi32>
      %gather3A_291 = tpu.vector_load_idx %arg7[%add3A_138, %and3A_290] : memref<128x128xf32, #tpu.memory_space<vmem>>[vector<16xi32>, vector<16xi32>], vector<16xf32>,
      %add3A_292 = arith.constant 1 : i32
      %add3A_293 = vector.broadcast %add3A_292 : i32 to vector<16xi32>
      %add3A_294 = arith.addi %and3A_290, %add3A_293 : vector<16xi32>
      %and3A_295 = arith.constant 63 : i32
      %and3A_296 = vector.broadcast %and3A_295 : i32 to vector<16xi32>
      %and3A_297 = arith.andi %add3A_294, %and3A_296 : vector<16xi32>
      %gather3A_298 = tpu.vector_load_idx %arg7[%add3A_138, %and3A_297] : memref<128x128xf32, #tpu.memory_space<vmem>>[vector<16xi32>, vector<16xi32>], vector<16xf32>,
      %add3A_299 = arith.constant 1 : i32
      %add3A_300 = vector.broadcast %add3A_299 : i32 to vector<16xi32>
      %add3A_301 = arith.addi %and3A_297, %add3A_300 : vector<16xi32>
      %and3A_302 = arith.constant 63 : i32
      %and3A_303 = vector.broadcast %and3A_302 : i32 to vector<16xi32>
      %and3A_304 = arith.andi %add3A_301, %and3A_303 : vector<16xi32>
      %gather3A_305 = tpu.vector_load_idx %arg7[%add3A_138, %and3A_304] : memref<128x128xf32, #tpu.memory_space<vmem>>[vector<16xi32>, vector<16xi32>], vector<16xf32>,
      %add3A_306 = arith.constant 1 : i32
      %add3A_307 = vector.broadcast %add3A_306 : i32 to vector<16xi32>
      %add3A_308 = arith.addi %and3A_304, %add3A_307 : vector<16xi32>
      %and3A_309 = arith.constant 63 : i32
      %and3A_310 = vector.broadcast %and3A_309 : i32 to vector<16xi32>
      %and3A_311 = arith.andi %add3A_308, %and3A_310 : vector<16xi32>
      %gather3A_312 = tpu.vector_load_idx %arg7[%add3A_138, %and3A_311] : memref<128x128xf32, #tpu.memory_space<vmem>>[vector<16xi32>, vector<16xi32>], vector<16xf32>,
      %add3A_313 = arith.constant 1 : i32
      %add3A_314 = vector.broadcast %add3A_313 : i32 to vector<16xi32>
      %add3A_315 = arith.addi %and3A_311, %add3A_314 : vector<16xi32>
      %and3A_316 = arith.constant 63 : i32
      %and3A_317 = vector.broadcast %and3A_316 : i32 to vector<16xi32>
      %and3A_318 = arith.andi %add3A_315, %and3A_317 : vector<16xi32>
      %gather3A_319 = tpu.vector_load_idx %arg7[%add3A_138, %and3A_318] : memref<128x128xf32, #tpu.memory_space<vmem>>[vector<16xi32>, vector<16xi32>], vector<16xf32>,
      %add3A_320 = arith.constant 1 : i32
      %add3A_321 = vector.broadcast %add3A_320 : i32 to vector<16xi32>
      %add3A_322 = arith.addi %and3A_318, %add3A_321 : vector<16xi32>
      %and3A_323 = arith.constant 63 : i32
      %and3A_324 = vector.broadcast %and3A_323 : i32 to vector<16xi32>
      %and3A_325 = arith.andi %add3A_322, %and3A_324 : vector<16xi32>
      %gather3A_326 = tpu.vector_load_idx %arg7[%add3A_138, %and3A_325] : memref<128x128xf32, #tpu.memory_space<vmem>>[vector<16xi32>, vector<16xi32>], vector<16xf32>,
      %add3A_327 = arith.constant 1 : i32
      %add3A_328 = vector.broadcast %add3A_327 : i32 to vector<16xi32>
      %add3A_329 = arith.addi %and3A_325, %add3A_328 : vector<16xi32>
      %and3A_330 = arith.constant 63 : i32
      %and3A_331 = vector.broadcast %and3A_330 : i32 to vector<16xi32>
      %and3A_332 = arith.andi %add3A_329, %and3A_331 : vector<16xi32>
      %gather3A_333 = tpu.vector_load_idx %arg7[%add3A_138, %and3A_332] : memref<128x128xf32, #tpu.memory_space<vmem>>[vector<16xi32>, vector<16xi32>], vector<16xf32>,
      %add3A_334 = arith.constant 1 : i32
      %add3A_335 = vector.broadcast %add3A_334 : i32 to vector<16xi32>
      %add3A_336 = arith.addi %and3A_332, %add3A_335 : vector<16xi32>
      %and3A_337 = arith.constant 63 : i32
      %and3A_338 = vector.broadcast %and3A_337 : i32 to vector<16xi32>
      %and3A_339 = arith.andi %add3A_336, %and3A_338 : vector<16xi32>
      %gather3A_340 = tpu.vector_load_idx %arg7[%add3A_138, %and3A_339] : memref<128x128xf32, #tpu.memory_space<vmem>>[vector<16xi32>, vector<16xi32>], vector<16xf32>,
      %add3A_341 = arith.constant 1 : i32
      %add3A_342 = vector.broadcast %add3A_341 : i32 to vector<16xi32>
      %add3A_343 = arith.addi %and3A_339, %add3A_342 : vector<16xi32>
      %and3A_344 = arith.constant 63 : i32
      %and3A_345 = vector.broadcast %and3A_344 : i32 to vector<16xi32>
      %and3A_346 = arith.andi %add3A_343, %and3A_345 : vector<16xi32>
      %gather3A_347 = tpu.vector_load_idx %arg7[%add3A_138, %and3A_346] : memref<128x128xf32, #tpu.memory_space<vmem>>[vector<16xi32>, vector<16xi32>], vector<16xf32>,
      %add3A_348 = arith.constant 1 : i32
      %add3A_349 = vector.broadcast %add3A_348 : i32 to vector<16xi32>
      %add3A_350 = arith.addi %and3A_346, %add3A_349 : vector<16xi32>
      %and3A_351 = arith.constant 63 : i32
      %and3A_352 = vector.broadcast %and3A_351 : i32 to vector<16xi32>
      %and3A_353 = arith.andi %add3A_350, %and3A_352 : vector<16xi32>
      %gather3A_354 = tpu.vector_load_idx %arg7[%add3A_138, %and3A_353] : memref<128x128xf32, #tpu.memory_space<vmem>>[vector<16xi32>, vector<16xi32>], vector<16xf32>,
      %add3A_355 = arith.constant 1 : i32
      %add3A_356 = vector.broadcast %add3A_355 : i32 to vector<16xi32>
      %add3A_357 = arith.addi %and3A_353, %add3A_356 : vector<16xi32>
      %and3A_358 = arith.constant 63 : i32
      %and3A_359 = vector.broadcast %and3A_358 : i32 to vector<16xi32>
      %and3A_360 = arith.andi %add3A_357, %and3A_359 : vector<16xi32>
      tpu.vector_store_idx %arg9[%iota3A, %add3A_138], %gather3A : memref<64x128xf32, #tpu.memory_space<vmem>>[vector<16xi32>, vector<16xi32>], vector<16xf32>,
      tpu.vector_store_idx %arg9[%and3A_143, %add3A_138], %gather3A_144 : memref<64x128xf32, #tpu.memory_space<vmem>>[vector<16xi32>, vector<16xi32>], vector<16xf32>,
      tpu.vector_store_idx %arg9[%and3A_150, %add3A_138], %gather3A_151 : memref<64x128xf32, #tpu.memory_space<vmem>>[vector<16xi32>, vector<16xi32>], vector<16xf32>,
      tpu.vector_store_idx %arg9[%and3A_157, %add3A_138], %gather3A_158 : memref<64x128xf32, #tpu.memory_space<vmem>>[vector<16xi32>, vector<16xi32>], vector<16xf32>,
      tpu.vector_store_idx %arg9[%and3A_164, %add3A_138], %gather3A_165 : memref<64x128xf32, #tpu.memory_space<vmem>>[vector<16xi32>, vector<16xi32>], vector<16xf32>,
      tpu.vector_store_idx %arg9[%and3A_171, %add3A_138], %gather3A_172 : memref<64x128xf32, #tpu.memory_space<vmem>>[vector<16xi32>, vector<16xi32>], vector<16xf32>,
      tpu.vector_store_idx %arg9[%and3A_178, %add3A_138], %gather3A_179 : memref<64x128xf32, #tpu.memory_space<vmem>>[vector<16xi32>, vector<16xi32>], vector<16xf32>,
      tpu.vector_store_idx %arg9[%and3A_185, %add3A_138], %gather3A_186 : memref<64x128xf32, #tpu.memory_space<vmem>>[vector<16xi32>, vector<16xi32>], vector<16xf32>,
      tpu.vector_store_idx %arg9[%and3A_192, %add3A_138], %gather3A_193 : memref<64x128xf32, #tpu.memory_space<vmem>>[vector<16xi32>, vector<16xi32>], vector<16xf32>,
      tpu.vector_store_idx %arg9[%and3A_199, %add3A_138], %gather3A_200 : memref<64x128xf32, #tpu.memory_space<vmem>>[vector<16xi32>, vector<16xi32>], vector<16xf32>,
      tpu.vector_store_idx %arg9[%and3A_206, %add3A_138], %gather3A_207 : memref<64x128xf32, #tpu.memory_space<vmem>>[vector<16xi32>, vector<16xi32>], vector<16xf32>,
      tpu.vector_store_idx %arg9[%and3A_213, %add3A_138], %gather3A_214 : memref<64x128xf32, #tpu.memory_space<vmem>>[vector<16xi32>, vector<16xi32>], vector<16xf32>,
      tpu.vector_store_idx %arg9[%and3A_220, %add3A_138], %gather3A_221 : memref<64x128xf32, #tpu.memory_space<vmem>>[vector<16xi32>, vector<16xi32>], vector<16xf32>,
      tpu.vector_store_idx %arg9[%and3A_227, %add3A_138], %gather3A_228 : memref<64x128xf32, #tpu.memory_space<vmem>>[vector<16xi32>, vector<16xi32>], vector<16xf32>,
      tpu.vector_store_idx %arg9[%and3A_234, %add3A_138], %gather3A_235 : memref<64x128xf32, #tpu.memory_space<vmem>>[vector<16xi32>, vector<16xi32>], vector<16xf32>,
      tpu.vector_store_idx %arg9[%and3A_241, %add3A_138], %gather3A_242 : memref<64x128xf32, #tpu.memory_space<vmem>>[vector<16xi32>, vector<16xi32>], vector<16xf32>,
      %gather3A_361 = tpu.vector_load_idx %arg7[%add3A_138, %and3A_360] : memref<128x128xf32, #tpu.memory_space<vmem>>[vector<16xi32>, vector<16xi32>], vector<16xf32>,
      %add3A_362 = arith.constant 1 : i32
      %add3A_363 = vector.broadcast %add3A_362 : i32 to vector<16xi32>
      %add3A_364 = arith.addi %and3A_360, %add3A_363 : vector<16xi32>
      %and3A_365 = arith.constant 63 : i32
      %and3A_366 = vector.broadcast %and3A_365 : i32 to vector<16xi32>
      %and3A_367 = arith.andi %add3A_364, %and3A_366 : vector<16xi32>
      %gather3A_368 = tpu.vector_load_idx %arg7[%add3A_138, %and3A_367] : memref<128x128xf32, #tpu.memory_space<vmem>>[vector<16xi32>, vector<16xi32>], vector<16xf32>,
      %add3A_369 = arith.constant 1 : i32
      %add3A_370 = vector.broadcast %add3A_369 : i32 to vector<16xi32>
      %add3A_371 = arith.addi %and3A_367, %add3A_370 : vector<16xi32>
      %and3A_372 = arith.constant 63 : i32
      %and3A_373 = vector.broadcast %and3A_372 : i32 to vector<16xi32>
      %and3A_374 = arith.andi %add3A_371, %and3A_373 : vector<16xi32>
      %gather3A_375 = tpu.vector_load_idx %arg7[%add3A_138, %and3A_374] : memref<128x128xf32, #tpu.memory_space<vmem>>[vector<16xi32>, vector<16xi32>], vector<16xf32>,
      %add3A_376 = arith.constant 1 : i32
      %add3A_377 = vector.broadcast %add3A_376 : i32 to vector<16xi32>
      %add3A_378 = arith.addi %and3A_374, %add3A_377 : vector<16xi32>
      %and3A_379 = arith.constant 63 : i32
      %and3A_380 = vector.broadcast %and3A_379 : i32 to vector<16xi32>
      %and3A_381 = arith.andi %add3A_378, %and3A_380 : vector<16xi32>
      %gather3A_382 = tpu.vector_load_idx %arg7[%add3A_138, %and3A_381] : memref<128x128xf32, #tpu.memory_space<vmem>>[vector<16xi32>, vector<16xi32>], vector<16xf32>,
      %add3A_383 = arith.constant 1 : i32
      %add3A_384 = vector.broadcast %add3A_383 : i32 to vector<16xi32>
      %add3A_385 = arith.addi %and3A_381, %add3A_384 : vector<16xi32>
      %and3A_386 = arith.constant 63 : i32
      %and3A_387 = vector.broadcast %and3A_386 : i32 to vector<16xi32>
      %and3A_388 = arith.andi %add3A_385, %and3A_387 : vector<16xi32>
      %gather3A_389 = tpu.vector_load_idx %arg7[%add3A_138, %and3A_388] : memref<128x128xf32, #tpu.memory_space<vmem>>[vector<16xi32>, vector<16xi32>], vector<16xf32>,
      %add3A_390 = arith.constant 1 : i32
      %add3A_391 = vector.broadcast %add3A_390 : i32 to vector<16xi32>
      %add3A_392 = arith.addi %and3A_388, %add3A_391 : vector<16xi32>
      %and3A_393 = arith.constant 63 : i32
      %and3A_394 = vector.broadcast %and3A_393 : i32 to vector<16xi32>
      %and3A_395 = arith.andi %add3A_392, %and3A_394 : vector<16xi32>
      %gather3A_396 = tpu.vector_load_idx %arg7[%add3A_138, %and3A_395] : memref<128x128xf32, #tpu.memory_space<vmem>>[vector<16xi32>, vector<16xi32>], vector<16xf32>,
      %add3A_397 = arith.constant 1 : i32
      %add3A_398 = vector.broadcast %add3A_397 : i32 to vector<16xi32>
      %add3A_399 = arith.addi %and3A_395, %add3A_398 : vector<16xi32>
      %and3A_400 = arith.constant 63 : i32
      %and3A_401 = vector.broadcast %and3A_400 : i32 to vector<16xi32>
      %and3A_402 = arith.andi %add3A_399, %and3A_401 : vector<16xi32>
      %gather3A_403 = tpu.vector_load_idx %arg7[%add3A_138, %and3A_402] : memref<128x128xf32, #tpu.memory_space<vmem>>[vector<16xi32>, vector<16xi32>], vector<16xf32>,
      %add3A_404 = arith.constant 1 : i32
      %add3A_405 = vector.broadcast %add3A_404 : i32 to vector<16xi32>
      %add3A_406 = arith.addi %and3A_402, %add3A_405 : vector<16xi32>
      %and3A_407 = arith.constant 63 : i32
      %and3A_408 = vector.broadcast %and3A_407 : i32 to vector<16xi32>
      %and3A_409 = arith.andi %add3A_406, %and3A_408 : vector<16xi32>
      %gather3A_410 = tpu.vector_load_idx %arg7[%add3A_138, %and3A_409] : memref<128x128xf32, #tpu.memory_space<vmem>>[vector<16xi32>, vector<16xi32>], vector<16xf32>,
      %add3A_411 = arith.constant 1 : i32
      %add3A_412 = vector.broadcast %add3A_411 : i32 to vector<16xi32>
      %add3A_413 = arith.addi %and3A_409, %add3A_412 : vector<16xi32>
      %and3A_414 = arith.constant 63 : i32
      %and3A_415 = vector.broadcast %and3A_414 : i32 to vector<16xi32>
      %and3A_416 = arith.andi %add3A_413, %and3A_415 : vector<16xi32>
      %gather3A_417 = tpu.vector_load_idx %arg7[%add3A_138, %and3A_416] : memref<128x128xf32, #tpu.memory_space<vmem>>[vector<16xi32>, vector<16xi32>], vector<16xf32>,
      %add3A_418 = arith.constant 1 : i32
      %add3A_419 = vector.broadcast %add3A_418 : i32 to vector<16xi32>
      %add3A_420 = arith.addi %and3A_416, %add3A_419 : vector<16xi32>
      %and3A_421 = arith.constant 63 : i32
      %and3A_422 = vector.broadcast %and3A_421 : i32 to vector<16xi32>
      %and3A_423 = arith.andi %add3A_420, %and3A_422 : vector<16xi32>
      %gather3A_424 = tpu.vector_load_idx %arg7[%add3A_138, %and3A_423] : memref<128x128xf32, #tpu.memory_space<vmem>>[vector<16xi32>, vector<16xi32>], vector<16xf32>,
      %add3A_425 = arith.constant 1 : i32
      %add3A_426 = vector.broadcast %add3A_425 : i32 to vector<16xi32>
      %add3A_427 = arith.addi %and3A_423, %add3A_426 : vector<16xi32>
      %and3A_428 = arith.constant 63 : i32
      %and3A_429 = vector.broadcast %and3A_428 : i32 to vector<16xi32>
      %and3A_430 = arith.andi %add3A_427, %and3A_429 : vector<16xi32>
      %gather3A_431 = tpu.vector_load_idx %arg7[%add3A_138, %and3A_430] : memref<128x128xf32, #tpu.memory_space<vmem>>[vector<16xi32>, vector<16xi32>], vector<16xf32>,
      %add3A_432 = arith.constant 1 : i32
      %add3A_433 = vector.broadcast %add3A_432 : i32 to vector<16xi32>
      %add3A_434 = arith.addi %and3A_430, %add3A_433 : vector<16xi32>
      %and3A_435 = arith.constant 63 : i32
      %and3A_436 = vector.broadcast %and3A_435 : i32 to vector<16xi32>
      %and3A_437 = arith.andi %add3A_434, %and3A_436 : vector<16xi32>
      %gather3A_438 = tpu.vector_load_idx %arg7[%add3A_138, %and3A_437] : memref<128x128xf32, #tpu.memory_space<vmem>>[vector<16xi32>, vector<16xi32>], vector<16xf32>,
      %add3A_439 = arith.constant 1 : i32
      %add3A_440 = vector.broadcast %add3A_439 : i32 to vector<16xi32>
      %add3A_441 = arith.addi %and3A_437, %add3A_440 : vector<16xi32>
      %and3A_442 = arith.constant 63 : i32
      %and3A_443 = vector.broadcast %and3A_442 : i32 to vector<16xi32>
      %and3A_444 = arith.andi %add3A_441, %and3A_443 : vector<16xi32>
      %gather3A_445 = tpu.vector_load_idx %arg7[%add3A_138, %and3A_444] : memref<128x128xf32, #tpu.memory_space<vmem>>[vector<16xi32>, vector<16xi32>], vector<16xf32>,
      %add3A_446 = arith.constant 1 : i32
      %add3A_447 = vector.broadcast %add3A_446 : i32 to vector<16xi32>
      %add3A_448 = arith.addi %and3A_444, %add3A_447 : vector<16xi32>
      %and3A_449 = arith.constant 63 : i32
      %and3A_450 = vector.broadcast %and3A_449 : i32 to vector<16xi32>
      %and3A_451 = arith.andi %add3A_448, %and3A_450 : vector<16xi32>
      %gather3A_452 = tpu.vector_load_idx %arg7[%add3A_138, %and3A_451] : memref<128x128xf32, #tpu.memory_space<vmem>>[vector<16xi32>, vector<16xi32>], vector<16xf32>,
      %add3A_453 = arith.constant 1 : i32
      %add3A_454 = vector.broadcast %add3A_453 : i32 to vector<16xi32>
      %add3A_455 = arith.addi %and3A_451, %add3A_454 : vector<16xi32>
      %and3A_456 = arith.constant 63 : i32
      %and3A_457 = vector.broadcast %and3A_456 : i32 to vector<16xi32>
      %and3A_458 = arith.andi %add3A_455, %and3A_457 : vector<16xi32>
      %gather3A_459 = tpu.vector_load_idx %arg7[%add3A_138, %and3A_458] : memref<128x128xf32, #tpu.memory_space<vmem>>[vector<16xi32>, vector<16xi32>], vector<16xf32>,
      %add3A_460 = arith.constant 1 : i32
      %add3A_461 = vector.broadcast %add3A_460 : i32 to vector<16xi32>
      %add3A_462 = arith.addi %and3A_458, %add3A_461 : vector<16xi32>
      %and3A_463 = arith.constant 63 : i32
      %and3A_464 = vector.broadcast %and3A_463 : i32 to vector<16xi32>
      %and3A_465 = arith.andi %add3A_462, %and3A_464 : vector<16xi32>
      %gather3A_466 = tpu.vector_load_idx %arg7[%add3A_138, %and3A_465] : memref<128x128xf32, #tpu.memory_space<vmem>>[vector<16xi32>, vector<16xi32>], vector<16xf32>,
      %add3A_467 = arith.constant 1 : i32
      %add3A_468 = vector.broadcast %add3A_467 : i32 to vector<16xi32>
      %add3A_469 = arith.addi %and3A_465, %add3A_468 : vector<16xi32>
      %and3A_470 = arith.constant 63 : i32
      %and3A_471 = vector.broadcast %and3A_470 : i32 to vector<16xi32>
      %and3A_472 = arith.andi %add3A_469, %and3A_471 : vector<16xi32>
      tpu.vector_store_idx %arg9[%and3A_248, %add3A_138], %gather3A_249 : memref<64x128xf32, #tpu.memory_space<vmem>>[vector<16xi32>, vector<16xi32>], vector<16xf32>,
      tpu.vector_store_idx %arg9[%and3A_255, %add3A_138], %gather3A_256 : memref<64x128xf32, #tpu.memory_space<vmem>>[vector<16xi32>, vector<16xi32>], vector<16xf32>,
      tpu.vector_store_idx %arg9[%and3A_262, %add3A_138], %gather3A_263 : memref<64x128xf32, #tpu.memory_space<vmem>>[vector<16xi32>, vector<16xi32>], vector<16xf32>,
      tpu.vector_store_idx %arg9[%and3A_269, %add3A_138], %gather3A_270 : memref<64x128xf32, #tpu.memory_space<vmem>>[vector<16xi32>, vector<16xi32>], vector<16xf32>,
      tpu.vector_store_idx %arg9[%and3A_276, %add3A_138], %gather3A_277 : memref<64x128xf32, #tpu.memory_space<vmem>>[vector<16xi32>, vector<16xi32>], vector<16xf32>,
      tpu.vector_store_idx %arg9[%and3A_283, %add3A_138], %gather3A_284 : memref<64x128xf32, #tpu.memory_space<vmem>>[vector<16xi32>, vector<16xi32>], vector<16xf32>,
      tpu.vector_store_idx %arg9[%and3A_290, %add3A_138], %gather3A_291 : memref<64x128xf32, #tpu.memory_space<vmem>>[vector<16xi32>, vector<16xi32>], vector<16xf32>,
      tpu.vector_store_idx %arg9[%and3A_297, %add3A_138], %gather3A_298 : memref<64x128xf32, #tpu.memory_space<vmem>>[vector<16xi32>, vector<16xi32>], vector<16xf32>,
      tpu.vector_store_idx %arg9[%and3A_304, %add3A_138], %gather3A_305 : memref<64x128xf32, #tpu.memory_space<vmem>>[vector<16xi32>, vector<16xi32>], vector<16xf32>,
      tpu.vector_store_idx %arg9[%and3A_311, %add3A_138], %gather3A_312 : memref<64x128xf32, #tpu.memory_space<vmem>>[vector<16xi32>, vector<16xi32>], vector<16xf32>,
      tpu.vector_store_idx %arg9[%and3A_318, %add3A_138], %gather3A_319 : memref<64x128xf32, #tpu.memory_space<vmem>>[vector<16xi32>, vector<16xi32>], vector<16xf32>,
      tpu.vector_store_idx %arg9[%and3A_325, %add3A_138], %gather3A_326 : memref<64x128xf32, #tpu.memory_space<vmem>>[vector<16xi32>, vector<16xi32>], vector<16xf32>,
      tpu.vector_store_idx %arg9[%and3A_332, %add3A_138], %gather3A_333 : memref<64x128xf32, #tpu.memory_space<vmem>>[vector<16xi32>, vector<16xi32>], vector<16xf32>,
      tpu.vector_store_idx %arg9[%and3A_339, %add3A_138], %gather3A_340 : memref<64x128xf32, #tpu.memory_space<vmem>>[vector<16xi32>, vector<16xi32>], vector<16xf32>,
      tpu.vector_store_idx %arg9[%and3A_346, %add3A_138], %gather3A_347 : memref<64x128xf32, #tpu.memory_space<vmem>>[vector<16xi32>, vector<16xi32>], vector<16xf32>,
      tpu.vector_store_idx %arg9[%and3A_353, %add3A_138], %gather3A_354 : memref<64x128xf32, #tpu.memory_space<vmem>>[vector<16xi32>, vector<16xi32>], vector<16xf32>,
      %gather3A_473 = tpu.vector_load_idx %arg7[%add3A_138, %and3A_472] : memref<128x128xf32, #tpu.memory_space<vmem>>[vector<16xi32>, vector<16xi32>], vector<16xf32>,
      %add3A_474 = arith.constant 1 : i32
      %add3A_475 = vector.broadcast %add3A_474 : i32 to vector<16xi32>
      %add3A_476 = arith.addi %and3A_472, %add3A_475 : vector<16xi32>
      %and3A_477 = arith.constant 63 : i32
      %and3A_478 = vector.broadcast %and3A_477 : i32 to vector<16xi32>
      %and3A_479 = arith.andi %add3A_476, %and3A_478 : vector<16xi32>
      %gather3A_480 = tpu.vector_load_idx %arg7[%add3A_138, %and3A_479] : memref<128x128xf32, #tpu.memory_space<vmem>>[vector<16xi32>, vector<16xi32>], vector<16xf32>,
      %add3A_481 = arith.constant 1 : i32
      %add3A_482 = vector.broadcast %add3A_481 : i32 to vector<16xi32>
      %add3A_483 = arith.addi %and3A_479, %add3A_482 : vector<16xi32>
      %and3A_484 = arith.constant 63 : i32
      %and3A_485 = vector.broadcast %and3A_484 : i32 to vector<16xi32>
      %and3A_486 = arith.andi %add3A_483, %and3A_485 : vector<16xi32>
      %gather3A_487 = tpu.vector_load_idx %arg7[%add3A_138, %and3A_486] : memref<128x128xf32, #tpu.memory_space<vmem>>[vector<16xi32>, vector<16xi32>], vector<16xf32>,
      %add3A_488 = arith.constant 1 : i32
      %add3A_489 = vector.broadcast %add3A_488 : i32 to vector<16xi32>
      %add3A_490 = arith.addi %and3A_486, %add3A_489 : vector<16xi32>
      %and3A_491 = arith.constant 63 : i32
      %and3A_492 = vector.broadcast %and3A_491 : i32 to vector<16xi32>
      %and3A_493 = arith.andi %add3A_490, %and3A_492 : vector<16xi32>
      %gather3A_494 = tpu.vector_load_idx %arg7[%add3A_138, %and3A_493] : memref<128x128xf32, #tpu.memory_space<vmem>>[vector<16xi32>, vector<16xi32>], vector<16xf32>,
      %add3A_495 = arith.constant 1 : i32
      %add3A_496 = vector.broadcast %add3A_495 : i32 to vector<16xi32>
      %add3A_497 = arith.addi %and3A_493, %add3A_496 : vector<16xi32>
      %and3A_498 = arith.constant 63 : i32
      %and3A_499 = vector.broadcast %and3A_498 : i32 to vector<16xi32>
      %and3A_500 = arith.andi %add3A_497, %and3A_499 : vector<16xi32>
      %gather3A_501 = tpu.vector_load_idx %arg7[%add3A_138, %and3A_500] : memref<128x128xf32, #tpu.memory_space<vmem>>[vector<16xi32>, vector<16xi32>], vector<16xf32>,
      %add3A_502 = arith.constant 1 : i32
      %add3A_503 = vector.broadcast %add3A_502 : i32 to vector<16xi32>
      %add3A_504 = arith.addi %and3A_500, %add3A_503 : vector<16xi32>
      %and3A_505 = arith.constant 63 : i32
      %and3A_506 = vector.broadcast %and3A_505 : i32 to vector<16xi32>
      %and3A_507 = arith.andi %add3A_504, %and3A_506 : vector<16xi32>
      %gather3A_508 = tpu.vector_load_idx %arg7[%add3A_138, %and3A_507] : memref<128x128xf32, #tpu.memory_space<vmem>>[vector<16xi32>, vector<16xi32>], vector<16xf32>,
      %add3A_509 = arith.constant 1 : i32
      %add3A_510 = vector.broadcast %add3A_509 : i32 to vector<16xi32>
      %add3A_511 = arith.addi %and3A_507, %add3A_510 : vector<16xi32>
      %and3A_512 = arith.constant 63 : i32
      %and3A_513 = vector.broadcast %and3A_512 : i32 to vector<16xi32>
      %and3A_514 = arith.andi %add3A_511, %and3A_513 : vector<16xi32>
      %gather3A_515 = tpu.vector_load_idx %arg7[%add3A_138, %and3A_514] : memref<128x128xf32, #tpu.memory_space<vmem>>[vector<16xi32>, vector<16xi32>], vector<16xf32>,
      %add3A_516 = arith.constant 1 : i32
      %add3A_517 = vector.broadcast %add3A_516 : i32 to vector<16xi32>
      %add3A_518 = arith.addi %and3A_514, %add3A_517 : vector<16xi32>
      %and3A_519 = arith.constant 63 : i32
      %and3A_520 = vector.broadcast %and3A_519 : i32 to vector<16xi32>
      %and3A_521 = arith.andi %add3A_518, %and3A_520 : vector<16xi32>
      %gather3A_522 = tpu.vector_load_idx %arg7[%add3A_138, %and3A_521] : memref<128x128xf32, #tpu.memory_space<vmem>>[vector<16xi32>, vector<16xi32>], vector<16xf32>,
      %add3A_523 = arith.constant 1 : i32
      %add3A_524 = vector.broadcast %add3A_523 : i32 to vector<16xi32>
      %add3A_525 = arith.addi %and3A_521, %add3A_524 : vector<16xi32>
      %and3A_526 = arith.constant 63 : i32
      %and3A_527 = vector.broadcast %and3A_526 : i32 to vector<16xi32>
      %and3A_528 = arith.andi %add3A_525, %and3A_527 : vector<16xi32>
      %gather3A_529 = tpu.vector_load_idx %arg7[%add3A_138, %and3A_528] : memref<128x128xf32, #tpu.memory_space<vmem>>[vector<16xi32>, vector<16xi32>], vector<16xf32>,
      %add3A_530 = arith.constant 1 : i32
      %add3A_531 = vector.broadcast %add3A_530 : i32 to vector<16xi32>
      %add3A_532 = arith.addi %and3A_528, %add3A_531 : vector<16xi32>
      %and3A_533 = arith.constant 63 : i32
      %and3A_534 = vector.broadcast %and3A_533 : i32 to vector<16xi32>
      %and3A_535 = arith.andi %add3A_532, %and3A_534 : vector<16xi32>
      %gather3A_536 = tpu.vector_load_idx %arg7[%add3A_138, %and3A_535] : memref<128x128xf32, #tpu.memory_space<vmem>>[vector<16xi32>, vector<16xi32>], vector<16xf32>,
      %add3A_537 = arith.constant 1 : i32
      %add3A_538 = vector.broadcast %add3A_537 : i32 to vector<16xi32>
      %add3A_539 = arith.addi %and3A_535, %add3A_538 : vector<16xi32>
      %and3A_540 = arith.constant 63 : i32
      %and3A_541 = vector.broadcast %and3A_540 : i32 to vector<16xi32>
      %and3A_542 = arith.andi %add3A_539, %and3A_541 : vector<16xi32>
      %gather3A_543 = tpu.vector_load_idx %arg7[%add3A_138, %and3A_542] : memref<128x128xf32, #tpu.memory_space<vmem>>[vector<16xi32>, vector<16xi32>], vector<16xf32>,
      %add3A_544 = arith.constant 1 : i32
      %add3A_545 = vector.broadcast %add3A_544 : i32 to vector<16xi32>
      %add3A_546 = arith.addi %and3A_542, %add3A_545 : vector<16xi32>
      %and3A_547 = arith.constant 63 : i32
      %and3A_548 = vector.broadcast %and3A_547 : i32 to vector<16xi32>
      %and3A_549 = arith.andi %add3A_546, %and3A_548 : vector<16xi32>
      %gather3A_550 = tpu.vector_load_idx %arg7[%add3A_138, %and3A_549] : memref<128x128xf32, #tpu.memory_space<vmem>>[vector<16xi32>, vector<16xi32>], vector<16xf32>,
      %add3A_551 = arith.constant 1 : i32
      %add3A_552 = vector.broadcast %add3A_551 : i32 to vector<16xi32>
      %add3A_553 = arith.addi %and3A_549, %add3A_552 : vector<16xi32>
      %and3A_554 = arith.constant 63 : i32
      %and3A_555 = vector.broadcast %and3A_554 : i32 to vector<16xi32>
      %and3A_556 = arith.andi %add3A_553, %and3A_555 : vector<16xi32>
      %gather3A_557 = tpu.vector_load_idx %arg7[%add3A_138, %and3A_556] : memref<128x128xf32, #tpu.memory_space<vmem>>[vector<16xi32>, vector<16xi32>], vector<16xf32>,
      %add3A_558 = arith.constant 1 : i32
      %add3A_559 = vector.broadcast %add3A_558 : i32 to vector<16xi32>
      %add3A_560 = arith.addi %and3A_556, %add3A_559 : vector<16xi32>
      %and3A_561 = arith.constant 63 : i32
      %and3A_562 = vector.broadcast %and3A_561 : i32 to vector<16xi32>
      %and3A_563 = arith.andi %add3A_560, %and3A_562 : vector<16xi32>
      %gather3A_564 = tpu.vector_load_idx %arg7[%add3A_138, %and3A_563] : memref<128x128xf32, #tpu.memory_space<vmem>>[vector<16xi32>, vector<16xi32>], vector<16xf32>,
      %add3A_565 = arith.constant 1 : i32
      %add3A_566 = vector.broadcast %add3A_565 : i32 to vector<16xi32>
      %add3A_567 = arith.addi %and3A_563, %add3A_566 : vector<16xi32>
      %and3A_568 = arith.constant 63 : i32
      %and3A_569 = vector.broadcast %and3A_568 : i32 to vector<16xi32>
      %and3A_570 = arith.andi %add3A_567, %and3A_569 : vector<16xi32>
      %gather3A_571 = tpu.vector_load_idx %arg7[%add3A_138, %and3A_570] : memref<128x128xf32, #tpu.memory_space<vmem>>[vector<16xi32>, vector<16xi32>], vector<16xf32>,
      %add3A_572 = arith.constant 1 : i32
      %add3A_573 = vector.broadcast %add3A_572 : i32 to vector<16xi32>
      %add3A_574 = arith.addi %and3A_570, %add3A_573 : vector<16xi32>
      %and3A_575 = arith.constant 63 : i32
      %and3A_576 = vector.broadcast %and3A_575 : i32 to vector<16xi32>
      %and3A_577 = arith.andi %add3A_574, %and3A_576 : vector<16xi32>
      %gather3A_578 = tpu.vector_load_idx %arg7[%add3A_138, %and3A_577] : memref<128x128xf32, #tpu.memory_space<vmem>>[vector<16xi32>, vector<16xi32>], vector<16xf32>,
      %add3A_579 = arith.constant 1 : i32
      %add3A_580 = vector.broadcast %add3A_579 : i32 to vector<16xi32>
      %add3A_581 = arith.addi %and3A_577, %add3A_580 : vector<16xi32>
      %and3A_582 = arith.constant 63 : i32
      %and3A_583 = vector.broadcast %and3A_582 : i32 to vector<16xi32>
      %and3A_584 = arith.andi %add3A_581, %and3A_583 : vector<16xi32>
      tpu.vector_store_idx %arg9[%and3A_360, %add3A_138], %gather3A_361 : memref<64x128xf32, #tpu.memory_space<vmem>>[vector<16xi32>, vector<16xi32>], vector<16xf32>,
      tpu.vector_store_idx %arg9[%and3A_367, %add3A_138], %gather3A_368 : memref<64x128xf32, #tpu.memory_space<vmem>>[vector<16xi32>, vector<16xi32>], vector<16xf32>,
      tpu.vector_store_idx %arg9[%and3A_374, %add3A_138], %gather3A_375 : memref<64x128xf32, #tpu.memory_space<vmem>>[vector<16xi32>, vector<16xi32>], vector<16xf32>,
      tpu.vector_store_idx %arg9[%and3A_381, %add3A_138], %gather3A_382 : memref<64x128xf32, #tpu.memory_space<vmem>>[vector<16xi32>, vector<16xi32>], vector<16xf32>,
      tpu.vector_store_idx %arg9[%and3A_388, %add3A_138], %gather3A_389 : memref<64x128xf32, #tpu.memory_space<vmem>>[vector<16xi32>, vector<16xi32>], vector<16xf32>,
      tpu.vector_store_idx %arg9[%and3A_395, %add3A_138], %gather3A_396 : memref<64x128xf32, #tpu.memory_space<vmem>>[vector<16xi32>, vector<16xi32>], vector<16xf32>,
      tpu.vector_store_idx %arg9[%and3A_402, %add3A_138], %gather3A_403 : memref<64x128xf32, #tpu.memory_space<vmem>>[vector<16xi32>, vector<16xi32>], vector<16xf32>,
      tpu.vector_store_idx %arg9[%and3A_409, %add3A_138], %gather3A_410 : memref<64x128xf32, #tpu.memory_space<vmem>>[vector<16xi32>, vector<16xi32>], vector<16xf32>,
      tpu.vector_store_idx %arg9[%and3A_416, %add3A_138], %gather3A_417 : memref<64x128xf32, #tpu.memory_space<vmem>>[vector<16xi32>, vector<16xi32>], vector<16xf32>,
      tpu.vector_store_idx %arg9[%and3A_423, %add3A_138], %gather3A_424 : memref<64x128xf32, #tpu.memory_space<vmem>>[vector<16xi32>, vector<16xi32>], vector<16xf32>,
      tpu.vector_store_idx %arg9[%and3A_430, %add3A_138], %gather3A_431 : memref<64x128xf32, #tpu.memory_space<vmem>>[vector<16xi32>, vector<16xi32>], vector<16xf32>,
      tpu.vector_store_idx %arg9[%and3A_437, %add3A_138], %gather3A_438 : memref<64x128xf32, #tpu.memory_space<vmem>>[vector<16xi32>, vector<16xi32>], vector<16xf32>,
      tpu.vector_store_idx %arg9[%and3A_444, %add3A_138], %gather3A_445 : memref<64x128xf32, #tpu.memory_space<vmem>>[vector<16xi32>, vector<16xi32>], vector<16xf32>,
      tpu.vector_store_idx %arg9[%and3A_451, %add3A_138], %gather3A_452 : memref<64x128xf32, #tpu.memory_space<vmem>>[vector<16xi32>, vector<16xi32>], vector<16xf32>,
      tpu.vector_store_idx %arg9[%and3A_458, %add3A_138], %gather3A_459 : memref<64x128xf32, #tpu.memory_space<vmem>>[vector<16xi32>, vector<16xi32>], vector<16xf32>,
      tpu.vector_store_idx %arg9[%and3A_465, %add3A_138], %gather3A_466 : memref<64x128xf32, #tpu.memory_space<vmem>>[vector<16xi32>, vector<16xi32>], vector<16xf32>,
      tpu.vector_store_idx %arg9[%and3A_472, %add3A_138], %gather3A_473 : memref<64x128xf32, #tpu.memory_space<vmem>>[vector<16xi32>, vector<16xi32>], vector<16xf32>,
      tpu.vector_store_idx %arg9[%and3A_479, %add3A_138], %gather3A_480 : memref<64x128xf32, #tpu.memory_space<vmem>>[vector<16xi32>, vector<16xi32>], vector<16xf32>,
      tpu.vector_store_idx %arg9[%and3A_486, %add3A_138], %gather3A_487 : memref<64x128xf32, #tpu.memory_space<vmem>>[vector<16xi32>, vector<16xi32>], vector<16xf32>,
      tpu.vector_store_idx %arg9[%and3A_493, %add3A_138], %gather3A_494 : memref<64x128xf32, #tpu.memory_space<vmem>>[vector<16xi32>, vector<16xi32>], vector<16xf32>,
      tpu.vector_store_idx %arg9[%and3A_500, %add3A_138], %gather3A_501 : memref<64x128xf32, #tpu.memory_space<vmem>>[vector<16xi32>, vector<16xi32>], vector<16xf32>,
      tpu.vector_store_idx %arg9[%and3A_507, %add3A_138], %gather3A_508 : memref<64x128xf32, #tpu.memory_space<vmem>>[vector<16xi32>, vector<16xi32>], vector<16xf32>,
      tpu.vector_store_idx %arg9[%and3A_514, %add3A_138], %gather3A_515 : memref<64x128xf32, #tpu.memory_space<vmem>>[vector<16xi32>, vector<16xi32>], vector<16xf32>,
      tpu.vector_store_idx %arg9[%and3A_521, %add3A_138], %gather3A_522 : memref<64x128xf32, #tpu.memory_space<vmem>>[vector<16xi32>, vector<16xi32>], vector<16xf32>,
      tpu.vector_store_idx %arg9[%and3A_528, %add3A_138], %gather3A_529 : memref<64x128xf32, #tpu.memory_space<vmem>>[vector<16xi32>, vector<16xi32>], vector<16xf32>,
      tpu.vector_store_idx %arg9[%and3A_535, %add3A_138], %gather3A_536 : memref<64x128xf32, #tpu.memory_space<vmem>>[vector<16xi32>, vector<16xi32>], vector<16xf32>,
      tpu.vector_store_idx %arg9[%and3A_542, %add3A_138], %gather3A_543 : memref<64x128xf32, #tpu.memory_space<vmem>>[vector<16xi32>, vector<16xi32>], vector<16xf32>,
      tpu.vector_store_idx %arg9[%and3A_549, %add3A_138], %gather3A_550 : memref<64x128xf32, #tpu.memory_space<vmem>>[vector<16xi32>, vector<16xi32>], vector<16xf32>,
      tpu.vector_store_idx %arg9[%and3A_556, %add3A_138], %gather3A_557 : memref<64x128xf32, #tpu.memory_space<vmem>>[vector<16xi32>, vector<16xi32>], vector<16xf32>,
      tpu.vector_store_idx %arg9[%and3A_563, %add3A_138], %gather3A_564 : memref<64x128xf32, #tpu.memory_space<vmem>>[vector<16xi32>, vector<16xi32>], vector<16xf32>,
      tpu.vector_store_idx %arg9[%and3A_570, %add3A_138], %gather3A_571 : memref<64x128xf32, #tpu.memory_space<vmem>>[vector<16xi32>, vector<16xi32>], vector<16xf32>,
      tpu.vector_store_idx %arg9[%and3A_577, %add3A_138], %gather3A_578 : memref<64x128xf32, #tpu.memory_space<vmem>>[vector<16xi32>, vector<16xi32>], vector<16xf32>,
    }
    %scan3A_62 = arith.constant 8 : i32
    %dma_start3A_63 = arith.constant 0 : i32
    %dma_start3A_64 = arith.constant 0 : i32
    %dma_start3A_65 = tpu.memref_slice %arg2[%dma_start3A_63, %dma_start3A_64] : memref<1000000x128xf32, #tpu.memory_space<hbm>> -> memref<1000000x128xf32, #tpu.memory_space<hbm>>
    tpu.enqueue_indirect_dma source(%dma_start3A_65 : memref<1000000x128xf32, #tpu.memory_space<hbm>>) target(%arg7 : memref<128x128xf32, #tpu.memory_space<vmem>>) offsets(%arg11 : memref<128xi32, #tpu.memory_space<vmem>>) semaphore(%arg13 : memref<!tpu.dma_semaphore, #tpu.memory_space<semaphore_mem>>)
    %add3A_66 = arith.constant 128 : i32
    %add3A_67 = arith.addi %mul3A_2, %add3A_66 : i32
    %dma_start3A_68 = arith.constant 0 : i32
    %dma_start3A_69 = tpu.memref_slice %arg4[%dma_start3A_68, %add3A_67] : memref<3200x16384xf32, #tpu.memory_space<hbm>> -> memref<64x128xf32, #tpu.memory_space<hbm>>
    %dma_start3A_70 = arith.constant 0 : i32
    %dma_start3A_71 = tpu.memref_slice %arg4[%dma_start3A_70, %add3A_67] : memref<3200x16384xf32, #tpu.memory_space<hbm>> -> memref<64x128xf32, #tpu.memory_space<hbm>>
    tpu.enqueue_dma source(%arg9 : memref<64x128xf32, #tpu.memory_space<vmem>>) target(%dma_start3A_71 : memref<64x128xf32, #tpu.memory_space<hbm>>) target_semaphore(%arg15 : memref<!tpu.dma_semaphore, #tpu.memory_space<semaphore_mem>>)
    %scan3A_72 = arith.constant 0 : i32
    %scan3A_73 = arith.constant 1 : i32
    %scan3A_74 = arith.constant 98 : i32
    %scan3A_75 = arith.addi %scan3A_73, %scan3A_74 : i32
    %scan3A_76 = arith.constant 1 : i32
    scf.for %scan3A_134 = %scan3A_73 to %scan3A_75 step %scan3A_76  : i32 {
      %mul3A_135 = arith.constant 2 : i32
      %mul3A_136 = arith.muli %mul3A_135, %scan3A_134 : i32
      %dma_wait3A_137 = arith.constant 0 : i32
      %dma_wait3A_138 = arith.constant 0 : i32
      %dma_wait3A_139 = tpu.memref_slice %arg2[%dma_wait3A_137, %dma_wait3A_138] : memref<1000000x128xf32, #tpu.memory_space<hbm>> -> memref<128x128xf32, #tpu.memory_space<hbm>>
      %dma_wait3A_140 = arith.constant 0 : i32
      %dma_wait3A_141 = arith.constant 0 : i32
      %dma_wait3A_142 = tpu.memref_slice %arg2[%dma_wait3A_140, %dma_wait3A_141] : memref<1000000x128xf32, #tpu.memory_space<hbm>> -> memref<128x128xf32, #tpu.memory_space<hbm>>
      tpu.wait_dma2 semaphore(%arg12 : memref<!tpu.dma_semaphore, #tpu.memory_space<semaphore_mem>>) src(%dma_wait3A_142 : memref<128x128xf32, #tpu.memory_space<hbm>>) dst(%arg6 : memref<128x128xf32, #tpu.memory_space<vmem>>)
      %add3A_143 = arith.constant 2 : i32
      %add3A_144 = arith.addi %mul3A_136, %add3A_143 : i32
      %scan3A_145 = arith.constant 0 : i32
      %scan3A_146 = arith.constant 0 : i32
      %scan3A_147 = arith.constant 8 : i32
      %scan3A_148 = arith.addi %scan3A_146, %scan3A_147 : i32
      %scan3A_149 = arith.constant 1 : i32
      scf.for %scan3A_283 = %scan3A_146 to %scan3A_148 step %scan3A_149  : i32 {
        %jit3A_284 = arith.constant 4 : i32
        %div3A_285 = arith.divsi %add3A_144, %jit3A_284 : i32
        %sign3A_286 = arith.constant 0 : i32
        %sign3A_287 = arith.cmpi sgt, %add3A_144, %sign3A_286 : i32
        %sign3A_288 = arith.extui %sign3A_287 : i1 to i32
        %sign3A_289 = arith.constant 0 : i32
        %sign3A_290 = arith.cmpi slt, %add3A_144, %sign3A_289 : i32
        %sign3A_291 = arith.extui %sign3A_290 : i1 to i32
        %sign3A_292 = arith.subi %sign3A_288, %sign3A_291 : i32
        %sign3A_293 = arith.constant 0 : i32
        %sign3A_294 = arith.cmpi sgt, %jit3A_284, %sign3A_293 : i32
        %sign3A_295 = arith.extui %sign3A_294 : i1 to i32
        %sign3A_296 = arith.constant 0 : i32
        %sign3A_297 = arith.cmpi slt, %jit3A_284, %sign3A_296 : i32
        %sign3A_298 = arith.extui %sign3A_297 : i1 to i32
        %sign3A_299 = arith.subi %sign3A_295, %sign3A_298 : i32
        %ne3A_300 = arith.cmpi ne, %sign3A_292, %sign3A_299 : i32
        %rem3A_301 = arith.remsi %add3A_144, %jit3A_284 : i32
        %ne3A_302 = arith.constant 0 : i32
        %ne3A_303 = arith.cmpi ne, %rem3A_301, %ne3A_302 : i32
        %and3A_304 = arith.andi %ne3A_300, %ne3A_303 : i1
        %sub3A_305 = arith.constant 1 : i32
        %sub3A_306 = arith.subi %div3A_285, %sub3A_305 : i32
        %select_n3A_307 = arith.select %and3A_304, %sub3A_306, %div3A_285 : i32
        %jit3A_308 = arith.constant 4 : i32
        %eq3A_309 = arith.constant 0 : i32
        %eq3A_310 = arith.cmpi eq, %jit3A_308, %eq3A_309 : i32
        %jit3A_311 = arith.constant 1 : i32
        %select_n3A_312 = arith.select %eq3A_310, %jit3A_311, %jit3A_308 : i32
        %rem3A_313 = arith.remsi %add3A_144, %select_n3A_312 : i32
        %ne3A_314 = arith.constant 0 : i32
        %ne3A_315 = arith.cmpi ne, %rem3A_313, %ne3A_314 : i32
        %lt3A_316 = arith.constant 0 : i32
        %lt3A_317 = arith.cmpi slt, %rem3A_313, %lt3A_316 : i32
        %lt3A_318 = arith.constant 0 : i32
        %lt3A_319 = arith.cmpi slt, %select_n3A_312, %lt3A_318 : i32
        %ne3A_320 = arith.xori %lt3A_317, %lt3A_319 : i1
        %and3A_321 = arith.andi %ne3A_320, %ne3A_315 : i1
        %add3A_322 = arith.addi %rem3A_313, %select_n3A_312 : i32
        %select_n3A_323 = arith.select %and3A_321, %add3A_322, %rem3A_313 : i32
        %mul3A_324 = arith.constant 128 : i32
        %mul3A_325 = arith.muli %select_n3A_323, %mul3A_324 : i32
        %mul3A_326 = arith.constant 16 : i32
        %mul3A_327 = arith.muli %scan3A_283, %mul3A_326 : i32
        %add3A_328 = arith.addi %mul3A_325, %mul3A_327 : i32
        %broadcast_in_dim3A = vector.broadcast %select_n3A_307 : i32 to vector<16xi32>
        %add3A_329 = vector.broadcast %add3A_328 : i32 to vector<16xi32>
        %add3A_330 = arith.addi %iota3A, %add3A_329 : vector<16xi32>
        %gather3A = tpu.vector_load_idx %arg5[%broadcast_in_dim3A, %add3A_330] : memref<50x512xi32, #tpu.memory_space<vmem>>[vector<16xi32>, vector<16xi32>], vector<16xi32>,
        %mul3A_331 = arith.constant 16 : i32
        %mul3A_332 = arith.muli %scan3A_283, %mul3A_331 : i32
        %swap3A = arith.index_cast %mul3A_332 : i32 to index
        %swap3A_333 = tpu.vector_load %arg10[%swap3A] {strides = array<i32>} : memref<128xi32, #tpu.memory_space<vmem>>, vector<16xi32>,
        tpu.vector_store %arg10[%swap3A], %gather3A {strides = array<i32>} : memref<128xi32, #tpu.memory_space<vmem>>, vector<16xi32>,
      }
      %scan3A_150 = arith.constant 8 : i32
      %dma_wait3A_151 = arith.constant 0 : i32
      %dma_wait3A_152 = arith.constant 0 : i32
      %dma_wait3A_153 = tpu.memref_slice %arg4[%dma_wait3A_151, %dma_wait3A_152] : memref<3200x16384xf32, #tpu.memory_space<hbm>> -> memref<64x128xf32, #tpu.memory_space<hbm>>
      %dma_wait3A_154 = arith.constant 0 : i32
      %dma_wait3A_155 = arith.constant 0 : i32
      %dma_wait3A_156 = tpu.memref_slice %arg4[%dma_wait3A_154, %dma_wait3A_155] : memref<3200x16384xf32, #tpu.memory_space<hbm>> -> memref<64x128xf32, #tpu.memory_space<hbm>>
      tpu.wait_dma2 semaphore(%arg14 : memref<!tpu.dma_semaphore, #tpu.memory_space<semaphore_mem>>) src(%arg8 : memref<64x128xf32, #tpu.memory_space<vmem>>) dst(%dma_wait3A_156 : memref<64x128xf32, #tpu.memory_space<hbm>>)
      %scan3A_157 = arith.constant 0 : i32
      %scan3A_158 = arith.constant 0 : i32
      %scan3A_159 = arith.constant 8 : i32
      %scan3A_160 = arith.addi %scan3A_158, %scan3A_159 : i32
      %scan3A_161 = arith.constant 1 : i32
      scf.for %scan3A_283 = %scan3A_158 to %scan3A_160 step %scan3A_161  : i32 {
        %mul3A_284 = arith.constant 16 : i32
        %mul3A_285 = arith.muli %scan3A_283, %mul3A_284 : i32
        %add3A_286 = vector.broadcast %mul3A_285 : i32 to vector<16xi32>
        %add3A_287 = arith.addi %iota3A, %add3A_286 : vector<16xi32>
        %gather3A = tpu.vector_load_idx %arg6[%add3A_287, %iota3A] : memref<128x128xf32, #tpu.memory_space<vmem>>[vector<16xi32>, vector<16xi32>], vector<16xf32>,
        %add3A_288 = arith.constant 1 : i32
        %add3A_289 = vector.broadcast %add3A_288 : i32 to vector<16xi32>
        %add3A_290 = arith.addi %iota3A, %add3A_289 : vector<16xi32>
        %and3A_291 = arith.constant 63 : i32
        %and3A_292 = vector.broadcast %and3A_291 : i32 to vector<16xi32>
        %and3A_293 = arith.andi %add3A_290, %and3A_292 : vector<16xi32>
        %gather3A_294 = tpu.vector_load_idx %arg6[%add3A_287, %and3A_293] : memref<128x128xf32, #tpu.memory_space<vmem>>[vector<16xi32>, vector<16xi32>], vector<16xf32>,
        %add3A_295 = arith.constant 1 : i32
        %add3A_296 = vector.broadcast %add3A_295 : i32 to vector<16xi32>
        %add3A_297 = arith.addi %and3A_293, %add3A_296 : vector<16xi32>
        %and3A_298 = arith.constant 63 : i32
        %and3A_299 = vector.broadcast %and3A_298 : i32 to vector<16xi32>
        %and3A_300 = arith.andi %add3A_297, %and3A_299 : vector<16xi32>
        %gather3A_301 = tpu.vector_load_idx %arg6[%add3A_287, %and3A_300] : memref<128x128xf32, #tpu.memory_space<vmem>>[vector<16xi32>, vector<16xi32>], vector<16xf32>,
        %add3A_302 = arith.constant 1 : i32
        %add3A_303 = vector.broadcast %add3A_302 : i32 to vector<16xi32>
        %add3A_304 = arith.addi %and3A_300, %add3A_303 : vector<16xi32>
        %and3A_305 = arith.constant 63 : i32
        %and3A_306 = vector.broadcast %and3A_305 : i32 to vector<16xi32>
        %and3A_307 = arith.andi %add3A_304, %and3A_306 : vector<16xi32>
        %gather3A_308 = tpu.vector_load_idx %arg6[%add3A_287, %and3A_307] : memref<128x128xf32, #tpu.memory_space<vmem>>[vector<16xi32>, vector<16xi32>], vector<16xf32>,
        %add3A_309 = arith.constant 1 : i32
        %add3A_310 = vector.broadcast %add3A_309 : i32 to vector<16xi32>
        %add3A_311 = arith.addi %and3A_307, %add3A_310 : vector<16xi32>
        %and3A_312 = arith.constant 63 : i32
        %and3A_313 = vector.broadcast %and3A_312 : i32 to vector<16xi32>
        %and3A_314 = arith.andi %add3A_311, %and3A_313 : vector<16xi32>
        %gather3A_315 = tpu.vector_load_idx %arg6[%add3A_287, %and3A_314] : memref<128x128xf32, #tpu.memory_space<vmem>>[vector<16xi32>, vector<16xi32>], vector<16xf32>,
        %add3A_316 = arith.constant 1 : i32
        %add3A_317 = vector.broadcast %add3A_316 : i32 to vector<16xi32>
        %add3A_318 = arith.addi %and3A_314, %add3A_317 : vector<16xi32>
        %and3A_319 = arith.constant 63 : i32
        %and3A_320 = vector.broadcast %and3A_319 : i32 to vector<16xi32>
        %and3A_321 = arith.andi %add3A_318, %and3A_320 : vector<16xi32>
        %gather3A_322 = tpu.vector_load_idx %arg6[%add3A_287, %and3A_321] : memref<128x128xf32, #tpu.memory_space<vmem>>[vector<16xi32>, vector<16xi32>], vector<16xf32>,
        %add3A_323 = arith.constant 1 : i32
        %add3A_324 = vector.broadcast %add3A_323 : i32 to vector<16xi32>
        %add3A_325 = arith.addi %and3A_321, %add3A_324 : vector<16xi32>
        %and3A_326 = arith.constant 63 : i32
        %and3A_327 = vector.broadcast %and3A_326 : i32 to vector<16xi32>
        %and3A_328 = arith.andi %add3A_325, %and3A_327 : vector<16xi32>
        %gather3A_329 = tpu.vector_load_idx %arg6[%add3A_287, %and3A_328] : memref<128x128xf32, #tpu.memory_space<vmem>>[vector<16xi32>, vector<16xi32>], vector<16xf32>,
        %add3A_330 = arith.constant 1 : i32
        %add3A_331 = vector.broadcast %add3A_330 : i32 to vector<16xi32>
        %add3A_332 = arith.addi %and3A_328, %add3A_331 : vector<16xi32>
        %and3A_333 = arith.constant 63 : i32
        %and3A_334 = vector.broadcast %and3A_333 : i32 to vector<16xi32>
        %and3A_335 = arith.andi %add3A_332, %and3A_334 : vector<16xi32>
        %gather3A_336 = tpu.vector_load_idx %arg6[%add3A_287, %and3A_335] : memref<128x128xf32, #tpu.memory_space<vmem>>[vector<16xi32>, vector<16xi32>], vector<16xf32>,
        %add3A_337 = arith.constant 1 : i32
        %add3A_338 = vector.broadcast %add3A_337 : i32 to vector<16xi32>
        %add3A_339 = arith.addi %and3A_335, %add3A_338 : vector<16xi32>
        %and3A_340 = arith.constant 63 : i32
        %and3A_341 = vector.broadcast %and3A_340 : i32 to vector<16xi32>
        %and3A_342 = arith.andi %add3A_339, %and3A_341 : vector<16xi32>
        %gather3A_343 = tpu.vector_load_idx %arg6[%add3A_287, %and3A_342] : memref<128x128xf32, #tpu.memory_space<vmem>>[vector<16xi32>, vector<16xi32>], vector<16xf32>,
        %add3A_344 = arith.constant 1 : i32
        %add3A_345 = vector.broadcast %add3A_344 : i32 to vector<16xi32>
        %add3A_346 = arith.addi %and3A_342, %add3A_345 : vector<16xi32>
        %and3A_347 = arith.constant 63 : i32
        %and3A_348 = vector.broadcast %and3A_347 : i32 to vector<16xi32>
        %and3A_349 = arith.andi %add3A_346, %and3A_348 : vector<16xi32>
        %gather3A_350 = tpu.vector_load_idx %arg6[%add3A_287, %and3A_349] : memref<128x128xf32, #tpu.memory_space<vmem>>[vector<16xi32>, vector<16xi32>], vector<16xf32>,
        %add3A_351 = arith.constant 1 : i32
        %add3A_352 = vector.broadcast %add3A_351 : i32 to vector<16xi32>
        %add3A_353 = arith.addi %and3A_349, %add3A_352 : vector<16xi32>
        %and3A_354 = arith.constant 63 : i32
        %and3A_355 = vector.broadcast %and3A_354 : i32 to vector<16xi32>
        %and3A_356 = arith.andi %add3A_353, %and3A_355 : vector<16xi32>
        %gather3A_357 = tpu.vector_load_idx %arg6[%add3A_287, %and3A_356] : memref<128x128xf32, #tpu.memory_space<vmem>>[vector<16xi32>, vector<16xi32>], vector<16xf32>,
        %add3A_358 = arith.constant 1 : i32
        %add3A_359 = vector.broadcast %add3A_358 : i32 to vector<16xi32>
        %add3A_360 = arith.addi %and3A_356, %add3A_359 : vector<16xi32>
        %and3A_361 = arith.constant 63 : i32
        %and3A_362 = vector.broadcast %and3A_361 : i32 to vector<16xi32>
        %and3A_363 = arith.andi %add3A_360, %and3A_362 : vector<16xi32>
        %gather3A_364 = tpu.vector_load_idx %arg6[%add3A_287, %and3A_363] : memref<128x128xf32, #tpu.memory_space<vmem>>[vector<16xi32>, vector<16xi32>], vector<16xf32>,
        %add3A_365 = arith.constant 1 : i32
        %add3A_366 = vector.broadcast %add3A_365 : i32 to vector<16xi32>
        %add3A_367 = arith.addi %and3A_363, %add3A_366 : vector<16xi32>
        %and3A_368 = arith.constant 63 : i32
        %and3A_369 = vector.broadcast %and3A_368 : i32 to vector<16xi32>
        %and3A_370 = arith.andi %add3A_367, %and3A_369 : vector<16xi32>
        %gather3A_371 = tpu.vector_load_idx %arg6[%add3A_287, %and3A_370] : memref<128x128xf32, #tpu.memory_space<vmem>>[vector<16xi32>, vector<16xi32>], vector<16xf32>,
        %add3A_372 = arith.constant 1 : i32
        %add3A_373 = vector.broadcast %add3A_372 : i32 to vector<16xi32>
        %add3A_374 = arith.addi %and3A_370, %add3A_373 : vector<16xi32>
        %and3A_375 = arith.constant 63 : i32
        %and3A_376 = vector.broadcast %and3A_375 : i32 to vector<16xi32>
        %and3A_377 = arith.andi %add3A_374, %and3A_376 : vector<16xi32>
        %gather3A_378 = tpu.vector_load_idx %arg6[%add3A_287, %and3A_377] : memref<128x128xf32, #tpu.memory_space<vmem>>[vector<16xi32>, vector<16xi32>], vector<16xf32>,
        %add3A_379 = arith.constant 1 : i32
        %add3A_380 = vector.broadcast %add3A_379 : i32 to vector<16xi32>
        %add3A_381 = arith.addi %and3A_377, %add3A_380 : vector<16xi32>
        %and3A_382 = arith.constant 63 : i32
        %and3A_383 = vector.broadcast %and3A_382 : i32 to vector<16xi32>
        %and3A_384 = arith.andi %add3A_381, %and3A_383 : vector<16xi32>
        %gather3A_385 = tpu.vector_load_idx %arg6[%add3A_287, %and3A_384] : memref<128x128xf32, #tpu.memory_space<vmem>>[vector<16xi32>, vector<16xi32>], vector<16xf32>,
        %add3A_386 = arith.constant 1 : i32
        %add3A_387 = vector.broadcast %add3A_386 : i32 to vector<16xi32>
        %add3A_388 = arith.addi %and3A_384, %add3A_387 : vector<16xi32>
        %and3A_389 = arith.constant 63 : i32
        %and3A_390 = vector.broadcast %and3A_389 : i32 to vector<16xi32>
        %and3A_391 = arith.andi %add3A_388, %and3A_390 : vector<16xi32>
        %gather3A_392 = tpu.vector_load_idx %arg6[%add3A_287, %and3A_391] : memref<128x128xf32, #tpu.memory_space<vmem>>[vector<16xi32>, vector<16xi32>], vector<16xf32>,
        %add3A_393 = arith.constant 1 : i32
        %add3A_394 = vector.broadcast %add3A_393 : i32 to vector<16xi32>
        %add3A_395 = arith.addi %and3A_391, %add3A_394 : vector<16xi32>
        %and3A_396 = arith.constant 63 : i32
        %and3A_397 = vector.broadcast %and3A_396 : i32 to vector<16xi32>
        %and3A_398 = arith.andi %add3A_395, %and3A_397 : vector<16xi32>
        %gather3A_399 = tpu.vector_load_idx %arg6[%add3A_287, %and3A_398] : memref<128x128xf32, #tpu.memory_space<vmem>>[vector<16xi32>, vector<16xi32>], vector<16xf32>,
        %add3A_400 = arith.constant 1 : i32
        %add3A_401 = vector.broadcast %add3A_400 : i32 to vector<16xi32>
        %add3A_402 = arith.addi %and3A_398, %add3A_401 : vector<16xi32>
        %and3A_403 = arith.constant 63 : i32
        %and3A_404 = vector.broadcast %and3A_403 : i32 to vector<16xi32>
        %and3A_405 = arith.andi %add3A_402, %and3A_404 : vector<16xi32>
        %gather3A_406 = tpu.vector_load_idx %arg6[%add3A_287, %and3A_405] : memref<128x128xf32, #tpu.memory_space<vmem>>[vector<16xi32>, vector<16xi32>], vector<16xf32>,
        %add3A_407 = arith.constant 1 : i32
        %add3A_408 = vector.broadcast %add3A_407 : i32 to vector<16xi32>
        %add3A_409 = arith.addi %and3A_405, %add3A_408 : vector<16xi32>
        %and3A_410 = arith.constant 63 : i32
        %and3A_411 = vector.broadcast %and3A_410 : i32 to vector<16xi32>
        %and3A_412 = arith.andi %add3A_409, %and3A_411 : vector<16xi32>
        %gather3A_413 = tpu.vector_load_idx %arg6[%add3A_287, %and3A_412] : memref<128x128xf32, #tpu.memory_space<vmem>>[vector<16xi32>, vector<16xi32>], vector<16xf32>,
        %add3A_414 = arith.constant 1 : i32
        %add3A_415 = vector.broadcast %add3A_414 : i32 to vector<16xi32>
        %add3A_416 = arith.addi %and3A_412, %add3A_415 : vector<16xi32>
        %and3A_417 = arith.constant 63 : i32
        %and3A_418 = vector.broadcast %and3A_417 : i32 to vector<16xi32>
        %and3A_419 = arith.andi %add3A_416, %and3A_418 : vector<16xi32>
        %gather3A_420 = tpu.vector_load_idx %arg6[%add3A_287, %and3A_419] : memref<128x128xf32, #tpu.memory_space<vmem>>[vector<16xi32>, vector<16xi32>], vector<16xf32>,
        %add3A_421 = arith.constant 1 : i32
        %add3A_422 = vector.broadcast %add3A_421 : i32 to vector<16xi32>
        %add3A_423 = arith.addi %and3A_419, %add3A_422 : vector<16xi32>
        %and3A_424 = arith.constant 63 : i32
        %and3A_425 = vector.broadcast %and3A_424 : i32 to vector<16xi32>
        %and3A_426 = arith.andi %add3A_423, %and3A_425 : vector<16xi32>
        %gather3A_427 = tpu.vector_load_idx %arg6[%add3A_287, %and3A_426] : memref<128x128xf32, #tpu.memory_space<vmem>>[vector<16xi32>, vector<16xi32>], vector<16xf32>,
        %add3A_428 = arith.constant 1 : i32
        %add3A_429 = vector.broadcast %add3A_428 : i32 to vector<16xi32>
        %add3A_430 = arith.addi %and3A_426, %add3A_429 : vector<16xi32>
        %and3A_431 = arith.constant 63 : i32
        %and3A_432 = vector.broadcast %and3A_431 : i32 to vector<16xi32>
        %and3A_433 = arith.andi %add3A_430, %and3A_432 : vector<16xi32>
        %gather3A_434 = tpu.vector_load_idx %arg6[%add3A_287, %and3A_433] : memref<128x128xf32, #tpu.memory_space<vmem>>[vector<16xi32>, vector<16xi32>], vector<16xf32>,
        %add3A_435 = arith.constant 1 : i32
        %add3A_436 = vector.broadcast %add3A_435 : i32 to vector<16xi32>
        %add3A_437 = arith.addi %and3A_433, %add3A_436 : vector<16xi32>
        %and3A_438 = arith.constant 63 : i32
        %and3A_439 = vector.broadcast %and3A_438 : i32 to vector<16xi32>
        %and3A_440 = arith.andi %add3A_437, %and3A_439 : vector<16xi32>
        %gather3A_441 = tpu.vector_load_idx %arg6[%add3A_287, %and3A_440] : memref<128x128xf32, #tpu.memory_space<vmem>>[vector<16xi32>, vector<16xi32>], vector<16xf32>,
        %add3A_442 = arith.constant 1 : i32
        %add3A_443 = vector.broadcast %add3A_442 : i32 to vector<16xi32>
        %add3A_444 = arith.addi %and3A_440, %add3A_443 : vector<16xi32>
        %and3A_445 = arith.constant 63 : i32
        %and3A_446 = vector.broadcast %and3A_445 : i32 to vector<16xi32>
        %and3A_447 = arith.andi %add3A_444, %and3A_446 : vector<16xi32>
        %gather3A_448 = tpu.vector_load_idx %arg6[%add3A_287, %and3A_447] : memref<128x128xf32, #tpu.memory_space<vmem>>[vector<16xi32>, vector<16xi32>], vector<16xf32>,
        %add3A_449 = arith.constant 1 : i32
        %add3A_450 = vector.broadcast %add3A_449 : i32 to vector<16xi32>
        %add3A_451 = arith.addi %and3A_447, %add3A_450 : vector<16xi32>
        %and3A_452 = arith.constant 63 : i32
        %and3A_453 = vector.broadcast %and3A_452 : i32 to vector<16xi32>
        %and3A_454 = arith.andi %add3A_451, %and3A_453 : vector<16xi32>
        %gather3A_455 = tpu.vector_load_idx %arg6[%add3A_287, %and3A_454] : memref<128x128xf32, #tpu.memory_space<vmem>>[vector<16xi32>, vector<16xi32>], vector<16xf32>,
        %add3A_456 = arith.constant 1 : i32
        %add3A_457 = vector.broadcast %add3A_456 : i32 to vector<16xi32>
        %add3A_458 = arith.addi %and3A_454, %add3A_457 : vector<16xi32>
        %and3A_459 = arith.constant 63 : i32
        %and3A_460 = vector.broadcast %and3A_459 : i32 to vector<16xi32>
        %and3A_461 = arith.andi %add3A_458, %and3A_460 : vector<16xi32>
        %gather3A_462 = tpu.vector_load_idx %arg6[%add3A_287, %and3A_461] : memref<128x128xf32, #tpu.memory_space<vmem>>[vector<16xi32>, vector<16xi32>], vector<16xf32>,
        %add3A_463 = arith.constant 1 : i32
        %add3A_464 = vector.broadcast %add3A_463 : i32 to vector<16xi32>
        %add3A_465 = arith.addi %and3A_461, %add3A_464 : vector<16xi32>
        %and3A_466 = arith.constant 63 : i32
        %and3A_467 = vector.broadcast %and3A_466 : i32 to vector<16xi32>
        %and3A_468 = arith.andi %add3A_465, %and3A_467 : vector<16xi32>
        %gather3A_469 = tpu.vector_load_idx %arg6[%add3A_287, %and3A_468] : memref<128x128xf32, #tpu.memory_space<vmem>>[vector<16xi32>, vector<16xi32>], vector<16xf32>,
        %add3A_470 = arith.constant 1 : i32
        %add3A_471 = vector.broadcast %add3A_470 : i32 to vector<16xi32>
        %add3A_472 = arith.addi %and3A_468, %add3A_471 : vector<16xi32>
        %and3A_473 = arith.constant 63 : i32
        %and3A_474 = vector.broadcast %and3A_473 : i32 to vector<16xi32>
        %and3A_475 = arith.andi %add3A_472, %and3A_474 : vector<16xi32>
        %gather3A_476 = tpu.vector_load_idx %arg6[%add3A_287, %and3A_475] : memref<128x128xf32, #tpu.memory_space<vmem>>[vector<16xi32>, vector<16xi32>], vector<16xf32>,
        %add3A_477 = arith.constant 1 : i32
        %add3A_478 = vector.broadcast %add3A_477 : i32 to vector<16xi32>
        %add3A_479 = arith.addi %and3A_475, %add3A_478 : vector<16xi32>
        %and3A_480 = arith.constant 63 : i32
        %and3A_481 = vector.broadcast %and3A_480 : i32 to vector<16xi32>
        %and3A_482 = arith.andi %add3A_479, %and3A_481 : vector<16xi32>
        %gather3A_483 = tpu.vector_load_idx %arg6[%add3A_287, %and3A_482] : memref<128x128xf32, #tpu.memory_space<vmem>>[vector<16xi32>, vector<16xi32>], vector<16xf32>,
        %add3A_484 = arith.constant 1 : i32
        %add3A_485 = vector.broadcast %add3A_484 : i32 to vector<16xi32>
        %add3A_486 = arith.addi %and3A_482, %add3A_485 : vector<16xi32>
        %and3A_487 = arith.constant 63 : i32
        %and3A_488 = vector.broadcast %and3A_487 : i32 to vector<16xi32>
        %and3A_489 = arith.andi %add3A_486, %and3A_488 : vector<16xi32>
        %gather3A_490 = tpu.vector_load_idx %arg6[%add3A_287, %and3A_489] : memref<128x128xf32, #tpu.memory_space<vmem>>[vector<16xi32>, vector<16xi32>], vector<16xf32>,
        %add3A_491 = arith.constant 1 : i32
        %add3A_492 = vector.broadcast %add3A_491 : i32 to vector<16xi32>
        %add3A_493 = arith.addi %and3A_489, %add3A_492 : vector<16xi32>
        %and3A_494 = arith.constant 63 : i32
        %and3A_495 = vector.broadcast %and3A_494 : i32 to vector<16xi32>
        %and3A_496 = arith.andi %add3A_493, %and3A_495 : vector<16xi32>
        %gather3A_497 = tpu.vector_load_idx %arg6[%add3A_287, %and3A_496] : memref<128x128xf32, #tpu.memory_space<vmem>>[vector<16xi32>, vector<16xi32>], vector<16xf32>,
        %add3A_498 = arith.constant 1 : i32
        %add3A_499 = vector.broadcast %add3A_498 : i32 to vector<16xi32>
        %add3A_500 = arith.addi %and3A_496, %add3A_499 : vector<16xi32>
        %and3A_501 = arith.constant 63 : i32
        %and3A_502 = vector.broadcast %and3A_501 : i32 to vector<16xi32>
        %and3A_503 = arith.andi %add3A_500, %and3A_502 : vector<16xi32>
        %gather3A_504 = tpu.vector_load_idx %arg6[%add3A_287, %and3A_503] : memref<128x128xf32, #tpu.memory_space<vmem>>[vector<16xi32>, vector<16xi32>], vector<16xf32>,
        %add3A_505 = arith.constant 1 : i32
        %add3A_506 = vector.broadcast %add3A_505 : i32 to vector<16xi32>
        %add3A_507 = arith.addi %and3A_503, %add3A_506 : vector<16xi32>
        %and3A_508 = arith.constant 63 : i32
        %and3A_509 = vector.broadcast %and3A_508 : i32 to vector<16xi32>
        %and3A_510 = arith.andi %add3A_507, %and3A_509 : vector<16xi32>
        tpu.vector_store_idx %arg8[%iota3A, %add3A_287], %gather3A : memref<64x128xf32, #tpu.memory_space<vmem>>[vector<16xi32>, vector<16xi32>], vector<16xf32>,
        tpu.vector_store_idx %arg8[%and3A_293, %add3A_287], %gather3A_294 : memref<64x128xf32, #tpu.memory_space<vmem>>[vector<16xi32>, vector<16xi32>], vector<16xf32>,
        tpu.vector_store_idx %arg8[%and3A_300, %add3A_287], %gather3A_301 : memref<64x128xf32, #tpu.memory_space<vmem>>[vector<16xi32>, vector<16xi32>], vector<16xf32>,
        tpu.vector_store_idx %arg8[%and3A_307, %add3A_287], %gather3A_308 : memref<64x128xf32, #tpu.memory_space<vmem>>[vector<16xi32>, vector<16xi32>], vector<16xf32>,
        tpu.vector_store_idx %arg8[%and3A_314, %add3A_287], %gather3A_315 : memref<64x128xf32, #tpu.memory_space<vmem>>[vector<16xi32>, vector<16xi32>], vector<16xf32>,
        tpu.vector_store_idx %arg8[%and3A_321, %add3A_287], %gather3A_322 : memref<64x128xf32, #tpu.memory_space<vmem>>[vector<16xi32>, vector<16xi32>], vector<16xf32>,
        tpu.vector_store_idx %arg8[%and3A_328, %add3A_287], %gather3A_329 : memref<64x128xf32, #tpu.memory_space<vmem>>[vector<16xi32>, vector<16xi32>], vector<16xf32>,
        tpu.vector_store_idx %arg8[%and3A_335, %add3A_287], %gather3A_336 : memref<64x128xf32, #tpu.memory_space<vmem>>[vector<16xi32>, vector<16xi32>], vector<16xf32>,
        tpu.vector_store_idx %arg8[%and3A_342, %add3A_287], %gather3A_343 : memref<64x128xf32, #tpu.memory_space<vmem>>[vector<16xi32>, vector<16xi32>], vector<16xf32>,
        tpu.vector_store_idx %arg8[%and3A_349, %add3A_287], %gather3A_350 : memref<64x128xf32, #tpu.memory_space<vmem>>[vector<16xi32>, vector<16xi32>], vector<16xf32>,
        tpu.vector_store_idx %arg8[%and3A_356, %add3A_287], %gather3A_357 : memref<64x128xf32, #tpu.memory_space<vmem>>[vector<16xi32>, vector<16xi32>], vector<16xf32>,
        tpu.vector_store_idx %arg8[%and3A_363, %add3A_287], %gather3A_364 : memref<64x128xf32, #tpu.memory_space<vmem>>[vector<16xi32>, vector<16xi32>], vector<16xf32>,
        tpu.vector_store_idx %arg8[%and3A_370, %add3A_287], %gather3A_371 : memref<64x128xf32, #tpu.memory_space<vmem>>[vector<16xi32>, vector<16xi32>], vector<16xf32>,
        tpu.vector_store_idx %arg8[%and3A_377, %add3A_287], %gather3A_378 : memref<64x128xf32, #tpu.memory_space<vmem>>[vector<16xi32>, vector<16xi32>], vector<16xf32>,
        tpu.vector_store_idx %arg8[%and3A_384, %add3A_287], %gather3A_385 : memref<64x128xf32, #tpu.memory_space<vmem>>[vector<16xi32>, vector<16xi32>], vector<16xf32>,
        tpu.vector_store_idx %arg8[%and3A_391, %add3A_287], %gather3A_392 : memref<64x128xf32, #tpu.memory_space<vmem>>[vector<16xi32>, vector<16xi32>], vector<16xf32>,
        %gather3A_511 = tpu.vector_load_idx %arg6[%add3A_287, %and3A_510] : memref<128x128xf32, #tpu.memory_space<vmem>>[vector<16xi32>, vector<16xi32>], vector<16xf32>,
        %add3A_512 = arith.constant 1 : i32
        %add3A_513 = vector.broadcast %add3A_512 : i32 to vector<16xi32>
        %add3A_514 = arith.addi %and3A_510, %add3A_513 : vector<16xi32>
        %and3A_515 = arith.constant 63 : i32
        %and3A_516 = vector.broadcast %and3A_515 : i32 to vector<16xi32>
        %and3A_517 = arith.andi %add3A_514, %and3A_516 : vector<16xi32>
        %gather3A_518 = tpu.vector_load_idx %arg6[%add3A_287, %and3A_517] : memref<128x128xf32, #tpu.memory_space<vmem>>[vector<16xi32>, vector<16xi32>], vector<16xf32>,
        %add3A_519 = arith.constant 1 : i32
        %add3A_520 = vector.broadcast %add3A_519 : i32 to vector<16xi32>
        %add3A_521 = arith.addi %and3A_517, %add3A_520 : vector<16xi32>
        %and3A_522 = arith.constant 63 : i32
        %and3A_523 = vector.broadcast %and3A_522 : i32 to vector<16xi32>
        %and3A_524 = arith.andi %add3A_521, %and3A_523 : vector<16xi32>
        %gather3A_525 = tpu.vector_load_idx %arg6[%add3A_287, %and3A_524] : memref<128x128xf32, #tpu.memory_space<vmem>>[vector<16xi32>, vector<16xi32>], vector<16xf32>,
        %add3A_526 = arith.constant 1 : i32
        %add3A_527 = vector.broadcast %add3A_526 : i32 to vector<16xi32>
        %add3A_528 = arith.addi %and3A_524, %add3A_527 : vector<16xi32>
        %and3A_529 = arith.constant 63 : i32
        %and3A_530 = vector.broadcast %and3A_529 : i32 to vector<16xi32>
        %and3A_531 = arith.andi %add3A_528, %and3A_530 : vector<16xi32>
        %gather3A_532 = tpu.vector_load_idx %arg6[%add3A_287, %and3A_531] : memref<128x128xf32, #tpu.memory_space<vmem>>[vector<16xi32>, vector<16xi32>], vector<16xf32>,
        %add3A_533 = arith.constant 1 : i32
        %add3A_534 = vector.broadcast %add3A_533 : i32 to vector<16xi32>
        %add3A_535 = arith.addi %and3A_531, %add3A_534 : vector<16xi32>
        %and3A_536 = arith.constant 63 : i32
        %and3A_537 = vector.broadcast %and3A_536 : i32 to vector<16xi32>
        %and3A_538 = arith.andi %add3A_535, %and3A_537 : vector<16xi32>
        %gather3A_539 = tpu.vector_load_idx %arg6[%add3A_287, %and3A_538] : memref<128x128xf32, #tpu.memory_space<vmem>>[vector<16xi32>, vector<16xi32>], vector<16xf32>,
        %add3A_540 = arith.constant 1 : i32
        %add3A_541 = vector.broadcast %add3A_540 : i32 to vector<16xi32>
        %add3A_542 = arith.addi %and3A_538, %add3A_541 : vector<16xi32>
        %and3A_543 = arith.constant 63 : i32
        %and3A_544 = vector.broadcast %and3A_543 : i32 to vector<16xi32>
        %and3A_545 = arith.andi %add3A_542, %and3A_544 : vector<16xi32>
        %gather3A_546 = tpu.vector_load_idx %arg6[%add3A_287, %and3A_545] : memref<128x128xf32, #tpu.memory_space<vmem>>[vector<16xi32>, vector<16xi32>], vector<16xf32>,
        %add3A_547 = arith.constant 1 : i32
        %add3A_548 = vector.broadcast %add3A_547 : i32 to vector<16xi32>
        %add3A_549 = arith.addi %and3A_545, %add3A_548 : vector<16xi32>
        %and3A_550 = arith.constant 63 : i32
        %and3A_551 = vector.broadcast %and3A_550 : i32 to vector<16xi32>
        %and3A_552 = arith.andi %add3A_549, %and3A_551 : vector<16xi32>
        %gather3A_553 = tpu.vector_load_idx %arg6[%add3A_287, %and3A_552] : memref<128x128xf32, #tpu.memory_space<vmem>>[vector<16xi32>, vector<16xi32>], vector<16xf32>,
        %add3A_554 = arith.constant 1 : i32
        %add3A_555 = vector.broadcast %add3A_554 : i32 to vector<16xi32>
        %add3A_556 = arith.addi %and3A_552, %add3A_555 : vector<16xi32>
        %and3A_557 = arith.constant 63 : i32
        %and3A_558 = vector.broadcast %and3A_557 : i32 to vector<16xi32>
        %and3A_559 = arith.andi %add3A_556, %and3A_558 : vector<16xi32>
        %gather3A_560 = tpu.vector_load_idx %arg6[%add3A_287, %and3A_559] : memref<128x128xf32, #tpu.memory_space<vmem>>[vector<16xi32>, vector<16xi32>], vector<16xf32>,
        %add3A_561 = arith.constant 1 : i32
        %add3A_562 = vector.broadcast %add3A_561 : i32 to vector<16xi32>
        %add3A_563 = arith.addi %and3A_559, %add3A_562 : vector<16xi32>
        %and3A_564 = arith.constant 63 : i32
        %and3A_565 = vector.broadcast %and3A_564 : i32 to vector<16xi32>
        %and3A_566 = arith.andi %add3A_563, %and3A_565 : vector<16xi32>
        %gather3A_567 = tpu.vector_load_idx %arg6[%add3A_287, %and3A_566] : memref<128x128xf32, #tpu.memory_space<vmem>>[vector<16xi32>, vector<16xi32>], vector<16xf32>,
        %add3A_568 = arith.constant 1 : i32
        %add3A_569 = vector.broadcast %add3A_568 : i32 to vector<16xi32>
        %add3A_570 = arith.addi %and3A_566, %add3A_569 : vector<16xi32>
        %and3A_571 = arith.constant 63 : i32
        %and3A_572 = vector.broadcast %and3A_571 : i32 to vector<16xi32>
        %and3A_573 = arith.andi %add3A_570, %and3A_572 : vector<16xi32>
        %gather3A_574 = tpu.vector_load_idx %arg6[%add3A_287, %and3A_573] : memref<128x128xf32, #tpu.memory_space<vmem>>[vector<16xi32>, vector<16xi32>], vector<16xf32>,
        %add3A_575 = arith.constant 1 : i32
        %add3A_576 = vector.broadcast %add3A_575 : i32 to vector<16xi32>
        %add3A_577 = arith.addi %and3A_573, %add3A_576 : vector<16xi32>
        %and3A_578 = arith.constant 63 : i32
        %and3A_579 = vector.broadcast %and3A_578 : i32 to vector<16xi32>
        %and3A_580 = arith.andi %add3A_577, %and3A_579 : vector<16xi32>
        %gather3A_581 = tpu.vector_load_idx %arg6[%add3A_287, %and3A_580] : memref<128x128xf32, #tpu.memory_space<vmem>>[vector<16xi32>, vector<16xi32>], vector<16xf32>,
        %add3A_582 = arith.constant 1 : i32
        %add3A_583 = vector.broadcast %add3A_582 : i32 to vector<16xi32>
        %add3A_584 = arith.addi %and3A_580, %add3A_583 : vector<16xi32>
        %and3A_585 = arith.constant 63 : i32
        %and3A_586 = vector.broadcast %and3A_585 : i32 to vector<16xi32>
        %and3A_587 = arith.andi %add3A_584, %and3A_586 : vector<16xi32>
        %gather3A_588 = tpu.vector_load_idx %arg6[%add3A_287, %and3A_587] : memref<128x128xf32, #tpu.memory_space<vmem>>[vector<16xi32>, vector<16xi32>], vector<16xf32>,
        %add3A_589 = arith.constant 1 : i32
        %add3A_590 = vector.broadcast %add3A_589 : i32 to vector<16xi32>
        %add3A_591 = arith.addi %and3A_587, %add3A_590 : vector<16xi32>
        %and3A_592 = arith.constant 63 : i32
        %and3A_593 = vector.broadcast %and3A_592 : i32 to vector<16xi32>
        %and3A_594 = arith.andi %add3A_591, %and3A_593 : vector<16xi32>
        %gather3A_595 = tpu.vector_load_idx %arg6[%add3A_287, %and3A_594] : memref<128x128xf32, #tpu.memory_space<vmem>>[vector<16xi32>, vector<16xi32>], vector<16xf32>,
        %add3A_596 = arith.constant 1 : i32
        %add3A_597 = vector.broadcast %add3A_596 : i32 to vector<16xi32>
        %add3A_598 = arith.addi %and3A_594, %add3A_597 : vector<16xi32>
        %and3A_599 = arith.constant 63 : i32
        %and3A_600 = vector.broadcast %and3A_599 : i32 to vector<16xi32>
        %and3A_601 = arith.andi %add3A_598, %and3A_600 : vector<16xi32>
        %gather3A_602 = tpu.vector_load_idx %arg6[%add3A_287, %and3A_601] : memref<128x128xf32, #tpu.memory_space<vmem>>[vector<16xi32>, vector<16xi32>], vector<16xf32>,
        %add3A_603 = arith.constant 1 : i32
        %add3A_604 = vector.broadcast %add3A_603 : i32 to vector<16xi32>
        %add3A_605 = arith.addi %and3A_601, %add3A_604 : vector<16xi32>
        %and3A_606 = arith.constant 63 : i32
        %and3A_607 = vector.broadcast %and3A_606 : i32 to vector<16xi32>
        %and3A_608 = arith.andi %add3A_605, %and3A_607 : vector<16xi32>
        %gather3A_609 = tpu.vector_load_idx %arg6[%add3A_287, %and3A_608] : memref<128x128xf32, #tpu.memory_space<vmem>>[vector<16xi32>, vector<16xi32>], vector<16xf32>,
        %add3A_610 = arith.constant 1 : i32
        %add3A_611 = vector.broadcast %add3A_610 : i32 to vector<16xi32>
        %add3A_612 = arith.addi %and3A_608, %add3A_611 : vector<16xi32>
        %and3A_613 = arith.constant 63 : i32
        %and3A_614 = vector.broadcast %and3A_613 : i32 to vector<16xi32>
        %and3A_615 = arith.andi %add3A_612, %and3A_614 : vector<16xi32>
        %gather3A_616 = tpu.vector_load_idx %arg6[%add3A_287, %and3A_615] : memref<128x128xf32, #tpu.memory_space<vmem>>[vector<16xi32>, vector<16xi32>], vector<16xf32>,
        %add3A_617 = arith.constant 1 : i32
        %add3A_618 = vector.broadcast %add3A_617 : i32 to vector<16xi32>
        %add3A_619 = arith.addi %and3A_615, %add3A_618 : vector<16xi32>
        %and3A_620 = arith.constant 63 : i32
        %and3A_621 = vector.broadcast %and3A_620 : i32 to vector<16xi32>
        %and3A_622 = arith.andi %add3A_619, %and3A_621 : vector<16xi32>
        tpu.vector_store_idx %arg8[%and3A_398, %add3A_287], %gather3A_399 : memref<64x128xf32, #tpu.memory_space<vmem>>[vector<16xi32>, vector<16xi32>], vector<16xf32>,
        tpu.vector_store_idx %arg8[%and3A_405, %add3A_287], %gather3A_406 : memref<64x128xf32, #tpu.memory_space<vmem>>[vector<16xi32>, vector<16xi32>], vector<16xf32>,
        tpu.vector_store_idx %arg8[%and3A_412, %add3A_287], %gather3A_413 : memref<64x128xf32, #tpu.memory_space<vmem>>[vector<16xi32>, vector<16xi32>], vector<16xf32>,
        tpu.vector_store_idx %arg8[%and3A_419, %add3A_287], %gather3A_420 : memref<64x128xf32, #tpu.memory_space<vmem>>[vector<16xi32>, vector<16xi32>], vector<16xf32>,
        tpu.vector_store_idx %arg8[%and3A_426, %add3A_287], %gather3A_427 : memref<64x128xf32, #tpu.memory_space<vmem>>[vector<16xi32>, vector<16xi32>], vector<16xf32>,
        tpu.vector_store_idx %arg8[%and3A_433, %add3A_287], %gather3A_434 : memref<64x128xf32, #tpu.memory_space<vmem>>[vector<16xi32>, vector<16xi32>], vector<16xf32>,
        tpu.vector_store_idx %arg8[%and3A_440, %add3A_287], %gather3A_441 : memref<64x128xf32, #tpu.memory_space<vmem>>[vector<16xi32>, vector<16xi32>], vector<16xf32>,
        tpu.vector_store_idx %arg8[%and3A_447, %add3A_287], %gather3A_448 : memref<64x128xf32, #tpu.memory_space<vmem>>[vector<16xi32>, vector<16xi32>], vector<16xf32>,
        tpu.vector_store_idx %arg8[%and3A_454, %add3A_287], %gather3A_455 : memref<64x128xf32, #tpu.memory_space<vmem>>[vector<16xi32>, vector<16xi32>], vector<16xf32>,
        tpu.vector_store_idx %arg8[%and3A_461, %add3A_287], %gather3A_462 : memref<64x128xf32, #tpu.memory_space<vmem>>[vector<16xi32>, vector<16xi32>], vector<16xf32>,
        tpu.vector_store_idx %arg8[%and3A_468, %add3A_287], %gather3A_469 : memref<64x128xf32, #tpu.memory_space<vmem>>[vector<16xi32>, vector<16xi32>], vector<16xf32>,
        tpu.vector_store_idx %arg8[%and3A_475, %add3A_287], %gather3A_476 : memref<64x128xf32, #tpu.memory_space<vmem>>[vector<16xi32>, vector<16xi32>], vector<16xf32>,
        tpu.vector_store_idx %arg8[%and3A_482, %add3A_287], %gather3A_483 : memref<64x128xf32, #tpu.memory_space<vmem>>[vector<16xi32>, vector<16xi32>], vector<16xf32>,
        tpu.vector_store_idx %arg8[%and3A_489, %add3A_287], %gather3A_490 : memref<64x128xf32, #tpu.memory_space<vmem>>[vector<16xi32>, vector<16xi32>], vector<16xf32>,
        tpu.vector_store_idx %arg8[%and3A_496, %add3A_287], %gather3A_497 : memref<64x128xf32, #tpu.memory_space<vmem>>[vector<16xi32>, vector<16xi32>], vector<16xf32>,
        tpu.vector_store_idx %arg8[%and3A_503, %add3A_287], %gather3A_504 : memref<64x128xf32, #tpu.memory_space<vmem>>[vector<16xi32>, vector<16xi32>], vector<16xf32>,
        %gather3A_623 = tpu.vector_load_idx %arg6[%add3A_287, %and3A_622] : memref<128x128xf32, #tpu.memory_space<vmem>>[vector<16xi32>, vector<16xi32>], vector<16xf32>,
        %add3A_624 = arith.constant 1 : i32
        %add3A_625 = vector.broadcast %add3A_624 : i32 to vector<16xi32>
        %add3A_626 = arith.addi %and3A_622, %add3A_625 : vector<16xi32>
        %and3A_627 = arith.constant 63 : i32
        %and3A_628 = vector.broadcast %and3A_627 : i32 to vector<16xi32>
        %and3A_629 = arith.andi %add3A_626, %and3A_628 : vector<16xi32>
        %gather3A_630 = tpu.vector_load_idx %arg6[%add3A_287, %and3A_629] : memref<128x128xf32, #tpu.memory_space<vmem>>[vector<16xi32>, vector<16xi32>], vector<16xf32>,
        %add3A_631 = arith.constant 1 : i32
        %add3A_632 = vector.broadcast %add3A_631 : i32 to vector<16xi32>
        %add3A_633 = arith.addi %and3A_629, %add3A_632 : vector<16xi32>
        %and3A_634 = arith.constant 63 : i32
        %and3A_635 = vector.broadcast %and3A_634 : i32 to vector<16xi32>
        %and3A_636 = arith.andi %add3A_633, %and3A_635 : vector<16xi32>
        %gather3A_637 = tpu.vector_load_idx %arg6[%add3A_287, %and3A_636] : memref<128x128xf32, #tpu.memory_space<vmem>>[vector<16xi32>, vector<16xi32>], vector<16xf32>,
        %add3A_638 = arith.constant 1 : i32
        %add3A_639 = vector.broadcast %add3A_638 : i32 to vector<16xi32>
        %add3A_640 = arith.addi %and3A_636, %add3A_639 : vector<16xi32>
        %and3A_641 = arith.constant 63 : i32
        %and3A_642 = vector.broadcast %and3A_641 : i32 to vector<16xi32>
        %and3A_643 = arith.andi %add3A_640, %and3A_642 : vector<16xi32>
        %gather3A_644 = tpu.vector_load_idx %arg6[%add3A_287, %and3A_643] : memref<128x128xf32, #tpu.memory_space<vmem>>[vector<16xi32>, vector<16xi32>], vector<16xf32>,
        %add3A_645 = arith.constant 1 : i32
        %add3A_646 = vector.broadcast %add3A_645 : i32 to vector<16xi32>
        %add3A_647 = arith.addi %and3A_643, %add3A_646 : vector<16xi32>
        %and3A_648 = arith.constant 63 : i32
        %and3A_649 = vector.broadcast %and3A_648 : i32 to vector<16xi32>
        %and3A_650 = arith.andi %add3A_647, %and3A_649 : vector<16xi32>
        %gather3A_651 = tpu.vector_load_idx %arg6[%add3A_287, %and3A_650] : memref<128x128xf32, #tpu.memory_space<vmem>>[vector<16xi32>, vector<16xi32>], vector<16xf32>,
        %add3A_652 = arith.constant 1 : i32
        %add3A_653 = vector.broadcast %add3A_652 : i32 to vector<16xi32>
        %add3A_654 = arith.addi %and3A_650, %add3A_653 : vector<16xi32>
        %and3A_655 = arith.constant 63 : i32
        %and3A_656 = vector.broadcast %and3A_655 : i32 to vector<16xi32>
        %and3A_657 = arith.andi %add3A_654, %and3A_656 : vector<16xi32>
        %gather3A_658 = tpu.vector_load_idx %arg6[%add3A_287, %and3A_657] : memref<128x128xf32, #tpu.memory_space<vmem>>[vector<16xi32>, vector<16xi32>], vector<16xf32>,
        %add3A_659 = arith.constant 1 : i32
        %add3A_660 = vector.broadcast %add3A_659 : i32 to vector<16xi32>
        %add3A_661 = arith.addi %and3A_657, %add3A_660 : vector<16xi32>
        %and3A_662 = arith.constant 63 : i32
        %and3A_663 = vector.broadcast %and3A_662 : i32 to vector<16xi32>
        %and3A_664 = arith.andi %add3A_661, %and3A_663 : vector<16xi32>
        %gather3A_665 = tpu.vector_load_idx %arg6[%add3A_287, %and3A_664] : memref<128x128xf32, #tpu.memory_space<vmem>>[vector<16xi32>, vector<16xi32>], vector<16xf32>,
        %add3A_666 = arith.constant 1 : i32
        %add3A_667 = vector.broadcast %add3A_666 : i32 to vector<16xi32>
        %add3A_668 = arith.addi %and3A_664, %add3A_667 : vector<16xi32>
        %and3A_669 = arith.constant 63 : i32
        %and3A_670 = vector.broadcast %and3A_669 : i32 to vector<16xi32>
        %and3A_671 = arith.andi %add3A_668, %and3A_670 : vector<16xi32>
        %gather3A_672 = tpu.vector_load_idx %arg6[%add3A_287, %and3A_671] : memref<128x128xf32, #tpu.memory_space<vmem>>[vector<16xi32>, vector<16xi32>], vector<16xf32>,
        %add3A_673 = arith.constant 1 : i32
        %add3A_674 = vector.broadcast %add3A_673 : i32 to vector<16xi32>
        %add3A_675 = arith.addi %and3A_671, %add3A_674 : vector<16xi32>
        %and3A_676 = arith.constant 63 : i32
        %and3A_677 = vector.broadcast %and3A_676 : i32 to vector<16xi32>
        %and3A_678 = arith.andi %add3A_675, %and3A_677 : vector<16xi32>
        %gather3A_679 = tpu.vector_load_idx %arg6[%add3A_287, %and3A_678] : memref<128x128xf32, #tpu.memory_space<vmem>>[vector<16xi32>, vector<16xi32>], vector<16xf32>,
        %add3A_680 = arith.constant 1 : i32
        %add3A_681 = vector.broadcast %add3A_680 : i32 to vector<16xi32>
        %add3A_682 = arith.addi %and3A_678, %add3A_681 : vector<16xi32>
        %and3A_683 = arith.constant 63 : i32
        %and3A_684 = vector.broadcast %and3A_683 : i32 to vector<16xi32>
        %and3A_685 = arith.andi %add3A_682, %and3A_684 : vector<16xi32>
        %gather3A_686 = tpu.vector_load_idx %arg6[%add3A_287, %and3A_685] : memref<128x128xf32, #tpu.memory_space<vmem>>[vector<16xi32>, vector<16xi32>], vector<16xf32>,
        %add3A_687 = arith.constant 1 : i32
        %add3A_688 = vector.broadcast %add3A_687 : i32 to vector<16xi32>
        %add3A_689 = arith.addi %and3A_685, %add3A_688 : vector<16xi32>
        %and3A_690 = arith.constant 63 : i32
        %and3A_691 = vector.broadcast %and3A_690 : i32 to vector<16xi32>
        %and3A_692 = arith.andi %add3A_689, %and3A_691 : vector<16xi32>
        %gather3A_693 = tpu.vector_load_idx %arg6[%add3A_287, %and3A_692] : memref<128x128xf32, #tpu.memory_space<vmem>>[vector<16xi32>, vector<16xi32>], vector<16xf32>,
        %add3A_694 = arith.constant 1 : i32
        %add3A_695 = vector.broadcast %add3A_694 : i32 to vector<16xi32>
        %add3A_696 = arith.addi %and3A_692, %add3A_695 : vector<16xi32>
        %and3A_697 = arith.constant 63 : i32
        %and3A_698 = vector.broadcast %and3A_697 : i32 to vector<16xi32>
        %and3A_699 = arith.andi %add3A_696, %and3A_698 : vector<16xi32>
        %gather3A_700 = tpu.vector_load_idx %arg6[%add3A_287, %and3A_699] : memref<128x128xf32, #tpu.memory_space<vmem>>[vector<16xi32>, vector<16xi32>], vector<16xf32>,
        %add3A_701 = arith.constant 1 : i32
        %add3A_702 = vector.broadcast %add3A_701 : i32 to vector<16xi32>
        %add3A_703 = arith.addi %and3A_699, %add3A_702 : vector<16xi32>
        %and3A_704 = arith.constant 63 : i32
        %and3A_705 = vector.broadcast %and3A_704 : i32 to vector<16xi32>
        %and3A_706 = arith.andi %add3A_703, %and3A_705 : vector<16xi32>
        %gather3A_707 = tpu.vector_load_idx %arg6[%add3A_287, %and3A_706] : memref<128x128xf32, #tpu.memory_space<vmem>>[vector<16xi32>, vector<16xi32>], vector<16xf32>,
        %add3A_708 = arith.constant 1 : i32
        %add3A_709 = vector.broadcast %add3A_708 : i32 to vector<16xi32>
        %add3A_710 = arith.addi %and3A_706, %add3A_709 : vector<16xi32>
        %and3A_711 = arith.constant 63 : i32
        %and3A_712 = vector.broadcast %and3A_711 : i32 to vector<16xi32>
        %and3A_713 = arith.andi %add3A_710, %and3A_712 : vector<16xi32>
        %gather3A_714 = tpu.vector_load_idx %arg6[%add3A_287, %and3A_713] : memref<128x128xf32, #tpu.memory_space<vmem>>[vector<16xi32>, vector<16xi32>], vector<16xf32>,
        %add3A_715 = arith.constant 1 : i32
        %add3A_716 = vector.broadcast %add3A_715 : i32 to vector<16xi32>
        %add3A_717 = arith.addi %and3A_713, %add3A_716 : vector<16xi32>
        %and3A_718 = arith.constant 63 : i32
        %and3A_719 = vector.broadcast %and3A_718 : i32 to vector<16xi32>
        %and3A_720 = arith.andi %add3A_717, %and3A_719 : vector<16xi32>
        %gather3A_721 = tpu.vector_load_idx %arg6[%add3A_287, %and3A_720] : memref<128x128xf32, #tpu.memory_space<vmem>>[vector<16xi32>, vector<16xi32>], vector<16xf32>,
        %add3A_722 = arith.constant 1 : i32
        %add3A_723 = vector.broadcast %add3A_722 : i32 to vector<16xi32>
        %add3A_724 = arith.addi %and3A_720, %add3A_723 : vector<16xi32>
        %and3A_725 = arith.constant 63 : i32
        %and3A_726 = vector.broadcast %and3A_725 : i32 to vector<16xi32>
        %and3A_727 = arith.andi %add3A_724, %and3A_726 : vector<16xi32>
        %gather3A_728 = tpu.vector_load_idx %arg6[%add3A_287, %and3A_727] : memref<128x128xf32, #tpu.memory_space<vmem>>[vector<16xi32>, vector<16xi32>], vector<16xf32>,
        %add3A_729 = arith.constant 1 : i32
        %add3A_730 = vector.broadcast %add3A_729 : i32 to vector<16xi32>
        %add3A_731 = arith.addi %and3A_727, %add3A_730 : vector<16xi32>
        %and3A_732 = arith.constant 63 : i32
        %and3A_733 = vector.broadcast %and3A_732 : i32 to vector<16xi32>
        %and3A_734 = arith.andi %add3A_731, %and3A_733 : vector<16xi32>
        tpu.vector_store_idx %arg8[%and3A_510, %add3A_287], %gather3A_511 : memref<64x128xf32, #tpu.memory_space<vmem>>[vector<16xi32>, vector<16xi32>], vector<16xf32>,
        tpu.vector_store_idx %arg8[%and3A_517, %add3A_287], %gather3A_518 : memref<64x128xf32, #tpu.memory_space<vmem>>[vector<16xi32>, vector<16xi32>], vector<16xf32>,
        tpu.vector_store_idx %arg8[%and3A_524, %add3A_287], %gather3A_525 : memref<64x128xf32, #tpu.memory_space<vmem>>[vector<16xi32>, vector<16xi32>], vector<16xf32>,
        tpu.vector_store_idx %arg8[%and3A_531, %add3A_287], %gather3A_532 : memref<64x128xf32, #tpu.memory_space<vmem>>[vector<16xi32>, vector<16xi32>], vector<16xf32>,
        tpu.vector_store_idx %arg8[%and3A_538, %add3A_287], %gather3A_539 : memref<64x128xf32, #tpu.memory_space<vmem>>[vector<16xi32>, vector<16xi32>], vector<16xf32>,
        tpu.vector_store_idx %arg8[%and3A_545, %add3A_287], %gather3A_546 : memref<64x128xf32, #tpu.memory_space<vmem>>[vector<16xi32>, vector<16xi32>], vector<16xf32>,
        tpu.vector_store_idx %arg8[%and3A_552, %add3A_287], %gather3A_553 : memref<64x128xf32, #tpu.memory_space<vmem>>[vector<16xi32>, vector<16xi32>], vector<16xf32>,
        tpu.vector_store_idx %arg8[%and3A_559, %add3A_287], %gather3A_560 : memref<64x128xf32, #tpu.memory_space<vmem>>[vector<16xi32>, vector<16xi32>], vector<16xf32>,
        tpu.vector_store_idx %arg8[%and3A_566, %add3A_287], %gather3A_567 : memref<64x128xf32, #tpu.memory_space<vmem>>[vector<16xi32>, vector<16xi32>], vector<16xf32>,
        tpu.vector_store_idx %arg8[%and3A_573, %add3A_287], %gather3A_574 : memref<64x128xf32, #tpu.memory_space<vmem>>[vector<16xi32>, vector<16xi32>], vector<16xf32>,
        tpu.vector_store_idx %arg8[%and3A_580, %add3A_287], %gather3A_581 : memref<64x128xf32, #tpu.memory_space<vmem>>[vector<16xi32>, vector<16xi32>], vector<16xf32>,
        tpu.vector_store_idx %arg8[%and3A_587, %add3A_287], %gather3A_588 : memref<64x128xf32, #tpu.memory_space<vmem>>[vector<16xi32>, vector<16xi32>], vector<16xf32>,
        tpu.vector_store_idx %arg8[%and3A_594, %add3A_287], %gather3A_595 : memref<64x128xf32, #tpu.memory_space<vmem>>[vector<16xi32>, vector<16xi32>], vector<16xf32>,
        tpu.vector_store_idx %arg8[%and3A_601, %add3A_287], %gather3A_602 : memref<64x128xf32, #tpu.memory_space<vmem>>[vector<16xi32>, vector<16xi32>], vector<16xf32>,
        tpu.vector_store_idx %arg8[%and3A_608, %add3A_287], %gather3A_609 : memref<64x128xf32, #tpu.memory_space<vmem>>[vector<16xi32>, vector<16xi32>], vector<16xf32>,
        tpu.vector_store_idx %arg8[%and3A_615, %add3A_287], %gather3A_616 : memref<64x128xf32, #tpu.memory_space<vmem>>[vector<16xi32>, vector<16xi32>], vector<16xf32>,
        tpu.vector_store_idx %arg8[%and3A_622, %add3A_287], %gather3A_623 : memref<64x128xf32, #tpu.memory_space<vmem>>[vector<16xi32>, vector<16xi32>], vector<16xf32>,
        tpu.vector_store_idx %arg8[%and3A_629, %add3A_287], %gather3A_630 : memref<64x128xf32, #tpu.memory_space<vmem>>[vector<16xi32>, vector<16xi32>], vector<16xf32>,
        tpu.vector_store_idx %arg8[%and3A_636, %add3A_287], %gather3A_637 : memref<64x128xf32, #tpu.memory_space<vmem>>[vector<16xi32>, vector<16xi32>], vector<16xf32>,
        tpu.vector_store_idx %arg8[%and3A_643, %add3A_287], %gather3A_644 : memref<64x128xf32, #tpu.memory_space<vmem>>[vector<16xi32>, vector<16xi32>], vector<16xf32>,
        tpu.vector_store_idx %arg8[%and3A_650, %add3A_287], %gather3A_651 : memref<64x128xf32, #tpu.memory_space<vmem>>[vector<16xi32>, vector<16xi32>], vector<16xf32>,
        tpu.vector_store_idx %arg8[%and3A_657, %add3A_287], %gather3A_658 : memref<64x128xf32, #tpu.memory_space<vmem>>[vector<16xi32>, vector<16xi32>], vector<16xf32>,
        tpu.vector_store_idx %arg8[%and3A_664, %add3A_287], %gather3A_665 : memref<64x128xf32, #tpu.memory_space<vmem>>[vector<16xi32>, vector<16xi32>], vector<16xf32>,
        tpu.vector_store_idx %arg8[%and3A_671, %add3A_287], %gather3A_672 : memref<64x128xf32, #tpu.memory_space<vmem>>[vector<16xi32>, vector<16xi32>], vector<16xf32>,
        tpu.vector_store_idx %arg8[%and3A_678, %add3A_287], %gather3A_679 : memref<64x128xf32, #tpu.memory_space<vmem>>[vector<16xi32>, vector<16xi32>], vector<16xf32>,
        tpu.vector_store_idx %arg8[%and3A_685, %add3A_287], %gather3A_686 : memref<64x128xf32, #tpu.memory_space<vmem>>[vector<16xi32>, vector<16xi32>], vector<16xf32>,
        tpu.vector_store_idx %arg8[%and3A_692, %add3A_287], %gather3A_693 : memref<64x128xf32, #tpu.memory_space<vmem>>[vector<16xi32>, vector<16xi32>], vector<16xf32>,
        tpu.vector_store_idx %arg8[%and3A_699, %add3A_287], %gather3A_700 : memref<64x128xf32, #tpu.memory_space<vmem>>[vector<16xi32>, vector<16xi32>], vector<16xf32>,
        tpu.vector_store_idx %arg8[%and3A_706, %add3A_287], %gather3A_707 : memref<64x128xf32, #tpu.memory_space<vmem>>[vector<16xi32>, vector<16xi32>], vector<16xf32>,
        tpu.vector_store_idx %arg8[%and3A_713, %add3A_287], %gather3A_714 : memref<64x128xf32, #tpu.memory_space<vmem>>[vector<16xi32>, vector<16xi32>], vector<16xf32>,
        tpu.vector_store_idx %arg8[%and3A_720, %add3A_287], %gather3A_721 : memref<64x128xf32, #tpu.memory_space<vmem>>[vector<16xi32>, vector<16xi32>], vector<16xf32>,
        tpu.vector_store_idx %arg8[%and3A_727, %add3A_287], %gather3A_728 : memref<64x128xf32, #tpu.memory_space<vmem>>[vector<16xi32>, vector<16xi32>], vector<16xf32>,
      }
      %scan3A_162 = arith.constant 8 : i32
      %dma_start3A_163 = arith.constant 0 : i32
      %dma_start3A_164 = arith.constant 0 : i32
      %dma_start3A_165 = tpu.memref_slice %arg2[%dma_start3A_163, %dma_start3A_164] : memref<1000000x128xf32, #tpu.memory_space<hbm>> -> memref<1000000x128xf32, #tpu.memory_space<hbm>>
      tpu.enqueue_indirect_dma source(%dma_start3A_165 : memref<1000000x128xf32, #tpu.memory_space<hbm>>) target(%arg6 : memref<128x128xf32, #tpu.memory_space<vmem>>) offsets(%arg10 : memref<128xi32, #tpu.memory_space<vmem>>) semaphore(%arg12 : memref<!tpu.dma_semaphore, #tpu.memory_space<semaphore_mem>>)
      %jit3A = arith.constant 4 : i32
      %div3A = arith.divsi %mul3A_136, %jit3A : i32
      %sign3A = arith.constant 0 : i32
      %sign3A_166 = arith.cmpi sgt, %mul3A_136, %sign3A : i32
      %sign3A_167 = arith.extui %sign3A_166 : i1 to i32
      %sign3A_168 = arith.constant 0 : i32
      %sign3A_169 = arith.cmpi slt, %mul3A_136, %sign3A_168 : i32
      %sign3A_170 = arith.extui %sign3A_169 : i1 to i32
      %sign3A_171 = arith.subi %sign3A_167, %sign3A_170 : i32
      %sign3A_172 = arith.constant 0 : i32
      %sign3A_173 = arith.cmpi sgt, %jit3A, %sign3A_172 : i32
      %sign3A_174 = arith.extui %sign3A_173 : i1 to i32
      %sign3A_175 = arith.constant 0 : i32
      %sign3A_176 = arith.cmpi slt, %jit3A, %sign3A_175 : i32
      %sign3A_177 = arith.extui %sign3A_176 : i1 to i32
      %sign3A_178 = arith.subi %sign3A_174, %sign3A_177 : i32
      %ne3A = arith.cmpi ne, %sign3A_171, %sign3A_178 : i32
      %rem3A = arith.remsi %mul3A_136, %jit3A : i32
      %ne3A_179 = arith.constant 0 : i32
      %ne3A_180 = arith.cmpi ne, %rem3A, %ne3A_179 : i32
      %and3A = arith.andi %ne3A, %ne3A_180 : i1
      %sub3A = arith.constant 1 : i32
      %sub3A_181 = arith.subi %div3A, %sub3A : i32
      %select_n3A = arith.select %and3A, %sub3A_181, %div3A : i32
      %jit3A_182 = arith.constant 4 : i32
      %eq3A = arith.constant 0 : i32
      %eq3A_183 = arith.cmpi eq, %jit3A_182, %eq3A : i32
      %jit3A_184 = arith.constant 1 : i32
      %select_n3A_185 = arith.select %eq3A_183, %jit3A_184, %jit3A_182 : i32
      %rem3A_186 = arith.remsi %mul3A_136, %select_n3A_185 : i32
      %ne3A_187 = arith.constant 0 : i32
      %ne3A_188 = arith.cmpi ne, %rem3A_186, %ne3A_187 : i32
      %lt3A = arith.constant 0 : i32
      %lt3A_189 = arith.cmpi slt, %rem3A_186, %lt3A : i32
      %lt3A_190 = arith.constant 0 : i32
      %lt3A_191 = arith.cmpi slt, %select_n3A_185, %lt3A_190 : i32
      %ne3A_192 = arith.xori %lt3A_189, %lt3A_191 : i1
      %and3A_193 = arith.andi %ne3A_192, %ne3A_188 : i1
      %add3A_194 = arith.addi %rem3A_186, %select_n3A_185 : i32
      %select_n3A_195 = arith.select %and3A_193, %add3A_194, %rem3A_186 : i32
      %mul3A_196 = arith.constant 128 : i32
      %mul3A_197 = arith.muli %select_n3A_195, %mul3A_196 : i32
      %add3A_198 = arith.addi %mul3A_2, %mul3A_197 : i32
      %mul3A_199 = arith.constant 64 : i32
      %mul3A_200 = arith.muli %select_n3A, %mul3A_199 : i32
      %dma_start3A_201 = tpu.memref_slice %arg4[%mul3A_200, %add3A_198] : memref<3200x16384xf32, #tpu.memory_space<hbm>> -> memref<64x128xf32, #tpu.memory_space<hbm>>
      %dma_start3A_202 = tpu.memref_slice %arg4[%mul3A_200, %add3A_198] : memref<3200x16384xf32, #tpu.memory_space<hbm>> -> memref<64x128xf32, #tpu.memory_space<hbm>>
      tpu.enqueue_dma source(%arg8 : memref<64x128xf32, #tpu.memory_space<vmem>>) target(%dma_start3A_202 : memref<64x128xf32, #tpu.memory_space<hbm>>) target_semaphore(%arg14 : memref<!tpu.dma_semaphore, #tpu.memory_space<semaphore_mem>>)
      %dma_wait3A_203 = arith.constant 0 : i32
      %dma_wait3A_204 = arith.constant 0 : i32
      %dma_wait3A_205 = tpu.memref_slice %arg2[%dma_wait3A_203, %dma_wait3A_204] : memref<1000000x128xf32, #tpu.memory_space<hbm>> -> memref<128x128xf32, #tpu.memory_space<hbm>>
      %dma_wait3A_206 = arith.constant 0 : i32
      %dma_wait3A_207 = arith.constant 0 : i32
      %dma_wait3A_208 = tpu.memref_slice %arg2[%dma_wait3A_206, %dma_wait3A_207] : memref<1000000x128xf32, #tpu.memory_space<hbm>> -> memref<128x128xf32, #tpu.memory_space<hbm>>
      tpu.wait_dma2 semaphore(%arg13 : memref<!tpu.dma_semaphore, #tpu.memory_space<semaphore_mem>>) src(%dma_wait3A_208 : memref<128x128xf32, #tpu.memory_space<hbm>>) dst(%arg7 : memref<128x128xf32, #tpu.memory_space<vmem>>)
      %add3A_209 = arith.constant 3 : i32
      %add3A_210 = arith.addi %mul3A_136, %add3A_209 : i32
      %scan3A_211 = arith.constant 0 : i32
      %scan3A_212 = arith.constant 0 : i32
      %scan3A_213 = arith.constant 8 : i32
      %scan3A_214 = arith.addi %scan3A_212, %scan3A_213 : i32
      %scan3A_215 = arith.constant 1 : i32
      scf.for %scan3A_283 = %scan3A_212 to %scan3A_214 step %scan3A_215  : i32 {
        %jit3A_284 = arith.constant 4 : i32
        %div3A_285 = arith.divsi %add3A_210, %jit3A_284 : i32
        %sign3A_286 = arith.constant 0 : i32
        %sign3A_287 = arith.cmpi sgt, %add3A_210, %sign3A_286 : i32
        %sign3A_288 = arith.extui %sign3A_287 : i1 to i32
        %sign3A_289 = arith.constant 0 : i32
        %sign3A_290 = arith.cmpi slt, %add3A_210, %sign3A_289 : i32
        %sign3A_291 = arith.extui %sign3A_290 : i1 to i32
        %sign3A_292 = arith.subi %sign3A_288, %sign3A_291 : i32
        %sign3A_293 = arith.constant 0 : i32
        %sign3A_294 = arith.cmpi sgt, %jit3A_284, %sign3A_293 : i32
        %sign3A_295 = arith.extui %sign3A_294 : i1 to i32
        %sign3A_296 = arith.constant 0 : i32
        %sign3A_297 = arith.cmpi slt, %jit3A_284, %sign3A_296 : i32
        %sign3A_298 = arith.extui %sign3A_297 : i1 to i32
        %sign3A_299 = arith.subi %sign3A_295, %sign3A_298 : i32
        %ne3A_300 = arith.cmpi ne, %sign3A_292, %sign3A_299 : i32
        %rem3A_301 = arith.remsi %add3A_210, %jit3A_284 : i32
        %ne3A_302 = arith.constant 0 : i32
        %ne3A_303 = arith.cmpi ne, %rem3A_301, %ne3A_302 : i32
        %and3A_304 = arith.andi %ne3A_300, %ne3A_303 : i1
        %sub3A_305 = arith.constant 1 : i32
        %sub3A_306 = arith.subi %div3A_285, %sub3A_305 : i32
        %select_n3A_307 = arith.select %and3A_304, %sub3A_306, %div3A_285 : i32
        %jit3A_308 = arith.constant 4 : i32
        %eq3A_309 = arith.constant 0 : i32
        %eq3A_310 = arith.cmpi eq, %jit3A_308, %eq3A_309 : i32
        %jit3A_311 = arith.constant 1 : i32
        %select_n3A_312 = arith.select %eq3A_310, %jit3A_311, %jit3A_308 : i32
        %rem3A_313 = arith.remsi %add3A_210, %select_n3A_312 : i32
        %ne3A_314 = arith.constant 0 : i32
        %ne3A_315 = arith.cmpi ne, %rem3A_313, %ne3A_314 : i32
        %lt3A_316 = arith.constant 0 : i32
        %lt3A_317 = arith.cmpi slt, %rem3A_313, %lt3A_316 : i32
        %lt3A_318 = arith.constant 0 : i32
        %lt3A_319 = arith.cmpi slt, %select_n3A_312, %lt3A_318 : i32
        %ne3A_320 = arith.xori %lt3A_317, %lt3A_319 : i1
        %and3A_321 = arith.andi %ne3A_320, %ne3A_315 : i1
        %add3A_322 = arith.addi %rem3A_313, %select_n3A_312 : i32
        %select_n3A_323 = arith.select %and3A_321, %add3A_322, %rem3A_313 : i32
        %mul3A_324 = arith.constant 128 : i32
        %mul3A_325 = arith.muli %select_n3A_323, %mul3A_324 : i32
        %mul3A_326 = arith.constant 16 : i32
        %mul3A_327 = arith.muli %scan3A_283, %mul3A_326 : i32
        %add3A_328 = arith.addi %mul3A_325, %mul3A_327 : i32
        %broadcast_in_dim3A = vector.broadcast %select_n3A_307 : i32 to vector<16xi32>
        %add3A_329 = vector.broadcast %add3A_328 : i32 to vector<16xi32>
        %add3A_330 = arith.addi %iota3A, %add3A_329 : vector<16xi32>
        %gather3A = tpu.vector_load_idx %arg5[%broadcast_in_dim3A, %add3A_330] : memref<50x512xi32, #tpu.memory_space<vmem>>[vector<16xi32>, vector<16xi32>], vector<16xi32>,
        %mul3A_331 = arith.constant 16 : i32
        %mul3A_332 = arith.muli %scan3A_283, %mul3A_331 : i32
        %swap3A = arith.index_cast %mul3A_332 : i32 to index
        %swap3A_333 = tpu.vector_load %arg11[%swap3A] {strides = array<i32>} : memref<128xi32, #tpu.memory_space<vmem>>, vector<16xi32>,
        tpu.vector_store %arg11[%swap3A], %gather3A {strides = array<i32>} : memref<128xi32, #tpu.memory_space<vmem>>, vector<16xi32>,
      }
      %scan3A_216 = arith.constant 8 : i32
      %dma_wait3A_217 = arith.constant 0 : i32
      %dma_wait3A_218 = arith.constant 0 : i32
      %dma_wait3A_219 = tpu.memref_slice %arg4[%dma_wait3A_217, %dma_wait3A_218] : memref<3200x16384xf32, #tpu.memory_space<hbm>> -> memref<64x128xf32, #tpu.memory_space<hbm>>
      %dma_wait3A_220 = arith.constant 0 : i32
      %dma_wait3A_221 = arith.constant 0 : i32
      %dma_wait3A_222 = tpu.memref_slice %arg4[%dma_wait3A_220, %dma_wait3A_221] : memref<3200x16384xf32, #tpu.memory_space<hbm>> -> memref<64x128xf32, #tpu.memory_space<hbm>>
      tpu.wait_dma2 semaphore(%arg15 : memref<!tpu.dma_semaphore, #tpu.memory_space<semaphore_mem>>) src(%arg9 : memref<64x128xf32, #tpu.memory_space<vmem>>) dst(%dma_wait3A_222 : memref<64x128xf32, #tpu.memory_space<hbm>>)
      %add3A_223 = arith.constant 1 : i32
      %add3A_224 = arith.addi %mul3A_136, %add3A_223 : i32
      %scan3A_225 = arith.constant 0 : i32
      %scan3A_226 = arith.constant 0 : i32
      %scan3A_227 = arith.constant 8 : i32
      %scan3A_228 = arith.addi %scan3A_226, %scan3A_227 : i32
      %scan3A_229 = arith.constant 1 : i32
      scf.for %scan3A_283 = %scan3A_226 to %scan3A_228 step %scan3A_229  : i32 {
        %mul3A_284 = arith.constant 16 : i32
        %mul3A_285 = arith.muli %scan3A_283, %mul3A_284 : i32
        %add3A_286 = vector.broadcast %mul3A_285 : i32 to vector<16xi32>
        %add3A_287 = arith.addi %iota3A, %add3A_286 : vector<16xi32>
        %gather3A = tpu.vector_load_idx %arg7[%add3A_287, %iota3A] : memref<128x128xf32, #tpu.memory_space<vmem>>[vector<16xi32>, vector<16xi32>], vector<16xf32>,
        %add3A_288 = arith.constant 1 : i32
        %add3A_289 = vector.broadcast %add3A_288 : i32 to vector<16xi32>
        %add3A_290 = arith.addi %iota3A, %add3A_289 : vector<16xi32>
        %and3A_291 = arith.constant 63 : i32
        %and3A_292 = vector.broadcast %and3A_291 : i32 to vector<16xi32>
        %and3A_293 = arith.andi %add3A_290, %and3A_292 : vector<16xi32>
        %gather3A_294 = tpu.vector_load_idx %arg7[%add3A_287, %and3A_293] : memref<128x128xf32, #tpu.memory_space<vmem>>[vector<16xi32>, vector<16xi32>], vector<16xf32>,
        %add3A_295 = arith.constant 1 : i32
        %add3A_296 = vector.broadcast %add3A_295 : i32 to vector<16xi32>
        %add3A_297 = arith.addi %and3A_293, %add3A_296 : vector<16xi32>
        %and3A_298 = arith.constant 63 : i32
        %and3A_299 = vector.broadcast %and3A_298 : i32 to vector<16xi32>
        %and3A_300 = arith.andi %add3A_297, %and3A_299 : vector<16xi32>
        %gather3A_301 = tpu.vector_load_idx %arg7[%add3A_287, %and3A_300] : memref<128x128xf32, #tpu.memory_space<vmem>>[vector<16xi32>, vector<16xi32>], vector<16xf32>,
        %add3A_302 = arith.constant 1 : i32
        %add3A_303 = vector.broadcast %add3A_302 : i32 to vector<16xi32>
        %add3A_304 = arith.addi %and3A_300, %add3A_303 : vector<16xi32>
        %and3A_305 = arith.constant 63 : i32
        %and3A_306 = vector.broadcast %and3A_305 : i32 to vector<16xi32>
        %and3A_307 = arith.andi %add3A_304, %and3A_306 : vector<16xi32>
        %gather3A_308 = tpu.vector_load_idx %arg7[%add3A_287, %and3A_307] : memref<128x128xf32, #tpu.memory_space<vmem>>[vector<16xi32>, vector<16xi32>], vector<16xf32>,
        %add3A_309 = arith.constant 1 : i32
        %add3A_310 = vector.broadcast %add3A_309 : i32 to vector<16xi32>
        %add3A_311 = arith.addi %and3A_307, %add3A_310 : vector<16xi32>
        %and3A_312 = arith.constant 63 : i32
        %and3A_313 = vector.broadcast %and3A_312 : i32 to vector<16xi32>
        %and3A_314 = arith.andi %add3A_311, %and3A_313 : vector<16xi32>
        %gather3A_315 = tpu.vector_load_idx %arg7[%add3A_287, %and3A_314] : memref<128x128xf32, #tpu.memory_space<vmem>>[vector<16xi32>, vector<16xi32>], vector<16xf32>,
        %add3A_316 = arith.constant 1 : i32
        %add3A_317 = vector.broadcast %add3A_316 : i32 to vector<16xi32>
        %add3A_318 = arith.addi %and3A_314, %add3A_317 : vector<16xi32>
        %and3A_319 = arith.constant 63 : i32
        %and3A_320 = vector.broadcast %and3A_319 : i32 to vector<16xi32>
        %and3A_321 = arith.andi %add3A_318, %and3A_320 : vector<16xi32>
        %gather3A_322 = tpu.vector_load_idx %arg7[%add3A_287, %and3A_321] : memref<128x128xf32, #tpu.memory_space<vmem>>[vector<16xi32>, vector<16xi32>], vector<16xf32>,
        %add3A_323 = arith.constant 1 : i32
        %add3A_324 = vector.broadcast %add3A_323 : i32 to vector<16xi32>
        %add3A_325 = arith.addi %and3A_321, %add3A_324 : vector<16xi32>
        %and3A_326 = arith.constant 63 : i32
        %and3A_327 = vector.broadcast %and3A_326 : i32 to vector<16xi32>
        %and3A_328 = arith.andi %add3A_325, %and3A_327 : vector<16xi32>
        %gather3A_329 = tpu.vector_load_idx %arg7[%add3A_287, %and3A_328] : memref<128x128xf32, #tpu.memory_space<vmem>>[vector<16xi32>, vector<16xi32>], vector<16xf32>,
        %add3A_330 = arith.constant 1 : i32
        %add3A_331 = vector.broadcast %add3A_330 : i32 to vector<16xi32>
        %add3A_332 = arith.addi %and3A_328, %add3A_331 : vector<16xi32>
        %and3A_333 = arith.constant 63 : i32
        %and3A_334 = vector.broadcast %and3A_333 : i32 to vector<16xi32>
        %and3A_335 = arith.andi %add3A_332, %and3A_334 : vector<16xi32>
        %gather3A_336 = tpu.vector_load_idx %arg7[%add3A_287, %and3A_335] : memref<128x128xf32, #tpu.memory_space<vmem>>[vector<16xi32>, vector<16xi32>], vector<16xf32>,
        %add3A_337 = arith.constant 1 : i32
        %add3A_338 = vector.broadcast %add3A_337 : i32 to vector<16xi32>
        %add3A_339 = arith.addi %and3A_335, %add3A_338 : vector<16xi32>
        %and3A_340 = arith.constant 63 : i32
        %and3A_341 = vector.broadcast %and3A_340 : i32 to vector<16xi32>
        %and3A_342 = arith.andi %add3A_339, %and3A_341 : vector<16xi32>
        %gather3A_343 = tpu.vector_load_idx %arg7[%add3A_287, %and3A_342] : memref<128x128xf32, #tpu.memory_space<vmem>>[vector<16xi32>, vector<16xi32>], vector<16xf32>,
        %add3A_344 = arith.constant 1 : i32
        %add3A_345 = vector.broadcast %add3A_344 : i32 to vector<16xi32>
        %add3A_346 = arith.addi %and3A_342, %add3A_345 : vector<16xi32>
        %and3A_347 = arith.constant 63 : i32
        %and3A_348 = vector.broadcast %and3A_347 : i32 to vector<16xi32>
        %and3A_349 = arith.andi %add3A_346, %and3A_348 : vector<16xi32>
        %gather3A_350 = tpu.vector_load_idx %arg7[%add3A_287, %and3A_349] : memref<128x128xf32, #tpu.memory_space<vmem>>[vector<16xi32>, vector<16xi32>], vector<16xf32>,
        %add3A_351 = arith.constant 1 : i32
        %add3A_352 = vector.broadcast %add3A_351 : i32 to vector<16xi32>
        %add3A_353 = arith.addi %and3A_349, %add3A_352 : vector<16xi32>
        %and3A_354 = arith.constant 63 : i32
        %and3A_355 = vector.broadcast %and3A_354 : i32 to vector<16xi32>
        %and3A_356 = arith.andi %add3A_353, %and3A_355 : vector<16xi32>
        %gather3A_357 = tpu.vector_load_idx %arg7[%add3A_287, %and3A_356] : memref<128x128xf32, #tpu.memory_space<vmem>>[vector<16xi32>, vector<16xi32>], vector<16xf32>,
        %add3A_358 = arith.constant 1 : i32
        %add3A_359 = vector.broadcast %add3A_358 : i32 to vector<16xi32>
        %add3A_360 = arith.addi %and3A_356, %add3A_359 : vector<16xi32>
        %and3A_361 = arith.constant 63 : i32
        %and3A_362 = vector.broadcast %and3A_361 : i32 to vector<16xi32>
        %and3A_363 = arith.andi %add3A_360, %and3A_362 : vector<16xi32>
        %gather3A_364 = tpu.vector_load_idx %arg7[%add3A_287, %and3A_363] : memref<128x128xf32, #tpu.memory_space<vmem>>[vector<16xi32>, vector<16xi32>], vector<16xf32>,
        %add3A_365 = arith.constant 1 : i32
        %add3A_366 = vector.broadcast %add3A_365 : i32 to vector<16xi32>
        %add3A_367 = arith.addi %and3A_363, %add3A_366 : vector<16xi32>
        %and3A_368 = arith.constant 63 : i32
        %and3A_369 = vector.broadcast %and3A_368 : i32 to vector<16xi32>
        %and3A_370 = arith.andi %add3A_367, %and3A_369 : vector<16xi32>
        %gather3A_371 = tpu.vector_load_idx %arg7[%add3A_287, %and3A_370] : memref<128x128xf32, #tpu.memory_space<vmem>>[vector<16xi32>, vector<16xi32>], vector<16xf32>,
        %add3A_372 = arith.constant 1 : i32
        %add3A_373 = vector.broadcast %add3A_372 : i32 to vector<16xi32>
        %add3A_374 = arith.addi %and3A_370, %add3A_373 : vector<16xi32>
        %and3A_375 = arith.constant 63 : i32
        %and3A_376 = vector.broadcast %and3A_375 : i32 to vector<16xi32>
        %and3A_377 = arith.andi %add3A_374, %and3A_376 : vector<16xi32>
        %gather3A_378 = tpu.vector_load_idx %arg7[%add3A_287, %and3A_377] : memref<128x128xf32, #tpu.memory_space<vmem>>[vector<16xi32>, vector<16xi32>], vector<16xf32>,
        %add3A_379 = arith.constant 1 : i32
        %add3A_380 = vector.broadcast %add3A_379 : i32 to vector<16xi32>
        %add3A_381 = arith.addi %and3A_377, %add3A_380 : vector<16xi32>
        %and3A_382 = arith.constant 63 : i32
        %and3A_383 = vector.broadcast %and3A_382 : i32 to vector<16xi32>
        %and3A_384 = arith.andi %add3A_381, %and3A_383 : vector<16xi32>
        %gather3A_385 = tpu.vector_load_idx %arg7[%add3A_287, %and3A_384] : memref<128x128xf32, #tpu.memory_space<vmem>>[vector<16xi32>, vector<16xi32>], vector<16xf32>,
        %add3A_386 = arith.constant 1 : i32
        %add3A_387 = vector.broadcast %add3A_386 : i32 to vector<16xi32>
        %add3A_388 = arith.addi %and3A_384, %add3A_387 : vector<16xi32>
        %and3A_389 = arith.constant 63 : i32
        %and3A_390 = vector.broadcast %and3A_389 : i32 to vector<16xi32>
        %and3A_391 = arith.andi %add3A_388, %and3A_390 : vector<16xi32>
        %gather3A_392 = tpu.vector_load_idx %arg7[%add3A_287, %and3A_391] : memref<128x128xf32, #tpu.memory_space<vmem>>[vector<16xi32>, vector<16xi32>], vector<16xf32>,
        %add3A_393 = arith.constant 1 : i32
        %add3A_394 = vector.broadcast %add3A_393 : i32 to vector<16xi32>
        %add3A_395 = arith.addi %and3A_391, %add3A_394 : vector<16xi32>
        %and3A_396 = arith.constant 63 : i32
        %and3A_397 = vector.broadcast %and3A_396 : i32 to vector<16xi32>
        %and3A_398 = arith.andi %add3A_395, %and3A_397 : vector<16xi32>
        %gather3A_399 = tpu.vector_load_idx %arg7[%add3A_287, %and3A_398] : memref<128x128xf32, #tpu.memory_space<vmem>>[vector<16xi32>, vector<16xi32>], vector<16xf32>,
        %add3A_400 = arith.constant 1 : i32
        %add3A_401 = vector.broadcast %add3A_400 : i32 to vector<16xi32>
        %add3A_402 = arith.addi %and3A_398, %add3A_401 : vector<16xi32>
        %and3A_403 = arith.constant 63 : i32
        %and3A_404 = vector.broadcast %and3A_403 : i32 to vector<16xi32>
        %and3A_405 = arith.andi %add3A_402, %and3A_404 : vector<16xi32>
        %gather3A_406 = tpu.vector_load_idx %arg7[%add3A_287, %and3A_405] : memref<128x128xf32, #tpu.memory_space<vmem>>[vector<16xi32>, vector<16xi32>], vector<16xf32>,
        %add3A_407 = arith.constant 1 : i32
        %add3A_408 = vector.broadcast %add3A_407 : i32 to vector<16xi32>
        %add3A_409 = arith.addi %and3A_405, %add3A_408 : vector<16xi32>
        %and3A_410 = arith.constant 63 : i32
        %and3A_411 = vector.broadcast %and3A_410 : i32 to vector<16xi32>
        %and3A_412 = arith.andi %add3A_409, %and3A_411 : vector<16xi32>
        %gather3A_413 = tpu.vector_load_idx %arg7[%add3A_287, %and3A_412] : memref<128x128xf32, #tpu.memory_space<vmem>>[vector<16xi32>, vector<16xi32>], vector<16xf32>,
        %add3A_414 = arith.constant 1 : i32
        %add3A_415 = vector.broadcast %add3A_414 : i32 to vector<16xi32>
        %add3A_416 = arith.addi %and3A_412, %add3A_415 : vector<16xi32>
        %and3A_417 = arith.constant 63 : i32
        %and3A_418 = vector.broadcast %and3A_417 : i32 to vector<16xi32>
        %and3A_419 = arith.andi %add3A_416, %and3A_418 : vector<16xi32>
        %gather3A_420 = tpu.vector_load_idx %arg7[%add3A_287, %and3A_419] : memref<128x128xf32, #tpu.memory_space<vmem>>[vector<16xi32>, vector<16xi32>], vector<16xf32>,
        %add3A_421 = arith.constant 1 : i32
        %add3A_422 = vector.broadcast %add3A_421 : i32 to vector<16xi32>
        %add3A_423 = arith.addi %and3A_419, %add3A_422 : vector<16xi32>
        %and3A_424 = arith.constant 63 : i32
        %and3A_425 = vector.broadcast %and3A_424 : i32 to vector<16xi32>
        %and3A_426 = arith.andi %add3A_423, %and3A_425 : vector<16xi32>
        %gather3A_427 = tpu.vector_load_idx %arg7[%add3A_287, %and3A_426] : memref<128x128xf32, #tpu.memory_space<vmem>>[vector<16xi32>, vector<16xi32>], vector<16xf32>,
        %add3A_428 = arith.constant 1 : i32
        %add3A_429 = vector.broadcast %add3A_428 : i32 to vector<16xi32>
        %add3A_430 = arith.addi %and3A_426, %add3A_429 : vector<16xi32>
        %and3A_431 = arith.constant 63 : i32
        %and3A_432 = vector.broadcast %and3A_431 : i32 to vector<16xi32>
        %and3A_433 = arith.andi %add3A_430, %and3A_432 : vector<16xi32>
        %gather3A_434 = tpu.vector_load_idx %arg7[%add3A_287, %and3A_433] : memref<128x128xf32, #tpu.memory_space<vmem>>[vector<16xi32>, vector<16xi32>], vector<16xf32>,
        %add3A_435 = arith.constant 1 : i32
        %add3A_436 = vector.broadcast %add3A_435 : i32 to vector<16xi32>
        %add3A_437 = arith.addi %and3A_433, %add3A_436 : vector<16xi32>
        %and3A_438 = arith.constant 63 : i32
        %and3A_439 = vector.broadcast %and3A_438 : i32 to vector<16xi32>
        %and3A_440 = arith.andi %add3A_437, %and3A_439 : vector<16xi32>
        %gather3A_441 = tpu.vector_load_idx %arg7[%add3A_287, %and3A_440] : memref<128x128xf32, #tpu.memory_space<vmem>>[vector<16xi32>, vector<16xi32>], vector<16xf32>,
        %add3A_442 = arith.constant 1 : i32
        %add3A_443 = vector.broadcast %add3A_442 : i32 to vector<16xi32>
        %add3A_444 = arith.addi %and3A_440, %add3A_443 : vector<16xi32>
        %and3A_445 = arith.constant 63 : i32
        %and3A_446 = vector.broadcast %and3A_445 : i32 to vector<16xi32>
        %and3A_447 = arith.andi %add3A_444, %and3A_446 : vector<16xi32>
        %gather3A_448 = tpu.vector_load_idx %arg7[%add3A_287, %and3A_447] : memref<128x128xf32, #tpu.memory_space<vmem>>[vector<16xi32>, vector<16xi32>], vector<16xf32>,
        %add3A_449 = arith.constant 1 : i32
        %add3A_450 = vector.broadcast %add3A_449 : i32 to vector<16xi32>
        %add3A_451 = arith.addi %and3A_447, %add3A_450 : vector<16xi32>
        %and3A_452 = arith.constant 63 : i32
        %and3A_453 = vector.broadcast %and3A_452 : i32 to vector<16xi32>
        %and3A_454 = arith.andi %add3A_451, %and3A_453 : vector<16xi32>
        %gather3A_455 = tpu.vector_load_idx %arg7[%add3A_287, %and3A_454] : memref<128x128xf32, #tpu.memory_space<vmem>>[vector<16xi32>, vector<16xi32>], vector<16xf32>,
        %add3A_456 = arith.constant 1 : i32
        %add3A_457 = vector.broadcast %add3A_456 : i32 to vector<16xi32>
        %add3A_458 = arith.addi %and3A_454, %add3A_457 : vector<16xi32>
        %and3A_459 = arith.constant 63 : i32
        %and3A_460 = vector.broadcast %and3A_459 : i32 to vector<16xi32>
        %and3A_461 = arith.andi %add3A_458, %and3A_460 : vector<16xi32>
        %gather3A_462 = tpu.vector_load_idx %arg7[%add3A_287, %and3A_461] : memref<128x128xf32, #tpu.memory_space<vmem>>[vector<16xi32>, vector<16xi32>], vector<16xf32>,
        %add3A_463 = arith.constant 1 : i32
        %add3A_464 = vector.broadcast %add3A_463 : i32 to vector<16xi32>
        %add3A_465 = arith.addi %and3A_461, %add3A_464 : vector<16xi32>
        %and3A_466 = arith.constant 63 : i32
        %and3A_467 = vector.broadcast %and3A_466 : i32 to vector<16xi32>
        %and3A_468 = arith.andi %add3A_465, %and3A_467 : vector<16xi32>
        %gather3A_469 = tpu.vector_load_idx %arg7[%add3A_287, %and3A_468] : memref<128x128xf32, #tpu.memory_space<vmem>>[vector<16xi32>, vector<16xi32>], vector<16xf32>,
        %add3A_470 = arith.constant 1 : i32
        %add3A_471 = vector.broadcast %add3A_470 : i32 to vector<16xi32>
        %add3A_472 = arith.addi %and3A_468, %add3A_471 : vector<16xi32>
        %and3A_473 = arith.constant 63 : i32
        %and3A_474 = vector.broadcast %and3A_473 : i32 to vector<16xi32>
        %and3A_475 = arith.andi %add3A_472, %and3A_474 : vector<16xi32>
        %gather3A_476 = tpu.vector_load_idx %arg7[%add3A_287, %and3A_475] : memref<128x128xf32, #tpu.memory_space<vmem>>[vector<16xi32>, vector<16xi32>], vector<16xf32>,
        %add3A_477 = arith.constant 1 : i32
        %add3A_478 = vector.broadcast %add3A_477 : i32 to vector<16xi32>
        %add3A_479 = arith.addi %and3A_475, %add3A_478 : vector<16xi32>
        %and3A_480 = arith.constant 63 : i32
        %and3A_481 = vector.broadcast %and3A_480 : i32 to vector<16xi32>
        %and3A_482 = arith.andi %add3A_479, %and3A_481 : vector<16xi32>
        %gather3A_483 = tpu.vector_load_idx %arg7[%add3A_287, %and3A_482] : memref<128x128xf32, #tpu.memory_space<vmem>>[vector<16xi32>, vector<16xi32>], vector<16xf32>,
        %add3A_484 = arith.constant 1 : i32
        %add3A_485 = vector.broadcast %add3A_484 : i32 to vector<16xi32>
        %add3A_486 = arith.addi %and3A_482, %add3A_485 : vector<16xi32>
        %and3A_487 = arith.constant 63 : i32
        %and3A_488 = vector.broadcast %and3A_487 : i32 to vector<16xi32>
        %and3A_489 = arith.andi %add3A_486, %and3A_488 : vector<16xi32>
        %gather3A_490 = tpu.vector_load_idx %arg7[%add3A_287, %and3A_489] : memref<128x128xf32, #tpu.memory_space<vmem>>[vector<16xi32>, vector<16xi32>], vector<16xf32>,
        %add3A_491 = arith.constant 1 : i32
        %add3A_492 = vector.broadcast %add3A_491 : i32 to vector<16xi32>
        %add3A_493 = arith.addi %and3A_489, %add3A_492 : vector<16xi32>
        %and3A_494 = arith.constant 63 : i32
        %and3A_495 = vector.broadcast %and3A_494 : i32 to vector<16xi32>
        %and3A_496 = arith.andi %add3A_493, %and3A_495 : vector<16xi32>
        %gather3A_497 = tpu.vector_load_idx %arg7[%add3A_287, %and3A_496] : memref<128x128xf32, #tpu.memory_space<vmem>>[vector<16xi32>, vector<16xi32>], vector<16xf32>,
        %add3A_498 = arith.constant 1 : i32
        %add3A_499 = vector.broadcast %add3A_498 : i32 to vector<16xi32>
        %add3A_500 = arith.addi %and3A_496, %add3A_499 : vector<16xi32>
        %and3A_501 = arith.constant 63 : i32
        %and3A_502 = vector.broadcast %and3A_501 : i32 to vector<16xi32>
        %and3A_503 = arith.andi %add3A_500, %and3A_502 : vector<16xi32>
        %gather3A_504 = tpu.vector_load_idx %arg7[%add3A_287, %and3A_503] : memref<128x128xf32, #tpu.memory_space<vmem>>[vector<16xi32>, vector<16xi32>], vector<16xf32>,
        %add3A_505 = arith.constant 1 : i32
        %add3A_506 = vector.broadcast %add3A_505 : i32 to vector<16xi32>
        %add3A_507 = arith.addi %and3A_503, %add3A_506 : vector<16xi32>
        %and3A_508 = arith.constant 63 : i32
        %and3A_509 = vector.broadcast %and3A_508 : i32 to vector<16xi32>
        %and3A_510 = arith.andi %add3A_507, %and3A_509 : vector<16xi32>
        tpu.vector_store_idx %arg9[%iota3A, %add3A_287], %gather3A : memref<64x128xf32, #tpu.memory_space<vmem>>[vector<16xi32>, vector<16xi32>], vector<16xf32>,
        tpu.vector_store_idx %arg9[%and3A_293, %add3A_287], %gather3A_294 : memref<64x128xf32, #tpu.memory_space<vmem>>[vector<16xi32>, vector<16xi32>], vector<16xf32>,
        tpu.vector_store_idx %arg9[%and3A_300, %add3A_287], %gather3A_301 : memref<64x128xf32, #tpu.memory_space<vmem>>[vector<16xi32>, vector<16xi32>], vector<16xf32>,
        tpu.vector_store_idx %arg9[%and3A_307, %add3A_287], %gather3A_308 : memref<64x128xf32, #tpu.memory_space<vmem>>[vector<16xi32>, vector<16xi32>], vector<16xf32>,
        tpu.vector_store_idx %arg9[%and3A_314, %add3A_287], %gather3A_315 : memref<64x128xf32, #tpu.memory_space<vmem>>[vector<16xi32>, vector<16xi32>], vector<16xf32>,
        tpu.vector_store_idx %arg9[%and3A_321, %add3A_287], %gather3A_322 : memref<64x128xf32, #tpu.memory_space<vmem>>[vector<16xi32>, vector<16xi32>], vector<16xf32>,
        tpu.vector_store_idx %arg9[%and3A_328, %add3A_287], %gather3A_329 : memref<64x128xf32, #tpu.memory_space<vmem>>[vector<16xi32>, vector<16xi32>], vector<16xf32>,
        tpu.vector_store_idx %arg9[%and3A_335, %add3A_287], %gather3A_336 : memref<64x128xf32, #tpu.memory_space<vmem>>[vector<16xi32>, vector<16xi32>], vector<16xf32>,
        tpu.vector_store_idx %arg9[%and3A_342, %add3A_287], %gather3A_343 : memref<64x128xf32, #tpu.memory_space<vmem>>[vector<16xi32>, vector<16xi32>], vector<16xf32>,
        tpu.vector_store_idx %arg9[%and3A_349, %add3A_287], %gather3A_350 : memref<64x128xf32, #tpu.memory_space<vmem>>[vector<16xi32>, vector<16xi32>], vector<16xf32>,
        tpu.vector_store_idx %arg9[%and3A_356, %add3A_287], %gather3A_357 : memref<64x128xf32, #tpu.memory_space<vmem>>[vector<16xi32>, vector<16xi32>], vector<16xf32>,
        tpu.vector_store_idx %arg9[%and3A_363, %add3A_287], %gather3A_364 : memref<64x128xf32, #tpu.memory_space<vmem>>[vector<16xi32>, vector<16xi32>], vector<16xf32>,
        tpu.vector_store_idx %arg9[%and3A_370, %add3A_287], %gather3A_371 : memref<64x128xf32, #tpu.memory_space<vmem>>[vector<16xi32>, vector<16xi32>], vector<16xf32>,
        tpu.vector_store_idx %arg9[%and3A_377, %add3A_287], %gather3A_378 : memref<64x128xf32, #tpu.memory_space<vmem>>[vector<16xi32>, vector<16xi32>], vector<16xf32>,
        tpu.vector_store_idx %arg9[%and3A_384, %add3A_287], %gather3A_385 : memref<64x128xf32, #tpu.memory_space<vmem>>[vector<16xi32>, vector<16xi32>], vector<16xf32>,
        tpu.vector_store_idx %arg9[%and3A_391, %add3A_287], %gather3A_392 : memref<64x128xf32, #tpu.memory_space<vmem>>[vector<16xi32>, vector<16xi32>], vector<16xf32>,
        %gather3A_511 = tpu.vector_load_idx %arg7[%add3A_287, %and3A_510] : memref<128x128xf32, #tpu.memory_space<vmem>>[vector<16xi32>, vector<16xi32>], vector<16xf32>,
        %add3A_512 = arith.constant 1 : i32
        %add3A_513 = vector.broadcast %add3A_512 : i32 to vector<16xi32>
        %add3A_514 = arith.addi %and3A_510, %add3A_513 : vector<16xi32>
        %and3A_515 = arith.constant 63 : i32
        %and3A_516 = vector.broadcast %and3A_515 : i32 to vector<16xi32>
        %and3A_517 = arith.andi %add3A_514, %and3A_516 : vector<16xi32>
        %gather3A_518 = tpu.vector_load_idx %arg7[%add3A_287, %and3A_517] : memref<128x128xf32, #tpu.memory_space<vmem>>[vector<16xi32>, vector<16xi32>], vector<16xf32>,
        %add3A_519 = arith.constant 1 : i32
        %add3A_520 = vector.broadcast %add3A_519 : i32 to vector<16xi32>
        %add3A_521 = arith.addi %and3A_517, %add3A_520 : vector<16xi32>
        %and3A_522 = arith.constant 63 : i32
        %and3A_523 = vector.broadcast %and3A_522 : i32 to vector<16xi32>
        %and3A_524 = arith.andi %add3A_521, %and3A_523 : vector<16xi32>
        %gather3A_525 = tpu.vector_load_idx %arg7[%add3A_287, %and3A_524] : memref<128x128xf32, #tpu.memory_space<vmem>>[vector<16xi32>, vector<16xi32>], vector<16xf32>,
        %add3A_526 = arith.constant 1 : i32
        %add3A_527 = vector.broadcast %add3A_526 : i32 to vector<16xi32>
        %add3A_528 = arith.addi %and3A_524, %add3A_527 : vector<16xi32>
        %and3A_529 = arith.constant 63 : i32
        %and3A_530 = vector.broadcast %and3A_529 : i32 to vector<16xi32>
        %and3A_531 = arith.andi %add3A_528, %and3A_530 : vector<16xi32>
        %gather3A_532 = tpu.vector_load_idx %arg7[%add3A_287, %and3A_531] : memref<128x128xf32, #tpu.memory_space<vmem>>[vector<16xi32>, vector<16xi32>], vector<16xf32>,
        %add3A_533 = arith.constant 1 : i32
        %add3A_534 = vector.broadcast %add3A_533 : i32 to vector<16xi32>
        %add3A_535 = arith.addi %and3A_531, %add3A_534 : vector<16xi32>
        %and3A_536 = arith.constant 63 : i32
        %and3A_537 = vector.broadcast %and3A_536 : i32 to vector<16xi32>
        %and3A_538 = arith.andi %add3A_535, %and3A_537 : vector<16xi32>
        %gather3A_539 = tpu.vector_load_idx %arg7[%add3A_287, %and3A_538] : memref<128x128xf32, #tpu.memory_space<vmem>>[vector<16xi32>, vector<16xi32>], vector<16xf32>,
        %add3A_540 = arith.constant 1 : i32
        %add3A_541 = vector.broadcast %add3A_540 : i32 to vector<16xi32>
        %add3A_542 = arith.addi %and3A_538, %add3A_541 : vector<16xi32>
        %and3A_543 = arith.constant 63 : i32
        %and3A_544 = vector.broadcast %and3A_543 : i32 to vector<16xi32>
        %and3A_545 = arith.andi %add3A_542, %and3A_544 : vector<16xi32>
        %gather3A_546 = tpu.vector_load_idx %arg7[%add3A_287, %and3A_545] : memref<128x128xf32, #tpu.memory_space<vmem>>[vector<16xi32>, vector<16xi32>], vector<16xf32>,
        %add3A_547 = arith.constant 1 : i32
        %add3A_548 = vector.broadcast %add3A_547 : i32 to vector<16xi32>
        %add3A_549 = arith.addi %and3A_545, %add3A_548 : vector<16xi32>
        %and3A_550 = arith.constant 63 : i32
        %and3A_551 = vector.broadcast %and3A_550 : i32 to vector<16xi32>
        %and3A_552 = arith.andi %add3A_549, %and3A_551 : vector<16xi32>
        %gather3A_553 = tpu.vector_load_idx %arg7[%add3A_287, %and3A_552] : memref<128x128xf32, #tpu.memory_space<vmem>>[vector<16xi32>, vector<16xi32>], vector<16xf32>,
        %add3A_554 = arith.constant 1 : i32
        %add3A_555 = vector.broadcast %add3A_554 : i32 to vector<16xi32>
        %add3A_556 = arith.addi %and3A_552, %add3A_555 : vector<16xi32>
        %and3A_557 = arith.constant 63 : i32
        %and3A_558 = vector.broadcast %and3A_557 : i32 to vector<16xi32>
        %and3A_559 = arith.andi %add3A_556, %and3A_558 : vector<16xi32>
        %gather3A_560 = tpu.vector_load_idx %arg7[%add3A_287, %and3A_559] : memref<128x128xf32, #tpu.memory_space<vmem>>[vector<16xi32>, vector<16xi32>], vector<16xf32>,
        %add3A_561 = arith.constant 1 : i32
        %add3A_562 = vector.broadcast %add3A_561 : i32 to vector<16xi32>
        %add3A_563 = arith.addi %and3A_559, %add3A_562 : vector<16xi32>
        %and3A_564 = arith.constant 63 : i32
        %and3A_565 = vector.broadcast %and3A_564 : i32 to vector<16xi32>
        %and3A_566 = arith.andi %add3A_563, %and3A_565 : vector<16xi32>
        %gather3A_567 = tpu.vector_load_idx %arg7[%add3A_287, %and3A_566] : memref<128x128xf32, #tpu.memory_space<vmem>>[vector<16xi32>, vector<16xi32>], vector<16xf32>,
        %add3A_568 = arith.constant 1 : i32
        %add3A_569 = vector.broadcast %add3A_568 : i32 to vector<16xi32>
        %add3A_570 = arith.addi %and3A_566, %add3A_569 : vector<16xi32>
        %and3A_571 = arith.constant 63 : i32
        %and3A_572 = vector.broadcast %and3A_571 : i32 to vector<16xi32>
        %and3A_573 = arith.andi %add3A_570, %and3A_572 : vector<16xi32>
        %gather3A_574 = tpu.vector_load_idx %arg7[%add3A_287, %and3A_573] : memref<128x128xf32, #tpu.memory_space<vmem>>[vector<16xi32>, vector<16xi32>], vector<16xf32>,
        %add3A_575 = arith.constant 1 : i32
        %add3A_576 = vector.broadcast %add3A_575 : i32 to vector<16xi32>
        %add3A_577 = arith.addi %and3A_573, %add3A_576 : vector<16xi32>
        %and3A_578 = arith.constant 63 : i32
        %and3A_579 = vector.broadcast %and3A_578 : i32 to vector<16xi32>
        %and3A_580 = arith.andi %add3A_577, %and3A_579 : vector<16xi32>
        %gather3A_581 = tpu.vector_load_idx %arg7[%add3A_287, %and3A_580] : memref<128x128xf32, #tpu.memory_space<vmem>>[vector<16xi32>, vector<16xi32>], vector<16xf32>,
        %add3A_582 = arith.constant 1 : i32
        %add3A_583 = vector.broadcast %add3A_582 : i32 to vector<16xi32>
        %add3A_584 = arith.addi %and3A_580, %add3A_583 : vector<16xi32>
        %and3A_585 = arith.constant 63 : i32
        %and3A_586 = vector.broadcast %and3A_585 : i32 to vector<16xi32>
        %and3A_587 = arith.andi %add3A_584, %and3A_586 : vector<16xi32>
        %gather3A_588 = tpu.vector_load_idx %arg7[%add3A_287, %and3A_587] : memref<128x128xf32, #tpu.memory_space<vmem>>[vector<16xi32>, vector<16xi32>], vector<16xf32>,
        %add3A_589 = arith.constant 1 : i32
        %add3A_590 = vector.broadcast %add3A_589 : i32 to vector<16xi32>
        %add3A_591 = arith.addi %and3A_587, %add3A_590 : vector<16xi32>
        %and3A_592 = arith.constant 63 : i32
        %and3A_593 = vector.broadcast %and3A_592 : i32 to vector<16xi32>
        %and3A_594 = arith.andi %add3A_591, %and3A_593 : vector<16xi32>
        %gather3A_595 = tpu.vector_load_idx %arg7[%add3A_287, %and3A_594] : memref<128x128xf32, #tpu.memory_space<vmem>>[vector<16xi32>, vector<16xi32>], vector<16xf32>,
        %add3A_596 = arith.constant 1 : i32
        %add3A_597 = vector.broadcast %add3A_596 : i32 to vector<16xi32>
        %add3A_598 = arith.addi %and3A_594, %add3A_597 : vector<16xi32>
        %and3A_599 = arith.constant 63 : i32
        %and3A_600 = vector.broadcast %and3A_599 : i32 to vector<16xi32>
        %and3A_601 = arith.andi %add3A_598, %and3A_600 : vector<16xi32>
        %gather3A_602 = tpu.vector_load_idx %arg7[%add3A_287, %and3A_601] : memref<128x128xf32, #tpu.memory_space<vmem>>[vector<16xi32>, vector<16xi32>], vector<16xf32>,
        %add3A_603 = arith.constant 1 : i32
        %add3A_604 = vector.broadcast %add3A_603 : i32 to vector<16xi32>
        %add3A_605 = arith.addi %and3A_601, %add3A_604 : vector<16xi32>
        %and3A_606 = arith.constant 63 : i32
        %and3A_607 = vector.broadcast %and3A_606 : i32 to vector<16xi32>
        %and3A_608 = arith.andi %add3A_605, %and3A_607 : vector<16xi32>
        %gather3A_609 = tpu.vector_load_idx %arg7[%add3A_287, %and3A_608] : memref<128x128xf32, #tpu.memory_space<vmem>>[vector<16xi32>, vector<16xi32>], vector<16xf32>,
        %add3A_610 = arith.constant 1 : i32
        %add3A_611 = vector.broadcast %add3A_610 : i32 to vector<16xi32>
        %add3A_612 = arith.addi %and3A_608, %add3A_611 : vector<16xi32>
        %and3A_613 = arith.constant 63 : i32
        %and3A_614 = vector.broadcast %and3A_613 : i32 to vector<16xi32>
        %and3A_615 = arith.andi %add3A_612, %and3A_614 : vector<16xi32>
        %gather3A_616 = tpu.vector_load_idx %arg7[%add3A_287, %and3A_615] : memref<128x128xf32, #tpu.memory_space<vmem>>[vector<16xi32>, vector<16xi32>], vector<16xf32>,
        %add3A_617 = arith.constant 1 : i32
        %add3A_618 = vector.broadcast %add3A_617 : i32 to vector<16xi32>
        %add3A_619 = arith.addi %and3A_615, %add3A_618 : vector<16xi32>
        %and3A_620 = arith.constant 63 : i32
        %and3A_621 = vector.broadcast %and3A_620 : i32 to vector<16xi32>
        %and3A_622 = arith.andi %add3A_619, %and3A_621 : vector<16xi32>
        tpu.vector_store_idx %arg9[%and3A_398, %add3A_287], %gather3A_399 : memref<64x128xf32, #tpu.memory_space<vmem>>[vector<16xi32>, vector<16xi32>], vector<16xf32>,
        tpu.vector_store_idx %arg9[%and3A_405, %add3A_287], %gather3A_406 : memref<64x128xf32, #tpu.memory_space<vmem>>[vector<16xi32>, vector<16xi32>], vector<16xf32>,
        tpu.vector_store_idx %arg9[%and3A_412, %add3A_287], %gather3A_413 : memref<64x128xf32, #tpu.memory_space<vmem>>[vector<16xi32>, vector<16xi32>], vector<16xf32>,
        tpu.vector_store_idx %arg9[%and3A_419, %add3A_287], %gather3A_420 : memref<64x128xf32, #tpu.memory_space<vmem>>[vector<16xi32>, vector<16xi32>], vector<16xf32>,
        tpu.vector_store_idx %arg9[%and3A_426, %add3A_287], %gather3A_427 : memref<64x128xf32, #tpu.memory_space<vmem>>[vector<16xi32>, vector<16xi32>], vector<16xf32>,
        tpu.vector_store_idx %arg9[%and3A_433, %add3A_287], %gather3A_434 : memref<64x128xf32, #tpu.memory_space<vmem>>[vector<16xi32>, vector<16xi32>], vector<16xf32>,
        tpu.vector_store_idx %arg9[%and3A_440, %add3A_287], %gather3A_441 : memref<64x128xf32, #tpu.memory_space<vmem>>[vector<16xi32>, vector<16xi32>], vector<16xf32>,
        tpu.vector_store_idx %arg9[%and3A_447, %add3A_287], %gather3A_448 : memref<64x128xf32, #tpu.memory_space<vmem>>[vector<16xi32>, vector<16xi32>], vector<16xf32>,
        tpu.vector_store_idx %arg9[%and3A_454, %add3A_287], %gather3A_455 : memref<64x128xf32, #tpu.memory_space<vmem>>[vector<16xi32>, vector<16xi32>], vector<16xf32>,
        tpu.vector_store_idx %arg9[%and3A_461, %add3A_287], %gather3A_462 : memref<64x128xf32, #tpu.memory_space<vmem>>[vector<16xi32>, vector<16xi32>], vector<16xf32>,
        tpu.vector_store_idx %arg9[%and3A_468, %add3A_287], %gather3A_469 : memref<64x128xf32, #tpu.memory_space<vmem>>[vector<16xi32>, vector<16xi32>], vector<16xf32>,
        tpu.vector_store_idx %arg9[%and3A_475, %add3A_287], %gather3A_476 : memref<64x128xf32, #tpu.memory_space<vmem>>[vector<16xi32>, vector<16xi32>], vector<16xf32>,
        tpu.vector_store_idx %arg9[%and3A_482, %add3A_287], %gather3A_483 : memref<64x128xf32, #tpu.memory_space<vmem>>[vector<16xi32>, vector<16xi32>], vector<16xf32>,
        tpu.vector_store_idx %arg9[%and3A_489, %add3A_287], %gather3A_490 : memref<64x128xf32, #tpu.memory_space<vmem>>[vector<16xi32>, vector<16xi32>], vector<16xf32>,
        tpu.vector_store_idx %arg9[%and3A_496, %add3A_287], %gather3A_497 : memref<64x128xf32, #tpu.memory_space<vmem>>[vector<16xi32>, vector<16xi32>], vector<16xf32>,
        tpu.vector_store_idx %arg9[%and3A_503, %add3A_287], %gather3A_504 : memref<64x128xf32, #tpu.memory_space<vmem>>[vector<16xi32>, vector<16xi32>], vector<16xf32>,
        %gather3A_623 = tpu.vector_load_idx %arg7[%add3A_287, %and3A_622] : memref<128x128xf32, #tpu.memory_space<vmem>>[vector<16xi32>, vector<16xi32>], vector<16xf32>,
        %add3A_624 = arith.constant 1 : i32
        %add3A_625 = vector.broadcast %add3A_624 : i32 to vector<16xi32>
        %add3A_626 = arith.addi %and3A_622, %add3A_625 : vector<16xi32>
        %and3A_627 = arith.constant 63 : i32
        %and3A_628 = vector.broadcast %and3A_627 : i32 to vector<16xi32>
        %and3A_629 = arith.andi %add3A_626, %and3A_628 : vector<16xi32>
        %gather3A_630 = tpu.vector_load_idx %arg7[%add3A_287, %and3A_629] : memref<128x128xf32, #tpu.memory_space<vmem>>[vector<16xi32>, vector<16xi32>], vector<16xf32>,
        %add3A_631 = arith.constant 1 : i32
        %add3A_632 = vector.broadcast %add3A_631 : i32 to vector<16xi32>
        %add3A_633 = arith.addi %and3A_629, %add3A_632 : vector<16xi32>
        %and3A_634 = arith.constant 63 : i32
        %and3A_635 = vector.broadcast %and3A_634 : i32 to vector<16xi32>
        %and3A_636 = arith.andi %add3A_633, %and3A_635 : vector<16xi32>
        %gather3A_637 = tpu.vector_load_idx %arg7[%add3A_287, %and3A_636] : memref<128x128xf32, #tpu.memory_space<vmem>>[vector<16xi32>, vector<16xi32>], vector<16xf32>,
        %add3A_638 = arith.constant 1 : i32
        %add3A_639 = vector.broadcast %add3A_638 : i32 to vector<16xi32>
        %add3A_640 = arith.addi %and3A_636, %add3A_639 : vector<16xi32>
        %and3A_641 = arith.constant 63 : i32
        %and3A_642 = vector.broadcast %and3A_641 : i32 to vector<16xi32>
        %and3A_643 = arith.andi %add3A_640, %and3A_642 : vector<16xi32>
        %gather3A_644 = tpu.vector_load_idx %arg7[%add3A_287, %and3A_643] : memref<128x128xf32, #tpu.memory_space<vmem>>[vector<16xi32>, vector<16xi32>], vector<16xf32>,
        %add3A_645 = arith.constant 1 : i32
        %add3A_646 = vector.broadcast %add3A_645 : i32 to vector<16xi32>
        %add3A_647 = arith.addi %and3A_643, %add3A_646 : vector<16xi32>
        %and3A_648 = arith.constant 63 : i32
        %and3A_649 = vector.broadcast %and3A_648 : i32 to vector<16xi32>
        %and3A_650 = arith.andi %add3A_647, %and3A_649 : vector<16xi32>
        %gather3A_651 = tpu.vector_load_idx %arg7[%add3A_287, %and3A_650] : memref<128x128xf32, #tpu.memory_space<vmem>>[vector<16xi32>, vector<16xi32>], vector<16xf32>,
        %add3A_652 = arith.constant 1 : i32
        %add3A_653 = vector.broadcast %add3A_652 : i32 to vector<16xi32>
        %add3A_654 = arith.addi %and3A_650, %add3A_653 : vector<16xi32>
        %and3A_655 = arith.constant 63 : i32
        %and3A_656 = vector.broadcast %and3A_655 : i32 to vector<16xi32>
        %and3A_657 = arith.andi %add3A_654, %and3A_656 : vector<16xi32>
        %gather3A_658 = tpu.vector_load_idx %arg7[%add3A_287, %and3A_657] : memref<128x128xf32, #tpu.memory_space<vmem>>[vector<16xi32>, vector<16xi32>], vector<16xf32>,
        %add3A_659 = arith.constant 1 : i32
        %add3A_660 = vector.broadcast %add3A_659 : i32 to vector<16xi32>
        %add3A_661 = arith.addi %and3A_657, %add3A_660 : vector<16xi32>
        %and3A_662 = arith.constant 63 : i32
        %and3A_663 = vector.broadcast %and3A_662 : i32 to vector<16xi32>
        %and3A_664 = arith.andi %add3A_661, %and3A_663 : vector<16xi32>
        %gather3A_665 = tpu.vector_load_idx %arg7[%add3A_287, %and3A_664] : memref<128x128xf32, #tpu.memory_space<vmem>>[vector<16xi32>, vector<16xi32>], vector<16xf32>,
        %add3A_666 = arith.constant 1 : i32
        %add3A_667 = vector.broadcast %add3A_666 : i32 to vector<16xi32>
        %add3A_668 = arith.addi %and3A_664, %add3A_667 : vector<16xi32>
        %and3A_669 = arith.constant 63 : i32
        %and3A_670 = vector.broadcast %and3A_669 : i32 to vector<16xi32>
        %and3A_671 = arith.andi %add3A_668, %and3A_670 : vector<16xi32>
        %gather3A_672 = tpu.vector_load_idx %arg7[%add3A_287, %and3A_671] : memref<128x128xf32, #tpu.memory_space<vmem>>[vector<16xi32>, vector<16xi32>], vector<16xf32>,
        %add3A_673 = arith.constant 1 : i32
        %add3A_674 = vector.broadcast %add3A_673 : i32 to vector<16xi32>
        %add3A_675 = arith.addi %and3A_671, %add3A_674 : vector<16xi32>
        %and3A_676 = arith.constant 63 : i32
        %and3A_677 = vector.broadcast %and3A_676 : i32 to vector<16xi32>
        %and3A_678 = arith.andi %add3A_675, %and3A_677 : vector<16xi32>
        %gather3A_679 = tpu.vector_load_idx %arg7[%add3A_287, %and3A_678] : memref<128x128xf32, #tpu.memory_space<vmem>>[vector<16xi32>, vector<16xi32>], vector<16xf32>,
        %add3A_680 = arith.constant 1 : i32
        %add3A_681 = vector.broadcast %add3A_680 : i32 to vector<16xi32>
        %add3A_682 = arith.addi %and3A_678, %add3A_681 : vector<16xi32>
        %and3A_683 = arith.constant 63 : i32
        %and3A_684 = vector.broadcast %and3A_683 : i32 to vector<16xi32>
        %and3A_685 = arith.andi %add3A_682, %and3A_684 : vector<16xi32>
        %gather3A_686 = tpu.vector_load_idx %arg7[%add3A_287, %and3A_685] : memref<128x128xf32, #tpu.memory_space<vmem>>[vector<16xi32>, vector<16xi32>], vector<16xf32>,
        %add3A_687 = arith.constant 1 : i32
        %add3A_688 = vector.broadcast %add3A_687 : i32 to vector<16xi32>
        %add3A_689 = arith.addi %and3A_685, %add3A_688 : vector<16xi32>
        %and3A_690 = arith.constant 63 : i32
        %and3A_691 = vector.broadcast %and3A_690 : i32 to vector<16xi32>
        %and3A_692 = arith.andi %add3A_689, %and3A_691 : vector<16xi32>
        %gather3A_693 = tpu.vector_load_idx %arg7[%add3A_287, %and3A_692] : memref<128x128xf32, #tpu.memory_space<vmem>>[vector<16xi32>, vector<16xi32>], vector<16xf32>,
        %add3A_694 = arith.constant 1 : i32
        %add3A_695 = vector.broadcast %add3A_694 : i32 to vector<16xi32>
        %add3A_696 = arith.addi %and3A_692, %add3A_695 : vector<16xi32>
        %and3A_697 = arith.constant 63 : i32
        %and3A_698 = vector.broadcast %and3A_697 : i32 to vector<16xi32>
        %and3A_699 = arith.andi %add3A_696, %and3A_698 : vector<16xi32>
        %gather3A_700 = tpu.vector_load_idx %arg7[%add3A_287, %and3A_699] : memref<128x128xf32, #tpu.memory_space<vmem>>[vector<16xi32>, vector<16xi32>], vector<16xf32>,
        %add3A_701 = arith.constant 1 : i32
        %add3A_702 = vector.broadcast %add3A_701 : i32 to vector<16xi32>
        %add3A_703 = arith.addi %and3A_699, %add3A_702 : vector<16xi32>
        %and3A_704 = arith.constant 63 : i32
        %and3A_705 = vector.broadcast %and3A_704 : i32 to vector<16xi32>
        %and3A_706 = arith.andi %add3A_703, %and3A_705 : vector<16xi32>
        %gather3A_707 = tpu.vector_load_idx %arg7[%add3A_287, %and3A_706] : memref<128x128xf32, #tpu.memory_space<vmem>>[vector<16xi32>, vector<16xi32>], vector<16xf32>,
        %add3A_708 = arith.constant 1 : i32
        %add3A_709 = vector.broadcast %add3A_708 : i32 to vector<16xi32>
        %add3A_710 = arith.addi %and3A_706, %add3A_709 : vector<16xi32>
        %and3A_711 = arith.constant 63 : i32
        %and3A_712 = vector.broadcast %and3A_711 : i32 to vector<16xi32>
        %and3A_713 = arith.andi %add3A_710, %and3A_712 : vector<16xi32>
        %gather3A_714 = tpu.vector_load_idx %arg7[%add3A_287, %and3A_713] : memref<128x128xf32, #tpu.memory_space<vmem>>[vector<16xi32>, vector<16xi32>], vector<16xf32>,
        %add3A_715 = arith.constant 1 : i32
        %add3A_716 = vector.broadcast %add3A_715 : i32 to vector<16xi32>
        %add3A_717 = arith.addi %and3A_713, %add3A_716 : vector<16xi32>
        %and3A_718 = arith.constant 63 : i32
        %and3A_719 = vector.broadcast %and3A_718 : i32 to vector<16xi32>
        %and3A_720 = arith.andi %add3A_717, %and3A_719 : vector<16xi32>
        %gather3A_721 = tpu.vector_load_idx %arg7[%add3A_287, %and3A_720] : memref<128x128xf32, #tpu.memory_space<vmem>>[vector<16xi32>, vector<16xi32>], vector<16xf32>,
        %add3A_722 = arith.constant 1 : i32
        %add3A_723 = vector.broadcast %add3A_722 : i32 to vector<16xi32>
        %add3A_724 = arith.addi %and3A_720, %add3A_723 : vector<16xi32>
        %and3A_725 = arith.constant 63 : i32
        %and3A_726 = vector.broadcast %and3A_725 : i32 to vector<16xi32>
        %and3A_727 = arith.andi %add3A_724, %and3A_726 : vector<16xi32>
        %gather3A_728 = tpu.vector_load_idx %arg7[%add3A_287, %and3A_727] : memref<128x128xf32, #tpu.memory_space<vmem>>[vector<16xi32>, vector<16xi32>], vector<16xf32>,
        %add3A_729 = arith.constant 1 : i32
        %add3A_730 = vector.broadcast %add3A_729 : i32 to vector<16xi32>
        %add3A_731 = arith.addi %and3A_727, %add3A_730 : vector<16xi32>
        %and3A_732 = arith.constant 63 : i32
        %and3A_733 = vector.broadcast %and3A_732 : i32 to vector<16xi32>
        %and3A_734 = arith.andi %add3A_731, %and3A_733 : vector<16xi32>
        tpu.vector_store_idx %arg9[%and3A_510, %add3A_287], %gather3A_511 : memref<64x128xf32, #tpu.memory_space<vmem>>[vector<16xi32>, vector<16xi32>], vector<16xf32>,
        tpu.vector_store_idx %arg9[%and3A_517, %add3A_287], %gather3A_518 : memref<64x128xf32, #tpu.memory_space<vmem>>[vector<16xi32>, vector<16xi32>], vector<16xf32>,
        tpu.vector_store_idx %arg9[%and3A_524, %add3A_287], %gather3A_525 : memref<64x128xf32, #tpu.memory_space<vmem>>[vector<16xi32>, vector<16xi32>], vector<16xf32>,
        tpu.vector_store_idx %arg9[%and3A_531, %add3A_287], %gather3A_532 : memref<64x128xf32, #tpu.memory_space<vmem>>[vector<16xi32>, vector<16xi32>], vector<16xf32>,
        tpu.vector_store_idx %arg9[%and3A_538, %add3A_287], %gather3A_539 : memref<64x128xf32, #tpu.memory_space<vmem>>[vector<16xi32>, vector<16xi32>], vector<16xf32>,
        tpu.vector_store_idx %arg9[%and3A_545, %add3A_287], %gather3A_546 : memref<64x128xf32, #tpu.memory_space<vmem>>[vector<16xi32>, vector<16xi32>], vector<16xf32>,
        tpu.vector_store_idx %arg9[%and3A_552, %add3A_287], %gather3A_553 : memref<64x128xf32, #tpu.memory_space<vmem>>[vector<16xi32>, vector<16xi32>], vector<16xf32>,
        tpu.vector_store_idx %arg9[%and3A_559, %add3A_287], %gather3A_560 : memref<64x128xf32, #tpu.memory_space<vmem>>[vector<16xi32>, vector<16xi32>], vector<16xf32>,
        tpu.vector_store_idx %arg9[%and3A_566, %add3A_287], %gather3A_567 : memref<64x128xf32, #tpu.memory_space<vmem>>[vector<16xi32>, vector<16xi32>], vector<16xf32>,
        tpu.vector_store_idx %arg9[%and3A_573, %add3A_287], %gather3A_574 : memref<64x128xf32, #tpu.memory_space<vmem>>[vector<16xi32>, vector<16xi32>], vector<16xf32>,
        tpu.vector_store_idx %arg9[%and3A_580, %add3A_287], %gather3A_581 : memref<64x128xf32, #tpu.memory_space<vmem>>[vector<16xi32>, vector<16xi32>], vector<16xf32>,
        tpu.vector_store_idx %arg9[%and3A_587, %add3A_287], %gather3A_588 : memref<64x128xf32, #tpu.memory_space<vmem>>[vector<16xi32>, vector<16xi32>], vector<16xf32>,
        tpu.vector_store_idx %arg9[%and3A_594, %add3A_287], %gather3A_595 : memref<64x128xf32, #tpu.memory_space<vmem>>[vector<16xi32>, vector<16xi32>], vector<16xf32>,
        tpu.vector_store_idx %arg9[%and3A_601, %add3A_287], %gather3A_602 : memref<64x128xf32, #tpu.memory_space<vmem>>[vector<16xi32>, vector<16xi32>], vector<16xf32>,
        tpu.vector_store_idx %arg9[%and3A_608, %add3A_287], %gather3A_609 : memref<64x128xf32, #tpu.memory_space<vmem>>[vector<16xi32>, vector<16xi32>], vector<16xf32>,
        tpu.vector_store_idx %arg9[%and3A_615, %add3A_287], %gather3A_616 : memref<64x128xf32, #tpu.memory_space<vmem>>[vector<16xi32>, vector<16xi32>], vector<16xf32>,
        tpu.vector_store_idx %arg9[%and3A_622, %add3A_287], %gather3A_623 : memref<64x128xf32, #tpu.memory_space<vmem>>[vector<16xi32>, vector<16xi32>], vector<16xf32>,
        tpu.vector_store_idx %arg9[%and3A_629, %add3A_287], %gather3A_630 : memref<64x128xf32, #tpu.memory_space<vmem>>[vector<16xi32>, vector<16xi32>], vector<16xf32>,
        tpu.vector_store_idx %arg9[%and3A_636, %add3A_287], %gather3A_637 : memref<64x128xf32, #tpu.memory_space<vmem>>[vector<16xi32>, vector<16xi32>], vector<16xf32>,
        tpu.vector_store_idx %arg9[%and3A_643, %add3A_287], %gather3A_644 : memref<64x128xf32, #tpu.memory_space<vmem>>[vector<16xi32>, vector<16xi32>], vector<16xf32>,
        tpu.vector_store_idx %arg9[%and3A_650, %add3A_287], %gather3A_651 : memref<64x128xf32, #tpu.memory_space<vmem>>[vector<16xi32>, vector<16xi32>], vector<16xf32>,
        tpu.vector_store_idx %arg9[%and3A_657, %add3A_287], %gather3A_658 : memref<64x128xf32, #tpu.memory_space<vmem>>[vector<16xi32>, vector<16xi32>], vector<16xf32>,
        tpu.vector_store_idx %arg9[%and3A_664, %add3A_287], %gather3A_665 : memref<64x128xf32, #tpu.memory_space<vmem>>[vector<16xi32>, vector<16xi32>], vector<16xf32>,
        tpu.vector_store_idx %arg9[%and3A_671, %add3A_287], %gather3A_672 : memref<64x128xf32, #tpu.memory_space<vmem>>[vector<16xi32>, vector<16xi32>], vector<16xf32>,
        tpu.vector_store_idx %arg9[%and3A_678, %add3A_287], %gather3A_679 : memref<64x128xf32, #tpu.memory_space<vmem>>[vector<16xi32>, vector<16xi32>], vector<16xf32>,
        tpu.vector_store_idx %arg9[%and3A_685, %add3A_287], %gather3A_686 : memref<64x128xf32, #tpu.memory_space<vmem>>[vector<16xi32>, vector<16xi32>], vector<16xf32>,
        tpu.vector_store_idx %arg9[%and3A_692, %add3A_287], %gather3A_693 : memref<64x128xf32, #tpu.memory_space<vmem>>[vector<16xi32>, vector<16xi32>], vector<16xf32>,
        tpu.vector_store_idx %arg9[%and3A_699, %add3A_287], %gather3A_700 : memref<64x128xf32, #tpu.memory_space<vmem>>[vector<16xi32>, vector<16xi32>], vector<16xf32>,
        tpu.vector_store_idx %arg9[%and3A_706, %add3A_287], %gather3A_707 : memref<64x128xf32, #tpu.memory_space<vmem>>[vector<16xi32>, vector<16xi32>], vector<16xf32>,
        tpu.vector_store_idx %arg9[%and3A_713, %add3A_287], %gather3A_714 : memref<64x128xf32, #tpu.memory_space<vmem>>[vector<16xi32>, vector<16xi32>], vector<16xf32>,
        tpu.vector_store_idx %arg9[%and3A_720, %add3A_287], %gather3A_721 : memref<64x128xf32, #tpu.memory_space<vmem>>[vector<16xi32>, vector<16xi32>], vector<16xf32>,
        tpu.vector_store_idx %arg9[%and3A_727, %add3A_287], %gather3A_728 : memref<64x128xf32, #tpu.memory_space<vmem>>[vector<16xi32>, vector<16xi32>], vector<16xf32>,
      }
      %scan3A_230 = arith.constant 8 : i32
      %dma_start3A_231 = arith.constant 0 : i32
      %dma_start3A_232 = arith.constant 0 : i32
      %dma_start3A_233 = tpu.memref_slice %arg2[%dma_start3A_231, %dma_start3A_232] : memref<1000000x128xf32, #tpu.memory_space<hbm>> -> memref<1000000x128xf32, #tpu.memory_space<hbm>>
      tpu.enqueue_indirect_dma source(%dma_start3A_233 : memref<1000000x128xf32, #tpu.memory_space<hbm>>) target(%arg7 : memref<128x128xf32, #tpu.memory_space<vmem>>) offsets(%arg11 : memref<128xi32, #tpu.memory_space<vmem>>) semaphore(%arg13 : memref<!tpu.dma_semaphore, #tpu.memory_space<semaphore_mem>>)
      %add3A_234 = arith.constant 1 : i32
      %add3A_235 = arith.addi %mul3A_136, %add3A_234 : i32
      %jit3A_236 = arith.constant 4 : i32
      %div3A_237 = arith.divsi %add3A_235, %jit3A_236 : i32
      %sign3A_238 = arith.constant 0 : i32
      %sign3A_239 = arith.cmpi sgt, %add3A_235, %sign3A_238 : i32
      %sign3A_240 = arith.extui %sign3A_239 : i1 to i32
      %sign3A_241 = arith.constant 0 : i32
      %sign3A_242 = arith.cmpi slt, %add3A_235, %sign3A_241 : i32
      %sign3A_243 = arith.extui %sign3A_242 : i1 to i32
      %sign3A_244 = arith.subi %sign3A_240, %sign3A_243 : i32
      %sign3A_245 = arith.constant 0 : i32
      %sign3A_246 = arith.cmpi sgt, %jit3A_236, %sign3A_245 : i32
      %sign3A_247 = arith.extui %sign3A_246 : i1 to i32
      %sign3A_248 = arith.constant 0 : i32
      %sign3A_249 = arith.cmpi slt, %jit3A_236, %sign3A_248 : i32
      %sign3A_250 = arith.extui %sign3A_249 : i1 to i32
      %sign3A_251 = arith.subi %sign3A_247, %sign3A_250 : i32
      %ne3A_252 = arith.cmpi ne, %sign3A_244, %sign3A_251 : i32
      %rem3A_253 = arith.remsi %add3A_235, %jit3A_236 : i32
      %ne3A_254 = arith.constant 0 : i32
      %ne3A_255 = arith.cmpi ne, %rem3A_253, %ne3A_254 : i32
      %and3A_256 = arith.andi %ne3A_252, %ne3A_255 : i1
      %sub3A_257 = arith.constant 1 : i32
      %sub3A_258 = arith.subi %div3A_237, %sub3A_257 : i32
      %select_n3A_259 = arith.select %and3A_256, %sub3A_258, %div3A_237 : i32
      %jit3A_260 = arith.constant 4 : i32
      %eq3A_261 = arith.constant 0 : i32
      %eq3A_262 = arith.cmpi eq, %jit3A_260, %eq3A_261 : i32
      %jit3A_263 = arith.constant 1 : i32
      %select_n3A_264 = arith.select %eq3A_262, %jit3A_263, %jit3A_260 : i32
      %rem3A_265 = arith.remsi %add3A_235, %select_n3A_264 : i32
      %ne3A_266 = arith.constant 0 : i32
      %ne3A_267 = arith.cmpi ne, %rem3A_265, %ne3A_266 : i32
      %lt3A_268 = arith.constant 0 : i32
      %lt3A_269 = arith.cmpi slt, %rem3A_265, %lt3A_268 : i32
      %lt3A_270 = arith.constant 0 : i32
      %lt3A_271 = arith.cmpi slt, %select_n3A_264, %lt3A_270 : i32
      %ne3A_272 = arith.xori %lt3A_269, %lt3A_271 : i1
      %and3A_273 = arith.andi %ne3A_272, %ne3A_267 : i1
      %add3A_274 = arith.addi %rem3A_265, %select_n3A_264 : i32
      %select_n3A_275 = arith.select %and3A_273, %add3A_274, %rem3A_265 : i32
      %mul3A_276 = arith.constant 128 : i32
      %mul3A_277 = arith.muli %select_n3A_275, %mul3A_276 : i32
      %add3A_278 = arith.addi %mul3A_2, %mul3A_277 : i32
      %mul3A_279 = arith.constant 64 : i32
      %mul3A_280 = arith.muli %select_n3A_259, %mul3A_279 : i32
      %dma_start3A_281 = tpu.memref_slice %arg4[%mul3A_280, %add3A_278] : memref<3200x16384xf32, #tpu.memory_space<hbm>> -> memref<64x128xf32, #tpu.memory_space<hbm>>
      %dma_start3A_282 = tpu.memref_slice %arg4[%mul3A_280, %add3A_278] : memref<3200x16384xf32, #tpu.memory_space<hbm>> -> memref<64x128xf32, #tpu.memory_space<hbm>>
      tpu.enqueue_dma source(%arg9 : memref<64x128xf32, #tpu.memory_space<vmem>>) target(%dma_start3A_282 : memref<64x128xf32, #tpu.memory_space<hbm>>) target_semaphore(%arg15 : memref<!tpu.dma_semaphore, #tpu.memory_space<semaphore_mem>>)
    }
    %scan3A_77 = arith.constant 98 : i32
    %dma_wait3A_78 = arith.constant 0 : i32
    %dma_wait3A_79 = arith.constant 0 : i32
    %dma_wait3A_80 = tpu.memref_slice %arg2[%dma_wait3A_78, %dma_wait3A_79] : memref<1000000x128xf32, #tpu.memory_space<hbm>> -> memref<128x128xf32, #tpu.memory_space<hbm>>
    %dma_wait3A_81 = arith.constant 0 : i32
    %dma_wait3A_82 = arith.constant 0 : i32
    %dma_wait3A_83 = tpu.memref_slice %arg2[%dma_wait3A_81, %dma_wait3A_82] : memref<1000000x128xf32, #tpu.memory_space<hbm>> -> memref<128x128xf32, #tpu.memory_space<hbm>>
    tpu.wait_dma2 semaphore(%arg12 : memref<!tpu.dma_semaphore, #tpu.memory_space<semaphore_mem>>) src(%dma_wait3A_83 : memref<128x128xf32, #tpu.memory_space<hbm>>) dst(%arg6 : memref<128x128xf32, #tpu.memory_space<vmem>>)
    %dma_wait3A_84 = arith.constant 0 : i32
    %dma_wait3A_85 = arith.constant 0 : i32
    %dma_wait3A_86 = tpu.memref_slice %arg4[%dma_wait3A_84, %dma_wait3A_85] : memref<3200x16384xf32, #tpu.memory_space<hbm>> -> memref<64x128xf32, #tpu.memory_space<hbm>>
    %dma_wait3A_87 = arith.constant 0 : i32
    %dma_wait3A_88 = arith.constant 0 : i32
    %dma_wait3A_89 = tpu.memref_slice %arg4[%dma_wait3A_87, %dma_wait3A_88] : memref<3200x16384xf32, #tpu.memory_space<hbm>> -> memref<64x128xf32, #tpu.memory_space<hbm>>
    tpu.wait_dma2 semaphore(%arg14 : memref<!tpu.dma_semaphore, #tpu.memory_space<semaphore_mem>>) src(%arg8 : memref<64x128xf32, #tpu.memory_space<vmem>>) dst(%dma_wait3A_89 : memref<64x128xf32, #tpu.memory_space<hbm>>)
    %scan3A_90 = arith.constant 0 : i32
    %scan3A_91 = arith.constant 0 : i32
    %scan3A_92 = arith.constant 8 : i32
    %scan3A_93 = arith.addi %scan3A_91, %scan3A_92 : i32
    %scan3A_94 = arith.constant 1 : i32
    scf.for %scan3A_134 = %scan3A_91 to %scan3A_93 step %scan3A_94  : i32 {
      %mul3A_135 = arith.constant 16 : i32
      %mul3A_136 = arith.muli %scan3A_134, %mul3A_135 : i32
      %add3A_137 = vector.broadcast %mul3A_136 : i32 to vector<16xi32>
      %add3A_138 = arith.addi %iota3A, %add3A_137 : vector<16xi32>
      %gather3A = tpu.vector_load_idx %arg6[%add3A_138, %iota3A] : memref<128x128xf32, #tpu.memory_space<vmem>>[vector<16xi32>, vector<16xi32>], vector<16xf32>,
      %add3A_139 = arith.constant 1 : i32
      %add3A_140 = vector.broadcast %add3A_139 : i32 to vector<16xi32>
      %add3A_141 = arith.addi %iota3A, %add3A_140 : vector<16xi32>
      %and3A = arith.constant 63 : i32
      %and3A_142 = vector.broadcast %and3A : i32 to vector<16xi32>
      %and3A_143 = arith.andi %add3A_141, %and3A_142 : vector<16xi32>
      %gather3A_144 = tpu.vector_load_idx %arg6[%add3A_138, %and3A_143] : memref<128x128xf32, #tpu.memory_space<vmem>>[vector<16xi32>, vector<16xi32>], vector<16xf32>,
      %add3A_145 = arith.constant 1 : i32
      %add3A_146 = vector.broadcast %add3A_145 : i32 to vector<16xi32>
      %add3A_147 = arith.addi %and3A_143, %add3A_146 : vector<16xi32>
      %and3A_148 = arith.constant 63 : i32
      %and3A_149 = vector.broadcast %and3A_148 : i32 to vector<16xi32>
      %and3A_150 = arith.andi %add3A_147, %and3A_149 : vector<16xi32>
      %gather3A_151 = tpu.vector_load_idx %arg6[%add3A_138, %and3A_150] : memref<128x128xf32, #tpu.memory_space<vmem>>[vector<16xi32>, vector<16xi32>], vector<16xf32>,
      %add3A_152 = arith.constant 1 : i32
      %add3A_153 = vector.broadcast %add3A_152 : i32 to vector<16xi32>
      %add3A_154 = arith.addi %and3A_150, %add3A_153 : vector<16xi32>
      %and3A_155 = arith.constant 63 : i32
      %and3A_156 = vector.broadcast %and3A_155 : i32 to vector<16xi32>
      %and3A_157 = arith.andi %add3A_154, %and3A_156 : vector<16xi32>
      %gather3A_158 = tpu.vector_load_idx %arg6[%add3A_138, %and3A_157] : memref<128x128xf32, #tpu.memory_space<vmem>>[vector<16xi32>, vector<16xi32>], vector<16xf32>,
      %add3A_159 = arith.constant 1 : i32
      %add3A_160 = vector.broadcast %add3A_159 : i32 to vector<16xi32>
      %add3A_161 = arith.addi %and3A_157, %add3A_160 : vector<16xi32>
      %and3A_162 = arith.constant 63 : i32
      %and3A_163 = vector.broadcast %and3A_162 : i32 to vector<16xi32>
      %and3A_164 = arith.andi %add3A_161, %and3A_163 : vector<16xi32>
      %gather3A_165 = tpu.vector_load_idx %arg6[%add3A_138, %and3A_164] : memref<128x128xf32, #tpu.memory_space<vmem>>[vector<16xi32>, vector<16xi32>], vector<16xf32>,
      %add3A_166 = arith.constant 1 : i32
      %add3A_167 = vector.broadcast %add3A_166 : i32 to vector<16xi32>
      %add3A_168 = arith.addi %and3A_164, %add3A_167 : vector<16xi32>
      %and3A_169 = arith.constant 63 : i32
      %and3A_170 = vector.broadcast %and3A_169 : i32 to vector<16xi32>
      %and3A_171 = arith.andi %add3A_168, %and3A_170 : vector<16xi32>
      %gather3A_172 = tpu.vector_load_idx %arg6[%add3A_138, %and3A_171] : memref<128x128xf32, #tpu.memory_space<vmem>>[vector<16xi32>, vector<16xi32>], vector<16xf32>,
      %add3A_173 = arith.constant 1 : i32
      %add3A_174 = vector.broadcast %add3A_173 : i32 to vector<16xi32>
      %add3A_175 = arith.addi %and3A_171, %add3A_174 : vector<16xi32>
      %and3A_176 = arith.constant 63 : i32
      %and3A_177 = vector.broadcast %and3A_176 : i32 to vector<16xi32>
      %and3A_178 = arith.andi %add3A_175, %and3A_177 : vector<16xi32>
      %gather3A_179 = tpu.vector_load_idx %arg6[%add3A_138, %and3A_178] : memref<128x128xf32, #tpu.memory_space<vmem>>[vector<16xi32>, vector<16xi32>], vector<16xf32>,
      %add3A_180 = arith.constant 1 : i32
      %add3A_181 = vector.broadcast %add3A_180 : i32 to vector<16xi32>
      %add3A_182 = arith.addi %and3A_178, %add3A_181 : vector<16xi32>
      %and3A_183 = arith.constant 63 : i32
      %and3A_184 = vector.broadcast %and3A_183 : i32 to vector<16xi32>
      %and3A_185 = arith.andi %add3A_182, %and3A_184 : vector<16xi32>
      %gather3A_186 = tpu.vector_load_idx %arg6[%add3A_138, %and3A_185] : memref<128x128xf32, #tpu.memory_space<vmem>>[vector<16xi32>, vector<16xi32>], vector<16xf32>,
      %add3A_187 = arith.constant 1 : i32
      %add3A_188 = vector.broadcast %add3A_187 : i32 to vector<16xi32>
      %add3A_189 = arith.addi %and3A_185, %add3A_188 : vector<16xi32>
      %and3A_190 = arith.constant 63 : i32
      %and3A_191 = vector.broadcast %and3A_190 : i32 to vector<16xi32>
      %and3A_192 = arith.andi %add3A_189, %and3A_191 : vector<16xi32>
      %gather3A_193 = tpu.vector_load_idx %arg6[%add3A_138, %and3A_192] : memref<128x128xf32, #tpu.memory_space<vmem>>[vector<16xi32>, vector<16xi32>], vector<16xf32>,
      %add3A_194 = arith.constant 1 : i32
      %add3A_195 = vector.broadcast %add3A_194 : i32 to vector<16xi32>
      %add3A_196 = arith.addi %and3A_192, %add3A_195 : vector<16xi32>
      %and3A_197 = arith.constant 63 : i32
      %and3A_198 = vector.broadcast %and3A_197 : i32 to vector<16xi32>
      %and3A_199 = arith.andi %add3A_196, %and3A_198 : vector<16xi32>
      %gather3A_200 = tpu.vector_load_idx %arg6[%add3A_138, %and3A_199] : memref<128x128xf32, #tpu.memory_space<vmem>>[vector<16xi32>, vector<16xi32>], vector<16xf32>,
      %add3A_201 = arith.constant 1 : i32
      %add3A_202 = vector.broadcast %add3A_201 : i32 to vector<16xi32>
      %add3A_203 = arith.addi %and3A_199, %add3A_202 : vector<16xi32>
      %and3A_204 = arith.constant 63 : i32
      %and3A_205 = vector.broadcast %and3A_204 : i32 to vector<16xi32>
      %and3A_206 = arith.andi %add3A_203, %and3A_205 : vector<16xi32>
      %gather3A_207 = tpu.vector_load_idx %arg6[%add3A_138, %and3A_206] : memref<128x128xf32, #tpu.memory_space<vmem>>[vector<16xi32>, vector<16xi32>], vector<16xf32>,
      %add3A_208 = arith.constant 1 : i32
      %add3A_209 = vector.broadcast %add3A_208 : i32 to vector<16xi32>
      %add3A_210 = arith.addi %and3A_206, %add3A_209 : vector<16xi32>
      %and3A_211 = arith.constant 63 : i32
      %and3A_212 = vector.broadcast %and3A_211 : i32 to vector<16xi32>
      %and3A_213 = arith.andi %add3A_210, %and3A_212 : vector<16xi32>
      %gather3A_214 = tpu.vector_load_idx %arg6[%add3A_138, %and3A_213] : memref<128x128xf32, #tpu.memory_space<vmem>>[vector<16xi32>, vector<16xi32>], vector<16xf32>,
      %add3A_215 = arith.constant 1 : i32
      %add3A_216 = vector.broadcast %add3A_215 : i32 to vector<16xi32>
      %add3A_217 = arith.addi %and3A_213, %add3A_216 : vector<16xi32>
      %and3A_218 = arith.constant 63 : i32
      %and3A_219 = vector.broadcast %and3A_218 : i32 to vector<16xi32>
      %and3A_220 = arith.andi %add3A_217, %and3A_219 : vector<16xi32>
      %gather3A_221 = tpu.vector_load_idx %arg6[%add3A_138, %and3A_220] : memref<128x128xf32, #tpu.memory_space<vmem>>[vector<16xi32>, vector<16xi32>], vector<16xf32>,
      %add3A_222 = arith.constant 1 : i32
      %add3A_223 = vector.broadcast %add3A_222 : i32 to vector<16xi32>
      %add3A_224 = arith.addi %and3A_220, %add3A_223 : vector<16xi32>
      %and3A_225 = arith.constant 63 : i32
      %and3A_226 = vector.broadcast %and3A_225 : i32 to vector<16xi32>
      %and3A_227 = arith.andi %add3A_224, %and3A_226 : vector<16xi32>
      %gather3A_228 = tpu.vector_load_idx %arg6[%add3A_138, %and3A_227] : memref<128x128xf32, #tpu.memory_space<vmem>>[vector<16xi32>, vector<16xi32>], vector<16xf32>,
      %add3A_229 = arith.constant 1 : i32
      %add3A_230 = vector.broadcast %add3A_229 : i32 to vector<16xi32>
      %add3A_231 = arith.addi %and3A_227, %add3A_230 : vector<16xi32>
      %and3A_232 = arith.constant 63 : i32
      %and3A_233 = vector.broadcast %and3A_232 : i32 to vector<16xi32>
      %and3A_234 = arith.andi %add3A_231, %and3A_233 : vector<16xi32>
      %gather3A_235 = tpu.vector_load_idx %arg6[%add3A_138, %and3A_234] : memref<128x128xf32, #tpu.memory_space<vmem>>[vector<16xi32>, vector<16xi32>], vector<16xf32>,
      %add3A_236 = arith.constant 1 : i32
      %add3A_237 = vector.broadcast %add3A_236 : i32 to vector<16xi32>
      %add3A_238 = arith.addi %and3A_234, %add3A_237 : vector<16xi32>
      %and3A_239 = arith.constant 63 : i32
      %and3A_240 = vector.broadcast %and3A_239 : i32 to vector<16xi32>
      %and3A_241 = arith.andi %add3A_238, %and3A_240 : vector<16xi32>
      %gather3A_242 = tpu.vector_load_idx %arg6[%add3A_138, %and3A_241] : memref<128x128xf32, #tpu.memory_space<vmem>>[vector<16xi32>, vector<16xi32>], vector<16xf32>,
      %add3A_243 = arith.constant 1 : i32
      %add3A_244 = vector.broadcast %add3A_243 : i32 to vector<16xi32>
      %add3A_245 = arith.addi %and3A_241, %add3A_244 : vector<16xi32>
      %and3A_246 = arith.constant 63 : i32
      %and3A_247 = vector.broadcast %and3A_246 : i32 to vector<16xi32>
      %and3A_248 = arith.andi %add3A_245, %and3A_247 : vector<16xi32>
      %gather3A_249 = tpu.vector_load_idx %arg6[%add3A_138, %and3A_248] : memref<128x128xf32, #tpu.memory_space<vmem>>[vector<16xi32>, vector<16xi32>], vector<16xf32>,
      %add3A_250 = arith.constant 1 : i32
      %add3A_251 = vector.broadcast %add3A_250 : i32 to vector<16xi32>
      %add3A_252 = arith.addi %and3A_248, %add3A_251 : vector<16xi32>
      %and3A_253 = arith.constant 63 : i32
      %and3A_254 = vector.broadcast %and3A_253 : i32 to vector<16xi32>
      %and3A_255 = arith.andi %add3A_252, %and3A_254 : vector<16xi32>
      %gather3A_256 = tpu.vector_load_idx %arg6[%add3A_138, %and3A_255] : memref<128x128xf32, #tpu.memory_space<vmem>>[vector<16xi32>, vector<16xi32>], vector<16xf32>,
      %add3A_257 = arith.constant 1 : i32
      %add3A_258 = vector.broadcast %add3A_257 : i32 to vector<16xi32>
      %add3A_259 = arith.addi %and3A_255, %add3A_258 : vector<16xi32>
      %and3A_260 = arith.constant 63 : i32
      %and3A_261 = vector.broadcast %and3A_260 : i32 to vector<16xi32>
      %and3A_262 = arith.andi %add3A_259, %and3A_261 : vector<16xi32>
      %gather3A_263 = tpu.vector_load_idx %arg6[%add3A_138, %and3A_262] : memref<128x128xf32, #tpu.memory_space<vmem>>[vector<16xi32>, vector<16xi32>], vector<16xf32>,
      %add3A_264 = arith.constant 1 : i32
      %add3A_265 = vector.broadcast %add3A_264 : i32 to vector<16xi32>
      %add3A_266 = arith.addi %and3A_262, %add3A_265 : vector<16xi32>
      %and3A_267 = arith.constant 63 : i32
      %and3A_268 = vector.broadcast %and3A_267 : i32 to vector<16xi32>
      %and3A_269 = arith.andi %add3A_266, %and3A_268 : vector<16xi32>
      %gather3A_270 = tpu.vector_load_idx %arg6[%add3A_138, %and3A_269] : memref<128x128xf32, #tpu.memory_space<vmem>>[vector<16xi32>, vector<16xi32>], vector<16xf32>,
      %add3A_271 = arith.constant 1 : i32
      %add3A_272 = vector.broadcast %add3A_271 : i32 to vector<16xi32>
      %add3A_273 = arith.addi %and3A_269, %add3A_272 : vector<16xi32>
      %and3A_274 = arith.constant 63 : i32
      %and3A_275 = vector.broadcast %and3A_274 : i32 to vector<16xi32>
      %and3A_276 = arith.andi %add3A_273, %and3A_275 : vector<16xi32>
      %gather3A_277 = tpu.vector_load_idx %arg6[%add3A_138, %and3A_276] : memref<128x128xf32, #tpu.memory_space<vmem>>[vector<16xi32>, vector<16xi32>], vector<16xf32>,
      %add3A_278 = arith.constant 1 : i32
      %add3A_279 = vector.broadcast %add3A_278 : i32 to vector<16xi32>
      %add3A_280 = arith.addi %and3A_276, %add3A_279 : vector<16xi32>
      %and3A_281 = arith.constant 63 : i32
      %and3A_282 = vector.broadcast %and3A_281 : i32 to vector<16xi32>
      %and3A_283 = arith.andi %add3A_280, %and3A_282 : vector<16xi32>
      %gather3A_284 = tpu.vector_load_idx %arg6[%add3A_138, %and3A_283] : memref<128x128xf32, #tpu.memory_space<vmem>>[vector<16xi32>, vector<16xi32>], vector<16xf32>,
      %add3A_285 = arith.constant 1 : i32
      %add3A_286 = vector.broadcast %add3A_285 : i32 to vector<16xi32>
      %add3A_287 = arith.addi %and3A_283, %add3A_286 : vector<16xi32>
      %and3A_288 = arith.constant 63 : i32
      %and3A_289 = vector.broadcast %and3A_288 : i32 to vector<16xi32>
      %and3A_290 = arith.andi %add3A_287, %and3A_289 : vector<16xi32>
      %gather3A_291 = tpu.vector_load_idx %arg6[%add3A_138, %and3A_290] : memref<128x128xf32, #tpu.memory_space<vmem>>[vector<16xi32>, vector<16xi32>], vector<16xf32>,
      %add3A_292 = arith.constant 1 : i32
      %add3A_293 = vector.broadcast %add3A_292 : i32 to vector<16xi32>
      %add3A_294 = arith.addi %and3A_290, %add3A_293 : vector<16xi32>
      %and3A_295 = arith.constant 63 : i32
      %and3A_296 = vector.broadcast %and3A_295 : i32 to vector<16xi32>
      %and3A_297 = arith.andi %add3A_294, %and3A_296 : vector<16xi32>
      %gather3A_298 = tpu.vector_load_idx %arg6[%add3A_138, %and3A_297] : memref<128x128xf32, #tpu.memory_space<vmem>>[vector<16xi32>, vector<16xi32>], vector<16xf32>,
      %add3A_299 = arith.constant 1 : i32
      %add3A_300 = vector.broadcast %add3A_299 : i32 to vector<16xi32>
      %add3A_301 = arith.addi %and3A_297, %add3A_300 : vector<16xi32>
      %and3A_302 = arith.constant 63 : i32
      %and3A_303 = vector.broadcast %and3A_302 : i32 to vector<16xi32>
      %and3A_304 = arith.andi %add3A_301, %and3A_303 : vector<16xi32>
      %gather3A_305 = tpu.vector_load_idx %arg6[%add3A_138, %and3A_304] : memref<128x128xf32, #tpu.memory_space<vmem>>[vector<16xi32>, vector<16xi32>], vector<16xf32>,
      %add3A_306 = arith.constant 1 : i32
      %add3A_307 = vector.broadcast %add3A_306 : i32 to vector<16xi32>
      %add3A_308 = arith.addi %and3A_304, %add3A_307 : vector<16xi32>
      %and3A_309 = arith.constant 63 : i32
      %and3A_310 = vector.broadcast %and3A_309 : i32 to vector<16xi32>
      %and3A_311 = arith.andi %add3A_308, %and3A_310 : vector<16xi32>
      %gather3A_312 = tpu.vector_load_idx %arg6[%add3A_138, %and3A_311] : memref<128x128xf32, #tpu.memory_space<vmem>>[vector<16xi32>, vector<16xi32>], vector<16xf32>,
      %add3A_313 = arith.constant 1 : i32
      %add3A_314 = vector.broadcast %add3A_313 : i32 to vector<16xi32>
      %add3A_315 = arith.addi %and3A_311, %add3A_314 : vector<16xi32>
      %and3A_316 = arith.constant 63 : i32
      %and3A_317 = vector.broadcast %and3A_316 : i32 to vector<16xi32>
      %and3A_318 = arith.andi %add3A_315, %and3A_317 : vector<16xi32>
      %gather3A_319 = tpu.vector_load_idx %arg6[%add3A_138, %and3A_318] : memref<128x128xf32, #tpu.memory_space<vmem>>[vector<16xi32>, vector<16xi32>], vector<16xf32>,
      %add3A_320 = arith.constant 1 : i32
      %add3A_321 = vector.broadcast %add3A_320 : i32 to vector<16xi32>
      %add3A_322 = arith.addi %and3A_318, %add3A_321 : vector<16xi32>
      %and3A_323 = arith.constant 63 : i32
      %and3A_324 = vector.broadcast %and3A_323 : i32 to vector<16xi32>
      %and3A_325 = arith.andi %add3A_322, %and3A_324 : vector<16xi32>
      %gather3A_326 = tpu.vector_load_idx %arg6[%add3A_138, %and3A_325] : memref<128x128xf32, #tpu.memory_space<vmem>>[vector<16xi32>, vector<16xi32>], vector<16xf32>,
      %add3A_327 = arith.constant 1 : i32
      %add3A_328 = vector.broadcast %add3A_327 : i32 to vector<16xi32>
      %add3A_329 = arith.addi %and3A_325, %add3A_328 : vector<16xi32>
      %and3A_330 = arith.constant 63 : i32
      %and3A_331 = vector.broadcast %and3A_330 : i32 to vector<16xi32>
      %and3A_332 = arith.andi %add3A_329, %and3A_331 : vector<16xi32>
      %gather3A_333 = tpu.vector_load_idx %arg6[%add3A_138, %and3A_332] : memref<128x128xf32, #tpu.memory_space<vmem>>[vector<16xi32>, vector<16xi32>], vector<16xf32>,
      %add3A_334 = arith.constant 1 : i32
      %add3A_335 = vector.broadcast %add3A_334 : i32 to vector<16xi32>
      %add3A_336 = arith.addi %and3A_332, %add3A_335 : vector<16xi32>
      %and3A_337 = arith.constant 63 : i32
      %and3A_338 = vector.broadcast %and3A_337 : i32 to vector<16xi32>
      %and3A_339 = arith.andi %add3A_336, %and3A_338 : vector<16xi32>
      %gather3A_340 = tpu.vector_load_idx %arg6[%add3A_138, %and3A_339] : memref<128x128xf32, #tpu.memory_space<vmem>>[vector<16xi32>, vector<16xi32>], vector<16xf32>,
      %add3A_341 = arith.constant 1 : i32
      %add3A_342 = vector.broadcast %add3A_341 : i32 to vector<16xi32>
      %add3A_343 = arith.addi %and3A_339, %add3A_342 : vector<16xi32>
      %and3A_344 = arith.constant 63 : i32
      %and3A_345 = vector.broadcast %and3A_344 : i32 to vector<16xi32>
      %and3A_346 = arith.andi %add3A_343, %and3A_345 : vector<16xi32>
      %gather3A_347 = tpu.vector_load_idx %arg6[%add3A_138, %and3A_346] : memref<128x128xf32, #tpu.memory_space<vmem>>[vector<16xi32>, vector<16xi32>], vector<16xf32>,
      %add3A_348 = arith.constant 1 : i32
      %add3A_349 = vector.broadcast %add3A_348 : i32 to vector<16xi32>
      %add3A_350 = arith.addi %and3A_346, %add3A_349 : vector<16xi32>
      %and3A_351 = arith.constant 63 : i32
      %and3A_352 = vector.broadcast %and3A_351 : i32 to vector<16xi32>
      %and3A_353 = arith.andi %add3A_350, %and3A_352 : vector<16xi32>
      %gather3A_354 = tpu.vector_load_idx %arg6[%add3A_138, %and3A_353] : memref<128x128xf32, #tpu.memory_space<vmem>>[vector<16xi32>, vector<16xi32>], vector<16xf32>,
      %add3A_355 = arith.constant 1 : i32
      %add3A_356 = vector.broadcast %add3A_355 : i32 to vector<16xi32>
      %add3A_357 = arith.addi %and3A_353, %add3A_356 : vector<16xi32>
      %and3A_358 = arith.constant 63 : i32
      %and3A_359 = vector.broadcast %and3A_358 : i32 to vector<16xi32>
      %and3A_360 = arith.andi %add3A_357, %and3A_359 : vector<16xi32>
      tpu.vector_store_idx %arg8[%iota3A, %add3A_138], %gather3A : memref<64x128xf32, #tpu.memory_space<vmem>>[vector<16xi32>, vector<16xi32>], vector<16xf32>,
      tpu.vector_store_idx %arg8[%and3A_143, %add3A_138], %gather3A_144 : memref<64x128xf32, #tpu.memory_space<vmem>>[vector<16xi32>, vector<16xi32>], vector<16xf32>,
      tpu.vector_store_idx %arg8[%and3A_150, %add3A_138], %gather3A_151 : memref<64x128xf32, #tpu.memory_space<vmem>>[vector<16xi32>, vector<16xi32>], vector<16xf32>,
      tpu.vector_store_idx %arg8[%and3A_157, %add3A_138], %gather3A_158 : memref<64x128xf32, #tpu.memory_space<vmem>>[vector<16xi32>, vector<16xi32>], vector<16xf32>,
      tpu.vector_store_idx %arg8[%and3A_164, %add3A_138], %gather3A_165 : memref<64x128xf32, #tpu.memory_space<vmem>>[vector<16xi32>, vector<16xi32>], vector<16xf32>,
      tpu.vector_store_idx %arg8[%and3A_171, %add3A_138], %gather3A_172 : memref<64x128xf32, #tpu.memory_space<vmem>>[vector<16xi32>, vector<16xi32>], vector<16xf32>,
      tpu.vector_store_idx %arg8[%and3A_178, %add3A_138], %gather3A_179 : memref<64x128xf32, #tpu.memory_space<vmem>>[vector<16xi32>, vector<16xi32>], vector<16xf32>,
      tpu.vector_store_idx %arg8[%and3A_185, %add3A_138], %gather3A_186 : memref<64x128xf32, #tpu.memory_space<vmem>>[vector<16xi32>, vector<16xi32>], vector<16xf32>,
      tpu.vector_store_idx %arg8[%and3A_192, %add3A_138], %gather3A_193 : memref<64x128xf32, #tpu.memory_space<vmem>>[vector<16xi32>, vector<16xi32>], vector<16xf32>,
      tpu.vector_store_idx %arg8[%and3A_199, %add3A_138], %gather3A_200 : memref<64x128xf32, #tpu.memory_space<vmem>>[vector<16xi32>, vector<16xi32>], vector<16xf32>,
      tpu.vector_store_idx %arg8[%and3A_206, %add3A_138], %gather3A_207 : memref<64x128xf32, #tpu.memory_space<vmem>>[vector<16xi32>, vector<16xi32>], vector<16xf32>,
      tpu.vector_store_idx %arg8[%and3A_213, %add3A_138], %gather3A_214 : memref<64x128xf32, #tpu.memory_space<vmem>>[vector<16xi32>, vector<16xi32>], vector<16xf32>,
      tpu.vector_store_idx %arg8[%and3A_220, %add3A_138], %gather3A_221 : memref<64x128xf32, #tpu.memory_space<vmem>>[vector<16xi32>, vector<16xi32>], vector<16xf32>,
      tpu.vector_store_idx %arg8[%and3A_227, %add3A_138], %gather3A_228 : memref<64x128xf32, #tpu.memory_space<vmem>>[vector<16xi32>, vector<16xi32>], vector<16xf32>,
      tpu.vector_store_idx %arg8[%and3A_234, %add3A_138], %gather3A_235 : memref<64x128xf32, #tpu.memory_space<vmem>>[vector<16xi32>, vector<16xi32>], vector<16xf32>,
      tpu.vector_store_idx %arg8[%and3A_241, %add3A_138], %gather3A_242 : memref<64x128xf32, #tpu.memory_space<vmem>>[vector<16xi32>, vector<16xi32>], vector<16xf32>,
      %gather3A_361 = tpu.vector_load_idx %arg6[%add3A_138, %and3A_360] : memref<128x128xf32, #tpu.memory_space<vmem>>[vector<16xi32>, vector<16xi32>], vector<16xf32>,
      %add3A_362 = arith.constant 1 : i32
      %add3A_363 = vector.broadcast %add3A_362 : i32 to vector<16xi32>
      %add3A_364 = arith.addi %and3A_360, %add3A_363 : vector<16xi32>
      %and3A_365 = arith.constant 63 : i32
      %and3A_366 = vector.broadcast %and3A_365 : i32 to vector<16xi32>
      %and3A_367 = arith.andi %add3A_364, %and3A_366 : vector<16xi32>
      %gather3A_368 = tpu.vector_load_idx %arg6[%add3A_138, %and3A_367] : memref<128x128xf32, #tpu.memory_space<vmem>>[vector<16xi32>, vector<16xi32>], vector<16xf32>,
      %add3A_369 = arith.constant 1 : i32
      %add3A_370 = vector.broadcast %add3A_369 : i32 to vector<16xi32>
      %add3A_371 = arith.addi %and3A_367, %add3A_370 : vector<16xi32>
      %and3A_372 = arith.constant 63 : i32
      %and3A_373 = vector.broadcast %and3A_372 : i32 to vector<16xi32>
      %and3A_374 = arith.andi %add3A_371, %and3A_373 : vector<16xi32>
      %gather3A_375 = tpu.vector_load_idx %arg6[%add3A_138, %and3A_374] : memref<128x128xf32, #tpu.memory_space<vmem>>[vector<16xi32>, vector<16xi32>], vector<16xf32>,
      %add3A_376 = arith.constant 1 : i32
      %add3A_377 = vector.broadcast %add3A_376 : i32 to vector<16xi32>
      %add3A_378 = arith.addi %and3A_374, %add3A_377 : vector<16xi32>
      %and3A_379 = arith.constant 63 : i32
      %and3A_380 = vector.broadcast %and3A_379 : i32 to vector<16xi32>
      %and3A_381 = arith.andi %add3A_378, %and3A_380 : vector<16xi32>
      %gather3A_382 = tpu.vector_load_idx %arg6[%add3A_138, %and3A_381] : memref<128x128xf32, #tpu.memory_space<vmem>>[vector<16xi32>, vector<16xi32>], vector<16xf32>,
      %add3A_383 = arith.constant 1 : i32
      %add3A_384 = vector.broadcast %add3A_383 : i32 to vector<16xi32>
      %add3A_385 = arith.addi %and3A_381, %add3A_384 : vector<16xi32>
      %and3A_386 = arith.constant 63 : i32
      %and3A_387 = vector.broadcast %and3A_386 : i32 to vector<16xi32>
      %and3A_388 = arith.andi %add3A_385, %and3A_387 : vector<16xi32>
      %gather3A_389 = tpu.vector_load_idx %arg6[%add3A_138, %and3A_388] : memref<128x128xf32, #tpu.memory_space<vmem>>[vector<16xi32>, vector<16xi32>], vector<16xf32>,
      %add3A_390 = arith.constant 1 : i32
      %add3A_391 = vector.broadcast %add3A_390 : i32 to vector<16xi32>
      %add3A_392 = arith.addi %and3A_388, %add3A_391 : vector<16xi32>
      %and3A_393 = arith.constant 63 : i32
      %and3A_394 = vector.broadcast %and3A_393 : i32 to vector<16xi32>
      %and3A_395 = arith.andi %add3A_392, %and3A_394 : vector<16xi32>
      %gather3A_396 = tpu.vector_load_idx %arg6[%add3A_138, %and3A_395] : memref<128x128xf32, #tpu.memory_space<vmem>>[vector<16xi32>, vector<16xi32>], vector<16xf32>,
      %add3A_397 = arith.constant 1 : i32
      %add3A_398 = vector.broadcast %add3A_397 : i32 to vector<16xi32>
      %add3A_399 = arith.addi %and3A_395, %add3A_398 : vector<16xi32>
      %and3A_400 = arith.constant 63 : i32
      %and3A_401 = vector.broadcast %and3A_400 : i32 to vector<16xi32>
      %and3A_402 = arith.andi %add3A_399, %and3A_401 : vector<16xi32>
      %gather3A_403 = tpu.vector_load_idx %arg6[%add3A_138, %and3A_402] : memref<128x128xf32, #tpu.memory_space<vmem>>[vector<16xi32>, vector<16xi32>], vector<16xf32>,
      %add3A_404 = arith.constant 1 : i32
      %add3A_405 = vector.broadcast %add3A_404 : i32 to vector<16xi32>
      %add3A_406 = arith.addi %and3A_402, %add3A_405 : vector<16xi32>
      %and3A_407 = arith.constant 63 : i32
      %and3A_408 = vector.broadcast %and3A_407 : i32 to vector<16xi32>
      %and3A_409 = arith.andi %add3A_406, %and3A_408 : vector<16xi32>
      %gather3A_410 = tpu.vector_load_idx %arg6[%add3A_138, %and3A_409] : memref<128x128xf32, #tpu.memory_space<vmem>>[vector<16xi32>, vector<16xi32>], vector<16xf32>,
      %add3A_411 = arith.constant 1 : i32
      %add3A_412 = vector.broadcast %add3A_411 : i32 to vector<16xi32>
      %add3A_413 = arith.addi %and3A_409, %add3A_412 : vector<16xi32>
      %and3A_414 = arith.constant 63 : i32
      %and3A_415 = vector.broadcast %and3A_414 : i32 to vector<16xi32>
      %and3A_416 = arith.andi %add3A_413, %and3A_415 : vector<16xi32>
      %gather3A_417 = tpu.vector_load_idx %arg6[%add3A_138, %and3A_416] : memref<128x128xf32, #tpu.memory_space<vmem>>[vector<16xi32>, vector<16xi32>], vector<16xf32>,
      %add3A_418 = arith.constant 1 : i32
      %add3A_419 = vector.broadcast %add3A_418 : i32 to vector<16xi32>
      %add3A_420 = arith.addi %and3A_416, %add3A_419 : vector<16xi32>
      %and3A_421 = arith.constant 63 : i32
      %and3A_422 = vector.broadcast %and3A_421 : i32 to vector<16xi32>
      %and3A_423 = arith.andi %add3A_420, %and3A_422 : vector<16xi32>
      %gather3A_424 = tpu.vector_load_idx %arg6[%add3A_138, %and3A_423] : memref<128x128xf32, #tpu.memory_space<vmem>>[vector<16xi32>, vector<16xi32>], vector<16xf32>,
      %add3A_425 = arith.constant 1 : i32
      %add3A_426 = vector.broadcast %add3A_425 : i32 to vector<16xi32>
      %add3A_427 = arith.addi %and3A_423, %add3A_426 : vector<16xi32>
      %and3A_428 = arith.constant 63 : i32
      %and3A_429 = vector.broadcast %and3A_428 : i32 to vector<16xi32>
      %and3A_430 = arith.andi %add3A_427, %and3A_429 : vector<16xi32>
      %gather3A_431 = tpu.vector_load_idx %arg6[%add3A_138, %and3A_430] : memref<128x128xf32, #tpu.memory_space<vmem>>[vector<16xi32>, vector<16xi32>], vector<16xf32>,
      %add3A_432 = arith.constant 1 : i32
      %add3A_433 = vector.broadcast %add3A_432 : i32 to vector<16xi32>
      %add3A_434 = arith.addi %and3A_430, %add3A_433 : vector<16xi32>
      %and3A_435 = arith.constant 63 : i32
      %and3A_436 = vector.broadcast %and3A_435 : i32 to vector<16xi32>
      %and3A_437 = arith.andi %add3A_434, %and3A_436 : vector<16xi32>
      %gather3A_438 = tpu.vector_load_idx %arg6[%add3A_138, %and3A_437] : memref<128x128xf32, #tpu.memory_space<vmem>>[vector<16xi32>, vector<16xi32>], vector<16xf32>,
      %add3A_439 = arith.constant 1 : i32
      %add3A_440 = vector.broadcast %add3A_439 : i32 to vector<16xi32>
      %add3A_441 = arith.addi %and3A_437, %add3A_440 : vector<16xi32>
      %and3A_442 = arith.constant 63 : i32
      %and3A_443 = vector.broadcast %and3A_442 : i32 to vector<16xi32>
      %and3A_444 = arith.andi %add3A_441, %and3A_443 : vector<16xi32>
      %gather3A_445 = tpu.vector_load_idx %arg6[%add3A_138, %and3A_444] : memref<128x128xf32, #tpu.memory_space<vmem>>[vector<16xi32>, vector<16xi32>], vector<16xf32>,
      %add3A_446 = arith.constant 1 : i32
      %add3A_447 = vector.broadcast %add3A_446 : i32 to vector<16xi32>
      %add3A_448 = arith.addi %and3A_444, %add3A_447 : vector<16xi32>
      %and3A_449 = arith.constant 63 : i32
      %and3A_450 = vector.broadcast %and3A_449 : i32 to vector<16xi32>
      %and3A_451 = arith.andi %add3A_448, %and3A_450 : vector<16xi32>
      %gather3A_452 = tpu.vector_load_idx %arg6[%add3A_138, %and3A_451] : memref<128x128xf32, #tpu.memory_space<vmem>>[vector<16xi32>, vector<16xi32>], vector<16xf32>,
      %add3A_453 = arith.constant 1 : i32
      %add3A_454 = vector.broadcast %add3A_453 : i32 to vector<16xi32>
      %add3A_455 = arith.addi %and3A_451, %add3A_454 : vector<16xi32>
      %and3A_456 = arith.constant 63 : i32
      %and3A_457 = vector.broadcast %and3A_456 : i32 to vector<16xi32>
      %and3A_458 = arith.andi %add3A_455, %and3A_457 : vector<16xi32>
      %gather3A_459 = tpu.vector_load_idx %arg6[%add3A_138, %and3A_458] : memref<128x128xf32, #tpu.memory_space<vmem>>[vector<16xi32>, vector<16xi32>], vector<16xf32>,
      %add3A_460 = arith.constant 1 : i32
      %add3A_461 = vector.broadcast %add3A_460 : i32 to vector<16xi32>
      %add3A_462 = arith.addi %and3A_458, %add3A_461 : vector<16xi32>
      %and3A_463 = arith.constant 63 : i32
      %and3A_464 = vector.broadcast %and3A_463 : i32 to vector<16xi32>
      %and3A_465 = arith.andi %add3A_462, %and3A_464 : vector<16xi32>
      %gather3A_466 = tpu.vector_load_idx %arg6[%add3A_138, %and3A_465] : memref<128x128xf32, #tpu.memory_space<vmem>>[vector<16xi32>, vector<16xi32>], vector<16xf32>,
      %add3A_467 = arith.constant 1 : i32
      %add3A_468 = vector.broadcast %add3A_467 : i32 to vector<16xi32>
      %add3A_469 = arith.addi %and3A_465, %add3A_468 : vector<16xi32>
      %and3A_470 = arith.constant 63 : i32
      %and3A_471 = vector.broadcast %and3A_470 : i32 to vector<16xi32>
      %and3A_472 = arith.andi %add3A_469, %and3A_471 : vector<16xi32>
      tpu.vector_store_idx %arg8[%and3A_248, %add3A_138], %gather3A_249 : memref<64x128xf32, #tpu.memory_space<vmem>>[vector<16xi32>, vector<16xi32>], vector<16xf32>,
      tpu.vector_store_idx %arg8[%and3A_255, %add3A_138], %gather3A_256 : memref<64x128xf32, #tpu.memory_space<vmem>>[vector<16xi32>, vector<16xi32>], vector<16xf32>,
      tpu.vector_store_idx %arg8[%and3A_262, %add3A_138], %gather3A_263 : memref<64x128xf32, #tpu.memory_space<vmem>>[vector<16xi32>, vector<16xi32>], vector<16xf32>,
      tpu.vector_store_idx %arg8[%and3A_269, %add3A_138], %gather3A_270 : memref<64x128xf32, #tpu.memory_space<vmem>>[vector<16xi32>, vector<16xi32>], vector<16xf32>,
      tpu.vector_store_idx %arg8[%and3A_276, %add3A_138], %gather3A_277 : memref<64x128xf32, #tpu.memory_space<vmem>>[vector<16xi32>, vector<16xi32>], vector<16xf32>,
      tpu.vector_store_idx %arg8[%and3A_283, %add3A_138], %gather3A_284 : memref<64x128xf32, #tpu.memory_space<vmem>>[vector<16xi32>, vector<16xi32>], vector<16xf32>,
      tpu.vector_store_idx %arg8[%and3A_290, %add3A_138], %gather3A_291 : memref<64x128xf32, #tpu.memory_space<vmem>>[vector<16xi32>, vector<16xi32>], vector<16xf32>,
      tpu.vector_store_idx %arg8[%and3A_297, %add3A_138], %gather3A_298 : memref<64x128xf32, #tpu.memory_space<vmem>>[vector<16xi32>, vector<16xi32>], vector<16xf32>,
      tpu.vector_store_idx %arg8[%and3A_304, %add3A_138], %gather3A_305 : memref<64x128xf32, #tpu.memory_space<vmem>>[vector<16xi32>, vector<16xi32>], vector<16xf32>,
      tpu.vector_store_idx %arg8[%and3A_311, %add3A_138], %gather3A_312 : memref<64x128xf32, #tpu.memory_space<vmem>>[vector<16xi32>, vector<16xi32>], vector<16xf32>,
      tpu.vector_store_idx %arg8[%and3A_318, %add3A_138], %gather3A_319 : memref<64x128xf32, #tpu.memory_space<vmem>>[vector<16xi32>, vector<16xi32>], vector<16xf32>,
      tpu.vector_store_idx %arg8[%and3A_325, %add3A_138], %gather3A_326 : memref<64x128xf32, #tpu.memory_space<vmem>>[vector<16xi32>, vector<16xi32>], vector<16xf32>,
      tpu.vector_store_idx %arg8[%and3A_332, %add3A_138], %gather3A_333 : memref<64x128xf32, #tpu.memory_space<vmem>>[vector<16xi32>, vector<16xi32>], vector<16xf32>,
      tpu.vector_store_idx %arg8[%and3A_339, %add3A_138], %gather3A_340 : memref<64x128xf32, #tpu.memory_space<vmem>>[vector<16xi32>, vector<16xi32>], vector<16xf32>,
      tpu.vector_store_idx %arg8[%and3A_346, %add3A_138], %gather3A_347 : memref<64x128xf32, #tpu.memory_space<vmem>>[vector<16xi32>, vector<16xi32>], vector<16xf32>,
      tpu.vector_store_idx %arg8[%and3A_353, %add3A_138], %gather3A_354 : memref<64x128xf32, #tpu.memory_space<vmem>>[vector<16xi32>, vector<16xi32>], vector<16xf32>,
      %gather3A_473 = tpu.vector_load_idx %arg6[%add3A_138, %and3A_472] : memref<128x128xf32, #tpu.memory_space<vmem>>[vector<16xi32>, vector<16xi32>], vector<16xf32>,
      %add3A_474 = arith.constant 1 : i32
      %add3A_475 = vector.broadcast %add3A_474 : i32 to vector<16xi32>
      %add3A_476 = arith.addi %and3A_472, %add3A_475 : vector<16xi32>
      %and3A_477 = arith.constant 63 : i32
      %and3A_478 = vector.broadcast %and3A_477 : i32 to vector<16xi32>
      %and3A_479 = arith.andi %add3A_476, %and3A_478 : vector<16xi32>
      %gather3A_480 = tpu.vector_load_idx %arg6[%add3A_138, %and3A_479] : memref<128x128xf32, #tpu.memory_space<vmem>>[vector<16xi32>, vector<16xi32>], vector<16xf32>,
      %add3A_481 = arith.constant 1 : i32
      %add3A_482 = vector.broadcast %add3A_481 : i32 to vector<16xi32>
      %add3A_483 = arith.addi %and3A_479, %add3A_482 : vector<16xi32>
      %and3A_484 = arith.constant 63 : i32
      %and3A_485 = vector.broadcast %and3A_484 : i32 to vector<16xi32>
      %and3A_486 = arith.andi %add3A_483, %and3A_485 : vector<16xi32>
      %gather3A_487 = tpu.vector_load_idx %arg6[%add3A_138, %and3A_486] : memref<128x128xf32, #tpu.memory_space<vmem>>[vector<16xi32>, vector<16xi32>], vector<16xf32>,
      %add3A_488 = arith.constant 1 : i32
      %add3A_489 = vector.broadcast %add3A_488 : i32 to vector<16xi32>
      %add3A_490 = arith.addi %and3A_486, %add3A_489 : vector<16xi32>
      %and3A_491 = arith.constant 63 : i32
      %and3A_492 = vector.broadcast %and3A_491 : i32 to vector<16xi32>
      %and3A_493 = arith.andi %add3A_490, %and3A_492 : vector<16xi32>
      %gather3A_494 = tpu.vector_load_idx %arg6[%add3A_138, %and3A_493] : memref<128x128xf32, #tpu.memory_space<vmem>>[vector<16xi32>, vector<16xi32>], vector<16xf32>,
      %add3A_495 = arith.constant 1 : i32
      %add3A_496 = vector.broadcast %add3A_495 : i32 to vector<16xi32>
      %add3A_497 = arith.addi %and3A_493, %add3A_496 : vector<16xi32>
      %and3A_498 = arith.constant 63 : i32
      %and3A_499 = vector.broadcast %and3A_498 : i32 to vector<16xi32>
      %and3A_500 = arith.andi %add3A_497, %and3A_499 : vector<16xi32>
      %gather3A_501 = tpu.vector_load_idx %arg6[%add3A_138, %and3A_500] : memref<128x128xf32, #tpu.memory_space<vmem>>[vector<16xi32>, vector<16xi32>], vector<16xf32>,
      %add3A_502 = arith.constant 1 : i32
      %add3A_503 = vector.broadcast %add3A_502 : i32 to vector<16xi32>
      %add3A_504 = arith.addi %and3A_500, %add3A_503 : vector<16xi32>
      %and3A_505 = arith.constant 63 : i32
      %and3A_506 = vector.broadcast %and3A_505 : i32 to vector<16xi32>
      %and3A_507 = arith.andi %add3A_504, %and3A_506 : vector<16xi32>
      %gather3A_508 = tpu.vector_load_idx %arg6[%add3A_138, %and3A_507] : memref<128x128xf32, #tpu.memory_space<vmem>>[vector<16xi32>, vector<16xi32>], vector<16xf32>,
      %add3A_509 = arith.constant 1 : i32
      %add3A_510 = vector.broadcast %add3A_509 : i32 to vector<16xi32>
      %add3A_511 = arith.addi %and3A_507, %add3A_510 : vector<16xi32>
      %and3A_512 = arith.constant 63 : i32
      %and3A_513 = vector.broadcast %and3A_512 : i32 to vector<16xi32>
      %and3A_514 = arith.andi %add3A_511, %and3A_513 : vector<16xi32>
      %gather3A_515 = tpu.vector_load_idx %arg6[%add3A_138, %and3A_514] : memref<128x128xf32, #tpu.memory_space<vmem>>[vector<16xi32>, vector<16xi32>], vector<16xf32>,
      %add3A_516 = arith.constant 1 : i32
      %add3A_517 = vector.broadcast %add3A_516 : i32 to vector<16xi32>
      %add3A_518 = arith.addi %and3A_514, %add3A_517 : vector<16xi32>
      %and3A_519 = arith.constant 63 : i32
      %and3A_520 = vector.broadcast %and3A_519 : i32 to vector<16xi32>
      %and3A_521 = arith.andi %add3A_518, %and3A_520 : vector<16xi32>
      %gather3A_522 = tpu.vector_load_idx %arg6[%add3A_138, %and3A_521] : memref<128x128xf32, #tpu.memory_space<vmem>>[vector<16xi32>, vector<16xi32>], vector<16xf32>,
      %add3A_523 = arith.constant 1 : i32
      %add3A_524 = vector.broadcast %add3A_523 : i32 to vector<16xi32>
      %add3A_525 = arith.addi %and3A_521, %add3A_524 : vector<16xi32>
      %and3A_526 = arith.constant 63 : i32
      %and3A_527 = vector.broadcast %and3A_526 : i32 to vector<16xi32>
      %and3A_528 = arith.andi %add3A_525, %and3A_527 : vector<16xi32>
      %gather3A_529 = tpu.vector_load_idx %arg6[%add3A_138, %and3A_528] : memref<128x128xf32, #tpu.memory_space<vmem>>[vector<16xi32>, vector<16xi32>], vector<16xf32>,
      %add3A_530 = arith.constant 1 : i32
      %add3A_531 = vector.broadcast %add3A_530 : i32 to vector<16xi32>
      %add3A_532 = arith.addi %and3A_528, %add3A_531 : vector<16xi32>
      %and3A_533 = arith.constant 63 : i32
      %and3A_534 = vector.broadcast %and3A_533 : i32 to vector<16xi32>
      %and3A_535 = arith.andi %add3A_532, %and3A_534 : vector<16xi32>
      %gather3A_536 = tpu.vector_load_idx %arg6[%add3A_138, %and3A_535] : memref<128x128xf32, #tpu.memory_space<vmem>>[vector<16xi32>, vector<16xi32>], vector<16xf32>,
      %add3A_537 = arith.constant 1 : i32
      %add3A_538 = vector.broadcast %add3A_537 : i32 to vector<16xi32>
      %add3A_539 = arith.addi %and3A_535, %add3A_538 : vector<16xi32>
      %and3A_540 = arith.constant 63 : i32
      %and3A_541 = vector.broadcast %and3A_540 : i32 to vector<16xi32>
      %and3A_542 = arith.andi %add3A_539, %and3A_541 : vector<16xi32>
      %gather3A_543 = tpu.vector_load_idx %arg6[%add3A_138, %and3A_542] : memref<128x128xf32, #tpu.memory_space<vmem>>[vector<16xi32>, vector<16xi32>], vector<16xf32>,
      %add3A_544 = arith.constant 1 : i32
      %add3A_545 = vector.broadcast %add3A_544 : i32 to vector<16xi32>
      %add3A_546 = arith.addi %and3A_542, %add3A_545 : vector<16xi32>
      %and3A_547 = arith.constant 63 : i32
      %and3A_548 = vector.broadcast %and3A_547 : i32 to vector<16xi32>
      %and3A_549 = arith.andi %add3A_546, %and3A_548 : vector<16xi32>
      %gather3A_550 = tpu.vector_load_idx %arg6[%add3A_138, %and3A_549] : memref<128x128xf32, #tpu.memory_space<vmem>>[vector<16xi32>, vector<16xi32>], vector<16xf32>,
      %add3A_551 = arith.constant 1 : i32
      %add3A_552 = vector.broadcast %add3A_551 : i32 to vector<16xi32>
      %add3A_553 = arith.addi %and3A_549, %add3A_552 : vector<16xi32>
      %and3A_554 = arith.constant 63 : i32
      %and3A_555 = vector.broadcast %and3A_554 : i32 to vector<16xi32>
      %and3A_556 = arith.andi %add3A_553, %and3A_555 : vector<16xi32>
      %gather3A_557 = tpu.vector_load_idx %arg6[%add3A_138, %and3A_556] : memref<128x128xf32, #tpu.memory_space<vmem>>[vector<16xi32>, vector<16xi32>], vector<16xf32>,
      %add3A_558 = arith.constant 1 : i32
      %add3A_559 = vector.broadcast %add3A_558 : i32 to vector<16xi32>
      %add3A_560 = arith.addi %and3A_556, %add3A_559 : vector<16xi32>
      %and3A_561 = arith.constant 63 : i32
      %and3A_562 = vector.broadcast %and3A_561 : i32 to vector<16xi32>
      %and3A_563 = arith.andi %add3A_560, %and3A_562 : vector<16xi32>
      %gather3A_564 = tpu.vector_load_idx %arg6[%add3A_138, %and3A_563] : memref<128x128xf32, #tpu.memory_space<vmem>>[vector<16xi32>, vector<16xi32>], vector<16xf32>,
      %add3A_565 = arith.constant 1 : i32
      %add3A_566 = vector.broadcast %add3A_565 : i32 to vector<16xi32>
      %add3A_567 = arith.addi %and3A_563, %add3A_566 : vector<16xi32>
      %and3A_568 = arith.constant 63 : i32
      %and3A_569 = vector.broadcast %and3A_568 : i32 to vector<16xi32>
      %and3A_570 = arith.andi %add3A_567, %and3A_569 : vector<16xi32>
      %gather3A_571 = tpu.vector_load_idx %arg6[%add3A_138, %and3A_570] : memref<128x128xf32, #tpu.memory_space<vmem>>[vector<16xi32>, vector<16xi32>], vector<16xf32>,
      %add3A_572 = arith.constant 1 : i32
      %add3A_573 = vector.broadcast %add3A_572 : i32 to vector<16xi32>
      %add3A_574 = arith.addi %and3A_570, %add3A_573 : vector<16xi32>
      %and3A_575 = arith.constant 63 : i32
      %and3A_576 = vector.broadcast %and3A_575 : i32 to vector<16xi32>
      %and3A_577 = arith.andi %add3A_574, %and3A_576 : vector<16xi32>
      %gather3A_578 = tpu.vector_load_idx %arg6[%add3A_138, %and3A_577] : memref<128x128xf32, #tpu.memory_space<vmem>>[vector<16xi32>, vector<16xi32>], vector<16xf32>,
      %add3A_579 = arith.constant 1 : i32
      %add3A_580 = vector.broadcast %add3A_579 : i32 to vector<16xi32>
      %add3A_581 = arith.addi %and3A_577, %add3A_580 : vector<16xi32>
      %and3A_582 = arith.constant 63 : i32
      %and3A_583 = vector.broadcast %and3A_582 : i32 to vector<16xi32>
      %and3A_584 = arith.andi %add3A_581, %and3A_583 : vector<16xi32>
      tpu.vector_store_idx %arg8[%and3A_360, %add3A_138], %gather3A_361 : memref<64x128xf32, #tpu.memory_space<vmem>>[vector<16xi32>, vector<16xi32>], vector<16xf32>,
      tpu.vector_store_idx %arg8[%and3A_367, %add3A_138], %gather3A_368 : memref<64x128xf32, #tpu.memory_space<vmem>>[vector<16xi32>, vector<16xi32>], vector<16xf32>,
      tpu.vector_store_idx %arg8[%and3A_374, %add3A_138], %gather3A_375 : memref<64x128xf32, #tpu.memory_space<vmem>>[vector<16xi32>, vector<16xi32>], vector<16xf32>,
      tpu.vector_store_idx %arg8[%and3A_381, %add3A_138], %gather3A_382 : memref<64x128xf32, #tpu.memory_space<vmem>>[vector<16xi32>, vector<16xi32>], vector<16xf32>,
      tpu.vector_store_idx %arg8[%and3A_388, %add3A_138], %gather3A_389 : memref<64x128xf32, #tpu.memory_space<vmem>>[vector<16xi32>, vector<16xi32>], vector<16xf32>,
      tpu.vector_store_idx %arg8[%and3A_395, %add3A_138], %gather3A_396 : memref<64x128xf32, #tpu.memory_space<vmem>>[vector<16xi32>, vector<16xi32>], vector<16xf32>,
      tpu.vector_store_idx %arg8[%and3A_402, %add3A_138], %gather3A_403 : memref<64x128xf32, #tpu.memory_space<vmem>>[vector<16xi32>, vector<16xi32>], vector<16xf32>,
      tpu.vector_store_idx %arg8[%and3A_409, %add3A_138], %gather3A_410 : memref<64x128xf32, #tpu.memory_space<vmem>>[vector<16xi32>, vector<16xi32>], vector<16xf32>,
      tpu.vector_store_idx %arg8[%and3A_416, %add3A_138], %gather3A_417 : memref<64x128xf32, #tpu.memory_space<vmem>>[vector<16xi32>, vector<16xi32>], vector<16xf32>,
      tpu.vector_store_idx %arg8[%and3A_423, %add3A_138], %gather3A_424 : memref<64x128xf32, #tpu.memory_space<vmem>>[vector<16xi32>, vector<16xi32>], vector<16xf32>,
      tpu.vector_store_idx %arg8[%and3A_430, %add3A_138], %gather3A_431 : memref<64x128xf32, #tpu.memory_space<vmem>>[vector<16xi32>, vector<16xi32>], vector<16xf32>,
      tpu.vector_store_idx %arg8[%and3A_437, %add3A_138], %gather3A_438 : memref<64x128xf32, #tpu.memory_space<vmem>>[vector<16xi32>, vector<16xi32>], vector<16xf32>,
      tpu.vector_store_idx %arg8[%and3A_444, %add3A_138], %gather3A_445 : memref<64x128xf32, #tpu.memory_space<vmem>>[vector<16xi32>, vector<16xi32>], vector<16xf32>,
      tpu.vector_store_idx %arg8[%and3A_451, %add3A_138], %gather3A_452 : memref<64x128xf32, #tpu.memory_space<vmem>>[vector<16xi32>, vector<16xi32>], vector<16xf32>,
      tpu.vector_store_idx %arg8[%and3A_458, %add3A_138], %gather3A_459 : memref<64x128xf32, #tpu.memory_space<vmem>>[vector<16xi32>, vector<16xi32>], vector<16xf32>,
      tpu.vector_store_idx %arg8[%and3A_465, %add3A_138], %gather3A_466 : memref<64x128xf32, #tpu.memory_space<vmem>>[vector<16xi32>, vector<16xi32>], vector<16xf32>,
      tpu.vector_store_idx %arg8[%and3A_472, %add3A_138], %gather3A_473 : memref<64x128xf32, #tpu.memory_space<vmem>>[vector<16xi32>, vector<16xi32>], vector<16xf32>,
      tpu.vector_store_idx %arg8[%and3A_479, %add3A_138], %gather3A_480 : memref<64x128xf32, #tpu.memory_space<vmem>>[vector<16xi32>, vector<16xi32>], vector<16xf32>,
      tpu.vector_store_idx %arg8[%and3A_486, %add3A_138], %gather3A_487 : memref<64x128xf32, #tpu.memory_space<vmem>>[vector<16xi32>, vector<16xi32>], vector<16xf32>,
      tpu.vector_store_idx %arg8[%and3A_493, %add3A_138], %gather3A_494 : memref<64x128xf32, #tpu.memory_space<vmem>>[vector<16xi32>, vector<16xi32>], vector<16xf32>,
      tpu.vector_store_idx %arg8[%and3A_500, %add3A_138], %gather3A_501 : memref<64x128xf32, #tpu.memory_space<vmem>>[vector<16xi32>, vector<16xi32>], vector<16xf32>,
      tpu.vector_store_idx %arg8[%and3A_507, %add3A_138], %gather3A_508 : memref<64x128xf32, #tpu.memory_space<vmem>>[vector<16xi32>, vector<16xi32>], vector<16xf32>,
      tpu.vector_store_idx %arg8[%and3A_514, %add3A_138], %gather3A_515 : memref<64x128xf32, #tpu.memory_space<vmem>>[vector<16xi32>, vector<16xi32>], vector<16xf32>,
      tpu.vector_store_idx %arg8[%and3A_521, %add3A_138], %gather3A_522 : memref<64x128xf32, #tpu.memory_space<vmem>>[vector<16xi32>, vector<16xi32>], vector<16xf32>,
      tpu.vector_store_idx %arg8[%and3A_528, %add3A_138], %gather3A_529 : memref<64x128xf32, #tpu.memory_space<vmem>>[vector<16xi32>, vector<16xi32>], vector<16xf32>,
      tpu.vector_store_idx %arg8[%and3A_535, %add3A_138], %gather3A_536 : memref<64x128xf32, #tpu.memory_space<vmem>>[vector<16xi32>, vector<16xi32>], vector<16xf32>,
      tpu.vector_store_idx %arg8[%and3A_542, %add3A_138], %gather3A_543 : memref<64x128xf32, #tpu.memory_space<vmem>>[vector<16xi32>, vector<16xi32>], vector<16xf32>,
      tpu.vector_store_idx %arg8[%and3A_549, %add3A_138], %gather3A_550 : memref<64x128xf32, #tpu.memory_space<vmem>>[vector<16xi32>, vector<16xi32>], vector<16xf32>,
      tpu.vector_store_idx %arg8[%and3A_556, %add3A_138], %gather3A_557 : memref<64x128xf32, #tpu.memory_space<vmem>>[vector<16xi32>, vector<16xi32>], vector<16xf32>,
      tpu.vector_store_idx %arg8[%and3A_563, %add3A_138], %gather3A_564 : memref<64x128xf32, #tpu.memory_space<vmem>>[vector<16xi32>, vector<16xi32>], vector<16xf32>,
      tpu.vector_store_idx %arg8[%and3A_570, %add3A_138], %gather3A_571 : memref<64x128xf32, #tpu.memory_space<vmem>>[vector<16xi32>, vector<16xi32>], vector<16xf32>,
      tpu.vector_store_idx %arg8[%and3A_577, %add3A_138], %gather3A_578 : memref<64x128xf32, #tpu.memory_space<vmem>>[vector<16xi32>, vector<16xi32>], vector<16xf32>,
    }
    %scan3A_95 = arith.constant 8 : i32
    %add3A_96 = arith.constant 256 : i32
    %add3A_97 = arith.addi %mul3A_2, %add3A_96 : i32
    %dma_start3A_98 = arith.constant 3136 : i32
    %dma_start3A_99 = tpu.memref_slice %arg4[%dma_start3A_98, %add3A_97] : memref<3200x16384xf32, #tpu.memory_space<hbm>> -> memref<64x128xf32, #tpu.memory_space<hbm>>
    %dma_start3A_100 = arith.constant 3136 : i32
    %dma_start3A_101 = tpu.memref_slice %arg4[%dma_start3A_100, %add3A_97] : memref<3200x16384xf32, #tpu.memory_space<hbm>> -> memref<64x128xf32, #tpu.memory_space<hbm>>
    tpu.enqueue_dma source(%arg8 : memref<64x128xf32, #tpu.memory_space<vmem>>) target(%dma_start3A_101 : memref<64x128xf32, #tpu.memory_space<hbm>>) target_semaphore(%arg14 : memref<!tpu.dma_semaphore, #tpu.memory_space<semaphore_mem>>)
    %dma_wait3A_102 = arith.constant 0 : i32
    %dma_wait3A_103 = arith.constant 0 : i32
    %dma_wait3A_104 = tpu.memref_slice %arg2[%dma_wait3A_102, %dma_wait3A_103] : memref<1000000x128xf32, #tpu.memory_space<hbm>> -> memref<128x128xf32, #tpu.memory_space<hbm>>
    %dma_wait3A_105 = arith.constant 0 : i32
    %dma_wait3A_106 = arith.constant 0 : i32
    %dma_wait3A_107 = tpu.memref_slice %arg2[%dma_wait3A_105, %dma_wait3A_106] : memref<1000000x128xf32, #tpu.memory_space<hbm>> -> memref<128x128xf32, #tpu.memory_space<hbm>>
    tpu.wait_dma2 semaphore(%arg13 : memref<!tpu.dma_semaphore, #tpu.memory_space<semaphore_mem>>) src(%dma_wait3A_107 : memref<128x128xf32, #tpu.memory_space<hbm>>) dst(%arg7 : memref<128x128xf32, #tpu.memory_space<vmem>>)
    %dma_wait3A_108 = arith.constant 0 : i32
    %dma_wait3A_109 = arith.constant 0 : i32
    %dma_wait3A_110 = tpu.memref_slice %arg4[%dma_wait3A_108, %dma_wait3A_109] : memref<3200x16384xf32, #tpu.memory_space<hbm>> -> memref<64x128xf32, #tpu.memory_space<hbm>>
    %dma_wait3A_111 = arith.constant 0 : i32
    %dma_wait3A_112 = arith.constant 0 : i32
    %dma_wait3A_113 = tpu.memref_slice %arg4[%dma_wait3A_111, %dma_wait3A_112] : memref<3200x16384xf32, #tpu.memory_space<hbm>> -> memref<64x128xf32, #tpu.memory_space<hbm>>
    tpu.wait_dma2 semaphore(%arg15 : memref<!tpu.dma_semaphore, #tpu.memory_space<semaphore_mem>>) src(%arg9 : memref<64x128xf32, #tpu.memory_space<vmem>>) dst(%dma_wait3A_113 : memref<64x128xf32, #tpu.memory_space<hbm>>)
    %scan3A_114 = arith.constant 0 : i32
    %scan3A_115 = arith.constant 0 : i32
    %scan3A_116 = arith.constant 8 : i32
    %scan3A_117 = arith.addi %scan3A_115, %scan3A_116 : i32
    %scan3A_118 = arith.constant 1 : i32
    scf.for %scan3A_134 = %scan3A_115 to %scan3A_117 step %scan3A_118  : i32 {
      %mul3A_135 = arith.constant 16 : i32
      %mul3A_136 = arith.muli %scan3A_134, %mul3A_135 : i32
      %add3A_137 = vector.broadcast %mul3A_136 : i32 to vector<16xi32>
      %add3A_138 = arith.addi %iota3A, %add3A_137 : vector<16xi32>
      %gather3A = tpu.vector_load_idx %arg7[%add3A_138, %iota3A] : memref<128x128xf32, #tpu.memory_space<vmem>>[vector<16xi32>, vector<16xi32>], vector<16xf32>,
      %add3A_139 = arith.constant 1 : i32
      %add3A_140 = vector.broadcast %add3A_139 : i32 to vector<16xi32>
      %add3A_141 = arith.addi %iota3A, %add3A_140 : vector<16xi32>
      %and3A = arith.constant 63 : i32
      %and3A_142 = vector.broadcast %and3A : i32 to vector<16xi32>
      %and3A_143 = arith.andi %add3A_141, %and3A_142 : vector<16xi32>
      %gather3A_144 = tpu.vector_load_idx %arg7[%add3A_138, %and3A_143] : memref<128x128xf32, #tpu.memory_space<vmem>>[vector<16xi32>, vector<16xi32>], vector<16xf32>,
      %add3A_145 = arith.constant 1 : i32
      %add3A_146 = vector.broadcast %add3A_145 : i32 to vector<16xi32>
      %add3A_147 = arith.addi %and3A_143, %add3A_146 : vector<16xi32>
      %and3A_148 = arith.constant 63 : i32
      %and3A_149 = vector.broadcast %and3A_148 : i32 to vector<16xi32>
      %and3A_150 = arith.andi %add3A_147, %and3A_149 : vector<16xi32>
      %gather3A_151 = tpu.vector_load_idx %arg7[%add3A_138, %and3A_150] : memref<128x128xf32, #tpu.memory_space<vmem>>[vector<16xi32>, vector<16xi32>], vector<16xf32>,
      %add3A_152 = arith.constant 1 : i32
      %add3A_153 = vector.broadcast %add3A_152 : i32 to vector<16xi32>
      %add3A_154 = arith.addi %and3A_150, %add3A_153 : vector<16xi32>
      %and3A_155 = arith.constant 63 : i32
      %and3A_156 = vector.broadcast %and3A_155 : i32 to vector<16xi32>
      %and3A_157 = arith.andi %add3A_154, %and3A_156 : vector<16xi32>
      %gather3A_158 = tpu.vector_load_idx %arg7[%add3A_138, %and3A_157] : memref<128x128xf32, #tpu.memory_space<vmem>>[vector<16xi32>, vector<16xi32>], vector<16xf32>,
      %add3A_159 = arith.constant 1 : i32
      %add3A_160 = vector.broadcast %add3A_159 : i32 to vector<16xi32>
      %add3A_161 = arith.addi %and3A_157, %add3A_160 : vector<16xi32>
      %and3A_162 = arith.constant 63 : i32
      %and3A_163 = vector.broadcast %and3A_162 : i32 to vector<16xi32>
      %and3A_164 = arith.andi %add3A_161, %and3A_163 : vector<16xi32>
      %gather3A_165 = tpu.vector_load_idx %arg7[%add3A_138, %and3A_164] : memref<128x128xf32, #tpu.memory_space<vmem>>[vector<16xi32>, vector<16xi32>], vector<16xf32>,
      %add3A_166 = arith.constant 1 : i32
      %add3A_167 = vector.broadcast %add3A_166 : i32 to vector<16xi32>
      %add3A_168 = arith.addi %and3A_164, %add3A_167 : vector<16xi32>
      %and3A_169 = arith.constant 63 : i32
      %and3A_170 = vector.broadcast %and3A_169 : i32 to vector<16xi32>
      %and3A_171 = arith.andi %add3A_168, %and3A_170 : vector<16xi32>
      %gather3A_172 = tpu.vector_load_idx %arg7[%add3A_138, %and3A_171] : memref<128x128xf32, #tpu.memory_space<vmem>>[vector<16xi32>, vector<16xi32>], vector<16xf32>,
      %add3A_173 = arith.constant 1 : i32
      %add3A_174 = vector.broadcast %add3A_173 : i32 to vector<16xi32>
      %add3A_175 = arith.addi %and3A_171, %add3A_174 : vector<16xi32>
      %and3A_176 = arith.constant 63 : i32
      %and3A_177 = vector.broadcast %and3A_176 : i32 to vector<16xi32>
      %and3A_178 = arith.andi %add3A_175, %and3A_177 : vector<16xi32>
      %gather3A_179 = tpu.vector_load_idx %arg7[%add3A_138, %and3A_178] : memref<128x128xf32, #tpu.memory_space<vmem>>[vector<16xi32>, vector<16xi32>], vector<16xf32>,
      %add3A_180 = arith.constant 1 : i32
      %add3A_181 = vector.broadcast %add3A_180 : i32 to vector<16xi32>
      %add3A_182 = arith.addi %and3A_178, %add3A_181 : vector<16xi32>
      %and3A_183 = arith.constant 63 : i32
      %and3A_184 = vector.broadcast %and3A_183 : i32 to vector<16xi32>
      %and3A_185 = arith.andi %add3A_182, %and3A_184 : vector<16xi32>
      %gather3A_186 = tpu.vector_load_idx %arg7[%add3A_138, %and3A_185] : memref<128x128xf32, #tpu.memory_space<vmem>>[vector<16xi32>, vector<16xi32>], vector<16xf32>,
      %add3A_187 = arith.constant 1 : i32
      %add3A_188 = vector.broadcast %add3A_187 : i32 to vector<16xi32>
      %add3A_189 = arith.addi %and3A_185, %add3A_188 : vector<16xi32>
      %and3A_190 = arith.constant 63 : i32
      %and3A_191 = vector.broadcast %and3A_190 : i32 to vector<16xi32>
      %and3A_192 = arith.andi %add3A_189, %and3A_191 : vector<16xi32>
      %gather3A_193 = tpu.vector_load_idx %arg7[%add3A_138, %and3A_192] : memref<128x128xf32, #tpu.memory_space<vmem>>[vector<16xi32>, vector<16xi32>], vector<16xf32>,
      %add3A_194 = arith.constant 1 : i32
      %add3A_195 = vector.broadcast %add3A_194 : i32 to vector<16xi32>
      %add3A_196 = arith.addi %and3A_192, %add3A_195 : vector<16xi32>
      %and3A_197 = arith.constant 63 : i32
      %and3A_198 = vector.broadcast %and3A_197 : i32 to vector<16xi32>
      %and3A_199 = arith.andi %add3A_196, %and3A_198 : vector<16xi32>
      %gather3A_200 = tpu.vector_load_idx %arg7[%add3A_138, %and3A_199] : memref<128x128xf32, #tpu.memory_space<vmem>>[vector<16xi32>, vector<16xi32>], vector<16xf32>,
      %add3A_201 = arith.constant 1 : i32
      %add3A_202 = vector.broadcast %add3A_201 : i32 to vector<16xi32>
      %add3A_203 = arith.addi %and3A_199, %add3A_202 : vector<16xi32>
      %and3A_204 = arith.constant 63 : i32
      %and3A_205 = vector.broadcast %and3A_204 : i32 to vector<16xi32>
      %and3A_206 = arith.andi %add3A_203, %and3A_205 : vector<16xi32>
      %gather3A_207 = tpu.vector_load_idx %arg7[%add3A_138, %and3A_206] : memref<128x128xf32, #tpu.memory_space<vmem>>[vector<16xi32>, vector<16xi32>], vector<16xf32>,
      %add3A_208 = arith.constant 1 : i32
      %add3A_209 = vector.broadcast %add3A_208 : i32 to vector<16xi32>
      %add3A_210 = arith.addi %and3A_206, %add3A_209 : vector<16xi32>
      %and3A_211 = arith.constant 63 : i32
      %and3A_212 = vector.broadcast %and3A_211 : i32 to vector<16xi32>
      %and3A_213 = arith.andi %add3A_210, %and3A_212 : vector<16xi32>
      %gather3A_214 = tpu.vector_load_idx %arg7[%add3A_138, %and3A_213] : memref<128x128xf32, #tpu.memory_space<vmem>>[vector<16xi32>, vector<16xi32>], vector<16xf32>,
      %add3A_215 = arith.constant 1 : i32
      %add3A_216 = vector.broadcast %add3A_215 : i32 to vector<16xi32>
      %add3A_217 = arith.addi %and3A_213, %add3A_216 : vector<16xi32>
      %and3A_218 = arith.constant 63 : i32
      %and3A_219 = vector.broadcast %and3A_218 : i32 to vector<16xi32>
      %and3A_220 = arith.andi %add3A_217, %and3A_219 : vector<16xi32>
      %gather3A_221 = tpu.vector_load_idx %arg7[%add3A_138, %and3A_220] : memref<128x128xf32, #tpu.memory_space<vmem>>[vector<16xi32>, vector<16xi32>], vector<16xf32>,
      %add3A_222 = arith.constant 1 : i32
      %add3A_223 = vector.broadcast %add3A_222 : i32 to vector<16xi32>
      %add3A_224 = arith.addi %and3A_220, %add3A_223 : vector<16xi32>
      %and3A_225 = arith.constant 63 : i32
      %and3A_226 = vector.broadcast %and3A_225 : i32 to vector<16xi32>
      %and3A_227 = arith.andi %add3A_224, %and3A_226 : vector<16xi32>
      %gather3A_228 = tpu.vector_load_idx %arg7[%add3A_138, %and3A_227] : memref<128x128xf32, #tpu.memory_space<vmem>>[vector<16xi32>, vector<16xi32>], vector<16xf32>,
      %add3A_229 = arith.constant 1 : i32
      %add3A_230 = vector.broadcast %add3A_229 : i32 to vector<16xi32>
      %add3A_231 = arith.addi %and3A_227, %add3A_230 : vector<16xi32>
      %and3A_232 = arith.constant 63 : i32
      %and3A_233 = vector.broadcast %and3A_232 : i32 to vector<16xi32>
      %and3A_234 = arith.andi %add3A_231, %and3A_233 : vector<16xi32>
      %gather3A_235 = tpu.vector_load_idx %arg7[%add3A_138, %and3A_234] : memref<128x128xf32, #tpu.memory_space<vmem>>[vector<16xi32>, vector<16xi32>], vector<16xf32>,
      %add3A_236 = arith.constant 1 : i32
      %add3A_237 = vector.broadcast %add3A_236 : i32 to vector<16xi32>
      %add3A_238 = arith.addi %and3A_234, %add3A_237 : vector<16xi32>
      %and3A_239 = arith.constant 63 : i32
      %and3A_240 = vector.broadcast %and3A_239 : i32 to vector<16xi32>
      %and3A_241 = arith.andi %add3A_238, %and3A_240 : vector<16xi32>
      %gather3A_242 = tpu.vector_load_idx %arg7[%add3A_138, %and3A_241] : memref<128x128xf32, #tpu.memory_space<vmem>>[vector<16xi32>, vector<16xi32>], vector<16xf32>,
      %add3A_243 = arith.constant 1 : i32
      %add3A_244 = vector.broadcast %add3A_243 : i32 to vector<16xi32>
      %add3A_245 = arith.addi %and3A_241, %add3A_244 : vector<16xi32>
      %and3A_246 = arith.constant 63 : i32
      %and3A_247 = vector.broadcast %and3A_246 : i32 to vector<16xi32>
      %and3A_248 = arith.andi %add3A_245, %and3A_247 : vector<16xi32>
      %gather3A_249 = tpu.vector_load_idx %arg7[%add3A_138, %and3A_248] : memref<128x128xf32, #tpu.memory_space<vmem>>[vector<16xi32>, vector<16xi32>], vector<16xf32>,
      %add3A_250 = arith.constant 1 : i32
      %add3A_251 = vector.broadcast %add3A_250 : i32 to vector<16xi32>
      %add3A_252 = arith.addi %and3A_248, %add3A_251 : vector<16xi32>
      %and3A_253 = arith.constant 63 : i32
      %and3A_254 = vector.broadcast %and3A_253 : i32 to vector<16xi32>
      %and3A_255 = arith.andi %add3A_252, %and3A_254 : vector<16xi32>
      %gather3A_256 = tpu.vector_load_idx %arg7[%add3A_138, %and3A_255] : memref<128x128xf32, #tpu.memory_space<vmem>>[vector<16xi32>, vector<16xi32>], vector<16xf32>,
      %add3A_257 = arith.constant 1 : i32
      %add3A_258 = vector.broadcast %add3A_257 : i32 to vector<16xi32>
      %add3A_259 = arith.addi %and3A_255, %add3A_258 : vector<16xi32>
      %and3A_260 = arith.constant 63 : i32
      %and3A_261 = vector.broadcast %and3A_260 : i32 to vector<16xi32>
      %and3A_262 = arith.andi %add3A_259, %and3A_261 : vector<16xi32>
      %gather3A_263 = tpu.vector_load_idx %arg7[%add3A_138, %and3A_262] : memref<128x128xf32, #tpu.memory_space<vmem>>[vector<16xi32>, vector<16xi32>], vector<16xf32>,
      %add3A_264 = arith.constant 1 : i32
      %add3A_265 = vector.broadcast %add3A_264 : i32 to vector<16xi32>
      %add3A_266 = arith.addi %and3A_262, %add3A_265 : vector<16xi32>
      %and3A_267 = arith.constant 63 : i32
      %and3A_268 = vector.broadcast %and3A_267 : i32 to vector<16xi32>
      %and3A_269 = arith.andi %add3A_266, %and3A_268 : vector<16xi32>
      %gather3A_270 = tpu.vector_load_idx %arg7[%add3A_138, %and3A_269] : memref<128x128xf32, #tpu.memory_space<vmem>>[vector<16xi32>, vector<16xi32>], vector<16xf32>,
      %add3A_271 = arith.constant 1 : i32
      %add3A_272 = vector.broadcast %add3A_271 : i32 to vector<16xi32>
      %add3A_273 = arith.addi %and3A_269, %add3A_272 : vector<16xi32>
      %and3A_274 = arith.constant 63 : i32
      %and3A_275 = vector.broadcast %and3A_274 : i32 to vector<16xi32>
      %and3A_276 = arith.andi %add3A_273, %and3A_275 : vector<16xi32>
      %gather3A_277 = tpu.vector_load_idx %arg7[%add3A_138, %and3A_276] : memref<128x128xf32, #tpu.memory_space<vmem>>[vector<16xi32>, vector<16xi32>], vector<16xf32>,
      %add3A_278 = arith.constant 1 : i32
      %add3A_279 = vector.broadcast %add3A_278 : i32 to vector<16xi32>
      %add3A_280 = arith.addi %and3A_276, %add3A_279 : vector<16xi32>
      %and3A_281 = arith.constant 63 : i32
      %and3A_282 = vector.broadcast %and3A_281 : i32 to vector<16xi32>
      %and3A_283 = arith.andi %add3A_280, %and3A_282 : vector<16xi32>
      %gather3A_284 = tpu.vector_load_idx %arg7[%add3A_138, %and3A_283] : memref<128x128xf32, #tpu.memory_space<vmem>>[vector<16xi32>, vector<16xi32>], vector<16xf32>,
      %add3A_285 = arith.constant 1 : i32
      %add3A_286 = vector.broadcast %add3A_285 : i32 to vector<16xi32>
      %add3A_287 = arith.addi %and3A_283, %add3A_286 : vector<16xi32>
      %and3A_288 = arith.constant 63 : i32
      %and3A_289 = vector.broadcast %and3A_288 : i32 to vector<16xi32>
      %and3A_290 = arith.andi %add3A_287, %and3A_289 : vector<16xi32>
      %gather3A_291 = tpu.vector_load_idx %arg7[%add3A_138, %and3A_290] : memref<128x128xf32, #tpu.memory_space<vmem>>[vector<16xi32>, vector<16xi32>], vector<16xf32>,
      %add3A_292 = arith.constant 1 : i32
      %add3A_293 = vector.broadcast %add3A_292 : i32 to vector<16xi32>
      %add3A_294 = arith.addi %and3A_290, %add3A_293 : vector<16xi32>
      %and3A_295 = arith.constant 63 : i32
      %and3A_296 = vector.broadcast %and3A_295 : i32 to vector<16xi32>
      %and3A_297 = arith.andi %add3A_294, %and3A_296 : vector<16xi32>
      %gather3A_298 = tpu.vector_load_idx %arg7[%add3A_138, %and3A_297] : memref<128x128xf32, #tpu.memory_space<vmem>>[vector<16xi32>, vector<16xi32>], vector<16xf32>,
      %add3A_299 = arith.constant 1 : i32
      %add3A_300 = vector.broadcast %add3A_299 : i32 to vector<16xi32>
      %add3A_301 = arith.addi %and3A_297, %add3A_300 : vector<16xi32>
      %and3A_302 = arith.constant 63 : i32
      %and3A_303 = vector.broadcast %and3A_302 : i32 to vector<16xi32>
      %and3A_304 = arith.andi %add3A_301, %and3A_303 : vector<16xi32>
      %gather3A_305 = tpu.vector_load_idx %arg7[%add3A_138, %and3A_304] : memref<128x128xf32, #tpu.memory_space<vmem>>[vector<16xi32>, vector<16xi32>], vector<16xf32>,
      %add3A_306 = arith.constant 1 : i32
      %add3A_307 = vector.broadcast %add3A_306 : i32 to vector<16xi32>
      %add3A_308 = arith.addi %and3A_304, %add3A_307 : vector<16xi32>
      %and3A_309 = arith.constant 63 : i32
      %and3A_310 = vector.broadcast %and3A_309 : i32 to vector<16xi32>
      %and3A_311 = arith.andi %add3A_308, %and3A_310 : vector<16xi32>
      %gather3A_312 = tpu.vector_load_idx %arg7[%add3A_138, %and3A_311] : memref<128x128xf32, #tpu.memory_space<vmem>>[vector<16xi32>, vector<16xi32>], vector<16xf32>,
      %add3A_313 = arith.constant 1 : i32
      %add3A_314 = vector.broadcast %add3A_313 : i32 to vector<16xi32>
      %add3A_315 = arith.addi %and3A_311, %add3A_314 : vector<16xi32>
      %and3A_316 = arith.constant 63 : i32
      %and3A_317 = vector.broadcast %and3A_316 : i32 to vector<16xi32>
      %and3A_318 = arith.andi %add3A_315, %and3A_317 : vector<16xi32>
      %gather3A_319 = tpu.vector_load_idx %arg7[%add3A_138, %and3A_318] : memref<128x128xf32, #tpu.memory_space<vmem>>[vector<16xi32>, vector<16xi32>], vector<16xf32>,
      %add3A_320 = arith.constant 1 : i32
      %add3A_321 = vector.broadcast %add3A_320 : i32 to vector<16xi32>
      %add3A_322 = arith.addi %and3A_318, %add3A_321 : vector<16xi32>
      %and3A_323 = arith.constant 63 : i32
      %and3A_324 = vector.broadcast %and3A_323 : i32 to vector<16xi32>
      %and3A_325 = arith.andi %add3A_322, %and3A_324 : vector<16xi32>
      %gather3A_326 = tpu.vector_load_idx %arg7[%add3A_138, %and3A_325] : memref<128x128xf32, #tpu.memory_space<vmem>>[vector<16xi32>, vector<16xi32>], vector<16xf32>,
      %add3A_327 = arith.constant 1 : i32
      %add3A_328 = vector.broadcast %add3A_327 : i32 to vector<16xi32>
      %add3A_329 = arith.addi %and3A_325, %add3A_328 : vector<16xi32>
      %and3A_330 = arith.constant 63 : i32
      %and3A_331 = vector.broadcast %and3A_330 : i32 to vector<16xi32>
      %and3A_332 = arith.andi %add3A_329, %and3A_331 : vector<16xi32>
      %gather3A_333 = tpu.vector_load_idx %arg7[%add3A_138, %and3A_332] : memref<128x128xf32, #tpu.memory_space<vmem>>[vector<16xi32>, vector<16xi32>], vector<16xf32>,
      %add3A_334 = arith.constant 1 : i32
      %add3A_335 = vector.broadcast %add3A_334 : i32 to vector<16xi32>
      %add3A_336 = arith.addi %and3A_332, %add3A_335 : vector<16xi32>
      %and3A_337 = arith.constant 63 : i32
      %and3A_338 = vector.broadcast %and3A_337 : i32 to vector<16xi32>
      %and3A_339 = arith.andi %add3A_336, %and3A_338 : vector<16xi32>
      %gather3A_340 = tpu.vector_load_idx %arg7[%add3A_138, %and3A_339] : memref<128x128xf32, #tpu.memory_space<vmem>>[vector<16xi32>, vector<16xi32>], vector<16xf32>,
      %add3A_341 = arith.constant 1 : i32
      %add3A_342 = vector.broadcast %add3A_341 : i32 to vector<16xi32>
      %add3A_343 = arith.addi %and3A_339, %add3A_342 : vector<16xi32>
      %and3A_344 = arith.constant 63 : i32
      %and3A_345 = vector.broadcast %and3A_344 : i32 to vector<16xi32>
      %and3A_346 = arith.andi %add3A_343, %and3A_345 : vector<16xi32>
      %gather3A_347 = tpu.vector_load_idx %arg7[%add3A_138, %and3A_346] : memref<128x128xf32, #tpu.memory_space<vmem>>[vector<16xi32>, vector<16xi32>], vector<16xf32>,
      %add3A_348 = arith.constant 1 : i32
      %add3A_349 = vector.broadcast %add3A_348 : i32 to vector<16xi32>
      %add3A_350 = arith.addi %and3A_346, %add3A_349 : vector<16xi32>
      %and3A_351 = arith.constant 63 : i32
      %and3A_352 = vector.broadcast %and3A_351 : i32 to vector<16xi32>
      %and3A_353 = arith.andi %add3A_350, %and3A_352 : vector<16xi32>
      %gather3A_354 = tpu.vector_load_idx %arg7[%add3A_138, %and3A_353] : memref<128x128xf32, #tpu.memory_space<vmem>>[vector<16xi32>, vector<16xi32>], vector<16xf32>,
      %add3A_355 = arith.constant 1 : i32
      %add3A_356 = vector.broadcast %add3A_355 : i32 to vector<16xi32>
      %add3A_357 = arith.addi %and3A_353, %add3A_356 : vector<16xi32>
      %and3A_358 = arith.constant 63 : i32
      %and3A_359 = vector.broadcast %and3A_358 : i32 to vector<16xi32>
      %and3A_360 = arith.andi %add3A_357, %and3A_359 : vector<16xi32>
      tpu.vector_store_idx %arg9[%iota3A, %add3A_138], %gather3A : memref<64x128xf32, #tpu.memory_space<vmem>>[vector<16xi32>, vector<16xi32>], vector<16xf32>,
      tpu.vector_store_idx %arg9[%and3A_143, %add3A_138], %gather3A_144 : memref<64x128xf32, #tpu.memory_space<vmem>>[vector<16xi32>, vector<16xi32>], vector<16xf32>,
      tpu.vector_store_idx %arg9[%and3A_150, %add3A_138], %gather3A_151 : memref<64x128xf32, #tpu.memory_space<vmem>>[vector<16xi32>, vector<16xi32>], vector<16xf32>,
      tpu.vector_store_idx %arg9[%and3A_157, %add3A_138], %gather3A_158 : memref<64x128xf32, #tpu.memory_space<vmem>>[vector<16xi32>, vector<16xi32>], vector<16xf32>,
      tpu.vector_store_idx %arg9[%and3A_164, %add3A_138], %gather3A_165 : memref<64x128xf32, #tpu.memory_space<vmem>>[vector<16xi32>, vector<16xi32>], vector<16xf32>,
      tpu.vector_store_idx %arg9[%and3A_171, %add3A_138], %gather3A_172 : memref<64x128xf32, #tpu.memory_space<vmem>>[vector<16xi32>, vector<16xi32>], vector<16xf32>,
      tpu.vector_store_idx %arg9[%and3A_178, %add3A_138], %gather3A_179 : memref<64x128xf32, #tpu.memory_space<vmem>>[vector<16xi32>, vector<16xi32>], vector<16xf32>,
      tpu.vector_store_idx %arg9[%and3A_185, %add3A_138], %gather3A_186 : memref<64x128xf32, #tpu.memory_space<vmem>>[vector<16xi32>, vector<16xi32>], vector<16xf32>,
      tpu.vector_store_idx %arg9[%and3A_192, %add3A_138], %gather3A_193 : memref<64x128xf32, #tpu.memory_space<vmem>>[vector<16xi32>, vector<16xi32>], vector<16xf32>,
      tpu.vector_store_idx %arg9[%and3A_199, %add3A_138], %gather3A_200 : memref<64x128xf32, #tpu.memory_space<vmem>>[vector<16xi32>, vector<16xi32>], vector<16xf32>,
      tpu.vector_store_idx %arg9[%and3A_206, %add3A_138], %gather3A_207 : memref<64x128xf32, #tpu.memory_space<vmem>>[vector<16xi32>, vector<16xi32>], vector<16xf32>,
      tpu.vector_store_idx %arg9[%and3A_213, %add3A_138], %gather3A_214 : memref<64x128xf32, #tpu.memory_space<vmem>>[vector<16xi32>, vector<16xi32>], vector<16xf32>,
      tpu.vector_store_idx %arg9[%and3A_220, %add3A_138], %gather3A_221 : memref<64x128xf32, #tpu.memory_space<vmem>>[vector<16xi32>, vector<16xi32>], vector<16xf32>,
      tpu.vector_store_idx %arg9[%and3A_227, %add3A_138], %gather3A_228 : memref<64x128xf32, #tpu.memory_space<vmem>>[vector<16xi32>, vector<16xi32>], vector<16xf32>,
      tpu.vector_store_idx %arg9[%and3A_234, %add3A_138], %gather3A_235 : memref<64x128xf32, #tpu.memory_space<vmem>>[vector<16xi32>, vector<16xi32>], vector<16xf32>,
      tpu.vector_store_idx %arg9[%and3A_241, %add3A_138], %gather3A_242 : memref<64x128xf32, #tpu.memory_space<vmem>>[vector<16xi32>, vector<16xi32>], vector<16xf32>,
      %gather3A_361 = tpu.vector_load_idx %arg7[%add3A_138, %and3A_360] : memref<128x128xf32, #tpu.memory_space<vmem>>[vector<16xi32>, vector<16xi32>], vector<16xf32>,
      %add3A_362 = arith.constant 1 : i32
      %add3A_363 = vector.broadcast %add3A_362 : i32 to vector<16xi32>
      %add3A_364 = arith.addi %and3A_360, %add3A_363 : vector<16xi32>
      %and3A_365 = arith.constant 63 : i32
      %and3A_366 = vector.broadcast %and3A_365 : i32 to vector<16xi32>
      %and3A_367 = arith.andi %add3A_364, %and3A_366 : vector<16xi32>
      %gather3A_368 = tpu.vector_load_idx %arg7[%add3A_138, %and3A_367] : memref<128x128xf32, #tpu.memory_space<vmem>>[vector<16xi32>, vector<16xi32>], vector<16xf32>,
      %add3A_369 = arith.constant 1 : i32
      %add3A_370 = vector.broadcast %add3A_369 : i32 to vector<16xi32>
      %add3A_371 = arith.addi %and3A_367, %add3A_370 : vector<16xi32>
      %and3A_372 = arith.constant 63 : i32
      %and3A_373 = vector.broadcast %and3A_372 : i32 to vector<16xi32>
      %and3A_374 = arith.andi %add3A_371, %and3A_373 : vector<16xi32>
      %gather3A_375 = tpu.vector_load_idx %arg7[%add3A_138, %and3A_374] : memref<128x128xf32, #tpu.memory_space<vmem>>[vector<16xi32>, vector<16xi32>], vector<16xf32>,
      %add3A_376 = arith.constant 1 : i32
      %add3A_377 = vector.broadcast %add3A_376 : i32 to vector<16xi32>
      %add3A_378 = arith.addi %and3A_374, %add3A_377 : vector<16xi32>
      %and3A_379 = arith.constant 63 : i32
      %and3A_380 = vector.broadcast %and3A_379 : i32 to vector<16xi32>
      %and3A_381 = arith.andi %add3A_378, %and3A_380 : vector<16xi32>
      %gather3A_382 = tpu.vector_load_idx %arg7[%add3A_138, %and3A_381] : memref<128x128xf32, #tpu.memory_space<vmem>>[vector<16xi32>, vector<16xi32>], vector<16xf32>,
      %add3A_383 = arith.constant 1 : i32
      %add3A_384 = vector.broadcast %add3A_383 : i32 to vector<16xi32>
      %add3A_385 = arith.addi %and3A_381, %add3A_384 : vector<16xi32>
      %and3A_386 = arith.constant 63 : i32
      %and3A_387 = vector.broadcast %and3A_386 : i32 to vector<16xi32>
      %and3A_388 = arith.andi %add3A_385, %and3A_387 : vector<16xi32>
      %gather3A_389 = tpu.vector_load_idx %arg7[%add3A_138, %and3A_388] : memref<128x128xf32, #tpu.memory_space<vmem>>[vector<16xi32>, vector<16xi32>], vector<16xf32>,
      %add3A_390 = arith.constant 1 : i32
      %add3A_391 = vector.broadcast %add3A_390 : i32 to vector<16xi32>
      %add3A_392 = arith.addi %and3A_388, %add3A_391 : vector<16xi32>
      %and3A_393 = arith.constant 63 : i32
      %and3A_394 = vector.broadcast %and3A_393 : i32 to vector<16xi32>
      %and3A_395 = arith.andi %add3A_392, %and3A_394 : vector<16xi32>
      %gather3A_396 = tpu.vector_load_idx %arg7[%add3A_138, %and3A_395] : memref<128x128xf32, #tpu.memory_space<vmem>>[vector<16xi32>, vector<16xi32>], vector<16xf32>,
      %add3A_397 = arith.constant 1 : i32
      %add3A_398 = vector.broadcast %add3A_397 : i32 to vector<16xi32>
      %add3A_399 = arith.addi %and3A_395, %add3A_398 : vector<16xi32>
      %and3A_400 = arith.constant 63 : i32
      %and3A_401 = vector.broadcast %and3A_400 : i32 to vector<16xi32>
      %and3A_402 = arith.andi %add3A_399, %and3A_401 : vector<16xi32>
      %gather3A_403 = tpu.vector_load_idx %arg7[%add3A_138, %and3A_402] : memref<128x128xf32, #tpu.memory_space<vmem>>[vector<16xi32>, vector<16xi32>], vector<16xf32>,
      %add3A_404 = arith.constant 1 : i32
      %add3A_405 = vector.broadcast %add3A_404 : i32 to vector<16xi32>
      %add3A_406 = arith.addi %and3A_402, %add3A_405 : vector<16xi32>
      %and3A_407 = arith.constant 63 : i32
      %and3A_408 = vector.broadcast %and3A_407 : i32 to vector<16xi32>
      %and3A_409 = arith.andi %add3A_406, %and3A_408 : vector<16xi32>
      %gather3A_410 = tpu.vector_load_idx %arg7[%add3A_138, %and3A_409] : memref<128x128xf32, #tpu.memory_space<vmem>>[vector<16xi32>, vector<16xi32>], vector<16xf32>,
      %add3A_411 = arith.constant 1 : i32
      %add3A_412 = vector.broadcast %add3A_411 : i32 to vector<16xi32>
      %add3A_413 = arith.addi %and3A_409, %add3A_412 : vector<16xi32>
      %and3A_414 = arith.constant 63 : i32
      %and3A_415 = vector.broadcast %and3A_414 : i32 to vector<16xi32>
      %and3A_416 = arith.andi %add3A_413, %and3A_415 : vector<16xi32>
      %gather3A_417 = tpu.vector_load_idx %arg7[%add3A_138, %and3A_416] : memref<128x128xf32, #tpu.memory_space<vmem>>[vector<16xi32>, vector<16xi32>], vector<16xf32>,
      %add3A_418 = arith.constant 1 : i32
      %add3A_419 = vector.broadcast %add3A_418 : i32 to vector<16xi32>
      %add3A_420 = arith.addi %and3A_416, %add3A_419 : vector<16xi32>
      %and3A_421 = arith.constant 63 : i32
      %and3A_422 = vector.broadcast %and3A_421 : i32 to vector<16xi32>
      %and3A_423 = arith.andi %add3A_420, %and3A_422 : vector<16xi32>
      %gather3A_424 = tpu.vector_load_idx %arg7[%add3A_138, %and3A_423] : memref<128x128xf32, #tpu.memory_space<vmem>>[vector<16xi32>, vector<16xi32>], vector<16xf32>,
      %add3A_425 = arith.constant 1 : i32
      %add3A_426 = vector.broadcast %add3A_425 : i32 to vector<16xi32>
      %add3A_427 = arith.addi %and3A_423, %add3A_426 : vector<16xi32>
      %and3A_428 = arith.constant 63 : i32
      %and3A_429 = vector.broadcast %and3A_428 : i32 to vector<16xi32>
      %and3A_430 = arith.andi %add3A_427, %and3A_429 : vector<16xi32>
      %gather3A_431 = tpu.vector_load_idx %arg7[%add3A_138, %and3A_430] : memref<128x128xf32, #tpu.memory_space<vmem>>[vector<16xi32>, vector<16xi32>], vector<16xf32>,
      %add3A_432 = arith.constant 1 : i32
      %add3A_433 = vector.broadcast %add3A_432 : i32 to vector<16xi32>
      %add3A_434 = arith.addi %and3A_430, %add3A_433 : vector<16xi32>
      %and3A_435 = arith.constant 63 : i32
      %and3A_436 = vector.broadcast %and3A_435 : i32 to vector<16xi32>
      %and3A_437 = arith.andi %add3A_434, %and3A_436 : vector<16xi32>
      %gather3A_438 = tpu.vector_load_idx %arg7[%add3A_138, %and3A_437] : memref<128x128xf32, #tpu.memory_space<vmem>>[vector<16xi32>, vector<16xi32>], vector<16xf32>,
      %add3A_439 = arith.constant 1 : i32
      %add3A_440 = vector.broadcast %add3A_439 : i32 to vector<16xi32>
      %add3A_441 = arith.addi %and3A_437, %add3A_440 : vector<16xi32>
      %and3A_442 = arith.constant 63 : i32
      %and3A_443 = vector.broadcast %and3A_442 : i32 to vector<16xi32>
      %and3A_444 = arith.andi %add3A_441, %and3A_443 : vector<16xi32>
      %gather3A_445 = tpu.vector_load_idx %arg7[%add3A_138, %and3A_444] : memref<128x128xf32, #tpu.memory_space<vmem>>[vector<16xi32>, vector<16xi32>], vector<16xf32>,
      %add3A_446 = arith.constant 1 : i32
      %add3A_447 = vector.broadcast %add3A_446 : i32 to vector<16xi32>
      %add3A_448 = arith.addi %and3A_444, %add3A_447 : vector<16xi32>
      %and3A_449 = arith.constant 63 : i32
      %and3A_450 = vector.broadcast %and3A_449 : i32 to vector<16xi32>
      %and3A_451 = arith.andi %add3A_448, %and3A_450 : vector<16xi32>
      %gather3A_452 = tpu.vector_load_idx %arg7[%add3A_138, %and3A_451] : memref<128x128xf32, #tpu.memory_space<vmem>>[vector<16xi32>, vector<16xi32>], vector<16xf32>,
      %add3A_453 = arith.constant 1 : i32
      %add3A_454 = vector.broadcast %add3A_453 : i32 to vector<16xi32>
      %add3A_455 = arith.addi %and3A_451, %add3A_454 : vector<16xi32>
      %and3A_456 = arith.constant 63 : i32
      %and3A_457 = vector.broadcast %and3A_456 : i32 to vector<16xi32>
      %and3A_458 = arith.andi %add3A_455, %and3A_457 : vector<16xi32>
      %gather3A_459 = tpu.vector_load_idx %arg7[%add3A_138, %and3A_458] : memref<128x128xf32, #tpu.memory_space<vmem>>[vector<16xi32>, vector<16xi32>], vector<16xf32>,
      %add3A_460 = arith.constant 1 : i32
      %add3A_461 = vector.broadcast %add3A_460 : i32 to vector<16xi32>
      %add3A_462 = arith.addi %and3A_458, %add3A_461 : vector<16xi32>
      %and3A_463 = arith.constant 63 : i32
      %and3A_464 = vector.broadcast %and3A_463 : i32 to vector<16xi32>
      %and3A_465 = arith.andi %add3A_462, %and3A_464 : vector<16xi32>
      %gather3A_466 = tpu.vector_load_idx %arg7[%add3A_138, %and3A_465] : memref<128x128xf32, #tpu.memory_space<vmem>>[vector<16xi32>, vector<16xi32>], vector<16xf32>,
      %add3A_467 = arith.constant 1 : i32
      %add3A_468 = vector.broadcast %add3A_467 : i32 to vector<16xi32>
      %add3A_469 = arith.addi %and3A_465, %add3A_468 : vector<16xi32>
      %and3A_470 = arith.constant 63 : i32
      %and3A_471 = vector.broadcast %and3A_470 : i32 to vector<16xi32>
      %and3A_472 = arith.andi %add3A_469, %and3A_471 : vector<16xi32>
      tpu.vector_store_idx %arg9[%and3A_248, %add3A_138], %gather3A_249 : memref<64x128xf32, #tpu.memory_space<vmem>>[vector<16xi32>, vector<16xi32>], vector<16xf32>,
      tpu.vector_store_idx %arg9[%and3A_255, %add3A_138], %gather3A_256 : memref<64x128xf32, #tpu.memory_space<vmem>>[vector<16xi32>, vector<16xi32>], vector<16xf32>,
      tpu.vector_store_idx %arg9[%and3A_262, %add3A_138], %gather3A_263 : memref<64x128xf32, #tpu.memory_space<vmem>>[vector<16xi32>, vector<16xi32>], vector<16xf32>,
      tpu.vector_store_idx %arg9[%and3A_269, %add3A_138], %gather3A_270 : memref<64x128xf32, #tpu.memory_space<vmem>>[vector<16xi32>, vector<16xi32>], vector<16xf32>,
      tpu.vector_store_idx %arg9[%and3A_276, %add3A_138], %gather3A_277 : memref<64x128xf32, #tpu.memory_space<vmem>>[vector<16xi32>, vector<16xi32>], vector<16xf32>,
      tpu.vector_store_idx %arg9[%and3A_283, %add3A_138], %gather3A_284 : memref<64x128xf32, #tpu.memory_space<vmem>>[vector<16xi32>, vector<16xi32>], vector<16xf32>,
      tpu.vector_store_idx %arg9[%and3A_290, %add3A_138], %gather3A_291 : memref<64x128xf32, #tpu.memory_space<vmem>>[vector<16xi32>, vector<16xi32>], vector<16xf32>,
      tpu.vector_store_idx %arg9[%and3A_297, %add3A_138], %gather3A_298 : memref<64x128xf32, #tpu.memory_space<vmem>>[vector<16xi32>, vector<16xi32>], vector<16xf32>,
      tpu.vector_store_idx %arg9[%and3A_304, %add3A_138], %gather3A_305 : memref<64x128xf32, #tpu.memory_space<vmem>>[vector<16xi32>, vector<16xi32>], vector<16xf32>,
      tpu.vector_store_idx %arg9[%and3A_311, %add3A_138], %gather3A_312 : memref<64x128xf32, #tpu.memory_space<vmem>>[vector<16xi32>, vector<16xi32>], vector<16xf32>,
      tpu.vector_store_idx %arg9[%and3A_318, %add3A_138], %gather3A_319 : memref<64x128xf32, #tpu.memory_space<vmem>>[vector<16xi32>, vector<16xi32>], vector<16xf32>,
      tpu.vector_store_idx %arg9[%and3A_325, %add3A_138], %gather3A_326 : memref<64x128xf32, #tpu.memory_space<vmem>>[vector<16xi32>, vector<16xi32>], vector<16xf32>,
      tpu.vector_store_idx %arg9[%and3A_332, %add3A_138], %gather3A_333 : memref<64x128xf32, #tpu.memory_space<vmem>>[vector<16xi32>, vector<16xi32>], vector<16xf32>,
      tpu.vector_store_idx %arg9[%and3A_339, %add3A_138], %gather3A_340 : memref<64x128xf32, #tpu.memory_space<vmem>>[vector<16xi32>, vector<16xi32>], vector<16xf32>,
      tpu.vector_store_idx %arg9[%and3A_346, %add3A_138], %gather3A_347 : memref<64x128xf32, #tpu.memory_space<vmem>>[vector<16xi32>, vector<16xi32>], vector<16xf32>,
      tpu.vector_store_idx %arg9[%and3A_353, %add3A_138], %gather3A_354 : memref<64x128xf32, #tpu.memory_space<vmem>>[vector<16xi32>, vector<16xi32>], vector<16xf32>,
      %gather3A_473 = tpu.vector_load_idx %arg7[%add3A_138, %and3A_472] : memref<128x128xf32, #tpu.memory_space<vmem>>[vector<16xi32>, vector<16xi32>], vector<16xf32>,
      %add3A_474 = arith.constant 1 : i32
      %add3A_475 = vector.broadcast %add3A_474 : i32 to vector<16xi32>
      %add3A_476 = arith.addi %and3A_472, %add3A_475 : vector<16xi32>
      %and3A_477 = arith.constant 63 : i32
      %and3A_478 = vector.broadcast %and3A_477 : i32 to vector<16xi32>
      %and3A_479 = arith.andi %add3A_476, %and3A_478 : vector<16xi32>
      %gather3A_480 = tpu.vector_load_idx %arg7[%add3A_138, %and3A_479] : memref<128x128xf32, #tpu.memory_space<vmem>>[vector<16xi32>, vector<16xi32>], vector<16xf32>,
      %add3A_481 = arith.constant 1 : i32
      %add3A_482 = vector.broadcast %add3A_481 : i32 to vector<16xi32>
      %add3A_483 = arith.addi %and3A_479, %add3A_482 : vector<16xi32>
      %and3A_484 = arith.constant 63 : i32
      %and3A_485 = vector.broadcast %and3A_484 : i32 to vector<16xi32>
      %and3A_486 = arith.andi %add3A_483, %and3A_485 : vector<16xi32>
      %gather3A_487 = tpu.vector_load_idx %arg7[%add3A_138, %and3A_486] : memref<128x128xf32, #tpu.memory_space<vmem>>[vector<16xi32>, vector<16xi32>], vector<16xf32>,
      %add3A_488 = arith.constant 1 : i32
      %add3A_489 = vector.broadcast %add3A_488 : i32 to vector<16xi32>
      %add3A_490 = arith.addi %and3A_486, %add3A_489 : vector<16xi32>
      %and3A_491 = arith.constant 63 : i32
      %and3A_492 = vector.broadcast %and3A_491 : i32 to vector<16xi32>
      %and3A_493 = arith.andi %add3A_490, %and3A_492 : vector<16xi32>
      %gather3A_494 = tpu.vector_load_idx %arg7[%add3A_138, %and3A_493] : memref<128x128xf32, #tpu.memory_space<vmem>>[vector<16xi32>, vector<16xi32>], vector<16xf32>,
      %add3A_495 = arith.constant 1 : i32
      %add3A_496 = vector.broadcast %add3A_495 : i32 to vector<16xi32>
      %add3A_497 = arith.addi %and3A_493, %add3A_496 : vector<16xi32>
      %and3A_498 = arith.constant 63 : i32
      %and3A_499 = vector.broadcast %and3A_498 : i32 to vector<16xi32>
      %and3A_500 = arith.andi %add3A_497, %and3A_499 : vector<16xi32>
      %gather3A_501 = tpu.vector_load_idx %arg7[%add3A_138, %and3A_500] : memref<128x128xf32, #tpu.memory_space<vmem>>[vector<16xi32>, vector<16xi32>], vector<16xf32>,
      %add3A_502 = arith.constant 1 : i32
      %add3A_503 = vector.broadcast %add3A_502 : i32 to vector<16xi32>
      %add3A_504 = arith.addi %and3A_500, %add3A_503 : vector<16xi32>
      %and3A_505 = arith.constant 63 : i32
      %and3A_506 = vector.broadcast %and3A_505 : i32 to vector<16xi32>
      %and3A_507 = arith.andi %add3A_504, %and3A_506 : vector<16xi32>
      %gather3A_508 = tpu.vector_load_idx %arg7[%add3A_138, %and3A_507] : memref<128x128xf32, #tpu.memory_space<vmem>>[vector<16xi32>, vector<16xi32>], vector<16xf32>,
      %add3A_509 = arith.constant 1 : i32
      %add3A_510 = vector.broadcast %add3A_509 : i32 to vector<16xi32>
      %add3A_511 = arith.addi %and3A_507, %add3A_510 : vector<16xi32>
      %and3A_512 = arith.constant 63 : i32
      %and3A_513 = vector.broadcast %and3A_512 : i32 to vector<16xi32>
      %and3A_514 = arith.andi %add3A_511, %and3A_513 : vector<16xi32>
      %gather3A_515 = tpu.vector_load_idx %arg7[%add3A_138, %and3A_514] : memref<128x128xf32, #tpu.memory_space<vmem>>[vector<16xi32>, vector<16xi32>], vector<16xf32>,
      %add3A_516 = arith.constant 1 : i32
      %add3A_517 = vector.broadcast %add3A_516 : i32 to vector<16xi32>
      %add3A_518 = arith.addi %and3A_514, %add3A_517 : vector<16xi32>
      %and3A_519 = arith.constant 63 : i32
      %and3A_520 = vector.broadcast %and3A_519 : i32 to vector<16xi32>
      %and3A_521 = arith.andi %add3A_518, %and3A_520 : vector<16xi32>
      %gather3A_522 = tpu.vector_load_idx %arg7[%add3A_138, %and3A_521] : memref<128x128xf32, #tpu.memory_space<vmem>>[vector<16xi32>, vector<16xi32>], vector<16xf32>,
      %add3A_523 = arith.constant 1 : i32
      %add3A_524 = vector.broadcast %add3A_523 : i32 to vector<16xi32>
      %add3A_525 = arith.addi %and3A_521, %add3A_524 : vector<16xi32>
      %and3A_526 = arith.constant 63 : i32
      %and3A_527 = vector.broadcast %and3A_526 : i32 to vector<16xi32>
      %and3A_528 = arith.andi %add3A_525, %and3A_527 : vector<16xi32>
      %gather3A_529 = tpu.vector_load_idx %arg7[%add3A_138, %and3A_528] : memref<128x128xf32, #tpu.memory_space<vmem>>[vector<16xi32>, vector<16xi32>], vector<16xf32>,
      %add3A_530 = arith.constant 1 : i32
      %add3A_531 = vector.broadcast %add3A_530 : i32 to vector<16xi32>
      %add3A_532 = arith.addi %and3A_528, %add3A_531 : vector<16xi32>
      %and3A_533 = arith.constant 63 : i32
      %and3A_534 = vector.broadcast %and3A_533 : i32 to vector<16xi32>
      %and3A_535 = arith.andi %add3A_532, %and3A_534 : vector<16xi32>
      %gather3A_536 = tpu.vector_load_idx %arg7[%add3A_138, %and3A_535] : memref<128x128xf32, #tpu.memory_space<vmem>>[vector<16xi32>, vector<16xi32>], vector<16xf32>,
      %add3A_537 = arith.constant 1 : i32
      %add3A_538 = vector.broadcast %add3A_537 : i32 to vector<16xi32>
      %add3A_539 = arith.addi %and3A_535, %add3A_538 : vector<16xi32>
      %and3A_540 = arith.constant 63 : i32
      %and3A_541 = vector.broadcast %and3A_540 : i32 to vector<16xi32>
      %and3A_542 = arith.andi %add3A_539, %and3A_541 : vector<16xi32>
      %gather3A_543 = tpu.vector_load_idx %arg7[%add3A_138, %and3A_542] : memref<128x128xf32, #tpu.memory_space<vmem>>[vector<16xi32>, vector<16xi32>], vector<16xf32>,
      %add3A_544 = arith.constant 1 : i32
      %add3A_545 = vector.broadcast %add3A_544 : i32 to vector<16xi32>
      %add3A_546 = arith.addi %and3A_542, %add3A_545 : vector<16xi32>
      %and3A_547 = arith.constant 63 : i32
      %and3A_548 = vector.broadcast %and3A_547 : i32 to vector<16xi32>
      %and3A_549 = arith.andi %add3A_546, %and3A_548 : vector<16xi32>
      %gather3A_550 = tpu.vector_load_idx %arg7[%add3A_138, %and3A_549] : memref<128x128xf32, #tpu.memory_space<vmem>>[vector<16xi32>, vector<16xi32>], vector<16xf32>,
      %add3A_551 = arith.constant 1 : i32
      %add3A_552 = vector.broadcast %add3A_551 : i32 to vector<16xi32>
      %add3A_553 = arith.addi %and3A_549, %add3A_552 : vector<16xi32>
      %and3A_554 = arith.constant 63 : i32
      %and3A_555 = vector.broadcast %and3A_554 : i32 to vector<16xi32>
      %and3A_556 = arith.andi %add3A_553, %and3A_555 : vector<16xi32>
      %gather3A_557 = tpu.vector_load_idx %arg7[%add3A_138, %and3A_556] : memref<128x128xf32, #tpu.memory_space<vmem>>[vector<16xi32>, vector<16xi32>], vector<16xf32>,
      %add3A_558 = arith.constant 1 : i32
      %add3A_559 = vector.broadcast %add3A_558 : i32 to vector<16xi32>
      %add3A_560 = arith.addi %and3A_556, %add3A_559 : vector<16xi32>
      %and3A_561 = arith.constant 63 : i32
      %and3A_562 = vector.broadcast %and3A_561 : i32 to vector<16xi32>
      %and3A_563 = arith.andi %add3A_560, %and3A_562 : vector<16xi32>
      %gather3A_564 = tpu.vector_load_idx %arg7[%add3A_138, %and3A_563] : memref<128x128xf32, #tpu.memory_space<vmem>>[vector<16xi32>, vector<16xi32>], vector<16xf32>,
      %add3A_565 = arith.constant 1 : i32
      %add3A_566 = vector.broadcast %add3A_565 : i32 to vector<16xi32>
      %add3A_567 = arith.addi %and3A_563, %add3A_566 : vector<16xi32>
      %and3A_568 = arith.constant 63 : i32
      %and3A_569 = vector.broadcast %and3A_568 : i32 to vector<16xi32>
      %and3A_570 = arith.andi %add3A_567, %and3A_569 : vector<16xi32>
      %gather3A_571 = tpu.vector_load_idx %arg7[%add3A_138, %and3A_570] : memref<128x128xf32, #tpu.memory_space<vmem>>[vector<16xi32>, vector<16xi32>], vector<16xf32>,
      %add3A_572 = arith.constant 1 : i32
      %add3A_573 = vector.broadcast %add3A_572 : i32 to vector<16xi32>
      %add3A_574 = arith.addi %and3A_570, %add3A_573 : vector<16xi32>
      %and3A_575 = arith.constant 63 : i32
      %and3A_576 = vector.broadcast %and3A_575 : i32 to vector<16xi32>
      %and3A_577 = arith.andi %add3A_574, %and3A_576 : vector<16xi32>
      %gather3A_578 = tpu.vector_load_idx %arg7[%add3A_138, %and3A_577] : memref<128x128xf32, #tpu.memory_space<vmem>>[vector<16xi32>, vector<16xi32>], vector<16xf32>,
      %add3A_579 = arith.constant 1 : i32
      %add3A_580 = vector.broadcast %add3A_579 : i32 to vector<16xi32>
      %add3A_581 = arith.addi %and3A_577, %add3A_580 : vector<16xi32>
      %and3A_582 = arith.constant 63 : i32
      %and3A_583 = vector.broadcast %and3A_582 : i32 to vector<16xi32>
      %and3A_584 = arith.andi %add3A_581, %and3A_583 : vector<16xi32>
      tpu.vector_store_idx %arg9[%and3A_360, %add3A_138], %gather3A_361 : memref<64x128xf32, #tpu.memory_space<vmem>>[vector<16xi32>, vector<16xi32>], vector<16xf32>,
      tpu.vector_store_idx %arg9[%and3A_367, %add3A_138], %gather3A_368 : memref<64x128xf32, #tpu.memory_space<vmem>>[vector<16xi32>, vector<16xi32>], vector<16xf32>,
      tpu.vector_store_idx %arg9[%and3A_374, %add3A_138], %gather3A_375 : memref<64x128xf32, #tpu.memory_space<vmem>>[vector<16xi32>, vector<16xi32>], vector<16xf32>,
      tpu.vector_store_idx %arg9[%and3A_381, %add3A_138], %gather3A_382 : memref<64x128xf32, #tpu.memory_space<vmem>>[vector<16xi32>, vector<16xi32>], vector<16xf32>,
      tpu.vector_store_idx %arg9[%and3A_388, %add3A_138], %gather3A_389 : memref<64x128xf32, #tpu.memory_space<vmem>>[vector<16xi32>, vector<16xi32>], vector<16xf32>,
      tpu.vector_store_idx %arg9[%and3A_395, %add3A_138], %gather3A_396 : memref<64x128xf32, #tpu.memory_space<vmem>>[vector<16xi32>, vector<16xi32>], vector<16xf32>,
      tpu.vector_store_idx %arg9[%and3A_402, %add3A_138], %gather3A_403 : memref<64x128xf32, #tpu.memory_space<vmem>>[vector<16xi32>, vector<16xi32>], vector<16xf32>,
      tpu.vector_store_idx %arg9[%and3A_409, %add3A_138], %gather3A_410 : memref<64x128xf32, #tpu.memory_space<vmem>>[vector<16xi32>, vector<16xi32>], vector<16xf32>,
      tpu.vector_store_idx %arg9[%and3A_416, %add3A_138], %gather3A_417 : memref<64x128xf32, #tpu.memory_space<vmem>>[vector<16xi32>, vector<16xi32>], vector<16xf32>,
      tpu.vector_store_idx %arg9[%and3A_423, %add3A_138], %gather3A_424 : memref<64x128xf32, #tpu.memory_space<vmem>>[vector<16xi32>, vector<16xi32>], vector<16xf32>,
      tpu.vector_store_idx %arg9[%and3A_430, %add3A_138], %gather3A_431 : memref<64x128xf32, #tpu.memory_space<vmem>>[vector<16xi32>, vector<16xi32>], vector<16xf32>,
      tpu.vector_store_idx %arg9[%and3A_437, %add3A_138], %gather3A_438 : memref<64x128xf32, #tpu.memory_space<vmem>>[vector<16xi32>, vector<16xi32>], vector<16xf32>,
      tpu.vector_store_idx %arg9[%and3A_444, %add3A_138], %gather3A_445 : memref<64x128xf32, #tpu.memory_space<vmem>>[vector<16xi32>, vector<16xi32>], vector<16xf32>,
      tpu.vector_store_idx %arg9[%and3A_451, %add3A_138], %gather3A_452 : memref<64x128xf32, #tpu.memory_space<vmem>>[vector<16xi32>, vector<16xi32>], vector<16xf32>,
      tpu.vector_store_idx %arg9[%and3A_458, %add3A_138], %gather3A_459 : memref<64x128xf32, #tpu.memory_space<vmem>>[vector<16xi32>, vector<16xi32>], vector<16xf32>,
      tpu.vector_store_idx %arg9[%and3A_465, %add3A_138], %gather3A_466 : memref<64x128xf32, #tpu.memory_space<vmem>>[vector<16xi32>, vector<16xi32>], vector<16xf32>,
      tpu.vector_store_idx %arg9[%and3A_472, %add3A_138], %gather3A_473 : memref<64x128xf32, #tpu.memory_space<vmem>>[vector<16xi32>, vector<16xi32>], vector<16xf32>,
      tpu.vector_store_idx %arg9[%and3A_479, %add3A_138], %gather3A_480 : memref<64x128xf32, #tpu.memory_space<vmem>>[vector<16xi32>, vector<16xi32>], vector<16xf32>,
      tpu.vector_store_idx %arg9[%and3A_486, %add3A_138], %gather3A_487 : memref<64x128xf32, #tpu.memory_space<vmem>>[vector<16xi32>, vector<16xi32>], vector<16xf32>,
      tpu.vector_store_idx %arg9[%and3A_493, %add3A_138], %gather3A_494 : memref<64x128xf32, #tpu.memory_space<vmem>>[vector<16xi32>, vector<16xi32>], vector<16xf32>,
      tpu.vector_store_idx %arg9[%and3A_500, %add3A_138], %gather3A_501 : memref<64x128xf32, #tpu.memory_space<vmem>>[vector<16xi32>, vector<16xi32>], vector<16xf32>,
      tpu.vector_store_idx %arg9[%and3A_507, %add3A_138], %gather3A_508 : memref<64x128xf32, #tpu.memory_space<vmem>>[vector<16xi32>, vector<16xi32>], vector<16xf32>,
      tpu.vector_store_idx %arg9[%and3A_514, %add3A_138], %gather3A_515 : memref<64x128xf32, #tpu.memory_space<vmem>>[vector<16xi32>, vector<16xi32>], vector<16xf32>,
      tpu.vector_store_idx %arg9[%and3A_521, %add3A_138], %gather3A_522 : memref<64x128xf32, #tpu.memory_space<vmem>>[vector<16xi32>, vector<16xi32>], vector<16xf32>,
      tpu.vector_store_idx %arg9[%and3A_528, %add3A_138], %gather3A_529 : memref<64x128xf32, #tpu.memory_space<vmem>>[vector<16xi32>, vector<16xi32>], vector<16xf32>,
      tpu.vector_store_idx %arg9[%and3A_535, %add3A_138], %gather3A_536 : memref<64x128xf32, #tpu.memory_space<vmem>>[vector<16xi32>, vector<16xi32>], vector<16xf32>,
      tpu.vector_store_idx %arg9[%and3A_542, %add3A_138], %gather3A_543 : memref<64x128xf32, #tpu.memory_space<vmem>>[vector<16xi32>, vector<16xi32>], vector<16xf32>,
      tpu.vector_store_idx %arg9[%and3A_549, %add3A_138], %gather3A_550 : memref<64x128xf32, #tpu.memory_space<vmem>>[vector<16xi32>, vector<16xi32>], vector<16xf32>,
      tpu.vector_store_idx %arg9[%and3A_556, %add3A_138], %gather3A_557 : memref<64x128xf32, #tpu.memory_space<vmem>>[vector<16xi32>, vector<16xi32>], vector<16xf32>,
      tpu.vector_store_idx %arg9[%and3A_563, %add3A_138], %gather3A_564 : memref<64x128xf32, #tpu.memory_space<vmem>>[vector<16xi32>, vector<16xi32>], vector<16xf32>,
      tpu.vector_store_idx %arg9[%and3A_570, %add3A_138], %gather3A_571 : memref<64x128xf32, #tpu.memory_space<vmem>>[vector<16xi32>, vector<16xi32>], vector<16xf32>,
      tpu.vector_store_idx %arg9[%and3A_577, %add3A_138], %gather3A_578 : memref<64x128xf32, #tpu.memory_space<vmem>>[vector<16xi32>, vector<16xi32>], vector<16xf32>,
    }
    %scan3A_119 = arith.constant 8 : i32
    %add3A_120 = arith.constant 384 : i32
    %add3A_121 = arith.addi %mul3A_2, %add3A_120 : i32
    %dma_start3A_122 = arith.constant 3136 : i32
    %dma_start3A_123 = tpu.memref_slice %arg4[%dma_start3A_122, %add3A_121] : memref<3200x16384xf32, #tpu.memory_space<hbm>> -> memref<64x128xf32, #tpu.memory_space<hbm>>
    %dma_start3A_124 = arith.constant 3136 : i32
    %dma_start3A_125 = tpu.memref_slice %arg4[%dma_start3A_124, %add3A_121] : memref<3200x16384xf32, #tpu.memory_space<hbm>> -> memref<64x128xf32, #tpu.memory_space<hbm>>
    tpu.enqueue_dma source(%arg9 : memref<64x128xf32, #tpu.memory_space<vmem>>) target(%dma_start3A_125 : memref<64x128xf32, #tpu.memory_space<hbm>>) target_semaphore(%arg15 : memref<!tpu.dma_semaphore, #tpu.memory_space<semaphore_mem>>)
    %dma_wait3A_126 = arith.constant 3136 : i32
    %dma_wait3A_127 = tpu.memref_slice %arg4[%dma_wait3A_126, %add3A_97] : memref<3200x16384xf32, #tpu.memory_space<hbm>> -> memref<64x128xf32, #tpu.memory_space<hbm>>
    %dma_wait3A_128 = arith.constant 3136 : i32
    %dma_wait3A_129 = tpu.memref_slice %arg4[%dma_wait3A_128, %add3A_97] : memref<3200x16384xf32, #tpu.memory_space<hbm>> -> memref<64x128xf32, #tpu.memory_space<hbm>>
    tpu.wait_dma2 semaphore(%arg14 : memref<!tpu.dma_semaphore, #tpu.memory_space<semaphore_mem>>) src(%arg8 : memref<64x128xf32, #tpu.memory_space<vmem>>) dst(%dma_wait3A_129 : memref<64x128xf32, #tpu.memory_space<hbm>>)
    %dma_wait3A_130 = arith.constant 3136 : i32
    %dma_wait3A_131 = tpu.memref_slice %arg4[%dma_wait3A_130, %add3A_121] : memref<3200x16384xf32, #tpu.memory_space<hbm>> -> memref<64x128xf32, #tpu.memory_space<hbm>>
    %dma_wait3A_132 = arith.constant 3136 : i32
    %dma_wait3A_133 = tpu.memref_slice %arg4[%dma_wait3A_132, %add3A_121] : memref<3200x16384xf32, #tpu.memory_space<hbm>> -> memref<64x128xf32, #tpu.memory_space<hbm>>
    tpu.wait_dma2 semaphore(%arg15 : memref<!tpu.dma_semaphore, #tpu.memory_space<semaphore_mem>>) src(%arg9 : memref<64x128xf32, #tpu.memory_space<vmem>>) dst(%dma_wait3A_133 : memref<64x128xf32, #tpu.memory_space<hbm>>)
    return
  }
}

</mosaic_0001>

<sc_bundles>
// kernel: kernel.3.cloned.1.call-start
scs
__scs_entry_jumppad:
0x0: {  	(pc) =	sbr.rel $0x88, $3  }
0x1: {  	(tag) =	ssettag $0x0;
	lr =	simm.s32 $0x1  }
0x2: {  	[smem:$0x3F9F] =	sst lr;
	_ =	strace $0xD0000000  }
0x3: {  	_ = 	snop  }
0x4: {  	_ = 	snop  }
0x5: {  	_ = 	snop  }
0x6: {  	_ = 	snop  }
0x7: {  	_ = 	snop  }
__scs_overlays_trampoline_lowered:
0x8: {  	[smem:$0x3FAE] =	sst s0  }
0x9: {  	[smem:$0x3FAF] =	sst s1  }
0xa: {  	[smem:$0x3FB0] =	sst s2  }
0xb: {  	[smem:$0x3FB1] =	sst s3  }
0xc: {  	[smem:$0x3FB2] =	sst s4  }
0xd: {  	[smem:$0x3FB3] =	sst s5  }
0xe: {  	[smem:$0x3FB4] =	sst s6  }
0xf: {  	[smem:$0x3FB5] =	sst s7  }
0x10: {  	[smem:$0x3FB6] =	sst s8  }
0x11: {  	[smem:$0x3FB7] =	sst s9;
	s0 =	simm.s32 @!p0 $0x0  }
0x12: {  	s1 =	sld [smem:$0x3F9D];
	s0 =	simm.s32 @p0 $0x1  }
0x13: {  	[smem:$0x3FB8] =	sst s0;
	s0 =	simm.s32 @!p1 $0x0  }
0x14: {  	s2 =	sld [smem:$0x3F9C];
	s0 =	simm.s32 @p1 $0x1  }
0x15: {  	[smem:$0x3FB9] =	sst s0;
	s0 =	simm.s32 @!p2 $0x0  }
0x16: {  	s3 =	sld [smem:$0x3FDB];
	s0 =	simm.s32 @p2 $0x1  }
0x17: {  	s4 =	simm.s32 $0x1BF5;
	[smem:$0x3FBB] =	sst s0  }
0x18: {  	s0 =	sld [smem:$0x3F9E];
	_ =	swait.ge [sflag:s4], $0x0  }
0x19: {  	s7 =	sld [smem:$0x3F9F]  }
0x1a: {  	s8 =	sadd.s32 $0xFFFFE003, lr  }
0x1b: {  	s9 =	sadd.s32 $0xFFFFFEF7, lr;
	s5 =	simm.s32 $0xFFFFFFFF;
	p2 =	slt.u32 s8, $0xFFFFF086  }
0x1c: {  	p1 =	slt.u32 s9, $0xF7A;
	s5 =	simm.s32 @!p2 $0x0  }
0x1d: {  	s5 =	simm.s32 @p1 $0x1;
	p0 =	seq.s32 s7, s2  }
0x1e: {  	s7 =	smul.u32 @!p0 $0xF7A, s2;
	p2 =	seq.s32 @!p0 s5, $0x0  }
0x1f: {  	s9 =	smul.u32 $0xF7A, s1;
	s8 =	simm.s32 @!p0 $0x1BF5;
	p2 =	por !p2, p0  }
0x20: {  	[sflag:s8] =	ssyncset.s32 @!p0 $0xFFFFF086;
	s6 =	sadd.s32 @!p0 s3, s7;
	s7 =	simm.s32 @!p0 $0x108  }
0x21: {  	s3 =	sadd.s32 s3, s9;
	s6 =	sadd.s32 @!p0 $0x88, s6;
	s7 =	simm.s32 @p2 $0x1082  }
0x22: {  	[simem:s7], [sflag:s8] =	dma.local @!p0 [hbm:s6], $0xF7A  }
0x23: {  	s9 =	sor.u32 $0xD0000000, s2;
	s6 =	simm.s32 $0x108;
	_ =	swait.ge @!p0 [sflag:s8], $0x0  }
0x24: {  	s3 =	sadd.s32 $0x88, s3;
	s6 =	simm.s32 @!p1 $0x1082;
	[sflag:s4] =	ssyncset.s32 $0xFFFFF086  }
0x25: {  	[simem:s6], [sflag:s4] =	dma.local [hbm:s3], $0xF7A  }
0x26: {  	[smem:$0x3F9F] =	sst s1;
	(tag) =	ssettag s2;
	_ =	strace s9  }
0x27: {  	s1 =	sld [smem:$0x3FAF]  }
0x28: {  	s2 =	sld [smem:$0x3FB0]  }
0x29: {  	s4 =	sld [smem:$0x3FB2]  }
0x2a: {  	p0 =	seq.s32 s5, $0x0;
	s5 =	sld [smem:$0x3FB3]  }
0x2b: {  	s6 =	sld [smem:$0x3FB4]  }
0x2c: {  	s7 =	sld [smem:$0x3FB5]  }
0x2d: {  	s3 =	simm.s32 $0x108;
	s8 =	sld [smem:$0x3FB6]  }
0x2e: {  	s3 =	simm.s32 @!p0 $0x1082;
	s9 =	sld [smem:$0x3FB7]  }
0x2f: {  	lr =	sadd.s32 s0, s3;
	s0 =	sld [smem:$0x3FAE]  }
0x30: {  	s3 =	sld [smem:$0x3FB1]  }
0x31: {  	[smem:$0x3FBA] =	sst s10  }
0x32: {  	s10 =	sld [smem:$0x3FB8];
	_ =	sdelay $0x3  }
0x33: {  	p0 =	seq.s32 s10, $0x1;
	s10 =	sld [smem:$0x3FBA];
	_ =	sdelay $0x3  }
0x34: {  	[smem:$0x3FBA] =	sst s10  }
0x35: {  	s10 =	sld [smem:$0x3FB9];
	_ =	sdelay $0x3  }
0x36: {  	p1 =	seq.s32 s10, $0x1;
	s10 =	sld [smem:$0x3FBA];
	_ =	sdelay $0x3  }
0x37: {  	[smem:$0x3FBA] =	sst s10  }
0x38: {  	s10 =	sld [smem:$0x3FBB]  }
0x39: {  	_ = 	snop;
	(pc) =	sbr.ind lr, $3  }
0x3a: {  	_ = 	snop  }
0x3b: {  	_ = 	snop  }
0x3c: {  	p2 =	seq.s32 s10, $0x1;
	s10 =	sld [smem:$0x3FBA]  }
0x3d: {  	_ =	shalt  }
0x3e: {  	_ =	shalt  }
0x3f: {  	_ =	shalt  }
0x40: {  	_ =	shalt  }
0x41: {  	_ =	shalt  }
0x42: {  	_ =	shalt  }
0x43: {  	_ =	shalt  }
0x44: {  	_ =	shalt  }
0x45: {  	_ =	shalt  }
0x46: {  	_ =	shalt  }
0x47: {  	_ =	shalt  }
0x48: {  	_ =	shalt  }
0x49: {  	_ =	shalt  }
0x4a: {  	_ =	shalt  }
0x4b: {  	_ =	shalt  }
0x4c: {  	_ =	shalt  }
0x4d: {  	_ =	shalt  }
0x4e: {  	_ =	shalt  }
0x4f: {  	_ =	shalt  }
0x50: {  	_ =	shalt  }
0x51: {  	_ =	shalt  }
0x52: {  	_ =	shalt  }
0x53: {  	_ =	shalt  }
0x54: {  	_ =	shalt  }
0x55: {  	_ =	shalt  }
0x56: {  	_ =	shalt  }
0x57: {  	_ =	shalt  }
0x58: {  	_ =	shalt  }
0x59: {  	_ =	shalt  }
0x5a: {  	_ =	shalt  }
0x5b: {  	_ =	shalt  }
0x5c: {  	_ =	shalt  }
0x5d: {  	_ =	shalt  }
0x5e: {  	_ =	shalt  }
0x5f: {  	_ =	shalt  }
0x60: {  	_ =	shalt  }
0x61: {  	_ =	shalt  }
0x62: {  	_ =	shalt  }
0x63: {  	_ =	shalt  }
0x64: {  	_ =	shalt  }
0x65: {  	_ =	shalt  }
0x66: {  	_ =	shalt  }
0x67: {  	_ =	shalt  }
0x68: {  	_ =	shalt  }
0x69: {  	_ =	shalt  }
0x6a: {  	_ =	shalt  }
0x6b: {  	_ =	shalt  }
0x6c: {  	_ =	shalt  }
0x6d: {  	_ =	shalt  }
0x6e: {  	_ =	shalt  }
0x6f: {  	_ =	shalt  }
0x70: {  	_ =	shalt  }
0x71: {  	_ =	shalt  }
0x72: {  	_ =	shalt  }
0x73: {  	_ =	shalt  }
0x74: {  	_ =	shalt  }
0x75: {  	_ =	shalt  }
0x76: {  	_ =	shalt  }
0x77: {  	_ =	shalt  }
0x78: {  	_ =	shalt  }
0x79: {  	_ =	shalt  }
0x7a: {  	_ =	shalt  }
0x7b: {  	_ =	shalt  }
0x7c: {  	_ =	shalt  }
0x7d: {  	_ =	shalt  }
0x7e: {  	_ =	shalt  }
0x7f: {  	_ =	shalt  }
0x80: {  	_ =	shalt  }
0x81: {  	_ =	shalt  }
0x82: {  	_ =	shalt  }
0x83: {  	_ =	shalt  }
0x84: {  	_ =	shalt  }
0x85: {  	_ =	shalt  }
0x86: {  	_ =	shalt  }
0x87: {  	_ =	shalt  }
.Lfunc_end0:
.L_simem_size_0:
called_computation_lowered:
.L_overlay_start_0:
0x88: {  	s2 =	sld [smem:$0x3FD9]  }
0x89: {  	s3 =	sld [smem:$0x3FFE];
	_ =	sdelay $0x1  }
0x8a: {  	s1 =	srdreg.scid  }
0x8b: {  	s0 =	sand.u32 $0x1, s1  }
0x8c: {  	s17 =	sshll.u32 s0, $0xA;
	s2 =	sadd.s32 s3, s2  }
0x8d: {  	s2 =	sadd.s32 s2, s17  }
0x8e: {  	[smem:$0x3FC6] =	sst s2  }
0x8f: {  	_ = 	snop  }
0x90: {  	s2 =	sld [smem:$0x3FC9]  }
0x91: {  	s18 =	sld [smem:$0x3FD0];
	(tm) =	ssettm $0x1  }
0x92: {  	s4 =	sld [smem:$0x3FFB];
	_ =	sdelay $0x3  }
0x93: {  	_ =	strace s4  }
0x94: {  	s4 =	sld [smem:$0x3FFC];
	_ =	sdelay $0x3  }
0x95: {  	_ =	strace s4  }
0x96: {  	s4 =	sld [smem:$0x3FFD];
	_ =	sdelay $0x3  }
0x97: {  	_ =	strace s4  }
0x98: {  	_ =	strace $0x8FFFFFFF  }
0x99: {  	s19 =	sld [smem:$0x3FDB];
	_ =	sdelay $0x1  }
0x9a: {  	s5 =	simm.s32 $_scs_section_size  }
0x9b: {  	s6 =	simm.s32 $_size__tile_overlayer_lowered;
	s7 =	simm.s32 $_tile_overlayer_lowered  }
0x9c: {  	s22 =	simm.s32 $0x1BFF;
	s21 =	sshll.u32 s7, $0x1;
	s4 =	sadd.s32 s5, s19  }
0x9d: {  	s8 =	simm.s32 $0x0;
	s20 =	sshll.u32 s6, $0x1;
	s6 =	sadd.s32 s21, s4  }
0x9e: {  	[timem:s8], [sflag:s22] =	dma.local [hbm:s6], s20  }
0x9f: {  	_ =	swait.ge [sflag:s22], s20  }
0xa0: {  	s5 =	ssub.s32 $0x0, s20;
	[sflag:s22] =	ssyncset.done $0x0  }
0xa1: {  	[sflag:s22] =	ssyncadd.s32 s5;
	_ =	sdelay $0x1  }
0xa2: {  	s23 =	simm.s32 $0x1B8B  }
0xa3: {  	_ =	swait.ge [sflag:s23], $0x1  }
0xa4: {  	[sflag:s23] =	ssyncset.done $0x0  }
0xa5: {  	s25 =	simm.s32 $0x1B8E;
	s24 =	sld [smem:$0x3FFE];
	[sflag:s23] =	ssyncadd.s32 $0xFFFFFFFF  }
0xa6: {  	s26 =	simm.s32 $execute0_lowered;
	[smem:$0x3FD2] =	sst s25  }
0xa7: {  	s6 =	sshll.u32 s26, $0x1;
	_ =	strace $0x80000046;
	[dreg:$0x1] =	wrdreg $0xFFFFFFFF  }
0xa8: {  	s28 =	simm.s32 $_size_execute0_lowered;
	s4 =	sadd.s32 s4, s6;
	[dreg:$0x0] =	wrdreg $0x0  }
0xa9: {  	s6 =	sshll.u32 s28, $0x1;
	[dreg:$0x2] =	wrdreg s4  }
0xaa: {  	[dreg:$0x3] =	wrdreg s6  }
0xab: {  	[dreg:$0x4] =	wrdreg $0xC0  }
0xac: {  	_ =	task [dreg:s8], $0x5FFFF  }
0xad: {  	[dreg:$0x1] =	wrdreg $0xFFFFFFFF  }
0xae: {  	[dreg:$0x0] =	wrdreg $0x60  }
0xaf: {  	[dreg:$0x2] =	wrdreg s24  }
0xb0: {  	[dreg:$0x3] =	wrdreg s2  }
0xb1: {  	[dreg:$0x4] =	wrdreg s18  }
0xb2: {  	[dreg:$0x5] =	wrdreg $0x9  }
0xb3: {  	_ =	task.clear_ibuf [dreg:s8], $0x6FFFF;
	_ =	strace $0x90000046  }
0xb4: {  	s29 =	simm.s32 $0x9;
	_ =	strace $0x80000048  }
0xb5: {  	_ =	swait.ge [sflag:s29], $0x1  }
0xb6: {  	[sflag:s29] =	ssyncadd.s32 $0xFFFFFFFF  }
0xb7: {  	_ =	strace $0x90000048  }
0xb8: {  	_ =	sfence  }
0xb9: {  	s30 =	sld [smem:$0x0];
	_ =	sdelay $0x2  }
0xba: {  	s31 =	sshll.u32 s1, $0xD;
	s1 =	sshrl.u32 s1, $0x2  }
0xbb: {  	s3 =	sand.u32 $0x4000, s31;
	s1 =	sadd.s32 s1, s30  }
0xbc: {  	s0 =	sor.u32 s3, s0;
	s1 =	sshll.u32 s1, $0x11  }
0xbd: {  	s0 =	sor.u32 s1, s0  }
0xbe: {  	s0 =	sadd.s32 $0x8F2B, s0  }
0xbf: {  	[sflag:s0] =	ssyncadd.remote.s32 $0x1  }
0xc0: {  	_ =	sfence.sel $0xFFFF  }
0xc1: {  	[dreg:$0x0] =	wrdreg $0xFFFFFFFF;
	(pc) =	sbr.abs _section_cstart, $3  }
0xc2: {  	[dreg:$0x1] =	wrdreg $0xFFFFFFFF  }
0xc3: {  	_ =	task.clear_ibuf [dreg:s8], $0x2FFFF;
	_ =	strace $0x9FFFFFFF  }
0xc4: {  	(tm) =	ssettm $0x7FFFFFFF  }
0xc5: {  	_ =	shalt  }
tec
execute0_lowered:
.L_overlay_start_1:
0x0: {  	(tag) =	ssettag $0x1  }
0x1: {  	v0 =	vlaneseq.u32  }
0x2: {  	v1 =	vor.u32 $0x20, v0  }
0x3: {  	v2 =	vor.u32 $0x860, v0;
	[tilespmem:$0x1F980] =	vst v1  }
0x4: {  	v1 =	vor.u32 $0x40, v0;
	[tilespmem:$0x1FAB0] =	vst v2  }
0x5: {  	[tilespmem:$0x1F990] =	vst v1;
	v1 =	vor.u32 $0x50, v0  }
0x6: {  	[tilespmem:$0x1F9A0] =	vst v1;
	v1 =	vor.u32 $0x60, v0  }
0x7: {  	[tilespmem:$0x1F9B0] =	vst v1;
	v1 =	vor.u32 $0x70, v0  }
0x8: {  	[tilespmem:$0x1F9C0] =	vst v1;
	v1 =	vor.u32 $0x400, v0  }
0x9: {  	[tilespmem:$0x1F9D0] =	vst v1;
	v1 =	vor.u32 $0x410, v0  }
0xa: {  	[tilespmem:$0x1F9E0] =	vst v1;
	v1 =	vor.u32 $0x420, v0  }
0xb: {  	[tilespmem:$0x1F9F0] =	vst v1;
	v1 =	vor.u32 $0x430, v0  }
0xc: {  	[tilespmem:$0x1FA00] =	vst v1;
	v1 =	vor.u32 $0x440, v0  }
0xd: {  	[tilespmem:$0x1FA10] =	vst v1;
	v1 =	vor.u32 $0x450, v0  }
0xe: {  	[tilespmem:$0x1FA20] =	vst v1;
	v1 =	vor.u32 $0x460, v0  }
0xf: {  	[tilespmem:$0x1FA30] =	vst v1;
	v1 =	vor.u32 $0x470, v0  }
0x10: {  	[tilespmem:$0x1FA40] =	vst v1;
	v1 =	vor.u32 $0x800, v0  }
0x11: {  	[tilespmem:$0x1FA50] =	vst v1;
	v1 =	vor.u32 $0x810, v0  }
0x12: {  	v3 =	vimm.s32 $0x39383736;
	[tilespmem:$0x1FA60] =	vst v1;
	v1 =	vor.u32 $0x820, v0  }
0x13: {  	v4 =	vimm.s32 $0x1003F3E;
	v48 =	vimm.s32 $0x3B3A3938;
	[tilespmem:$0x1FA70] =	vst v1;
	v1 =	vor.u32 $0x830, v0  }
0x14: {  	v49 =	vimm.s32 $0x4030201;
	v50 =	vimm.s32 $0x5040302;
	[tilespmem:$0x1FA80] =	vst v1;
	v1 =	vor.u32 $0x840, v0  }
0x15: {  	v51 =	vimm.s32 $0x32107654;
	v52 =	vimm.s32 $0x98765432;
	[tilespmem:$0x1FA90] =	vst v1;
	v1 =	vor.u32 $0x850, v0  }
0x16: {  	vm0 =	vcmask $0x1F10;
	v2 =	vimm.s32 $0x38373635;
	[tilespmem:$0x1FAA0] =	vst v1;
	v1 =	vimm.s32 $0x34333231  }
0x17: {  	v6 =	vimm.s32 $0xA9876543;
	v27 =	vunpack.c.0.s8.s32 v2;
	v1 =	vunpack.c.0.s8.s32 v1  }
0x18: {  	v53 =	vimm.s32 $0x43218765;
	vm1 =	vcmask $0x2F10;
	v56 =	vimm.s32 $0xB0A0908  }
0x19: {  	v2 =	vimm.s32 $0x35343332;
	v30 =	vsel vm0, v27, v1;
	v1 =	vimm.s32 $0x3C3B3A39  }
0x1a: {  	v28 =	vunpack.c.0.s8.s32 v3;
	v2 =	vunpack.c.0.s8.s32 v2;
	v1 =	vunpack.c.0.s8.s32 v1  }
0x1b: {  	v58 =	vimm.s32 $0x54329876;
	vm8 =	vcmask $0x3F30;
	v3 =	vimm.s32 $0x3F3E3D  }
0x1c: {  	v39 =	vunpack.c.0.s8.s32 v3;
	v3 =	vimm.s32 $0x3A393837;
	[tilespmem:$0x1FAC0] =	vst v1;
	v1 =	vsel vm0, v28, v2  }
0x1d: {  	v59 =	vimm.s32 $0x6543A987;
	v44 =	vunpack.c.0.s8.s32 v3;
	[tilespmem:$0x1FAD0] =	vst v1;
	v1 =	vimm.s32 $0x3D3C3B3A  }
0x1e: {  	v2 =	vimm.s32 $0x36353433;
	v54 =	vunpack.c.0.s8.s32 v1;
	v1 =	vimm.s32 $0x3E3D3C3B  }
0x1f: {  	v3 =	vimm.s32 $0x3F3E3D3C;
	v2 =	vunpack.c.0.s8.s32 v2;
	v1 =	vunpack.c.0.s8.s32 v1  }
0x20: {  	v55 =	vunpack.c.0.s8.s32 v4;
	v5 =	vunpack.c.0.s8.s32 v48;
	v7 =	vunpack.c.0.s8.s32 v3  }
0x21: {  	v3 =	vimm.s32 $0x37363534;
	v2 =	vsel vm0, v44, v2;
	[tilespmem:$0x1FAF0] =	vst v1;
	v1 =	vimm.s32 $0x3020100  }
0x22: {  	v3 =	vunpack.c.0.s8.s32 v3;
	[tilespmem:$0x1FAE0] =	vst v2;
	v2 =	vimm.s32 $0x201003F;
	v1 =	vunpack.c.0.s8.s32 v1  }
0x23: {  	v4 =	vunpack.c.0.s8.s32 v50;
	v8 =	vunpack.c.0.s8.s32 v2;
	v2 =	vunpack.c.0.s8.s32 v49  }
0x24: {  	v60 =	vimm.s32 $0xD0C0B0A;
	v3 =	vsel vm0, v5, v3;
	v1 =	vsel vm0, v1, v7  }
0x25: {  	v57 =	vsel vm0, v2, v39;
	v2 =	vsel vm0, v4, v55;
	v1 =	vcombine.low v3, v1  }
0x26: {  	v62 =	vimm.s32 $0xF;
	vm2 =	vcmask $0x300;
	[tilespmem:$0x1FB20] =	vst v2;
	v2 =	vimm.s32 $0x87654321  }
0x27: {  	vm3 =	vcmask $0x704;
	v2 =	vunpack.c.l.s4.s8 v2;
	[tilespmem:$0x1FB10] =	vst v1;
	v1 =	vimm.s32 $0x6050403  }
0x28: {  	v4 =	vunpack.c.l.s4.s8 v51;
	v3 =	vimm.s32 $0x76543210;
	v1 =	vunpack.c.0.s8.s32 v1  }
0x29: {  	vm4 =	vcmask $0xB08;
	v3 =	vunpack.c.l.s4.s8 v3;
	v2 =	vunpack.c.0.s8.s32 v2  }
0x2a: {  	[tilespmem:$0x1FB00] =	vst v5;
	v5 =	vunpack.c.l.s4.s8 v52;
	v4 =	vunpack.c.0.s8.s32 v4;
	v1 =	vsel vm0, v1, v8  }
0x2b: {  	v3 =	vunpack.c.0.s8.s32 v3;
	v2 =	vand.u32 $0xF, v2;
	[tilespmem:$0x1FB30] =	vst v1;
	v1 =	vunpack.c.l.s4.s8 v6  }
0x2c: {  	vm5 =	vcmask $0xF0C;
	vm6 =	vcmask $0x1310;
	[tilespmem:$0x1FB50] =	vst v2;
	v2 =	vunpack.c.0.s8.s32 v5  }
0x2d: {  	[tilespmem:$0x1FB40] =	vst v3;
	v3 =	vand.u32 $0xF, v4;
	v4 =	vunpack.c.l.s4.s8 v53;
	v1 =	vunpack.c.0.s8.s32 v1  }
0x2e: {  	v5 =	vunpack.c.0.s8.s32 v56;
	v3 =	vsel vm1, v3, v7;
	v2 =	vand.u32 $0xF, v2  }
0x2f: {  	v6 =	vunpack.c.l.s4.s8 v58;
	v4 =	vunpack.c.0.s8.s32 v4;
	[tilespmem:$0x1FB70] =	vst v2;
	v1 =	vand.u32 $0xF, v1  }
0x30: {  	vm7 =	vcmask $0x1714;
	v2 =	vimm.s32 $0xC0B0A09;
	[tilespmem:$0x1FB80] =	vst v1;
	v1 =	vsel vm8, v5, v3  }
0x31: {  	v2 =	vunpack.c.0.s8.s32 v2;
	v3 =	vunpack.c.0.s8.s32 v6;
	[tilespmem:$0x1FB90] =	vst v1;
	v1 =	vand.u32 $0xF, v4  }
0x32: {  	vm9 =	vcmask $0x2320;
	v4 =	vunpack.c.l.s4.s8 v59;
	v1 =	vsel vm1, v1, v39  }
0x33: {  	vm10 =	vcmask $0x2724;
	v3 =	vand.u32 $0xF, v3;
	v6 =	vsel vm8, v2, v1  }
0x34: {  	v1 =	vsel vm1, v3, v55;
	v2 =	vunpack.c.0.s8.s32 v60;
	v3 =	vunpack.c.0.s8.s32 v4  }
0x35: {  	vm11 =	vcmask $0x2B28;
	vm12 =	vcmask $0x2F2C;
	vm13 =	vcmask $0x3330  }
0x36: {  	[tilespmem:$0x1FB60] =	vst v7;
	v7 =	vsel vm8, v2, v1;
	v2 =	vand.u32 $0xF, v3;
	v3 =	vimm.s32 $0xE0D0C0B  }
0x37: {  	vm14 =	vcmask $0x3734;
	v1 =	vsel vm2, $0x1880, v62;
	v3 =	vunpack.c.0.s8.s32 v3  }
0x38: {  	vm15 =	vcmask $0x3B38;
	v1 =	vsel vm3, $0x1901, v1;
	v2 =	vsel vm1, v2, v8  }
0x39: {  	vm1 =	vcmask $0x1F1C;
	v25 =	vsel vm8, v3, v2;
	v3 =	vimm.s32 $0x10F  }
0x3a: {  	v1 =	vsel vm4, $0x1982, v1;
	v2 =	vimm.s32 $0x8F;
	v3 =	vsel vm2, $0x1980, v3  }
0x3b: {  	v1 =	vsel vm5, $0x1A03, v1;
	v2 =	vsel vm2, $0x1900, v2;
	v3 =	vsel vm3, $0x1A01, v3  }
0x3c: {  	vm8 =	vcmask $0x1B18;
	v2 =	vsel vm3, $0x1981, v2;
	v3 =	vsel vm4, $0x1A82, v3  }
0x3d: {  	v1 =	vsel vm6, $0x1A84, v1;
	v2 =	vsel vm4, $0x1A02, v2;
	v3 =	vsel vm5, $0x1B03, v3  }
0x3e: {  	v1 =	vsel vm7, $0x1B05, v1;
	v2 =	vsel vm5, $0x1A83, v2;
	v3 =	vsel vm6, $0x1B84, v3  }
0x3f: {  	v1 =	vsel vm8, $0x1B86, v1;
	v2 =	vsel vm6, $0x1B04, v2;
	v3 =	vsel vm7, $0x1C05, v3  }
0x40: {  	v1 =	vsel vm1, $0x1C07, v1;
	v2 =	vsel vm7, $0x1B85, v2;
	v3 =	vsel vm8, $0x1C86, v3  }
0x41: {  	v1 =	vsel vm9, $0x1C88, v1;
	v2 =	vsel vm8, $0x1C06, v2;
	v3 =	vsel vm1, $0x1D07, v3  }
0x42: {  	v1 =	vsel vm10, $0x1D09, v1;
	v2 =	vsel vm1, $0x1C87, v2;
	v3 =	vsel vm9, $0x1D88, v3  }
0x43: {  	v1 =	vsel vm11, $0x1D8A, v1;
	v2 =	vsel vm9, $0x1D08, v2;
	v3 =	vsel vm10, $0x1E09, v3  }
0x44: {  	v1 =	vsel vm12, $0x1E0B, v1;
	v2 =	vsel vm10, $0x1D89, v2;
	v3 =	vsel vm11, $0x1E8A, v3  }
0x45: {  	v1 =	vsel vm13, $0x1E8C, v1;
	v2 =	vsel vm11, $0x1E0A, v2;
	v3 =	vsel vm12, $0x1F0B, v3  }
0x46: {  	v1 =	vsel vm14, $0x1F0D, v1;
	v2 =	vsel vm12, $0x1E8B, v2;
	v3 =	vsel vm13, $0x1F8C, v3  }
0x47: {  	v59 =	vsel vm15, $0x1F8E, v1;
	v2 =	vsel vm13, $0x1F0C, v2;
	v1 =	vsel vm14, $0xD, v3  }
0x48: {  	v2 =	vsel vm14, $0x1F8D, v2;
	v52 =	vsel vm15, $0x8E, v1;
	v1 =	vimm.s32 $0x18F  }
0x49: {  	v60 =	vsel vm15, $0xE, v2;
	v2 =	vimm.s32 $0x20F;
	v1 =	vsel vm2, $0x1A00, v1  }
0x4a: {  	v3 =	vimm.s32 $0x28F;
	v2 =	vsel vm2, $0x1A80, v2;
	v1 =	vsel vm3, $0x1A81, v1  }
0x4b: {  	v3 =	vsel vm2, $0x1B00, v3;
	v2 =	vsel vm3, $0x1B01, v2;
	v1 =	vsel vm4, $0x1B02, v1  }
0x4c: {  	v3 =	vsel vm3, $0x1B81, v3;
	v2 =	vsel vm4, $0x1B82, v2;
	v1 =	vsel vm5, $0x1B83, v1  }
0x4d: {  	v3 =	vsel vm4, $0x1C02, v3;
	v2 =	vsel vm5, $0x1C03, v2;
	v1 =	vsel vm6, $0x1C04, v1  }
0x4e: {  	v3 =	vsel vm5, $0x1C83, v3;
	v2 =	vsel vm6, $0x1C84, v2;
	v1 =	vsel vm7, $0x1C85, v1  }
0x4f: {  	v3 =	vsel vm6, $0x1D04, v3;
	v2 =	vsel vm7, $0x1D05, v2;
	v1 =	vsel vm8, $0x1D06, v1  }
0x50: {  	v3 =	vsel vm7, $0x1D85, v3;
	v2 =	vsel vm8, $0x1D86, v2;
	v1 =	vsel vm1, $0x1D87, v1  }
0x51: {  	v3 =	vsel vm8, $0x1E06, v3;
	v2 =	vsel vm1, $0x1E07, v2;
	v1 =	vsel vm9, $0x1E08, v1  }
0x52: {  	v3 =	vsel vm1, $0x1E87, v3;
	v2 =	vsel vm9, $0x1E88, v2;
	v1 =	vsel vm10, $0x1E89, v1  }
0x53: {  	v3 =	vsel vm9, $0x1F08, v3;
	v2 =	vsel vm10, $0x1F09, v2;
	v1 =	vsel vm11, $0x1F0A, v1  }
0x54: {  	v3 =	vsel vm10, $0x1F89, v3;
	v2 =	vsel vm11, $0x1F8A, v2;
	v1 =	vsel vm12, $0x1F8B, v1  }
0x55: {  	v3 =	vsel vm11, $0xA, v3;
	v2 =	vsel vm12, $0xB, v2;
	v1 =	vsel vm13, $0xC, v1  }
0x56: {  	v3 =	vsel vm12, $0x8B, v3;
	v2 =	vsel vm13, $0x8C, v2;
	v1 =	vsel vm14, $0x8D, v1  }
0x57: {  	v3 =	vsel vm13, $0x10C, v3;
	v2 =	vsel vm14, $0x10D, v2;
	v31 =	vsel vm15, $0x10E, v1  }
0x58: {  	v38 =	vsel vm15, $0x18E, v2;
	v1 =	vsel vm14, $0x18D, v3;
	v2 =	vimm.s32 $0x38F  }
0x59: {  	v35 =	vsel vm15, $0x20E, v1;
	v1 =	vimm.s32 $0x30F;
	v2 =	vsel vm2, $0x1C00, v2  }
0x5a: {  	v3 =	vimm.s32 $0x40F;
	v1 =	vsel vm2, $0x1B80, v1;
	v2 =	vsel vm3, $0x1C81, v2  }
0x5b: {  	v3 =	vsel vm2, $0x1C80, v3;
	v1 =	vsel vm3, $0x1C01, v1;
	v2 =	vsel vm4, $0x1D02, v2  }
0x5c: {  	v3 =	vsel vm3, $0x1D01, v3;
	v1 =	vsel vm4, $0x1C82, v1;
	v2 =	vsel vm5, $0x1D83, v2  }
0x5d: {  	v3 =	vsel vm4, $0x1D82, v3;
	v1 =	vsel vm5, $0x1D03, v1;
	v2 =	vsel vm6, $0x1E04, v2  }
0x5e: {  	v3 =	vsel vm5, $0x1E03, v3;
	v1 =	vsel vm6, $0x1D84, v1;
	v2 =	vsel vm7, $0x1E85, v2  }
0x5f: {  	v3 =	vsel vm6, $0x1E84, v3;
	v1 =	vsel vm7, $0x1E05, v1;
	v2 =	vsel vm8, $0x1F06, v2  }
0x60: {  	v3 =	vsel vm7, $0x1F05, v3;
	v1 =	vsel vm8, $0x1E86, v1;
	v2 =	vsel vm1, $0x1F87, v2  }
0x61: {  	v3 =	vsel vm8, $0x1F86, v3;
	v1 =	vsel vm1, $0x1F07, v1;
	v2 =	vsel vm9, $0x8, v2  }
0x62: {  	v3 =	vsel vm1, $0x7, v3;
	v1 =	vsel vm9, $0x1F88, v1;
	v2 =	vsel vm10, $0x89, v2  }
0x63: {  	v3 =	vsel vm9, $0x88, v3;
	v1 =	vsel vm10, $0x9, v1;
	v2 =	vsel vm11, $0x10A, v2  }
0x64: {  	v3 =	vsel vm10, $0x109, v3;
	v1 =	vsel vm11, $0x8A, v1;
	v2 =	vsel vm12, $0x18B, v2  }
0x65: {  	v3 =	vsel vm11, $0x18A, v3;
	v1 =	vsel vm12, $0x10B, v1;
	v2 =	vsel vm13, $0x20C, v2  }
0x66: {  	v3 =	vsel vm12, $0x20B, v3;
	v1 =	vsel vm13, $0x18C, v1;
	v2 =	vsel vm14, $0x28D, v2  }
0x67: {  	v3 =	vsel vm13, $0x28C, v3;
	v1 =	vsel vm14, $0x20D, v1;
	v41 =	vsel vm15, $0x30E, v2  }
0x68: {  	v2 =	vimm.s32 $0x50F;
	v40 =	vsel vm15, $0x28E, v1;
	v1 =	vsel vm14, $0x30D, v3  }
0x69: {  	v2 =	vsel vm2, $0x1D80, v2;
	v42 =	vsel vm15, $0x38E, v1;
	v1 =	vimm.s32 $0x48F  }
0x6a: {  	v3 =	vimm.s32 $0x58F;
	v2 =	vsel vm3, $0x1E01, v2;
	v1 =	vsel vm2, $0x1D00, v1  }
0x6b: {  	v3 =	vsel vm2, $0x1E00, v3;
	v2 =	vsel vm4, $0x1E82, v2;
	v1 =	vsel vm3, $0x1D81, v1  }
0x6c: {  	v3 =	vsel vm3, $0x1E81, v3;
	v2 =	vsel vm5, $0x1F03, v2;
	v1 =	vsel vm4, $0x1E02, v1  }
0x6d: {  	v3 =	vsel vm4, $0x1F02, v3;
	v2 =	vsel vm6, $0x1F84, v2;
	v1 =	vsel vm5, $0x1E83, v1  }
0x6e: {  	v3 =	vsel vm5, $0x1F83, v3;
	v2 =	vsel vm7, $0x5, v2;
	v1 =	vsel vm6, $0x1F04, v1  }
0x6f: {  	v3 =	vsel vm6, $0x4, v3;
	v2 =	vsel vm8, $0x86, v2;
	v1 =	vsel vm7, $0x1F85, v1  }
0x70: {  	v3 =	vsel vm7, $0x85, v3;
	v2 =	vsel vm1, $0x107, v2;
	v1 =	vsel vm8, $0x6, v1  }
0x71: {  	v3 =	vsel vm8, $0x106, v3;
	v2 =	vsel vm9, $0x188, v2;
	v1 =	vsel vm1, $0x87, v1  }
0x72: {  	v3 =	vsel vm1, $0x187, v3;
	v2 =	vsel vm10, $0x209, v2;
	v1 =	vsel vm9, $0x108, v1  }
0x73: {  	v3 =	vsel vm9, $0x208, v3;
	v2 =	vsel vm11, $0x28A, v2;
	v1 =	vsel vm10, $0x189, v1  }
0x74: {  	v3 =	vsel vm10, $0x289, v3;
	v2 =	vsel vm12, $0x30B, v2;
	v1 =	vsel vm11, $0x20A, v1  }
0x75: {  	v3 =	vsel vm11, $0x30A, v3;
	v2 =	vsel vm13, $0x38C, v2;
	v1 =	vsel vm12, $0x28B, v1  }
0x76: {  	v3 =	vsel vm12, $0x38B, v3;
	v2 =	vsel vm14, $0x40D, v2;
	v1 =	vsel vm13, $0x30C, v1  }
0x77: {  	v26 =	vsel vm15, $0x48E, v2;
	v2 =	vimm.s32 $0x68F;
	v1 =	vsel vm14, $0x38D, v1  }
0x78: {  	v3 =	vsel vm13, $0x40C, v3;
	v2 =	vsel vm2, $0x1F00, v2;
	v24 =	vsel vm15, $0x40E, v1  }
0x79: {  	v1 =	vsel vm14, $0x48D, v3;
	v3 =	vimm.s32 $0x70F;
	v2 =	vsel vm3, $0x1F81, v2  }
0x7a: {  	v3 =	vsel vm2, $0x1F80, v3;
	v2 =	vsel vm4, $0x2, v2  }
0x7b: {  	v3 =	vsel vm3, $0x1, v3;
	v2 =	vsel vm5, $0x83, v2  }
0x7c: {  	v3 =	vsel vm4, $0x82, v3;
	v2 =	vsel vm6, $0x104, v2  }
0x7d: {  	v3 =	vsel vm5, $0x103, v3;
	v2 =	vsel vm7, $0x185, v2  }
0x7e: {  	v3 =	vsel vm6, $0x184, v3;
	v2 =	vsel vm8, $0x206, v2  }
0x7f: {  	v3 =	vsel vm7, $0x205, v3;
	v2 =	vsel vm1, $0x287, v2  }
0x80: {  	v3 =	vsel vm8, $0x286, v3;
	v2 =	vsel vm9, $0x308, v2  }
0x81: {  	v3 =	vsel vm1, $0x307, v3;
	v2 =	vsel vm10, $0x389, v2  }
0x82: {  	v3 =	vsel vm9, $0x388, v3;
	v2 =	vsel vm11, $0x40A, v2  }
0x83: {  	v3 =	vsel vm10, $0x409, v3;
	v2 =	vsel vm12, $0x48B, v2  }
0x84: {  	v3 =	vsel vm11, $0x48A, v3;
	v2 =	vsel vm13, $0x50C, v2  }
0x85: {  	s0 =	rddreg [dreg:$0x0];
	v3 =	vsel vm12, $0x50B, v3;
	v2 =	vsel vm14, $0x58D, v2  }
0x86: {  	s3 =	rddreg [dreg:$0x1];
	s2 =	simm.s32 $0x0;
	[tilespmem:$0x1FBA0] =	vst v8;
	v63 =	vsel vm13, $0x58C, v3;
	v3 =	vsel vm15, $0x60E, v2;
	v2 =	vor.u32 $0x870, v0  }
0x87: {  	v23 =	vor.u32 $0x30, v0;
	[smem:$0x7FF] =	sst s2;
	[tilespmem:$0x1FBB0] =	vst v2  }
0x88: {  	s1 =	rddreg [dreg:$0x2];
	_ =	strace $0x80000047;
	[tilespmem:$0x1FC20] =	vst v23  }
0x89: {  	[tilespmem:$0x1FC30] =	vst v27  }
0x8a: {  	[tilespmem:$0x1FC40] =	vst v28  }
0x8b: {  	[tilespmem:$0x1FC50] =	vst v30  }
0x8c: {  	[tilespmem:$0x1FC60] =	vst v39  }
0x8d: {  	[tilespmem:$0x1FC70] =	vst v44  }
0x8e: {  	[tilespmem:$0x1FC80] =	vst v54  }
0x8f: {  	[tilespmem:$0x1FC90] =	vst v55  }
0x90: {  	[tilespmem:$0x1FCA0] =	vst v57  }
0x91: {  	[tilespmem:$0x1FCB0] =	vst v6  }
0x92: {  	[tilespmem:$0x1FCC0] =	vst v7  }
0x93: {  	[tilespmem:$0x1FCD0] =	vst v25  }
0x94: {  	[tilespmem:$0x1FCE0] =	vst v59  }
0x95: {  	[tilespmem:$0x1FCF0] =	vst v60  }
0x96: {  	[tilespmem:$0x1FD00] =	vst v52  }
0x97: {  	[tilespmem:$0x1FD10] =	vst v31  }
0x98: {  	[tilespmem:$0x1FD20] =	vst v38  }
0x99: {  	[tilespmem:$0x1FD30] =	vst v35  }
0x9a: {  	[tilespmem:$0x1FD40] =	vst v40  }
0x9b: {  	[tilespmem:$0x1FD50] =	vst v41  }
0x9c: {  	[tilespmem:$0x1FD60] =	vst v42  }
0x9d: {  	[tilespmem:$0x1FD70] =	vst v24  }
0x9e: {  	v33 =	vsel vm15, $0x50E, v1;
	[tilespmem:$0x1FD80] =	vst v26  }
0x9f: {  	v37 =	vmul.u32 $0x80, v0;
	[tilespmem:$0x1FD90] =	vst v33  }
0xa0: {  	[tilespmem:$0x1FDB0] =	vst v3  }
0xa1: {  	v53 =	vadd.s32 $0x1, v0;
	[tilespmem:$0x1FDD0] =	vst v37  }
0xa2: {  	v61 =	vor.u32 $0x10, v0;
	[tilespmem:$0x1FDE0] =	vst v53  }
0xa3: {  	v4 =	vadd.s32 $0x2, v0;
	[tilespmem:$0x1FDF0] =	vst v61  }
0xa4: {  	v51 =	vadd.s32 $0x3, v0;
	[tilespmem:$0x1FE00] =	vst v4  }
0xa5: {  	v9 =	vadd.s32 $0x4, v0;
	[tilespmem:$0x1FE10] =	vst v51  }
0xa6: {  	v10 =	vadd.s32 $0x5, v0;
	[tilespmem:$0x1FE20] =	vst v9  }
0xa7: {  	v11 =	vadd.s32 $0x6, v0;
	[tilespmem:$0x1FE30] =	vst v10  }
0xa8: {  	v12 =	vadd.s32 $0x7, v0;
	[tilespmem:$0x1FE40] =	vst v11  }
0xa9: {  	v13 =	vadd.s32 $0x8, v0;
	[tilespmem:$0x1FE50] =	vst v12  }
0xaa: {  	v14 =	vadd.s32 $0x9, v0;
	[tilespmem:$0x1FE60] =	vst v13  }
0xab: {  	v15 =	vadd.s32 $0xA, v0;
	[tilespmem:$0x1FE70] =	vst v14  }
0xac: {  	v16 =	vadd.s32 $0xB, v0;
	[tilespmem:$0x1FE80] =	vst v15  }
0xad: {  	v17 =	vadd.s32 $0xC, v0;
	[tilespmem:$0x1FE90] =	vst v16  }
0xae: {  	v18 =	vadd.s32 $0xD, v0;
	[tilespmem:$0x1FEA0] =	vst v17  }
0xaf: {  	v19 =	vadd.s32 $0xE, v0;
	[tilespmem:$0x1FEB0] =	vst v18  }
0xb0: {  	v20 =	vadd.s32 $0xF, v0;
	[tilespmem:$0x1FEC0] =	vst v19  }
0xb1: {  	v22 =	vadd.s32 $0x11, v0;
	[tilespmem:$0x1FED0] =	vst v20  }
0xb2: {  	v21 =	vadd.s32 $0x12, v0;
	[tilespmem:$0x1FEE0] =	vst v22  }
0xb3: {  	v34 =	vadd.s32 $0x13, v0;
	v1 =	vimm.s32 $0x60F;
	[tilespmem:$0x1FEF0] =	vst v21  }
0xb4: {  	v45 =	vadd.s32 $0x14, v0;
	v36 =	vmul.u32 $0x81, v0;
	v1 =	vsel vm2, $0x1E80, v1;
	[tilespmem:$0x1FF00] =	vst v34  }
0xb5: {  	v1 =	vsel vm3, $0x1F01, v1;
	[tilespmem:$0x1FF10] =	vst v45  }
0xb6: {  	v1 =	vsel vm4, $0x1F82, v1;
	v2 =	vadd.s32 $0x1C, v0;
	[tilespmem:$0x1FF20] =	vst v36  }
0xb7: {  	v32 =	vadd.s32 $0x1E, v0;
	v1 =	vsel vm5, $0x3, v1;
	[tilespmem:$0x1FF30] =	vst v2  }
0xb8: {  	v43 =	vadd.s32 $0x80, v36;
	v1 =	vsel vm6, $0x84, v1;
	[tilespmem:$0x1FF40] =	vst v32  }
0xb9: {  	v5 =	vadd.s32 $0x1D, v0;
	v1 =	vsel vm7, $0x105, v1;
	[tilespmem:$0x1FF50] =	vst v43  }
0xba: {  	v58 =	vadd.s32 $0x1F, v0;
	v1 =	vsel vm8, $0x186, v1;
	[tilespmem:$0x1FF70] =	vst v5  }
0xbb: {  	v50 =	vadd.s32 $0x1A, v0;
	v1 =	vsel vm1, $0x207, v1;
	[tilespmem:$0x1FF80] =	vst v58  }
0xbc: {  	v62 =	vadd.s32 $0x100, v36;
	v1 =	vsel vm9, $0x288, v1;
	[tilespmem:$0x1FF90] =	vst v50  }
0xbd: {  	v8 =	vadd.s32 $0x1B, v0;
	v1 =	vsel vm10, $0x309, v1;
	[tilespmem:$0x1FFA0] =	vst v62  }
0xbe: {  	v47 =	vadd.s32 $0x16, v0;
	v1 =	vsel vm11, $0x38A, v1;
	[tilespmem:$0x1FFB0] =	vst v8  }
0xbf: {  	s4 =	srdreg.scid;
	v49 =	vadd.s32 $0x18, v0;
	v1 =	vsel vm12, $0x40B, v1;
	[tilespmem:$0x1FFC0] =	vst v47  }
0xc0: {  	s5 =	stileid.u32;
	s14 =	simm.s32 $0x20000;
	s15 =	simm.s32 $0x5;
	v46 =	vadd.s32 $0x15, v0;
	v1 =	vsel vm13, $0x48C, v1;
	[tilespmem:$0x1FFD0] =	vst v49  }
0xc1: {  	s16 =	simm.s32 $0x80;
	s17 =	simm.s32 $0x13000;
	s18 =	simm.s32 $0x7000;
	v48 =	vadd.s32 $0x17, v0;
	v1 =	vsel vm14, $0x50D, v1;
	[tilespmem:$0x1FFE0] =	vst v46  }
0xc2: {  	s19 =	simm.s32 $0x13080;
	s20 =	simm.s32 $0xB000;
	s21 =	simm.s32 $0x1;
	[tilespmem:$0x1FFF0] =	vst v48;
	v29 =	vsel vm15, $0x58E, v1  }
0xc3: {  	s22 =	simm.s32 $0xF000;
	s23 =	simm.s32 $0x400;
	s4 =	sand.u32 $0x1, s4;
	v1 =	vsel vm14, $0x60D, v63;
	v63 =	vadd.s32 $0x200, v36;
	[tilespmem:$0x1FDA0] =	vst v29  }
0xc4: {  	s5 =	sshll.u32 s5, $0xA;
	s6 =	ssub.s32 $0x2, s4;
	s7 =	sshll.u32 s4, $0x9;
	v56 =	vsel vm15, $0x68E, v1;
	v1 =	vadd.s32 $0x19, v0;
	[tilespmem:$0x1FF60] =	vst v63  }
0xc5: {  	s4 =	sadd.s32 $0xF42800, s0;
	s25 =	sshrl.u32 s6, $0x1;
	s5 =	sor.u32 s7, s5;
	[tilespmem:$0x1FBC0] =	vst v1  }
0xc6: {  	s7 =	sadd.s32 $0x80, s1;
	s0 =	ssub.s32 s6, s25;
	s3 =	sadd.s32 s3, s5;
	v1 =	vadd.s32 $0x180, v36;
	[tilespmem:$0x1FDC0] =	vst v56  }
0xc7: {  	s6 =	sadd.s32 s1, s5;
	s26 =	sadd.s32 s5, s7;
	[dreg:$0x4] =	wrdreg s3;
	[tilespmem:$0x1FBD0] =	vst v1;
	v1 =	vadd.s32 $0x280, v36  }
0xc8: {  	s24 =	simm.s32 $0x2;
	s30 =	sadd.s32 $0x620100, s6;
	[dreg:$0x5] =	wrdreg s26;
	[tilespmem:$0x1FBE0] =	vst v1;
	v1 =	vadd.s32 $0x300, v36  }
0xc9: {  	s28 =	simm.s32 $0x4;
	s31 =	sadd.s32 $0x620180, s6;
	[dreg:$0x6] =	wrdreg s30;
	[tilespmem:$0x1FBF0] =	vst v1;
	v1 =	vadd.s32 $0x380, v36  }
0xca: {  	s29 =	simm.s32 $0x0;
	s0 =	smax.u32 s0, $0x1;
	[dreg:$0x7] =	wrdreg s31;
	[tilespmem:$0x1FC00] =	vst v1;
	v1 =	vadd.s32 $0x400, v36  }
0xcb: {  	s25 =	simm.s32 $0x11000;
	[dreg:$0x8] =	wrdreg s0;
	s26 =	simm.s32 $0x3;
	[tilespmem:$0x1FC10] =	vst v1  }
.LBB2_1:
0xcc: {  	s0 =	rddreg [dreg:$0x4];
	s3 =	simm.s32 $0x1000  }
0xcd: {  	[tilespmem:s2], [sflag:$0x5] =	stream.strided.gather [hbm4b:s0+s3], $0x7000, s14, s3, $0x38;
	[tilespmem:$0x13100] =	vst v63  }
0xce: {  	_ =	swait.ge [sflag:s15], $0x7000  }
0xcf: {  	[sflag:s15] =	ssyncset.done $0x0  }
0xd0: {  	[sflag:s15] =	ssyncadd.s32 $0xFFFF9000  }
0xd1: {  	v1 =	vld.idx.msk [tilespmem:v0+s2+$0x0], $0xffff;
	_ =	sdelay $0x4  }
0xd2: {  	[tilespmem:$0x13000] =	vst v1  }
0xd3: {  	v1 =	vld.idx.msk [tilespmem:v61+s2+$0x0], $0xffff;
	_ =	sdelay $0x4  }
0xd4: {  	[tilespmem:$0x13010] =	vst v1;
	v1 =	vld [tilespmem:$0x1F980];
	_ =	sdelay $0x7  }
0xd5: {  	v1 =	vld.idx.msk [tilespmem:v1+s2+$0x0], $0xffff;
	_ =	sdelay $0x4  }
0xd6: {  	[tilespmem:$0x13020] =	vst v1  }
0xd7: {  	v1 =	vld.idx.msk [tilespmem:v23+s2+$0x0], $0xffff;
	_ =	sdelay $0x4  }
0xd8: {  	[tilespmem:$0x13030] =	vst v1;
	v1 =	vld [tilespmem:$0x1F990];
	_ =	sdelay $0x7  }
0xd9: {  	v1 =	vld.idx.msk [tilespmem:v1+s2+$0x0], $0xffff;
	_ =	sdelay $0x4  }
0xda: {  	[tilespmem:$0x13040] =	vst v1;
	v1 =	vld [tilespmem:$0x1F9A0];
	_ =	sdelay $0x7  }
0xdb: {  	v1 =	vld.idx.msk [tilespmem:v1+s2+$0x0], $0xffff;
	_ =	sdelay $0x4  }
0xdc: {  	[tilespmem:$0x13050] =	vst v1;
	v1 =	vld [tilespmem:$0x1F9B0];
	_ =	sdelay $0x7  }
0xdd: {  	v1 =	vld.idx.msk [tilespmem:v1+s2+$0x0], $0xffff;
	_ =	sdelay $0x4  }
0xde: {  	[tilespmem:$0x13060] =	vst v1;
	v1 =	vld [tilespmem:$0x1F9C0];
	_ =	sdelay $0x7  }
0xdf: {  	v1 =	vld.idx.msk [tilespmem:v1+s2+$0x0], $0xffff;
	_ =	sdelay $0x4  }
0xe0: {  	[tilespmem:$0x13070] =	vst v1;
	v1 =	vld [tilespmem:$0x1F9D0];
	_ =	sdelay $0x6  }
0xe1: {  	[tilespmem:s18], [sflag:$0x1] =	stream.indirect.gather [hbm4b:s4+s16], $0x80, s17, s16, $0xb8;
	[tilespmem:$0x13100] =	vst v63  }
0xe2: {  	v1 =	vld.idx.msk [tilespmem:v1+s2+$0x0], $0xffff;
	_ =	sdelay $0x4  }
0xe3: {  	[tilespmem:$0x13080] =	vst v1;
	v1 =	vld [tilespmem:$0x1F9E0];
	_ =	sdelay $0x7  }
0xe4: {  	v1 =	vld.idx.msk [tilespmem:v1+s2+$0x0], $0xffff;
	_ =	sdelay $0x4  }
0xe5: {  	[tilespmem:$0x13090] =	vst v1;
	v1 =	vld [tilespmem:$0x1F9F0];
	_ =	sdelay $0x7  }
0xe6: {  	v1 =	vld.idx.msk [tilespmem:v1+s2+$0x0], $0xffff;
	_ =	sdelay $0x4  }
0xe7: {  	[tilespmem:$0x130A0] =	vst v1;
	v1 =	vld [tilespmem:$0x1FA00];
	_ =	sdelay $0x7  }
0xe8: {  	v1 =	vld.idx.msk [tilespmem:v1+s2+$0x0], $0xffff;
	_ =	sdelay $0x4  }
0xe9: {  	[tilespmem:$0x130B0] =	vst v1;
	v1 =	vld [tilespmem:$0x1FA10];
	_ =	sdelay $0x7  }
0xea: {  	v1 =	vld.idx.msk [tilespmem:v1+s2+$0x0], $0xffff;
	_ =	sdelay $0x4  }
0xeb: {  	[tilespmem:$0x130C0] =	vst v1;
	v1 =	vld [tilespmem:$0x1FA20];
	_ =	sdelay $0x7  }
0xec: {  	v1 =	vld.idx.msk [tilespmem:v1+s2+$0x0], $0xffff;
	_ =	sdelay $0x4  }
0xed: {  	[tilespmem:$0x130D0] =	vst v1;
	v1 =	vld [tilespmem:$0x1FA30];
	_ =	sdelay $0x7  }
0xee: {  	v1 =	vld.idx.msk [tilespmem:v1+s2+$0x0], $0xffff;
	_ =	sdelay $0x4  }
0xef: {  	[tilespmem:$0x130E0] =	vst v1;
	v1 =	vld [tilespmem:$0x1FA40];
	_ =	sdelay $0x7  }
0xf0: {  	v1 =	vld.idx.msk [tilespmem:v1+s2+$0x0], $0xffff;
	_ =	sdelay $0x4  }
0xf1: {  	[tilespmem:$0x130F0] =	vst v1  }
0xf2: {  	[tilespmem:s20], [sflag:$0x2] =	stream.indirect.gather [hbm4b:s4+s16], $0x80, s19, s16, $0xb8;
	[tilespmem:$0x13100] =	vst v63  }
0xf3: {  	_ =	swait.ge [sflag:s21], $0x4000  }
0xf4: {  	v1 =	vld [tilespmem:$0x1FA50];
	_ =	sdelay $0x5  }
0xf5: {  	[sflag:s21] =	ssyncset.done $0x0  }
0xf6: {  	[sflag:s21] =	ssyncadd.s32 $0xFFFFC000  }
0xf7: {  	v1 =	vld.idx.msk [tilespmem:v1+s2+$0x0], $0xffff;
	_ =	sdelay $0x4  }
0xf8: {  	[tilespmem:$0x13000] =	vst v1;
	v1 =	vld [tilespmem:$0x1FA60];
	_ =	sdelay $0x7  }
0xf9: {  	v1 =	vld.idx.msk [tilespmem:v1+s2+$0x0], $0xffff;
	_ =	sdelay $0x4  }
0xfa: {  	[tilespmem:$0x13010] =	vst v1;
	v1 =	vld [tilespmem:$0x1FA70];
	_ =	sdelay $0x7  }
0xfb: {  	v1 =	vld.idx.msk [tilespmem:v1+s2+$0x0], $0xffff;
	_ =	sdelay $0x4  }
0xfc: {  	[tilespmem:$0x13020] =	vst v1;
	v1 =	vld [tilespmem:$0x1FA80];
	_ =	sdelay $0x7  }
0xfd: {  	v1 =	vld.idx.msk [tilespmem:v1+s2+$0x0], $0xffff;
	_ =	sdelay $0x4  }
0xfe: {  	[tilespmem:$0x13030] =	vst v1;
	v1 =	vld [tilespmem:$0x1FA90];
	_ =	sdelay $0x7  }
0xff: {  	v1 =	vld.idx.msk [tilespmem:v1+s2+$0x0], $0xffff;
	_ =	sdelay $0x4  }
0x100: {  	[tilespmem:$0x13040] =	vst v1;
	v1 =	vld [tilespmem:$0x1FAA0];
	_ =	sdelay $0x7  }
0x101: {  	v1 =	vld.idx.msk [tilespmem:v1+s2+$0x0], $0xffff;
	_ =	sdelay $0x4  }
0x102: {  	[tilespmem:$0x13050] =	vst v1;
	v1 =	vld [tilespmem:$0x1FAB0];
	_ =	sdelay $0x7  }
0x103: {  	v1 =	vld.idx.msk [tilespmem:v1+s2+$0x0], $0xffff;
	_ =	sdelay $0x4  }
0x104: {  	[tilespmem:$0x13060] =	vst v1;
	v1 =	vld [tilespmem:$0x1FBB0];
	_ =	sdelay $0x7  }
0x105: {  	v1 =	vld.idx.msk [tilespmem:v1+s2+$0x0], $0xffff;
	_ =	sdelay $0x2  }
0x106: {  	v56 =	vld [tilespmem:$0x1FAF0]  }
0x107: {  	v62 =	vld [tilespmem:$0x1FAC0]  }
0x108: {  	v53 =	vmovc v30;
	v34 =	vmov v37;
	v60 =	vmov v44;
	v55 =	vmov v39;
	s0 =	simm.s32 $0x0;
	v57 =	vld [tilespmem:$0x1FAD0];
	[tilespmem:$0x13070] =	vst v1  }
.LBB2_2:
0x109: {  	v4 =	vld [tilespmem:$0x1FE00];
	_ =	sdelay $0x1  }
0x10a: {  	v1 =	vmov s0  }
0x10b: {  	v1 =	vshll.u32 v1, $0x7  }
0x10c: {  	v1 =	vor.u32 v34, v1  }
0x10d: {  	v4 =	vor.u32 v4, v1;
	_ =	sdelay $0x4  }
0x10e: {  	v6 =	vor.u32 v9, v1;
	v9 =	vld.idx.msk [tilespmem:v4+s18+$0x0], $0xffff;
	v4 =	vor.u32 v12, v1  }
0x10f: {  	v7 =	vor.u32 v10, v1  }
0x110: {  	v10 =	vor.u32 v13, v1;
	v13 =	vor.u32 v16, v1;
	v16 =	vor.u32 v19, v1  }
0x111: {  	v12 =	vor.u32 v15, v1;
	v15 =	vor.u32 v18, v1  }
0x112: {  	v43 =	vld [tilespmem:$0x1FF50]  }
0x113: {  	v8 =	vor.u32 v11, v1;
	v11 =	vor.u32 v14, v1;
	v14 =	vld.idx.msk [tilespmem:v4+s18+$0x0], $0xffff;
	v4 =	vor.u32 v17, v1  }
0x114: {  	v39 =	vld [tilespmem:$0x1FF40]  }
0x115: {  	v27 =	vld.idx.msk [tilespmem:v16+s18+$0x0], $0xffff  }
0x116: {  	v26 =	vld.idx.msk [tilespmem:v15+s18+$0x0], $0xffff;
	v15 =	vor.u32 v21, v1  }
0x117: {  	v16 =	vld [tilespmem:$0x1FF00]  }
0x118: {  	v25 =	vld.idx.msk [tilespmem:v4+s18+$0x0], $0xffff;
	v4 =	vor.u32 v22, v1  }
0x119: {  	v37 =	vld [tilespmem:$0x1FF30]  }
0x11a: {  	v3 =	vld [tilespmem:$0x1FDE0];
	v18 =	vor.u32 v61, v1  }
0x11b: {  	v32 =	vld.idx.msk [tilespmem:v15+s18+$0x0], $0xffff  }
0x11c: {  	v16 =	vor.u32 v16, v1;
	v15 =	vld [tilespmem:$0x1FFF0]  }
0x11d: {  	v31 =	vld.idx.msk [tilespmem:v4+s18+$0x0], $0xffff  }
0x11e: {  	v4 =	vld [tilespmem:$0x1FFC0]  }
0x11f: {  	v29 =	vld.idx.msk [tilespmem:v18+s18+$0x0], $0xffff  }
0x120: {  	v17 =	vor.u32 v20, v1;
	v18 =	vld [tilespmem:$0x1FFE0]  }
0x121: {  	v35 =	vld.idx.msk [tilespmem:v16+s18+$0x0], $0xffff  }
0x122: {  	v19 =	vor.u32 v15, v1;
	v15 =	vld [tilespmem:$0x1FFD0]  }
0x123: {  	v16 =	vld [tilespmem:$0x1FF90];
	v4 =	vor.u32 v4, v1  }
0x124: {  	v49 =	vld [tilespmem:$0x1FF60]  }
0x125: {  	v2 =	vor.u32 v0, v1;
	v28 =	vld.idx.msk [tilespmem:v17+s18+$0x0], $0xffff  }
0x126: {  	v3 =	vor.u32 v3, v1;
	v17 =	vld [tilespmem:$0x1FF10]  }
0x127: {  	v18 =	vor.u32 v18, v1;
	v20 =	vor.u32 v15, v1;
	v15 =	vld [tilespmem:$0x1FBC0]  }
0x128: {  	v22 =	vor.u32 v16, v1;
	v16 =	vld.idx.msk [tilespmem:v4+s18+$0x0], $0xffff  }
0x129: {  	v4 =	vld [tilespmem:$0x1FFB0]  }
0x12a: {  	v5 =	vor.u32 v51, v1;
	v2 =	vld.idx.msk [tilespmem:v2+s18+$0x0], $0xffff  }
0x12b: {  	v3 =	vld.idx.msk [tilespmem:v3+s18+$0x0], $0xffff;
	v17 =	vor.u32 v17, v1  }
0x12c: {  	v21 =	vor.u32 v15, v1;
	v15 =	vld.idx.msk [tilespmem:v18+s18+$0x0], $0xffff  }
0x12d: {  	v18 =	vld.idx.msk [tilespmem:v20+s18+$0x0], $0xffff  }
0x12e: {  	v20 =	vld [tilespmem:$0x1FF80];
	v4 =	vor.u32 v4, v1  }
0x12f: {  	v5 =	vld.idx.msk [tilespmem:v5+s18+$0x0], $0xffff  }
0x130: {  	v36 =	vld.idx.msk [tilespmem:v17+s18+$0x0], $0xffff  }
0x131: {  	v17 =	vld.idx.msk [tilespmem:v19+s18+$0x0], $0xffff  }
0x132: {  	v19 =	vld [tilespmem:$0x1FF70]  }
0x133: {  	v46 =	vor.u32 v20, v1;
	v20 =	vld.idx.msk [tilespmem:v4+s18+$0x0], $0xffff  }
0x134: {  	v4 =	vld [tilespmem:$0x1FF20]  }
0x135: {  	v6 =	vld.idx.msk [tilespmem:v6+s18+$0x0], $0xffff  }
0x136: {  	v7 =	vld.idx.msk [tilespmem:v7+s18+$0x0], $0xffff  }
0x137: {  	v23 =	vor.u32 v37, v1;
	v8 =	vld.idx.msk [tilespmem:v8+s18+$0x0], $0xffff  }
0x138: {  	v10 =	vld.idx.msk [tilespmem:v10+s18+$0x0], $0xffff;
	v30 =	vor.u32 v19, v1  }
0x139: {  	v38 =	vor.u32 s0, v4;
	v4 =	vld [tilespmem:$0x1FFA0]  }
0x13a: {  	v11 =	vld.idx.msk [tilespmem:v11+s18+$0x0], $0xffff  }
0x13b: {  	v19 =	vld.idx.msk [tilespmem:v21+s18+$0x0], $0xffff  }
0x13c: {  	v21 =	vld.idx.msk [tilespmem:v23+s18+$0x0], $0xffff  }
0x13d: {  	v33 =	vor.u32 v39, v1;
	v23 =	vld.idx.msk [tilespmem:v30+s18+$0x0], $0xffff  }
0x13e: {  	v30 =	vor.u32 s0, v4;
	v4 =	vld [tilespmem:$0x1FBD0]  }
0x13f: {  	v13 =	vld.idx.msk [tilespmem:v13+s18+$0x0], $0xffff  }
0x140: {  	v47 =	vor.u32 s0, v43;
	v12 =	vld.idx.msk [tilespmem:v12+s18+$0x0], $0xffff  }
0x141: {  	v24 =	vld.idx.msk [tilespmem:v22+s18+$0x0], $0xffff  }
0x142: {  	v22 =	vld.idx.msk [tilespmem:v33+s18+$0x0], $0xffff  }
0x143: {  	v48 =	vor.u32 s0, v4;
	v4 =	vld.idx.msk [tilespmem:v46+s18+$0x0], $0xffff  }
0x144: {  	[tilespmem:v38+s22+$0x0] =	vst.idx.msk $0xffff, v2;
	v2 =	vld [tilespmem:$0x1FBE0]  }
0x145: {  	[tilespmem:v47+s22+$0x0] =	vst.idx.msk $0xffff, v3;
	v3 =	vld [tilespmem:$0x1FBF0];
	_ =	sdelay $0x2  }
0x146: {  	v50 =	vor.u32 s0, v49;
	[tilespmem:v30+s22+$0x0] =	vst.idx.msk $0xffff, v9;
	v9 =	vld [tilespmem:$0x1FC00]  }
0x147: {  	v2 =	vor.u32 s0, v2;
	[tilespmem:v48+s22+$0x0] =	vst.idx.msk $0xffff, v5;
	v5 =	vld [tilespmem:$0x1FC10]  }
0x148: {  	v3 =	vor.u32 s0, v3  }
0x149: {  	v30 =	vld [tilespmem:$0x1FF20];
	_ =	sdelay $0x1  }
0x14a: {  	[tilespmem:v50+s22+$0x0] =	vst.idx.msk $0xffff, v6;
	v9 =	vor.u32 s0, v9  }
0x14b: {  	v5 =	vor.u32 s0, v5;
	[tilespmem:v2+s22+$0x0] =	vst.idx.msk $0xffff, v7;
	v7 =	vld [tilespmem:$0x1FF20]  }
0x14c: {  	[tilespmem:v3+s22+$0x0] =	vst.idx.msk $0xffff, v8;
	v8 =	vld [tilespmem:$0x1FF20]  }
0x14d: {  	v30 =	vadd.s32 $0x480, v30  }
0x14e: {  	[tilespmem:$0x1F4E0] =	vst v30  }
0x14f: {  	v6 =	vor.u32 s0, v30;
	v30 =	vld [tilespmem:$0x1FF20];
	[tilespmem:v9+s22+$0x0] =	vst.idx.msk $0xffff, v14  }
0x150: {  	v7 =	vadd.s32 $0x580, v7;
	[tilespmem:v5+s22+$0x0] =	vst.idx.msk $0xffff, v10  }
0x151: {  	[tilespmem:$0x1F500] =	vst v7;
	v3 =	vor.u32 s0, v7;
	v7 =	vld [tilespmem:$0x1FF20];
	v8 =	vadd.s32 $0x680, v8  }
0x152: {  	[tilespmem:$0x1F520] =	vst v8;
	v5 =	vor.u32 s0, v8;
	v8 =	vld [tilespmem:$0x1FF20];
	_ =	sdelay $0x1  }
0x153: {  	v30 =	vadd.s32 $0x500, v30  }
0x154: {  	v2 =	vor.u32 s0, v30  }
0x155: {  	[tilespmem:v6+s22+$0x0] =	vst.idx.msk $0xffff, v11;
	v7 =	vadd.s32 $0x600, v7  }
0x156: {  	[tilespmem:$0x1F510] =	vst v7;
	v7 =	vor.u32 s0, v7;
	v8 =	vadd.s32 $0x700, v8  }
0x157: {  	[tilespmem:$0x1F530] =	vst v8;
	v6 =	vor.u32 s0, v8;
	v8 =	vld [tilespmem:$0x1FF20];
	_ =	sdelay $0x1  }
0x158: {  	[tilespmem:v2+s22+$0x0] =	vst.idx.msk $0xffff, v12  }
0x159: {  	[tilespmem:v3+s22+$0x0] =	vst.idx.msk $0xffff, v13;
	v3 =	vld [tilespmem:$0x1F980]  }
0x15a: {  	[tilespmem:v7+s22+$0x0] =	vst.idx.msk $0xffff, v25  }
0x15b: {  	v8 =	vadd.s32 $0x780, v8;
	[tilespmem:v5+s22+$0x0] =	vst.idx.msk $0xffff, v26  }
0x15c: {  	[tilespmem:$0x1F540] =	vst v8  }
0x15d: {  	v2 =	vor.u32 s0, v8;
	v8 =	vadd.s32 $0x21, v0;
	[tilespmem:v6+s22+$0x0] =	vst.idx.msk $0xffff, v27  }
0x15e: {  	v3 =	vor.u32 v3, v1;
	[tilespmem:$0x1F550] =	vst v8;
	v7 =	vor.u32 v8, v1;
	v8 =	vadd.s32 $0x22, v0  }
0x15f: {  	[tilespmem:$0x1F560] =	vst v8;
	v5 =	vor.u32 v8, v1;
	v8 =	vadd.s32 $0x23, v0  }
0x160: {  	[tilespmem:$0x1F570] =	vst v8;
	v6 =	vor.u32 v8, v1;
	v8 =	vadd.s32 $0x24, v0  }
0x161: {  	[tilespmem:$0x1F580] =	vst v8  }
0x162: {  	v9 =	vadd.s32 $0x25, v0;
	v8 =	vor.u32 v8, v1;
	[tilespmem:v2+s22+$0x0] =	vst.idx.msk $0xffff, v28  }
0x163: {  	[tilespmem:$0x1F590] =	vst v9;
	v10 =	vadd.s32 $0x26, v0;
	v2 =	vld.idx.msk [tilespmem:v3+s18+$0x0], $0xffff  }
0x164: {  	v9 =	vor.u32 v9, v1;
	[tilespmem:$0x1F5A0] =	vst v10;
	v3 =	vld.idx.msk [tilespmem:v7+s18+$0x0], $0xffff;
	v7 =	vor.u32 v10, v1;
	v10 =	vadd.s32 $0x27, v0  }
0x165: {  	v26 =	vld.idx.msk [tilespmem:v5+s18+$0x0], $0xffff;
	[tilespmem:$0x1F5B0] =	vst v10;
	v5 =	vor.u32 v10, v1;
	v10 =	vadd.s32 $0x28, v0  }
0x166: {  	v49 =	vld.idx.msk [tilespmem:v6+s18+$0x0], $0xffff;
	[tilespmem:$0x1F5C0] =	vst v10;
	v6 =	vor.u32 v10, v1;
	v10 =	vadd.s32 $0x29, v0  }
0x167: {  	v50 =	vld.idx.msk [tilespmem:v8+s18+$0x0], $0xffff;
	v8 =	vor.u32 v10, v1  }
0x168: {  	[tilespmem:$0x1F5D0] =	vst v10;
	v10 =	vadd.s32 $0x2A, v0  }
0x169: {  	v46 =	vld.idx.msk [tilespmem:v9+s18+$0x0], $0xffff;
	v9 =	vor.u32 v10, v1  }
0x16a: {  	v5 =	vld.idx.msk [tilespmem:v5+s18+$0x0], $0xffff  }
0x16b: {  	v6 =	vld.idx.msk [tilespmem:v6+s18+$0x0], $0xffff  }
0x16c: {  	v8 =	vld.idx.msk [tilespmem:v8+s18+$0x0], $0xffff;
	_ =	sdelay $0x1  }
0x16d: {  	[tilespmem:$0x1F5E0] =	vst v10;
	v9 =	vld.idx.msk [tilespmem:v9+s18+$0x0], $0xffff  }
0x16e: {  	v10 =	vadd.s32 $0x2B, v0;
	[tilespmem:$0x1F820] =	vst v5  }
0x16f: {  	v52 =	vld.idx.msk [tilespmem:v7+s18+$0x0], $0xffff;
	v7 =	vor.u32 v10, v1;
	v5 =	vadd.s32 $0x2D, v0;
	[tilespmem:$0x1F840] =	vst v6  }
0x170: {  	v6 =	vmov v5;
	v11 =	vor.u32 v5, v1;
	v5 =	vadd.s32 $0x2E, v0;
	[tilespmem:$0x1F850] =	vst v8  }
0x171: {  	[tilespmem:$0x1F610] =	vst v5  }
0x172: {  	v8 =	vor.u32 v5, v1;
	v5 =	vadd.s32 $0x2F, v0;
	[tilespmem:$0x1F860] =	vst v9  }
0x173: {  	[tilespmem:$0x1F620] =	vst v5;
	v9 =	vor.u32 v5, v1;
	v5 =	vld [tilespmem:$0x1FF20]  }
0x174: {  	v7 =	vld.idx.msk [tilespmem:v7+s18+$0x0], $0xffff;
	_ =	sdelay $0x3  }
0x175: {  	v5 =	vor.u32 $0x800, v5  }
0x176: {  	[tilespmem:$0x1F870] =	vst v7;
	v7 =	vmov v5;
	v12 =	vor.u32 s0, v5;
	v5 =	vld [tilespmem:$0x1FF20];
	_ =	sdelay $0x4  }
0x177: {  	v5 =	vadd.s32 $0x880, v5  }
0x178: {  	[tilespmem:$0x1F630] =	vst v5;
	v13 =	vor.u32 s0, v5;
	v5 =	vld [tilespmem:$0x1FF20];
	_ =	sdelay $0x4  }
0x179: {  	v5 =	vadd.s32 $0x900, v5  }
0x17a: {  	[tilespmem:$0x1F640] =	vst v5;
	v14 =	vor.u32 s0, v5;
	v5 =	vld [tilespmem:$0x1FF20]  }
0x17b: {  	v8 =	vld.idx.msk [tilespmem:v8+s18+$0x0], $0xffff;
	_ =	sdelay $0x3  }
0x17c: {  	v5 =	vadd.s32 $0x980, v5  }
0x17d: {  	[tilespmem:$0x1F8A0] =	vst v8;
	v8 =	vmov v5;
	v25 =	vor.u32 s0, v5;
	v5 =	vld [tilespmem:$0x1FF20];
	_ =	sdelay $0x4  }
0x17e: {  	v5 =	vadd.s32 $0xA00, v5  }
0x17f: {  	[tilespmem:$0x1F650] =	vst v5;
	v27 =	vor.u32 s0, v5;
	v5 =	vld [tilespmem:$0x1FF20];
	_ =	sdelay $0x2  }
0x180: {  	[tilespmem:$0x1F5F0] =	vst v10;
	v10 =	vadd.s32 $0x2C, v0  }
0x181: {  	[tilespmem:$0x1F600] =	vst v10;
	v10 =	vor.u32 v10, v1  }
0x182: {  	v5 =	vadd.s32 $0xA80, v5  }
0x183: {  	[tilespmem:$0x1F660] =	vst v5;
	v28 =	vor.u32 s0, v5;
	v5 =	vld [tilespmem:$0x1FF20];
	_ =	sdelay $0x2  }
0x184: {  	v10 =	vld.idx.msk [tilespmem:v10+s18+$0x0], $0xffff  }
0x185: {  	v11 =	vld.idx.msk [tilespmem:v11+s18+$0x0], $0xffff  }
0x186: {  	v9 =	vld.idx.msk [tilespmem:v9+s18+$0x0], $0xffff;
	[tilespmem:v12+s22+$0x0] =	vst.idx.msk $0xffff, v29;
	v5 =	vadd.s32 $0xB00, v5  }
0x187: {  	[tilespmem:$0x1F670] =	vst v5;
	v29 =	vor.u32 s0, v5;
	v5 =	vld [tilespmem:$0x1FF20];
	_ =	sdelay $0x4  }
0x188: {  	[tilespmem:v13+s22+$0x0] =	vst.idx.msk $0xffff, v31;
	v5 =	vadd.s32 $0xB80, v5  }
0x189: {  	[tilespmem:$0x1F680] =	vst v5;
	v31 =	vor.u32 s0, v5;
	v5 =	vld [tilespmem:$0x1FF20];
	_ =	sdelay $0x3  }
0x18a: {  	[tilespmem:v14+s22+$0x0] =	vst.idx.msk $0xffff, v32  }
0x18b: {  	[tilespmem:v25+s22+$0x0] =	vst.idx.msk $0xffff, v35;
	v5 =	vadd.s32 $0xC00, v5  }
0x18c: {  	[tilespmem:$0x1F690] =	vst v5;
	v25 =	vor.u32 s0, v5;
	v5 =	vld [tilespmem:$0x1FF20];
	_ =	sdelay $0x4  }
0x18d: {  	[tilespmem:v27+s22+$0x0] =	vst.idx.msk $0xffff, v36;
	v5 =	vadd.s32 $0xC80, v5  }
0x18e: {  	[tilespmem:$0x1F6A0] =	vst v5;
	v27 =	vor.u32 s0, v5;
	v5 =	vld [tilespmem:$0x1FF20];
	_ =	sdelay $0x4  }
0x18f: {  	[tilespmem:v28+s22+$0x0] =	vst.idx.msk $0xffff, v15;
	v5 =	vadd.s32 $0xD00, v5  }
0x190: {  	[tilespmem:$0x1F6B0] =	vst v5;
	v28 =	vor.u32 s0, v5;
	v5 =	vld [tilespmem:$0x1FF20];
	_ =	sdelay $0x4  }
0x191: {  	[tilespmem:v29+s22+$0x0] =	vst.idx.msk $0xffff, v16;
	v5 =	vadd.s32 $0xD80, v5  }
0x192: {  	[tilespmem:$0x1F6C0] =	vst v5;
	v29 =	vor.u32 s0, v5;
	v5 =	vld [tilespmem:$0x1FF20];
	_ =	sdelay $0x4  }
0x193: {  	[tilespmem:v31+s22+$0x0] =	vst.idx.msk $0xffff, v17;
	v5 =	vadd.s32 $0xE00, v5  }
0x194: {  	[tilespmem:$0x1F6D0] =	vst v5;
	v31 =	vor.u32 s0, v5;
	v5 =	vld [tilespmem:$0x1FF20];
	_ =	sdelay $0x4  }
0x195: {  	[tilespmem:v25+s22+$0x0] =	vst.idx.msk $0xffff, v18;
	v5 =	vadd.s32 $0xE80, v5  }
0x196: {  	[tilespmem:$0x1F6E0] =	vst v5;
	v25 =	vor.u32 s0, v5;
	v5 =	vld [tilespmem:$0x1FF20];
	_ =	sdelay $0x2  }
0x197: {  	[tilespmem:v27+s22+$0x0] =	vst.idx.msk $0xffff, v19  }
0x198: {  	[tilespmem:v28+s22+$0x0] =	vst.idx.msk $0xffff, v24  }
0x199: {  	[tilespmem:v29+s22+$0x0] =	vst.idx.msk $0xffff, v20;
	v5 =	vadd.s32 $0xF00, v5  }
0x19a: {  	[tilespmem:$0x1F6F0] =	vst v5;
	v24 =	vor.u32 s0, v5;
	v5 =	vld [tilespmem:$0x1FF20]  }
0x19b: {  	[tilespmem:v31+s22+$0x0] =	vst.idx.msk $0xffff, v21  }
0x19c: {  	[tilespmem:v25+s22+$0x0] =	vst.idx.msk $0xffff, v23;
	v23 =	vld [tilespmem:$0x1FC90];
	_ =	sdelay $0x2  }
0x19d: {  	[tilespmem:$0x1F4F0] =	vst v30;
	v28 =	vsel vm0, v55, v62;
	v5 =	vadd.s32 $0xF80, v5  }
0x19e: {  	v30 =	vld [tilespmem:$0x1FBA0];
	[tilespmem:$0x1F700] =	vst v5;
	v27 =	vor.u32 s0, v5;
	v5 =	vcombine.low v53, v28  }
0x19f: {  	v29 =	vsel vm0, v23, v54;
	v23 =	vld [tilespmem:$0x1FC20];
	[tilespmem:v24+s22+$0x0] =	vst.idx.msk $0xffff, v22  }
0x1a0: {  	[tilespmem:$0x1F710] =	vst v5;
	v24 =	vor.u32 v5, v1;
	v5 =	vld [tilespmem:$0x1FAE0];
	_ =	sdelay $0x3  }
0x1a1: {  	v31 =	vsel vm0, v30, v56;
	v25 =	vor.u32 v23, v1;
	v23 =	vcombine.low v57, v29  }
0x1a2: {  	[tilespmem:v27+s22+$0x0] =	vst.idx.msk $0xffff, v4;
	v30 =	vcombine.low v5, v31  }
0x1a3: {  	[tilespmem:$0x1F720] =	vst v23;
	v27 =	vor.u32 v23, v1;
	v23 =	vld [tilespmem:$0x1FC40]  }
0x1a4: {  	[tilespmem:$0x1F730] =	vst v30;
	v51 =	vor.u32 v30, v1;
	v30 =	vld [tilespmem:$0x1FB20]  }
0x1a5: {  	v4 =	vld [tilespmem:$0x1FC30]  }
0x1a6: {  	v5 =	vld [tilespmem:$0x1FCA0];
	_ =	sdelay $0x1  }
0x1a7: {  	v23 =	vsel vm0, v54, v23  }
0x1a8: {  	v23 =	vcombine.low v23, v30;
	v30 =	vld [tilespmem:$0x1FB10]  }
0x1a9: {  	v4 =	vsel vm0, v62, v4  }
0x1aa: {  	v5 =	vcombine.low v4, v5  }
0x1ab: {  	v25 =	vld.idx.msk [tilespmem:v25+s18+$0x0], $0xffff  }
0x1ac: {  	[tilespmem:$0x1F740] =	vst v5;
	v63 =	vor.u32 v5, v1;
	v5 =	vld [tilespmem:$0x1FB60]  }
0x1ad: {  	v58 =	vor.u32 v30, v1;
	v30 =	vld [tilespmem:$0x1FB00];
	_ =	sdelay $0x3  }
0x1ae: {  	[tilespmem:$0x1F8C0] =	vst v25;
	v25 =	vld [tilespmem:$0x1FB30]  }
0x1af: {  	v42 =	vsel vm0, v5, v30;
	v5 =	vld.idx.msk [tilespmem:v24+s18+$0x0], $0xffff;
	_ =	sdelay $0x2  }
0x1b0: {  	v59 =	vsel vm0, v56, v60  }
0x1b1: {  	v25 =	vcombine.low v59, v25  }
0x1b2: {  	[tilespmem:$0x1F8D0] =	vst v5;
	v5 =	vld [tilespmem:$0x1FB40]  }
0x1b3: {  	[tilespmem:$0x1F760] =	vst v25;
	v44 =	vor.u32 v25, v1;
	v25 =	vld.idx.msk [tilespmem:v51+s18+$0x0], $0xffff;
	_ =	sdelay $0x3  }
0x1b4: {  	v24 =	vcombine.low v42, v5  }
0x1b5: {  	[tilespmem:$0x1F8F0] =	vst v25;
	v25 =	vld [tilespmem:$0x1FB70]  }
0x1b6: {  	[tilespmem:$0x1F770] =	vst v24;
	v45 =	vor.u32 v24, v1;
	v24 =	vld.idx.msk [tilespmem:v58+s18+$0x0], $0xffff  }
0x1b7: {  	v5 =	vld.idx.msk [tilespmem:v27+s18+$0x0], $0xffff;
	_ =	sdelay $0x1  }
0x1b8: {  	[tilespmem:$0x1F750] =	vst v23;
	v43 =	vor.u32 v23, v1;
	v23 =	vld [tilespmem:$0x1FB50]  }
0x1b9: {  	v29 =	vcombine.low v29, v25  }
0x1ba: {  	[tilespmem:$0x1F900] =	vst v24;
	v24 =	vld [tilespmem:$0x1FB80]  }
0x1bb: {  	v47 =	vor.u32 v29, v1;
	[tilespmem:$0x1F8E0] =	vst v5;
	v5 =	vld [tilespmem:$0x1FCC0];
	_ =	sdelay $0x1  }
0x1bc: {  	v27 =	vcombine.low v28, v23;
	_ =	sdelay $0x1  }
0x1bd: {  	v23 =	vld [tilespmem:$0x1FCB0];
	v24 =	vcombine.low v31, v24;
	v31 =	vor.u32 v27, v1  }
0x1be: {  	v40 =	vor.u32 v5, v1;
	v5 =	vld.idx.msk [tilespmem:v47+s18+$0x0], $0xffff  }
0x1bf: {  	[tilespmem:$0x1F790] =	vst v24;
	v48 =	vor.u32 v24, v1;
	v24 =	vld.idx.msk [tilespmem:v44+s18+$0x0], $0xffff;
	_ =	sdelay $0x1  }
0x1c0: {  	[tilespmem:$0x1F780] =	vst v27;
	v27 =	vld.idx.msk [tilespmem:v63+s18+$0x0], $0xffff  }
0x1c1: {  	v63 =	vor.u32 v23, v1;
	v23 =	vld.idx.msk [tilespmem:v31+s18+$0x0], $0xffff  }
0x1c2: {  	[tilespmem:$0x1F960] =	vst v5;
	v5 =	vld [tilespmem:$0x1FF20]  }
0x1c3: {  	[tilespmem:$0x1F930] =	vst v24;
	v24 =	vld [tilespmem:$0x1FB90]  }
0x1c4: {  	v25 =	vld [tilespmem:$0x1FCD0]  }
0x1c5: {  	v36 =	vld [tilespmem:$0x1FF20]  }
0x1c6: {  	[tilespmem:$0x1F950] =	vst v23;
	v23 =	vld.idx.msk [tilespmem:v48+s18+$0x0], $0xffff;
	_ =	sdelay $0x1  }
0x1c7: {  	v5 =	vor.u32 $0x1000, v5;
	v51 =	vor.u32 v24, v1  }
0x1c8: {  	[tilespmem:$0x1F910] =	vst v27;
	v27 =	vld.idx.msk [tilespmem:v43+s18+$0x0], $0xffff;
	v41 =	vor.u32 s0, v5;
	v1 =	vor.u32 v25, v1  }
0x1c9: {  	v63 =	vld.idx.msk [tilespmem:v63+s18+$0x0], $0xffff;
	[tilespmem:$0x1F7A0] =	vst v5;
	v5 =	vadd.s32 $0x1080, v36  }
0x1ca: {  	v32 =	vadd.s32 $0x1100, v36;
	v42 =	vor.u32 s0, v5;
	v24 =	vld.idx.msk [tilespmem:v45+s18+$0x0], $0xffff;
	[tilespmem:$0x1F970] =	vst v23;
	v23 =	vadd.s32 $0x1180, v36  }
0x1cb: {  	v48 =	vor.u32 s0, v32;
	v45 =	vld.idx.msk [tilespmem:v40+s18+$0x0], $0xffff;
	[tilespmem:$0x1F7B0] =	vst v23;
	v44 =	vor.u32 s0, v23;
	v23 =	vadd.s32 $0x1200, v36  }
0x1cc: {  	v47 =	vld.idx.msk [tilespmem:v51+s18+$0x0], $0xffff;
	[tilespmem:$0x1F7C0] =	vst v23  }
0x1cd: {  	v37 =	vld.idx.msk [tilespmem:v1+s18+$0x0], $0xffff;
	v1 =	vor.u32 s0, v23;
	v23 =	vadd.s32 $0x1280, v36;
	[tilespmem:v41+s22+$0x0] =	vst.idx.msk $0xffff, v2  }
0x1ce: {  	[tilespmem:$0x1F7D0] =	vst v23;
	v2 =	vor.u32 s0, v23;
	v23 =	vadd.s32 $0x1300, v36  }
0x1cf: {  	[tilespmem:v42+s22+$0x0] =	vst.idx.msk $0xffff, v3;
	v3 =	vor.u32 s0, v23  }
0x1d0: {  	[tilespmem:v48+s22+$0x0] =	vst.idx.msk $0xffff, v26  }
0x1d1: {  	[tilespmem:v44+s22+$0x0] =	vst.idx.msk $0xffff, v49  }
0x1d2: {  	v51 =	vadd.s32 $0x1380, v36;
	[tilespmem:v1+s22+$0x0] =	vst.idx.msk $0xffff, v50  }
0x1d3: {  	v26 =	vmov v51;
	[tilespmem:v2+s22+$0x0] =	vst.idx.msk $0xffff, v46  }
0x1d4: {  	v48 =	vor.u32 s0, v26;
	[tilespmem:v3+s22+$0x0] =	vst.idx.msk $0xffff, v52;
	v3 =	vld [tilespmem:$0x1F820];
	_ =	sdelay $0x2  }
0x1d5: {  	v2 =	vadd.s32 $0x1600, v36  }
0x1d6: {  	v58 =	vadd.s32 $0x1400, v36;
	[tilespmem:$0x1F830] =	vst v2  }
0x1d7: {  	v39 =	vor.u32 s0, v58;
	v51 =	vadd.s32 $0x1480, v36;
	[tilespmem:v48+s22+$0x0] =	vst.idx.msk $0xffff, v3;
	v48 =	vor.u32 s0, v2;
	v2 =	vld [tilespmem:$0x1F840]  }
0x1d8: {  	[tilespmem:$0x1F7F0] =	vst v58;
	v43 =	vld [tilespmem:$0x1F850];
	v58 =	vor.u32 s0, v51;
	_ =	sdelay $0x2  }
0x1d9: {  	[tilespmem:$0x1F800] =	vst v51  }
0x1da: {  	v1 =	vadd.s32 $0x1500, v36;
	[tilespmem:v39+s22+$0x0] =	vst.idx.msk $0xffff, v2  }
0x1db: {  	v51 =	vor.u32 s0, v1;
	[tilespmem:v58+s22+$0x0] =	vst.idx.msk $0xffff, v43;
	v58 =	vld [tilespmem:$0x1F860];
	_ =	sdelay $0x3  }
0x1dc: {  	[tilespmem:$0x1F810] =	vst v1;
	v1 =	vadd.s32 $0x1580, v36  }
0x1dd: {  	v52 =	vor.u32 s0, v1;
	[tilespmem:v51+s22+$0x0] =	vst.idx.msk $0xffff, v58;
	v58 =	vld [tilespmem:$0x1F870];
	_ =	sdelay $0x3  }
0x1de: {  	[tilespmem:$0x1F880] =	vst v10  }
0x1df: {  	[tilespmem:v52+s22+$0x0] =	vst.idx.msk $0xffff, v58;
	v58 =	vld [tilespmem:$0x1F880];
	_ =	sdelay $0x3  }
0x1e0: {  	[tilespmem:$0x1F890] =	vst v11;
	v3 =	vadd.s32 $0x1680, v36  }
0x1e1: {  	v49 =	vor.u32 s0, v3;
	[tilespmem:v48+s22+$0x0] =	vst.idx.msk $0xffff, v58;
	v58 =	vld [tilespmem:$0x1F890];
	_ =	sdelay $0x3  }
0x1e2: {  	v2 =	vadd.s32 $0x1700, v36  }
0x1e3: {  	v50 =	vor.u32 s0, v2;
	[tilespmem:v49+s22+$0x0] =	vst.idx.msk $0xffff, v58;
	v58 =	vld [tilespmem:$0x1F8A0];
	_ =	sdelay $0x3  }
0x1e4: {  	[tilespmem:$0x1F8B0] =	vst v9;
	v43 =	vadd.s32 $0x1780, v36  }
0x1e5: {  	v51 =	vor.u32 s0, v43;
	[tilespmem:v50+s22+$0x0] =	vst.idx.msk $0xffff, v58;
	v58 =	vld [tilespmem:$0x1F8B0];
	_ =	sdelay $0x3  }
0x1e6: {  	[tilespmem:$0x1F920] =	vst v27;
	v27 =	vld [tilespmem:$0x1FCE0];
	v39 =	vor.u32 $0x1800, v36  }
0x1e7: {  	v52 =	vor.u32 s0, v39;
	[tilespmem:v51+s22+$0x0] =	vst.idx.msk $0xffff, v58;
	v58 =	vld [tilespmem:$0x1F8C0];
	_ =	sdelay $0x3  }
0x1e8: {  	v28 =	vld [tilespmem:$0x1FCF0]  }
0x1e9: {  	v48 =	vor.u32 s0, v27;
	[tilespmem:v52+s22+$0x0] =	vst.idx.msk $0xffff, v58;
	v58 =	vld [tilespmem:$0x1F8D0];
	_ =	sdelay $0x3  }
0x1ea: {  	v59 =	vld [tilespmem:$0x1FD00]  }
0x1eb: {  	v49 =	vor.u32 s0, v28;
	[tilespmem:v48+s22+$0x0] =	vst.idx.msk $0xffff, v58;
	v58 =	vld [tilespmem:$0x1F8E0];
	_ =	sdelay $0x3  }
0x1ec: {  	v31 =	vld [tilespmem:$0x1FD10]  }
0x1ed: {  	v50 =	vor.u32 s0, v59;
	[tilespmem:v49+s22+$0x0] =	vst.idx.msk $0xffff, v58;
	v58 =	vld [tilespmem:$0x1F8F0];
	_ =	sdelay $0x3  }
0x1ee: {  	v38 =	vld [tilespmem:$0x1FD20]  }
0x1ef: {  	v51 =	vor.u32 s0, v31;
	[tilespmem:v50+s22+$0x0] =	vst.idx.msk $0xffff, v58;
	v58 =	vld [tilespmem:$0x1F900];
	_ =	sdelay $0x3  }
0x1f0: {  	v35 =	vld [tilespmem:$0x1FD30]  }
0x1f1: {  	v52 =	vor.u32 s0, v38;
	[tilespmem:v51+s22+$0x0] =	vst.idx.msk $0xffff, v58;
	v58 =	vld [tilespmem:$0x1F910];
	_ =	sdelay $0x3  }
0x1f2: {  	v40 =	vld [tilespmem:$0x1FD40]  }
0x1f3: {  	v48 =	vor.u32 s0, v35;
	[tilespmem:v52+s22+$0x0] =	vst.idx.msk $0xffff, v58;
	v58 =	vld [tilespmem:$0x1F920];
	_ =	sdelay $0x3  }
0x1f4: {  	v41 =	vld [tilespmem:$0x1FD50]  }
0x1f5: {  	v49 =	vor.u32 s0, v40;
	[tilespmem:v48+s22+$0x0] =	vst.idx.msk $0xffff, v58;
	v58 =	vld [tilespmem:$0x1F930];
	_ =	sdelay $0x3  }
0x1f6: {  	v30 =	vld [tilespmem:$0x1FD60];
	[tilespmem:$0x1F940] =	vst v24  }
0x1f7: {  	v50 =	vor.u32 s0, v41;
	[tilespmem:v49+s22+$0x0] =	vst.idx.msk $0xffff, v58;
	v58 =	vld [tilespmem:$0x1F940];
	_ =	sdelay $0x3  }
0x1f8: {  	v42 =	vld [tilespmem:$0x1FD70]  }
0x1f9: {  	v51 =	vor.u32 s0, v30;
	[tilespmem:v50+s22+$0x0] =	vst.idx.msk $0xffff, v58;
	v58 =	vld [tilespmem:$0x1F950]  }
0x1fa: {  	v34 =	vld [tilespmem:$0x1FDD0]  }
0x1fb: {  	v33 =	vld [tilespmem:$0x1FD90]  }
0x1fc: {  	v10 =	vld [tilespmem:$0x1FE30]  }
0x1fd: {  	v11 =	vld [tilespmem:$0x1FE40]  }
0x1fe: {  	v52 =	vor.u32 s0, v42;
	[tilespmem:v51+s22+$0x0] =	vst.idx.msk $0xffff, v58;
	v58 =	vld [tilespmem:$0x1F960]  }
0x1ff: {  	v9 =	vld [tilespmem:$0x1FE20]  }
0x200: {  	v12 =	vld [tilespmem:$0x1FE50]  }
0x201: {  	v13 =	vld [tilespmem:$0x1FE60]  }
0x202: {  	v24 =	vld [tilespmem:$0x1FD80]  }
0x203: {  	[tilespmem:v52+s22+$0x0] =	vst.idx.msk $0xffff, v58;
	v58 =	vld [tilespmem:$0x1FDC0]  }
0x204: {  	v14 =	vld [tilespmem:$0x1FE70]  }
0x205: {  	[tilespmem:$0x1F7E0] =	vst v23;
	v23 =	vld [tilespmem:$0x1FDA0]  }
0x206: {  	v44 =	vld [tilespmem:$0x1FDB0]  }
0x207: {  	v15 =	vld [tilespmem:$0x1FE80]  }
0x208: {  	v48 =	vor.u32 s0, v24;
	v52 =	vor.u32 s0, v58;
	v58 =	vld [tilespmem:$0x1F970]  }
0x209: {  	v16 =	vld [tilespmem:$0x1FE90];
	v49 =	vor.u32 s0, v33  }
0x20a: {  	v17 =	vld [tilespmem:$0x1FEA0];
	v50 =	vor.u32 s0, v23  }
0x20b: {  	v18 =	vld [tilespmem:$0x1FEB0];
	v51 =	vor.u32 s0, v44  }
0x20c: {  	p0 =	sne.s32 s0, $0x70;
	v19 =	vld [tilespmem:$0x1FEC0]  }
.Ltmp0:
0x20d: {  	v20 =	vld [tilespmem:$0x1FED0];
	[tilespmem:v48+s22+$0x0] =	vst.idx.msk $0xffff, v58;
	(pc) =	sbr.rel @p0 .LBB2_2-.Ltmp0, $4  }
0x20e: {  	v21 =	vld [tilespmem:$0x1FEF0];
	[tilespmem:v49+s22+$0x0] =	vst.idx.msk $0xffff, v47  }
0x20f: {  	v22 =	vld [tilespmem:$0x1FEE0];
	[tilespmem:v50+s22+$0x0] =	vst.idx.msk $0xffff, v63  }
0x210: {  	v46 =	vld [tilespmem:$0x1FDE0];
	[tilespmem:v51+s22+$0x0] =	vst.idx.msk $0xffff, v45  }
0x211: {  	s0 =	sadd.s32 $0x10, s0;
	v51 =	vld [tilespmem:$0x1FE10];
	[tilespmem:v52+s22+$0x0] =	vst.idx.msk $0xffff, v37  }
0x212: {  	[tilespmem:s18], [sflag:$0x1] =	stream.indirect.gather [hbm4b:s4+s16], $0x80, s17, s16, $0xb8;
	[tilespmem:$0x13100] =	vst v63  }
0x213: {  	v37 =	vor.u32 $0xC00, v0  }
0x214: {  	[hbm4b:s6+s23] =	stream.strided.scatter [tilespmem:s22], [sflag:$0x3], $0x2000, s14, s23, $0x38;
	[tilespmem:$0x13100] =	vst v63  }
0x215: {  	_ =	swait.ge [sflag:s24], $0x4000  }
0x216: {  	[sflag:s24] =	ssyncset.done $0x0  }
0x217: {  	s0 =	simm.s32 $0x0;
	[sflag:s24] =	ssyncadd.s32 $0xFFFFC000  }
0x218: {  	v37 =	vld.idx.msk [tilespmem:v37+s0+$0x0], $0xffff  }
0x219: {  	v45 =	vor.u32 $0xC10, v0;
	_ =	sdelay $0x3  }
0x21a: {  	[tilespmem:$0x13080] =	vst v37  }
0x21b: {  	v37 =	vld.idx.msk [tilespmem:v45+s0+$0x0], $0xffff  }
0x21c: {  	v58 =	vor.u32 $0xC20, v0;
	_ =	sdelay $0x3  }
0x21d: {  	[tilespmem:$0x13090] =	vst v37  }
0x21e: {  	v37 =	vld.idx.msk [tilespmem:v58+s0+$0x0], $0xffff  }
0x21f: {  	v52 =	vmov v59;
	v59 =	vor.u32 $0xC30, v0;
	_ =	sdelay $0x3  }
0x220: {  	[tilespmem:$0x130A0] =	vst v37  }
0x221: {  	v37 =	vld.idx.msk [tilespmem:v59+s0+$0x0], $0xffff  }
0x222: {  	v60 =	vor.u32 $0xC40, v0;
	_ =	sdelay $0x3  }
0x223: {  	[tilespmem:$0x130B0] =	vst v37  }
0x224: {  	v37 =	vld.idx.msk [tilespmem:v60+s0+$0x0], $0xffff  }
0x225: {  	v61 =	vor.u32 $0xC50, v0;
	_ =	sdelay $0x3  }
0x226: {  	[tilespmem:$0x130C0] =	vst v37  }
0x227: {  	v37 =	vld.idx.msk [tilespmem:v61+s0+$0x0], $0xffff  }
0x228: {  	v62 =	vor.u32 $0xC60, v0;
	_ =	sdelay $0x3  }
0x229: {  	[tilespmem:$0x130D0] =	vst v37  }
0x22a: {  	v37 =	vld.idx.msk [tilespmem:v62+s0+$0x0], $0xffff  }
0x22b: {  	v63 =	vor.u32 $0xC70, v0;
	_ =	sdelay $0x2  }
0x22c: {  	[tilespmem:$0x1F480] =	vst v29  }
0x22d: {  	[tilespmem:$0x130E0] =	vst v37  }
0x22e: {  	[tilespmem:$0x1F490] =	vst v6;
	v37 =	vld.idx.msk [tilespmem:v63+s0+$0x0], $0xffff  }
0x22f: {  	[tilespmem:$0x1F4A0] =	vst v32  }
0x230: {  	[tilespmem:$0x1F4B0] =	vst v7  }
0x231: {  	[tilespmem:$0x1F4C0] =	vst v26  }
0x232: {  	[tilespmem:$0x1F4D0] =	vst v8  }
0x233: {  	v32 =	vmov v1;
	v1 =	vmov v5;
	[tilespmem:$0x130F0] =	vst v37  }
.LBB2_4:
0x234: {  	v4 =	vld [tilespmem:$0x1FE00];
	_ =	sdelay $0x1  }
0x235: {  	v37 =	vmov s0  }
0x236: {  	v37 =	vshll.u32 v37, $0x7  }
0x237: {  	v37 =	vor.u32 v34, v37  }
0x238: {  	v47 =	vor.u32 v4, v37;
	v4 =	vld [tilespmem:$0x1FDF0];
	_ =	sdelay $0x4  }
0x239: {  	v61 =	vor.u32 v4, v37;
	v4 =	vld [tilespmem:$0x1FF00];
	_ =	sdelay $0x3  }
0x23a: {  	v6 =	vor.u32 v11, v37  }
0x23b: {  	v5 =	vor.u32 v4, v37;
	v4 =	vld [tilespmem:$0x1FF10];
	_ =	sdelay $0x3  }
0x23c: {  	v48 =	vor.u32 v51, v37;
	v7 =	vor.u32 v12, v37;
	v51 =	vld.idx.msk [tilespmem:v6+s20+$0x0], $0xffff  }
0x23d: {  	v6 =	vor.u32 v4, v37;
	v4 =	vld [tilespmem:$0x1FFE0];
	_ =	sdelay $0x3  }
0x23e: {  	v29 =	vmov v52;
	v52 =	vld.idx.msk [tilespmem:v7+s20+$0x0], $0xffff  }
0x23f: {  	v7 =	vor.u32 v4, v37;
	v4 =	vld [tilespmem:$0x1FFC0];
	_ =	sdelay $0x4  }
0x240: {  	v8 =	vor.u32 v4, v37;
	v4 =	vld [tilespmem:$0x1FFF0];
	_ =	sdelay $0x4  }
0x241: {  	v49 =	vor.u32 v9, v37;
	v9 =	vor.u32 v4, v37;
	v4 =	vld [tilespmem:$0x1FFD0];
	_ =	sdelay $0x4  }
0x242: {  	v50 =	vor.u32 v10, v37;
	v10 =	vor.u32 v4, v37;
	v4 =	vld [tilespmem:$0x1FBC0];
	_ =	sdelay $0x4  }
0x243: {  	v11 =	vor.u32 v4, v37;
	v4 =	vld [tilespmem:$0x1FF90];
	_ =	sdelay $0x4  }
0x244: {  	v12 =	vor.u32 v4, v37;
	v4 =	vld [tilespmem:$0x1FFB0];
	_ =	sdelay $0x4  }
0x245: {  	v53 =	vor.u32 v13, v37;
	v13 =	vor.u32 v4, v37;
	v4 =	vld [tilespmem:$0x1FF30];
	_ =	sdelay $0x2  }
0x246: {  	v45 =	vor.u32 v0, v37  }
0x247: {  	v63 =	vor.u32 v46, v37  }
0x248: {  	v54 =	vor.u32 v14, v37;
	v14 =	vor.u32 v4, v37;
	v4 =	vld [tilespmem:$0x1FF70];
	_ =	sdelay $0x2  }
0x249: {  	v45 =	vld.idx.msk [tilespmem:v45+s20+$0x0], $0xffff  }
0x24a: {  	v26 =	vmov v46;
	v46 =	vld.idx.msk [tilespmem:v63+s20+$0x0], $0xffff  }
0x24b: {  	v55 =	vor.u32 v15, v37;
	v15 =	vor.u32 v4, v37;
	v4 =	vld [tilespmem:$0x1FF40]  }
0x24c: {  	v48 =	vld.idx.msk [tilespmem:v48+s20+$0x0], $0xffff  }
0x24d: {  	v49 =	vld.idx.msk [tilespmem:v49+s20+$0x0], $0xffff  }
0x24e: {  	v56 =	vor.u32 v16, v37;
	v50 =	vld.idx.msk [tilespmem:v50+s20+$0x0], $0xffff  }
0x24f: {  	v57 =	vor.u32 v17, v37;
	v53 =	vld.idx.msk [tilespmem:v53+s20+$0x0], $0xffff  }
0x250: {  	v16 =	vor.u32 v4, v37;
	v4 =	vld [tilespmem:$0x1FF80]  }
0x251: {  	v58 =	vor.u32 v18, v37;
	v54 =	vld.idx.msk [tilespmem:v54+s20+$0x0], $0xffff  }
0x252: {  	v59 =	vor.u32 v19, v37;
	v55 =	vld.idx.msk [tilespmem:v55+s20+$0x0], $0xffff  }
0x253: {  	v60 =	vor.u32 v20, v37;
	v56 =	vld.idx.msk [tilespmem:v56+s20+$0x0], $0xffff  }
0x254: {  	v62 =	vor.u32 v22, v37;
	v57 =	vld.idx.msk [tilespmem:v57+s20+$0x0], $0xffff  }
0x255: {  	v17 =	vor.u32 v4, v37;
	v4 =	vld [tilespmem:$0x1FF50]  }
0x256: {  	v58 =	vld.idx.msk [tilespmem:v58+s20+$0x0], $0xffff  }
0x257: {  	v63 =	vor.u32 v21, v37;
	v59 =	vld.idx.msk [tilespmem:v59+s20+$0x0], $0xffff  }
0x258: {  	v60 =	vld.idx.msk [tilespmem:v60+s20+$0x0], $0xffff  }
0x259: {  	v62 =	vld.idx.msk [tilespmem:v62+s20+$0x0], $0xffff  }
0x25a: {  	v19 =	vor.u32 s0, v4;
	v4 =	vld [tilespmem:$0x1FFA0]  }
0x25b: {  	v47 =	vld.idx.msk [tilespmem:v47+s20+$0x0], $0xffff  }
0x25c: {  	v63 =	vld.idx.msk [tilespmem:v63+s20+$0x0], $0xffff  }
0x25d: {  	v61 =	vld.idx.msk [tilespmem:v61+s20+$0x0], $0xffff  }
0x25e: {  	v5 =	vld.idx.msk [tilespmem:v5+s20+$0x0], $0xffff  }
0x25f: {  	v20 =	vor.u32 s0, v4;
	v4 =	vld [tilespmem:$0x1FBD0]  }
0x260: {  	v6 =	vld.idx.msk [tilespmem:v6+s20+$0x0], $0xffff  }
0x261: {  	v7 =	vld.idx.msk [tilespmem:v7+s20+$0x0], $0xffff  }
0x262: {  	v8 =	vld.idx.msk [tilespmem:v8+s20+$0x0], $0xffff  }
0x263: {  	v9 =	vld.idx.msk [tilespmem:v9+s20+$0x0], $0xffff  }
0x264: {  	v21 =	vor.u32 s0, v4;
	v4 =	vld [tilespmem:$0x1FF60]  }
0x265: {  	v10 =	vld.idx.msk [tilespmem:v10+s20+$0x0], $0xffff  }
0x266: {  	v11 =	vld.idx.msk [tilespmem:v11+s20+$0x0], $0xffff  }
0x267: {  	v12 =	vld.idx.msk [tilespmem:v12+s20+$0x0], $0xffff  }
0x268: {  	v13 =	vld.idx.msk [tilespmem:v13+s20+$0x0], $0xffff  }
0x269: {  	v18 =	vor.u32 s0, v36;
	v22 =	vor.u32 s0, v4;
	v4 =	vld [tilespmem:$0x1FBE0]  }
0x26a: {  	v14 =	vld.idx.msk [tilespmem:v14+s20+$0x0], $0xffff  }
0x26b: {  	v15 =	vld.idx.msk [tilespmem:v15+s20+$0x0], $0xffff  }
0x26c: {  	v16 =	vld.idx.msk [tilespmem:v16+s20+$0x0], $0xffff  }
0x26d: {  	v17 =	vld.idx.msk [tilespmem:v17+s20+$0x0], $0xffff  }
0x26e: {  	[tilespmem:v18+s25+$0x0] =	vst.idx.msk $0xffff, v45;
	v18 =	vor.u32 s0, v4;
	v4 =	vld [tilespmem:$0x1FBF0];
	_ =	sdelay $0x4  }
0x26f: {  	[tilespmem:v19+s25+$0x0] =	vst.idx.msk $0xffff, v46;
	v19 =	vor.u32 s0, v4;
	v4 =	vld [tilespmem:$0x1FC00];
	_ =	sdelay $0x4  }
0x270: {  	[tilespmem:v20+s25+$0x0] =	vst.idx.msk $0xffff, v47;
	v20 =	vor.u32 s0, v4;
	v4 =	vld [tilespmem:$0x1FC10];
	_ =	sdelay $0x4  }
0x271: {  	[tilespmem:v21+s25+$0x0] =	vst.idx.msk $0xffff, v48;
	v21 =	vor.u32 s0, v4;
	v4 =	vld [tilespmem:$0x1F4E0];
	_ =	sdelay $0x4  }
0x272: {  	[tilespmem:v22+s25+$0x0] =	vst.idx.msk $0xffff, v49;
	v22 =	vor.u32 s0, v4;
	v4 =	vld [tilespmem:$0x1F4F0];
	_ =	sdelay $0x4  }
0x273: {  	[tilespmem:v18+s25+$0x0] =	vst.idx.msk $0xffff, v50;
	v18 =	vor.u32 s0, v4;
	v4 =	vld [tilespmem:$0x1F500];
	_ =	sdelay $0x4  }
0x274: {  	[tilespmem:v19+s25+$0x0] =	vst.idx.msk $0xffff, v51;
	v19 =	vor.u32 s0, v4;
	v4 =	vld [tilespmem:$0x1F510];
	_ =	sdelay $0x4  }
0x275: {  	[tilespmem:v20+s25+$0x0] =	vst.idx.msk $0xffff, v52;
	v20 =	vor.u32 s0, v4;
	v4 =	vld [tilespmem:$0x1F520];
	_ =	sdelay $0x4  }
0x276: {  	[tilespmem:v21+s25+$0x0] =	vst.idx.msk $0xffff, v53;
	v21 =	vor.u32 s0, v4;
	v4 =	vld [tilespmem:$0x1F530];
	_ =	sdelay $0x4  }
0x277: {  	[tilespmem:v22+s25+$0x0] =	vst.idx.msk $0xffff, v54;
	v22 =	vor.u32 s0, v4;
	v4 =	vld [tilespmem:$0x1F540];
	_ =	sdelay $0x4  }
0x278: {  	[tilespmem:v18+s25+$0x0] =	vst.idx.msk $0xffff, v55;
	v18 =	vor.u32 s0, v4;
	v4 =	vld [tilespmem:$0x1F980];
	_ =	sdelay $0x4  }
0x279: {  	[tilespmem:v19+s25+$0x0] =	vst.idx.msk $0xffff, v56;
	v19 =	vor.u32 v4, v37;
	v4 =	vld [tilespmem:$0x1F550];
	_ =	sdelay $0x4  }
0x27a: {  	[tilespmem:v20+s25+$0x0] =	vst.idx.msk $0xffff, v57;
	v20 =	vor.u32 v4, v37;
	v4 =	vld [tilespmem:$0x1F560];
	_ =	sdelay $0x4  }
0x27b: {  	[tilespmem:v21+s25+$0x0] =	vst.idx.msk $0xffff, v58;
	v21 =	vor.u32 v4, v37;
	v4 =	vld [tilespmem:$0x1F570];
	_ =	sdelay $0x4  }
0x27c: {  	[tilespmem:v22+s25+$0x0] =	vst.idx.msk $0xffff, v59;
	v22 =	vor.u32 v4, v37;
	v4 =	vld [tilespmem:$0x1F580];
	_ =	sdelay $0x4  }
0x27d: {  	[tilespmem:v18+s25+$0x0] =	vst.idx.msk $0xffff, v60;
	v18 =	vor.u32 v4, v37;
	v4 =	vld [tilespmem:$0x1F590];
	_ =	sdelay $0x4  }
0x27e: {  	v53 =	vor.u32 v4, v37;
	v4 =	vld [tilespmem:$0x1F5A0];
	_ =	sdelay $0x4  }
0x27f: {  	v54 =	vor.u32 v4, v37;
	v4 =	vld [tilespmem:$0x1F5B0];
	_ =	sdelay $0x4  }
0x280: {  	v55 =	vor.u32 v4, v37;
	v4 =	vld [tilespmem:$0x1F5C0];
	_ =	sdelay $0x4  }
0x281: {  	v56 =	vor.u32 v4, v37;
	v4 =	vld [tilespmem:$0x1F5D0];
	_ =	sdelay $0x4  }
0x282: {  	v57 =	vor.u32 v4, v37;
	v4 =	vld [tilespmem:$0x1F5E0];
	_ =	sdelay $0x4  }
0x283: {  	v58 =	vor.u32 v4, v37;
	v4 =	vld [tilespmem:$0x1F5F0];
	_ =	sdelay $0x4  }
0x284: {  	v59 =	vor.u32 v4, v37;
	v4 =	vld [tilespmem:$0x1F600];
	_ =	sdelay $0x4  }
0x285: {  	v52 =	vor.u32 v4, v37;
	v4 =	vld [tilespmem:$0x1F490];
	_ =	sdelay $0x3  }
0x286: {  	v45 =	vld.idx.msk [tilespmem:v53+s20+$0x0], $0xffff  }
0x287: {  	v53 =	vor.u32 v4, v37;
	v4 =	vld [tilespmem:$0x1F610];
	_ =	sdelay $0x3  }
0x288: {  	v46 =	vld.idx.msk [tilespmem:v54+s20+$0x0], $0xffff  }
0x289: {  	v54 =	vor.u32 v4, v37;
	v4 =	vld [tilespmem:$0x1F620];
	_ =	sdelay $0x4  }
0x28a: {  	v60 =	vor.u32 v4, v37;
	v4 =	vld [tilespmem:$0x1F4B0];
	_ =	sdelay $0x3  }
0x28b: {  	v48 =	vld.idx.msk [tilespmem:v56+s20+$0x0], $0xffff  }
0x28c: {  	v56 =	vor.u32 s0, v4;
	v4 =	vld [tilespmem:$0x1F630];
	_ =	sdelay $0x3  }
0x28d: {  	v49 =	vld.idx.msk [tilespmem:v57+s20+$0x0], $0xffff  }
0x28e: {  	v57 =	vor.u32 s0, v4;
	v4 =	vld [tilespmem:$0x1F640];
	_ =	sdelay $0x3  }
0x28f: {  	v50 =	vld.idx.msk [tilespmem:v58+s20+$0x0], $0xffff  }
0x290: {  	v58 =	vor.u32 s0, v4;
	v4 =	vld [tilespmem:$0x1F4D0];
	_ =	sdelay $0x1  }
0x291: {  	v19 =	vld.idx.msk [tilespmem:v19+s20+$0x0], $0xffff  }
0x292: {  	v20 =	vld.idx.msk [tilespmem:v20+s20+$0x0], $0xffff  }
0x293: {  	v51 =	vld.idx.msk [tilespmem:v59+s20+$0x0], $0xffff  }
0x294: {  	v59 =	vor.u32 s0, v4;
	v4 =	vld [tilespmem:$0x1F650]  }
0x295: {  	v21 =	vld.idx.msk [tilespmem:v21+s20+$0x0], $0xffff  }
0x296: {  	v22 =	vld.idx.msk [tilespmem:v22+s20+$0x0], $0xffff  }
0x297: {  	v47 =	vld.idx.msk [tilespmem:v55+s20+$0x0], $0xffff  }
0x298: {  	v55 =	vld.idx.msk [tilespmem:v60+s20+$0x0], $0xffff  }
0x299: {  	v60 =	vor.u32 s0, v4;
	v4 =	vld [tilespmem:$0x1F660]  }
0x29a: {  	v18 =	vld.idx.msk [tilespmem:v18+s20+$0x0], $0xffff  }
0x29b: {  	v52 =	vld.idx.msk [tilespmem:v52+s20+$0x0], $0xffff  }
0x29c: {  	v53 =	vld.idx.msk [tilespmem:v53+s20+$0x0], $0xffff  }
0x29d: {  	v54 =	vld.idx.msk [tilespmem:v54+s20+$0x0], $0xffff  }
0x29e: {  	[tilespmem:v56+s25+$0x0] =	vst.idx.msk $0xffff, v61;
	v56 =	vor.u32 s0, v4;
	v4 =	vld [tilespmem:$0x1F670];
	_ =	sdelay $0x4  }
0x29f: {  	v61 =	vor.u32 s0, v4;
	v4 =	vld [tilespmem:$0x1F680];
	_ =	sdelay $0x4  }
0x2a0: {  	[tilespmem:v57+s25+$0x0] =	vst.idx.msk $0xffff, v62;
	v62 =	vor.u32 s0, v4;
	v4 =	vld [tilespmem:$0x1F690];
	_ =	sdelay $0x3  }
0x2a1: {  	[tilespmem:v58+s25+$0x0] =	vst.idx.msk $0xffff, v63  }
0x2a2: {  	[tilespmem:v59+s25+$0x0] =	vst.idx.msk $0xffff, v5;
	v5 =	vor.u32 s0, v4;
	v4 =	vld [tilespmem:$0x1F6A0];
	_ =	sdelay $0x4  }
0x2a3: {  	v63 =	vor.u32 s0, v4;
	v4 =	vld [tilespmem:$0x1F6B0];
	_ =	sdelay $0x3  }
0x2a4: {  	[tilespmem:v60+s25+$0x0] =	vst.idx.msk $0xffff, v6  }
0x2a5: {  	[tilespmem:v56+s25+$0x0] =	vst.idx.msk $0xffff, v7;
	v56 =	vor.u32 s0, v4;
	v4 =	vld [tilespmem:$0x1F6C0];
	_ =	sdelay $0x4  }
0x2a6: {  	[tilespmem:v61+s25+$0x0] =	vst.idx.msk $0xffff, v8;
	v8 =	vor.u32 s0, v4;
	v4 =	vld [tilespmem:$0x1F6D0];
	_ =	sdelay $0x4  }
0x2a7: {  	[tilespmem:v62+s25+$0x0] =	vst.idx.msk $0xffff, v9;
	v9 =	vor.u32 s0, v4;
	v4 =	vld [tilespmem:$0x1F6E0];
	_ =	sdelay $0x4  }
0x2a8: {  	[tilespmem:v5+s25+$0x0] =	vst.idx.msk $0xffff, v10;
	v5 =	vor.u32 s0, v4;
	v4 =	vld [tilespmem:$0x1F6F0];
	_ =	sdelay $0x4  }
0x2a9: {  	v59 =	vor.u32 s0, v4;
	v4 =	vld [tilespmem:$0x1F700];
	_ =	sdelay $0x4  }
0x2aa: {  	v60 =	vor.u32 s0, v4;
	v4 =	vld [tilespmem:$0x1FC20];
	_ =	sdelay $0x2  }
0x2ab: {  	[tilespmem:v63+s25+$0x0] =	vst.idx.msk $0xffff, v11  }
0x2ac: {  	[tilespmem:v56+s25+$0x0] =	vst.idx.msk $0xffff, v12  }
0x2ad: {  	[tilespmem:v8+s25+$0x0] =	vst.idx.msk $0xffff, v13;
	v8 =	vor.u32 v4, v37;
	v4 =	vld [tilespmem:$0x1F710];
	_ =	sdelay $0x4  }
0x2ae: {  	[tilespmem:v9+s25+$0x0] =	vst.idx.msk $0xffff, v14;
	v9 =	vor.u32 v4, v37;
	v4 =	vld [tilespmem:$0x1F720];
	_ =	sdelay $0x4  }
0x2af: {  	[tilespmem:v5+s25+$0x0] =	vst.idx.msk $0xffff, v15;
	v5 =	vor.u32 v4, v37;
	v4 =	vld [tilespmem:$0x1F730];
	_ =	sdelay $0x4  }
0x2b0: {  	v61 =	vor.u32 v4, v37;
	v4 =	vld [tilespmem:$0x1FB10];
	_ =	sdelay $0x4  }
0x2b1: {  	v62 =	vor.u32 v4, v37;
	v4 =	vld [tilespmem:$0x1F740];
	_ =	sdelay $0x4  }
0x2b2: {  	v10 =	vor.u32 v4, v37;
	v4 =	vld [tilespmem:$0x1F750];
	_ =	sdelay $0x4  }
0x2b3: {  	v11 =	vor.u32 v4, v37;
	v4 =	vld [tilespmem:$0x1F760];
	_ =	sdelay $0x4  }
0x2b4: {  	v12 =	vor.u32 v4, v37;
	v4 =	vld [tilespmem:$0x1F770];
	_ =	sdelay $0x4  }
0x2b5: {  	v13 =	vor.u32 v4, v37;
	v4 =	vld [tilespmem:$0x1F780];
	_ =	sdelay $0x4  }
0x2b6: {  	v14 =	vor.u32 v4, v37;
	v4 =	vld [tilespmem:$0x1F480];
	_ =	sdelay $0x4  }
0x2b7: {  	v15 =	vor.u32 v4, v37;
	v4 =	vld [tilespmem:$0x1F790];
	_ =	sdelay $0x4  }
0x2b8: {  	[tilespmem:v59+s25+$0x0] =	vst.idx.msk $0xffff, v16;
	v16 =	vor.u32 v4, v37;
	v4 =	vld [tilespmem:$0x1FB90];
	_ =	sdelay $0x4  }
0x2b9: {  	[tilespmem:v60+s25+$0x0] =	vst.idx.msk $0xffff, v17;
	v17 =	vor.u32 v4, v37;
	v4 =	vld [tilespmem:$0x1FCB0];
	_ =	sdelay $0x4  }
0x2ba: {  	v63 =	vor.u32 v4, v37;
	v4 =	vld [tilespmem:$0x1FCC0];
	_ =	sdelay $0x4  }
0x2bb: {  	v57 =	vor.u32 v4, v37;
	v4 =	vld [tilespmem:$0x1F7A0];
	_ =	sdelay $0x4  }
0x2bc: {  	v58 =	vor.u32 s0, v4;
	v4 =	vld [tilespmem:$0x1F4A0]  }
0x2bd: {  	v8 =	vld.idx.msk [tilespmem:v8+s20+$0x0], $0xffff  }
0x2be: {  	v9 =	vld.idx.msk [tilespmem:v9+s20+$0x0], $0xffff  }
0x2bf: {  	v5 =	vld.idx.msk [tilespmem:v5+s20+$0x0], $0xffff  }
0x2c0: {  	v6 =	vld.idx.msk [tilespmem:v61+s20+$0x0], $0xffff  }
0x2c1: {  	v60 =	vor.u32 s0, v4;
	v4 =	vld [tilespmem:$0x1F7B0]  }
0x2c2: {  	v7 =	vld.idx.msk [tilespmem:v62+s20+$0x0], $0xffff  }
0x2c3: {  	v10 =	vld.idx.msk [tilespmem:v10+s20+$0x0], $0xffff  }
0x2c4: {  	v11 =	vld.idx.msk [tilespmem:v11+s20+$0x0], $0xffff  }
0x2c5: {  	v12 =	vld.idx.msk [tilespmem:v12+s20+$0x0], $0xffff  }
0x2c6: {  	v61 =	vor.u32 s0, v4;
	v4 =	vld [tilespmem:$0x1F7C0]  }
0x2c7: {  	v13 =	vld.idx.msk [tilespmem:v13+s20+$0x0], $0xffff  }
0x2c8: {  	v14 =	vld.idx.msk [tilespmem:v14+s20+$0x0], $0xffff  }
0x2c9: {  	v15 =	vld.idx.msk [tilespmem:v15+s20+$0x0], $0xffff  }
0x2ca: {  	v16 =	vld.idx.msk [tilespmem:v16+s20+$0x0], $0xffff;
	v37 =	vor.u32 v25, v37  }
0x2cb: {  	v62 =	vor.u32 s0, v4;
	v4 =	vld [tilespmem:$0x1F7D0]  }
0x2cc: {  	v17 =	vld.idx.msk [tilespmem:v17+s20+$0x0], $0xffff  }
0x2cd: {  	v56 =	vld.idx.msk [tilespmem:v63+s20+$0x0], $0xffff  }
0x2ce: {  	v57 =	vld.idx.msk [tilespmem:v57+s20+$0x0], $0xffff  }
0x2cf: {  	v37 =	vld.idx.msk [tilespmem:v37+s20+$0x0], $0xffff  }
0x2d0: {  	v59 =	vor.u32 s0, v1;
	[tilespmem:v58+s25+$0x0] =	vst.idx.msk $0xffff, v19;
	v19 =	vor.u32 s0, v4;
	v4 =	vld [tilespmem:$0x1F7E0];
	_ =	sdelay $0x4  }
0x2d1: {  	[tilespmem:v59+s25+$0x0] =	vst.idx.msk $0xffff, v20;
	v20 =	vor.u32 s0, v4;
	v4 =	vld [tilespmem:$0x1F4C0];
	_ =	sdelay $0x4  }
0x2d2: {  	[tilespmem:v60+s25+$0x0] =	vst.idx.msk $0xffff, v21;
	v21 =	vor.u32 s0, v4;
	v4 =	vld [tilespmem:$0x1F7F0];
	_ =	sdelay $0x4  }
0x2d3: {  	[tilespmem:v61+s25+$0x0] =	vst.idx.msk $0xffff, v22;
	v22 =	vor.u32 s0, v4;
	v4 =	vld [tilespmem:$0x1F800];
	_ =	sdelay $0x4  }
0x2d4: {  	[tilespmem:v62+s25+$0x0] =	vst.idx.msk $0xffff, v18;
	v18 =	vor.u32 s0, v4;
	v4 =	vld [tilespmem:$0x1F810];
	_ =	sdelay $0x4  }
0x2d5: {  	[tilespmem:v19+s25+$0x0] =	vst.idx.msk $0xffff, v45;
	v19 =	vor.u32 s0, v4;
	v4 =	vld [tilespmem:$0x1F830];
	_ =	sdelay $0x3  }
0x2d6: {  	[tilespmem:v20+s25+$0x0] =	vst.idx.msk $0xffff, v46;
	v20 =	vor.u32 s0, v32  }
0x2d7: {  	[tilespmem:v21+s25+$0x0] =	vst.idx.msk $0xffff, v47;
	v21 =	vor.u32 s0, v4  }
0x2d8: {  	[tilespmem:v22+s25+$0x0] =	vst.idx.msk $0xffff, v48;
	v22 =	vor.u32 s0, v3  }
0x2d9: {  	[tilespmem:v18+s25+$0x0] =	vst.idx.msk $0xffff, v49;
	v18 =	vor.u32 s0, v2  }
0x2da: {  	[tilespmem:v19+s25+$0x0] =	vst.idx.msk $0xffff, v50;
	v19 =	vor.u32 s0, v43  }
0x2db: {  	[tilespmem:v20+s25+$0x0] =	vst.idx.msk $0xffff, v51;
	v20 =	vor.u32 s0, v39  }
0x2dc: {  	[tilespmem:v21+s25+$0x0] =	vst.idx.msk $0xffff, v52;
	v21 =	vor.u32 s0, v27  }
0x2dd: {  	[tilespmem:v22+s25+$0x0] =	vst.idx.msk $0xffff, v53;
	v22 =	vor.u32 s0, v28  }
0x2de: {  	[tilespmem:v18+s25+$0x0] =	vst.idx.msk $0xffff, v54;
	v18 =	vor.u32 s0, v29  }
0x2df: {  	v61 =	vld [tilespmem:$0x1FDF0];
	[tilespmem:v19+s25+$0x0] =	vst.idx.msk $0xffff, v55;
	v19 =	vor.u32 s0, v31  }
0x2e0: {  	v4 =	vld [tilespmem:$0x1FDC0];
	[tilespmem:v20+s25+$0x0] =	vst.idx.msk $0xffff, v8;
	v8 =	vor.u32 s0, v38  }
0x2e1: {  	v51 =	vld [tilespmem:$0x1FE10];
	[tilespmem:v21+s25+$0x0] =	vst.idx.msk $0xffff, v9;
	v9 =	vor.u32 s0, v35  }
0x2e2: {  	v20 =	vld [tilespmem:$0x1FED0];
	[tilespmem:v22+s25+$0x0] =	vst.idx.msk $0xffff, v5;
	v5 =	vor.u32 s0, v40  }
0x2e3: {  	v59 =	vor.u32 s0, v41;
	v21 =	vld [tilespmem:$0x1FEF0];
	[tilespmem:v18+s25+$0x0] =	vst.idx.msk $0xffff, v6  }
0x2e4: {  	v60 =	vor.u32 s0, v30;
	v22 =	vld [tilespmem:$0x1FEE0];
	[tilespmem:v19+s25+$0x0] =	vst.idx.msk $0xffff, v7  }
0x2e5: {  	v18 =	vld [tilespmem:$0x1FEB0];
	[tilespmem:v8+s25+$0x0] =	vst.idx.msk $0xffff, v10;
	v8 =	vor.u32 s0, v42  }
0x2e6: {  	v19 =	vld [tilespmem:$0x1FEC0];
	[tilespmem:v9+s25+$0x0] =	vst.idx.msk $0xffff, v11;
	v9 =	vor.u32 s0, v24  }
0x2e7: {  	v10 =	vld [tilespmem:$0x1FE30];
	[tilespmem:v5+s25+$0x0] =	vst.idx.msk $0xffff, v12;
	v5 =	vor.u32 s0, v33  }
0x2e8: {  	v62 =	vor.u32 s0, v23;
	v11 =	vld [tilespmem:$0x1FE40];
	[tilespmem:v59+s25+$0x0] =	vst.idx.msk $0xffff, v13  }
0x2e9: {  	v63 =	vor.u32 s0, v44;
	v12 =	vld [tilespmem:$0x1FE50];
	[tilespmem:v60+s25+$0x0] =	vst.idx.msk $0xffff, v14  }
0x2ea: {  	p0 =	sne.s32 s0, $0x70;
	v13 =	vld [tilespmem:$0x1FE60];
	[tilespmem:v8+s25+$0x0] =	vst.idx.msk $0xffff, v15;
	v8 =	vor.u32 s0, v4  }
.Ltmp1:
0x2eb: {  	v14 =	vld [tilespmem:$0x1FE70];
	[tilespmem:v9+s25+$0x0] =	vst.idx.msk $0xffff, v16;
	(pc) =	sbr.rel @p0 .LBB2_4-.Ltmp1, $4  }
0x2ec: {  	v15 =	vld [tilespmem:$0x1FE80];
	[tilespmem:v5+s25+$0x0] =	vst.idx.msk $0xffff, v17  }
0x2ed: {  	v16 =	vld [tilespmem:$0x1FE90];
	[tilespmem:v62+s25+$0x0] =	vst.idx.msk $0xffff, v56  }
0x2ee: {  	v9 =	vld [tilespmem:$0x1FE20];
	[tilespmem:v63+s25+$0x0] =	vst.idx.msk $0xffff, v57  }
0x2ef: {  	v46 =	vmov v26;
	v52 =	vmov v29;
	s0 =	sadd.s32 $0x10, s0;
	v17 =	vld [tilespmem:$0x1FEA0];
	[tilespmem:v8+s25+$0x0] =	vst.idx.msk $0xffff, v37  }
0x2f0: {  	v48 =	vld [tilespmem:$0x1FFE0]  }
0x2f1: {  	v49 =	vld [tilespmem:$0x1FFC0]  }
0x2f2: {  	[tilespmem:$0x1F420] =	vst v39;
	v50 =	vld [tilespmem:$0x1FFF0]  }
0x2f3: {  	[tilespmem:$0x1F430] =	vst v43;
	v51 =	vld [tilespmem:$0x1FFD0]  }
0x2f4: {  	[tilespmem:$0x1F440] =	vst v2;
	v53 =	vld [tilespmem:$0x1FF90]  }
0x2f5: {  	[tilespmem:$0x1F450] =	vst v3;
	v54 =	vld [tilespmem:$0x1FFB0]  }
0x2f6: {  	[tilespmem:s20], [sflag:$0x2] =	stream.indirect.gather [hbm4b:s4+s16], $0x80, s19, s16, $0xb8;
	v56 =	vld [tilespmem:$0x1FF70]  }
0x2f7: {  	[tilespmem:$0x1F460] =	vst v32;
	s0 =	rddreg [dreg:$0x5];
	v58 =	vld [tilespmem:$0x1FF80]  }
0x2f8: {  	[tilespmem:$0x1F470] =	vst v1;
	s30 =	simm.s32 $0x1;
	p0 =	por $0x0, $0x0;
	s31 =	simm.s32 $0x0;
	v62 =	vld [tilespmem:$0x1FFA0]  }
0x2f9: {  	v63 =	vld [tilespmem:$0x1FF60];
	[hbm4b:s0+s23] =	stream.strided.scatter [tilespmem:s25], [sflag:$0x4], $0x2000, s14, s23, $0x38  }
.LBB2_6:
0x2fa: {  	s0 =	sshll.u32 s30, $0x1  }
0x2fb: {  	s3 =	simm.s32 $0x1;
	s8 =	sadd.s32 $0x2, s0  }
0x2fc: {  	s3 =	simm.s32 @!p0 $0x0;
	s8 =	sshrl.u32 s8, $0x2  }
0x2fd: {  	s3 =	sshll.u32 s3, $0x8;
	v5 =	vmov s8  }
0x2fe: {  	v7 =	vmov s3;
	v6 =	vshll.u32 v5, $0x9;
	v5 =	vshll.u32 v5, $0x7  }
0x2ff: {  	v7 =	vshll.u32 v7, $0x3;
	v6 =	vand.u32 $0x7FFFF000, v6;
	v5 =	vand.u32 $0x380, v5  }
0x300: {  	v55 =	vor.u32 s3, v0;
	v57 =	vand.u32 $0x800, v7;
	v37 =	vor.u32 v6, v5  }
0x301: {  	v5 =	vand.u32 $0x7F, v55;
	v6 =	vor.u32 v57, v37  }
0x302: {  	v5 =	vor.u32 v5, v6  }
0x303: {  	s12 =	sadd.s32 $0x10, s3  }
0x304: {  	_ =	swait.ge [sflag:s21], $0x4000;
	v59 =	vmov s12  }
0x305: {  	[sflag:s21] =	ssyncset.done $0x0;
	v6 =	vshll.u32 v59, $0x3  }
0x306: {  	[sflag:s21] =	ssyncadd.s32 $0xFFFFC000;
	v60 =	vor.u32 s12, v0;
	v6 =	vand.u32 $0x800, v6  }
0x307: {  	v7 =	vand.u32 $0x7F, v60;
	v6 =	vor.u32 v6, v37;
	v46 =	vld.idx.msk [tilespmem:v5+s2+$0x0], $0xffff  }
0x308: {  	v45 =	vor.u32 v7, v6  }
0x309: {  	s13 =	sand.u32 $0x3, s31;
	s10 =	simm.s32 $0xC0  }
0x30a: {  	s11 =	simm.s32 $0x0;
	s3 =	sshll.u32 s13, $0x7;
	s9 =	sadd.s32 $0x10, s12  }
0x30b: {  	s13 =	simm.s32 $0x40;
	s8 =	simm.s32 $0x80;
	s3 =	sadd.s32 $0x80, s3;
	v47 =	vmov s9  }
.LBB2_7:
0x30c: {  	p1 =	sne.s32 s10, $0x1C0;
	v5 =	vshll.u32 v47, $0x3;
	[tilespmem:s11+$0x13000] =	vst v46;
	s12 =	smov.u32 s8;
	s8 =	smov.u32 s10  }
0x30d: {  	v6 =	vor.u32 s9, v0;
	v5 =	vand.u32 $0x800, v5;
	v46 =	vld.idx.msk [tilespmem:v45+s2+$0x0], $0xffff  }
.Ltmp2:
0x30e: {  	v6 =	vand.u32 $0x7F, v6;
	v5 =	vor.u32 v5, v37;
	(pc) =	sbr.rel @p1 .LBB2_7-.Ltmp2, $3  }
0x30f: {  	v45 =	vor.u32 v6, v5;
	_ =	sdelay $0x1  }
0x310: {  	s9 =	sadd.s32 $0x10, s9  }
0x311: {  	s10 =	sadd.s32 $0x40, s10;
	s11 =	sshra.s32 s13, $0x2;
	v47 =	vmov s9;
	s13 =	smov.u32 s12  }
0x312: {  	_ =	sdelay $0x1  }
0x313: {  	v5 =	vshll.u32 v47, $0x3  }
0x314: {  	[tilespmem:s11+$0x13000] =	vst v46;
	v6 =	vor.u32 s9, v0;
	v5 =	vand.u32 $0x800, v5  }
0x315: {  	v7 =	vld.idx.msk [tilespmem:v45+s2+$0x0], $0xffff;
	v6 =	vand.u32 $0x7F, v6;
	v5 =	vor.u32 v5, v37  }
0x316: {  	v5 =	vor.u32 v6, v5;
	_ =	sdelay $0x2  }
0x317: {  	s13 =	sshra.s32 s13, $0x2  }
0x318: {  	[tilespmem:s13+$0x13000] =	vst v7  }
0x319: {  	v5 =	vld.idx.msk [tilespmem:v5+s2+$0x0], $0xffff;
	_ =	sdelay $0x3  }
0x31a: {  	s8 =	sshra.s32 s8, $0x2  }
0x31b: {  	[tilespmem:s8+$0x13000] =	vst v5  }
0x31c: {  	_ =	swait.ge [sflag:s26], $0x2000  }
0x31d: {  	v35 =	vld [tilespmem:$0x1F4A0]  }
0x31e: {  	v38 =	vld [tilespmem:$0x1F7B0]  }
0x31f: {  	v40 =	vld [tilespmem:$0x1F7C0]  }
0x320: {  	v42 =	vld [tilespmem:$0x1F7D0]  }
0x321: {  	v44 =	vld [tilespmem:$0x1F7E0]  }
0x322: {  	v30 =	vld [tilespmem:$0x1F4C0]  }
0x323: {  	v1 =	vld [tilespmem:$0x1F7F0]  }
0x324: {  	v2 =	vld [tilespmem:$0x1F800]  }
0x325: {  	v3 =	vld [tilespmem:$0x1F810]  }
0x326: {  	v4 =	vld [tilespmem:$0x1F460]  }
0x327: {  	v34 =	vld [tilespmem:$0x1F830]  }
0x328: {  	v23 =	vld [tilespmem:$0x1F450]  }
0x329: {  	v25 =	vld [tilespmem:$0x1F440]  }
0x32a: {  	[sflag:s26] =	ssyncset.done $0x0;
	v24 =	vld [tilespmem:$0x1F430]  }
0x32b: {  	s13 =	simm.s32 $0x0;
	v28 =	vld [tilespmem:$0x1F420];
	[sflag:s26] =	ssyncadd.s32 $0xFFFFE000  }
.LBB2_9:
0x32c: {  	v6 =	vld [tilespmem:$0x1FDD0]  }
0x32d: {  	v7 =	vld [tilespmem:$0x1FE00]  }
0x32e: {  	v8 =	vld [tilespmem:$0x1FE10]  }
0x32f: {  	v9 =	vld [tilespmem:$0x1FE20]  }
0x330: {  	v10 =	vld [tilespmem:$0x1FE30]  }
0x331: {  	v11 =	vld [tilespmem:$0x1FE40]  }
0x332: {  	v12 =	vld [tilespmem:$0x1FE50]  }
0x333: {  	v13 =	vld [tilespmem:$0x1FE60]  }
0x334: {  	v14 =	vld [tilespmem:$0x1FE70]  }
0x335: {  	v15 =	vld [tilespmem:$0x1FE80]  }
0x336: {  	v16 =	vld [tilespmem:$0x1FE90]  }
0x337: {  	v5 =	vmov s13;
	v17 =	vld [tilespmem:$0x1FEA0]  }
0x338: {  	v18 =	vld [tilespmem:$0x1FEB0];
	v5 =	vshll.u32 v5, $0x7  }
0x339: {  	v26 =	vld [tilespmem:$0x1FEF0];
	v37 =	vor.u32 v6, v5  }
0x33a: {  	v19 =	vld [tilespmem:$0x1FEC0];
	v5 =	vor.u32 v0, v37  }
0x33b: {  	v20 =	vld [tilespmem:$0x1FED0];
	v7 =	vor.u32 v7, v37  }
0x33c: {  	v22 =	vld [tilespmem:$0x1FEE0];
	v8 =	vor.u32 v8, v37  }
0x33d: {  	v6 =	vld [tilespmem:$0x1FDE0];
	v9 =	vor.u32 v9, v37  }
0x33e: {  	v10 =	vor.u32 v10, v37;
	v45 =	vor.u32 v26, v37;
	v26 =	vld [tilespmem:$0x1FF00]  }
0x33f: {  	v11 =	vor.u32 v11, v37;
	v5 =	vld.idx.msk [tilespmem:v5+s18+$0x0], $0xffff  }
0x340: {  	v12 =	vor.u32 v12, v37;
	v7 =	vld.idx.msk [tilespmem:v7+s18+$0x0], $0xffff  }
0x341: {  	v13 =	vor.u32 v13, v37;
	v8 =	vld.idx.msk [tilespmem:v8+s18+$0x0], $0xffff  }
0x342: {  	v9 =	vld.idx.msk [tilespmem:v9+s18+$0x0], $0xffff  }
0x343: {  	v14 =	vor.u32 v14, v37;
	v10 =	vld.idx.msk [tilespmem:v10+s18+$0x0], $0xffff  }
0x344: {  	v15 =	vor.u32 v15, v37;
	v11 =	vld.idx.msk [tilespmem:v11+s18+$0x0], $0xffff  }
0x345: {  	v16 =	vor.u32 v16, v37;
	v12 =	vld.idx.msk [tilespmem:v12+s18+$0x0], $0xffff  }
0x346: {  	v17 =	vor.u32 v17, v37;
	v13 =	vld.idx.msk [tilespmem:v13+s18+$0x0], $0xffff  }
0x347: {  	v46 =	vor.u32 v26, v37;
	v26 =	vld [tilespmem:$0x1FF10]  }
0x348: {  	v18 =	vor.u32 v18, v37;
	v14 =	vld.idx.msk [tilespmem:v14+s18+$0x0], $0xffff  }
0x349: {  	v19 =	vor.u32 v19, v37;
	v15 =	vld.idx.msk [tilespmem:v15+s18+$0x0], $0xffff  }
0x34a: {  	v20 =	vor.u32 v20, v37;
	v16 =	vld.idx.msk [tilespmem:v16+s18+$0x0], $0xffff  }
0x34b: {  	v21 =	vor.u32 v61, v37;
	v17 =	vld.idx.msk [tilespmem:v17+s18+$0x0], $0xffff  }
0x34c: {  	v47 =	vor.u32 v26, v37;
	v26 =	vld [tilespmem:$0x1FBC0]  }
0x34d: {  	v22 =	vor.u32 v22, v37;
	v18 =	vld.idx.msk [tilespmem:v18+s18+$0x0], $0xffff  }
0x34e: {  	v19 =	vld.idx.msk [tilespmem:v19+s18+$0x0], $0xffff  }
0x34f: {  	v41 =	vor.u32 v48, v37;
	v20 =	vld.idx.msk [tilespmem:v20+s18+$0x0], $0xffff  }
0x350: {  	v43 =	vor.u32 v49, v37;
	v21 =	vld.idx.msk [tilespmem:v21+s18+$0x0], $0xffff  }
0x351: {  	v52 =	vor.u32 v26, v37;
	v26 =	vld [tilespmem:$0x1FF30]  }
0x352: {  	v57 =	vor.u32 v50, v37;
	v22 =	vld.idx.msk [tilespmem:v22+s18+$0x0], $0xffff  }
0x353: {  	v59 =	vor.u32 v51, v37;
	v45 =	vld.idx.msk [tilespmem:v45+s18+$0x0], $0xffff  }
0x354: {  	v27 =	vmov v48;
	v60 =	vor.u32 v53, v37;
	v48 =	vld.idx.msk [tilespmem:v41+s18+$0x0], $0xffff  }
0x355: {  	v29 =	vmov v49;
	v61 =	vor.u32 v54, v37;
	v49 =	vld.idx.msk [tilespmem:v43+s18+$0x0], $0xffff  }
0x356: {  	v55 =	vor.u32 v26, v37;
	v26 =	vld [tilespmem:$0x1FF40]  }
0x357: {  	v32 =	vmov v50;
	v33 =	vor.u32 v56, v37;
	v50 =	vld.idx.msk [tilespmem:v57+s18+$0x0], $0xffff  }
0x358: {  	v31 =	vmov v51;
	v51 =	vld.idx.msk [tilespmem:v59+s18+$0x0], $0xffff  }
0x359: {  	v36 =	vmov v53;
	v6 =	vor.u32 v6, v37;
	v53 =	vld.idx.msk [tilespmem:v60+s18+$0x0], $0xffff  }
0x35a: {  	v39 =	vmov v54;
	v54 =	vld.idx.msk [tilespmem:v61+s18+$0x0], $0xffff  }
0x35b: {  	v57 =	vor.u32 v26, v37;
	v26 =	vld [tilespmem:$0x1FF20]  }
0x35c: {  	v41 =	vmov v56;
	v43 =	vmov v58;
	v58 =	vor.u32 v58, v37;
	v56 =	vld.idx.msk [tilespmem:v33+s18+$0x0], $0xffff  }
0x35d: {  	v33 =	vld [tilespmem:$0x1FBD0]  }
0x35e: {  	v6 =	vld.idx.msk [tilespmem:v6+s18+$0x0], $0xffff  }
0x35f: {  	v46 =	vld.idx.msk [tilespmem:v46+s18+$0x0], $0xffff  }
0x360: {  	v59 =	vor.u32 s13, v26;
	v26 =	vld [tilespmem:$0x1FF50]  }
0x361: {  	v58 =	vld.idx.msk [tilespmem:v58+s18+$0x0], $0xffff  }
0x362: {  	v47 =	vld.idx.msk [tilespmem:v47+s18+$0x0], $0xffff  }
0x363: {  	v52 =	vld.idx.msk [tilespmem:v52+s18+$0x0], $0xffff  }
0x364: {  	v55 =	vld.idx.msk [tilespmem:v55+s18+$0x0], $0xffff  }
0x365: {  	v57 =	vld.idx.msk [tilespmem:v57+s18+$0x0], $0xffff;
	v60 =	vor.u32 s13, v26  }
0x366: {  	[tilespmem:v59+s22+$0x0] =	vst.idx.msk $0xffff, v5;
	v5 =	vld [tilespmem:$0x1FBE0]  }
0x367: {  	v61 =	vor.u32 s13, v62;
	_ =	sdelay $0x1  }
0x368: {  	v26 =	vmov v62;
	v62 =	vor.u32 s13, v33  }
0x369: {  	v33 =	vmov v63;
	v63 =	vor.u32 s13, v63;
	[tilespmem:v60+s22+$0x0] =	vst.idx.msk $0xffff, v6;
	v6 =	vld [tilespmem:$0x1FBF0]  }
0x36a: {  	v5 =	vor.u32 s13, v5  }
0x36b: {  	[tilespmem:v61+s22+$0x0] =	vst.idx.msk $0xffff, v7;
	v7 =	vld [tilespmem:$0x1FC00]  }
0x36c: {  	v59 =	vld [tilespmem:$0x1F5F0]  }
0x36d: {  	v60 =	vld [tilespmem:$0x1FC10];
	[tilespmem:v62+s22+$0x0] =	vst.idx.msk $0xffff, v8  }
0x36e: {  	v61 =	vld [tilespmem:$0x1F4E0];
	[tilespmem:v63+s22+$0x0] =	vst.idx.msk $0xffff, v9;
	v6 =	vor.u32 s13, v6  }
0x36f: {  	[tilespmem:v5+s22+$0x0] =	vst.idx.msk $0xffff, v10;
	v5 =	vld [tilespmem:$0x1F4F0]  }
0x370: {  	v62 =	vld [tilespmem:$0x1F520];
	v7 =	vor.u32 s13, v7  }
0x371: {  	v63 =	vld [tilespmem:$0x1F530]  }
0x372: {  	v8 =	vor.u32 s13, v60;
	v60 =	vld [tilespmem:$0x1F600]  }
0x373: {  	v9 =	vor.u32 s13, v61;
	[tilespmem:v6+s22+$0x0] =	vst.idx.msk $0xffff, v11;
	v6 =	vld [tilespmem:$0x1F500]  }
0x374: {  	v61 =	vld [tilespmem:$0x1F490];
	v5 =	vor.u32 s13, v5  }
0x375: {  	[tilespmem:v7+s22+$0x0] =	vst.idx.msk $0xffff, v12;
	v7 =	vld [tilespmem:$0x1F510]  }
0x376: {  	v12 =	vld [tilespmem:$0x1F560]  }
0x377: {  	[tilespmem:v8+s22+$0x0] =	vst.idx.msk $0xffff, v13;
	v13 =	vld [tilespmem:$0x1F570]  }
0x378: {  	v8 =	vor.u32 s13, v62;
	v62 =	vld [tilespmem:$0x1F610];
	[tilespmem:v9+s22+$0x0] =	vst.idx.msk $0xffff, v14;
	v6 =	vor.u32 s13, v6  }
0x379: {  	[tilespmem:v5+s22+$0x0] =	vst.idx.msk $0xffff, v15;
	v5 =	vld [tilespmem:$0x1F540]  }
0x37a: {  	v14 =	vld [tilespmem:$0x1F590];
	v7 =	vor.u32 s13, v7  }
0x37b: {  	v9 =	vor.u32 s13, v63;
	v63 =	vld [tilespmem:$0x1F4B0]  }
0x37c: {  	v15 =	vld [tilespmem:$0x1F5A0]  }
0x37d: {  	[tilespmem:v6+s22+$0x0] =	vst.idx.msk $0xffff, v16;
	v6 =	vld [tilespmem:$0x1F980]  }
0x37e: {  	v5 =	vor.u32 s13, v5;
	v16 =	vld [tilespmem:$0x1F5B0]  }
0x37f: {  	[tilespmem:v7+s22+$0x0] =	vst.idx.msk $0xffff, v17;
	v7 =	vld [tilespmem:$0x1F550]  }
0x380: {  	v17 =	vld [tilespmem:$0x1F5C0]  }
0x381: {  	v10 =	vor.u32 v14, v37;
	[tilespmem:v8+s22+$0x0] =	vst.idx.msk $0xffff, v18;
	v18 =	vld [tilespmem:$0x1F5D0]  }
0x382: {  	v11 =	vor.u32 v15, v37;
	[tilespmem:v9+s22+$0x0] =	vst.idx.msk $0xffff, v19;
	v19 =	vld [tilespmem:$0x1F5E0]  }
0x383: {  	[tilespmem:v5+s22+$0x0] =	vst.idx.msk $0xffff, v20;
	v5 =	vld [tilespmem:$0x1F580]  }
0x384: {  	v8 =	vor.u32 v12, v37;
	v20 =	vld [tilespmem:$0x1F620]  }
0x385: {  	v12 =	vor.u32 v16, v37;
	v16 =	vor.u32 v59, v37;
	v59 =	vor.u32 s13, v63;
	v63 =	vld [tilespmem:$0x1F650]  }
0x386: {  	v9 =	vor.u32 v13, v37;
	v10 =	vld.idx.msk [tilespmem:v10+s18+$0x0], $0xffff  }
0x387: {  	v11 =	vld.idx.msk [tilespmem:v11+s18+$0x0], $0xffff  }
0x388: {  	v6 =	vor.u32 v6, v37;
	v13 =	vor.u32 v17, v37;
	v17 =	vor.u32 v60, v37;
	v60 =	vld [tilespmem:$0x1F630]  }
0x389: {  	v8 =	vld.idx.msk [tilespmem:v8+s18+$0x0], $0xffff  }
0x38a: {  	v14 =	vor.u32 v18, v37;
	v18 =	vor.u32 v61, v37;
	v61 =	vld [tilespmem:$0x1F640]  }
0x38b: {  	v7 =	vor.u32 v7, v37;
	v9 =	vld.idx.msk [tilespmem:v9+s18+$0x0], $0xffff  }
0x38c: {  	v15 =	vor.u32 v19, v37;
	v19 =	vor.u32 v62, v37;
	v62 =	vld [tilespmem:$0x1F4D0]  }
0x38d: {  	v6 =	vld.idx.msk [tilespmem:v6+s18+$0x0], $0xffff  }
0x38e: {  	v12 =	vld.idx.msk [tilespmem:v12+s18+$0x0], $0xffff  }
0x38f: {  	v16 =	vld.idx.msk [tilespmem:v16+s18+$0x0], $0xffff  }
0x390: {  	v7 =	vld.idx.msk [tilespmem:v7+s18+$0x0], $0xffff  }
0x391: {  	v13 =	vld.idx.msk [tilespmem:v13+s18+$0x0], $0xffff  }
0x392: {  	v5 =	vor.u32 v5, v37;
	v17 =	vld.idx.msk [tilespmem:v17+s18+$0x0], $0xffff  }
0x393: {  	v20 =	vor.u32 v20, v37;
	v14 =	vld.idx.msk [tilespmem:v14+s18+$0x0], $0xffff  }
0x394: {  	v18 =	vld.idx.msk [tilespmem:v18+s18+$0x0], $0xffff  }
0x395: {  	v60 =	vor.u32 s13, v60;
	v15 =	vld.idx.msk [tilespmem:v15+s18+$0x0], $0xffff  }
0x396: {  	v19 =	vld.idx.msk [tilespmem:v19+s18+$0x0], $0xffff  }
0x397: {  	v5 =	vld.idx.msk [tilespmem:v5+s18+$0x0], $0xffff  }
0x398: {  	v20 =	vld.idx.msk [tilespmem:v20+s18+$0x0], $0xffff  }
0x399: {  	[tilespmem:v59+s22+$0x0] =	vst.idx.msk $0xffff, v21;
	v21 =	vld [tilespmem:$0x1F660]  }
0x39a: {  	[tilespmem:v60+s22+$0x0] =	vst.idx.msk $0xffff, v22;
	v22 =	vld [tilespmem:$0x1F670]  }
0x39b: {  	v61 =	vor.u32 s13, v61  }
0x39c: {  	v62 =	vor.u32 s13, v62  }
0x39d: {  	v63 =	vor.u32 s13, v63;
	v59 =	vld [tilespmem:$0x1F680]  }
0x39e: {  	v21 =	vor.u32 s13, v21  }
0x39f: {  	v60 =	vld [tilespmem:$0x1F690];
	v22 =	vor.u32 s13, v22  }
0x3a0: {  	[tilespmem:v61+s22+$0x0] =	vst.idx.msk $0xffff, v45;
	v61 =	vld [tilespmem:$0x1F6A0]  }
0x3a1: {  	[tilespmem:v62+s22+$0x0] =	vst.idx.msk $0xffff, v46;
	v62 =	vld [tilespmem:$0x1F6D0]  }
0x3a2: {  	[tilespmem:v63+s22+$0x0] =	vst.idx.msk $0xffff, v47;
	v45 =	vor.u32 s13, v59;
	v59 =	vld [tilespmem:$0x1F790]  }
0x3a3: {  	[tilespmem:v21+s22+$0x0] =	vst.idx.msk $0xffff, v48;
	v21 =	vld [tilespmem:$0x1F6B0]  }
0x3a4: {  	[tilespmem:v22+s22+$0x0] =	vst.idx.msk $0xffff, v49;
	v22 =	vld [tilespmem:$0x1F6C0]  }
0x3a5: {  	v46 =	vor.u32 s13, v60;
	v60 =	vld [tilespmem:$0x1FB90]  }
0x3a6: {  	v48 =	vld [tilespmem:$0x1F6E0]  }
0x3a7: {  	v47 =	vor.u32 s13, v61;
	v49 =	vld [tilespmem:$0x1F6F0]  }
0x3a8: {  	v61 =	vld [tilespmem:$0x1FCB0];
	v21 =	vor.u32 s13, v21  }
0x3a9: {  	[tilespmem:v45+s22+$0x0] =	vst.idx.msk $0xffff, v50;
	v50 =	vld [tilespmem:$0x1F710];
	v22 =	vor.u32 s13, v22  }
0x3aa: {  	v45 =	vor.u32 s13, v62;
	v62 =	vld [tilespmem:$0x1FCC0]  }
0x3ab: {  	[tilespmem:v46+s22+$0x0] =	vst.idx.msk $0xffff, v51;
	v51 =	vld [tilespmem:$0x1F720];
	v46 =	vor.u32 s13, v48  }
0x3ac: {  	[tilespmem:v47+s22+$0x0] =	vst.idx.msk $0xffff, v52;
	v52 =	vld [tilespmem:$0x1F730];
	v47 =	vor.u32 s13, v49  }
0x3ad: {  	[tilespmem:v21+s22+$0x0] =	vst.idx.msk $0xffff, v53;
	v21 =	vld [tilespmem:$0x1F700]  }
0x3ae: {  	[tilespmem:v22+s22+$0x0] =	vst.idx.msk $0xffff, v54;
	v22 =	vld [tilespmem:$0x1FC20]  }
0x3af: {  	[tilespmem:v45+s22+$0x0] =	vst.idx.msk $0xffff, v55;
	v55 =	vld [tilespmem:$0x1F760]  }
0x3b0: {  	[tilespmem:v46+s22+$0x0] =	vst.idx.msk $0xffff, v56;
	v56 =	vld [tilespmem:$0x1F770]  }
0x3b1: {  	[tilespmem:v47+s22+$0x0] =	vst.idx.msk $0xffff, v57;
	v57 =	vld [tilespmem:$0x1F780]  }
0x3b2: {  	v53 =	vld [tilespmem:$0x1F740];
	v21 =	vor.u32 s13, v21  }
0x3b3: {  	v54 =	vld [tilespmem:$0x1F750];
	v45 =	vor.u32 v50, v37  }
0x3b4: {  	v22 =	vor.u32 v22, v37;
	v50 =	vor.u32 v55, v37;
	v55 =	vor.u32 v60, v37;
	v60 =	vld [tilespmem:$0x1FCD0]  }
0x3b5: {  	v46 =	vor.u32 v51, v37;
	v51 =	vor.u32 v56, v37;
	v56 =	vor.u32 v61, v37;
	v61 =	vld [tilespmem:$0x1F7A0]  }
0x3b6: {  	v47 =	vor.u32 v52, v37;
	v52 =	vor.u32 v57, v37;
	v57 =	vor.u32 v62, v37;
	v62 =	vld [tilespmem:$0x1F470]  }
0x3b7: {  	[tilespmem:v21+s22+$0x0] =	vst.idx.msk $0xffff, v58;
	v21 =	vld [tilespmem:$0x1FB10]  }
0x3b8: {  	v48 =	vor.u32 v53, v37;
	v58 =	vld [tilespmem:$0x1F480]  }
0x3b9: {  	v49 =	vor.u32 v54, v37;
	v22 =	vld.idx.msk [tilespmem:v22+s18+$0x0], $0xffff  }
0x3ba: {  	v54 =	vor.u32 v59, v37;
	v45 =	vld.idx.msk [tilespmem:v45+s18+$0x0], $0xffff  }
0x3bb: {  	v46 =	vld.idx.msk [tilespmem:v46+s18+$0x0], $0xffff  }
0x3bc: {  	v47 =	vld.idx.msk [tilespmem:v47+s18+$0x0], $0xffff  }
0x3bd: {  	v48 =	vld.idx.msk [tilespmem:v48+s18+$0x0], $0xffff  }
0x3be: {  	v49 =	vld.idx.msk [tilespmem:v49+s18+$0x0], $0xffff  }
0x3bf: {  	v54 =	vld.idx.msk [tilespmem:v54+s18+$0x0], $0xffff  }
0x3c0: {  	v50 =	vld.idx.msk [tilespmem:v50+s18+$0x0], $0xffff  }
0x3c1: {  	v55 =	vld.idx.msk [tilespmem:v55+s18+$0x0], $0xffff;
	v21 =	vor.u32 v21, v37  }
0x3c2: {  	v51 =	vld.idx.msk [tilespmem:v51+s18+$0x0], $0xffff;
	v53 =	vor.u32 v58, v37  }
0x3c3: {  	v56 =	vld.idx.msk [tilespmem:v56+s18+$0x0], $0xffff;
	v37 =	vor.u32 v60, v37;
	v58 =	vor.u32 s13, v61  }
0x3c4: {  	v52 =	vld.idx.msk [tilespmem:v52+s18+$0x0], $0xffff;
	v59 =	vor.u32 s13, v62  }
0x3c5: {  	v57 =	vld.idx.msk [tilespmem:v57+s18+$0x0], $0xffff;
	v60 =	vor.u32 s13, v35  }
0x3c6: {  	v61 =	vor.u32 s13, v38;
	v21 =	vld.idx.msk [tilespmem:v21+s18+$0x0], $0xffff  }
0x3c7: {  	v62 =	vor.u32 s13, v40;
	v53 =	vld.idx.msk [tilespmem:v53+s18+$0x0], $0xffff  }
0x3c8: {  	v37 =	vld.idx.msk [tilespmem:v37+s18+$0x0], $0xffff;
	[tilespmem:v58+s22+$0x0] =	vst.idx.msk $0xffff, v6;
	v6 =	vor.u32 s13, v42  }
0x3c9: {  	[tilespmem:v59+s22+$0x0] =	vst.idx.msk $0xffff, v7;
	v7 =	vor.u32 s13, v44  }
0x3ca: {  	[tilespmem:v60+s22+$0x0] =	vst.idx.msk $0xffff, v8;
	v8 =	vor.u32 s13, v30  }
0x3cb: {  	v59 =	vor.u32 s13, v1;
	[tilespmem:v61+s22+$0x0] =	vst.idx.msk $0xffff, v9  }
0x3cc: {  	[tilespmem:v62+s22+$0x0] =	vst.idx.msk $0xffff, v5;
	v5 =	vor.u32 s13, v2  }
0x3cd: {  	[tilespmem:v6+s22+$0x0] =	vst.idx.msk $0xffff, v10;
	v6 =	vor.u32 s13, v3  }
0x3ce: {  	[tilespmem:v7+s22+$0x0] =	vst.idx.msk $0xffff, v11;
	v7 =	vor.u32 s13, v4  }
0x3cf: {  	[tilespmem:v8+s22+$0x0] =	vst.idx.msk $0xffff, v12;
	v12 =	vor.u32 s13, v34  }
0x3d0: {  	[tilespmem:v59+s22+$0x0] =	vst.idx.msk $0xffff, v13;
	v13 =	vor.u32 s13, v23  }
0x3d1: {  	[tilespmem:v5+s22+$0x0] =	vst.idx.msk $0xffff, v14;
	v5 =	vor.u32 s13, v25  }
0x3d2: {  	[tilespmem:v6+s22+$0x0] =	vst.idx.msk $0xffff, v15;
	v6 =	vor.u32 s13, v24  }
0x3d3: {  	[tilespmem:v7+s22+$0x0] =	vst.idx.msk $0xffff, v16;
	v7 =	vor.u32 s13, v28  }
0x3d4: {  	[tilespmem:v12+s22+$0x0] =	vst.idx.msk $0xffff, v17;
	v17 =	vld [tilespmem:$0x1FCE0]  }
0x3d5: {  	[tilespmem:v13+s22+$0x0] =	vst.idx.msk $0xffff, v18;
	v18 =	vld [tilespmem:$0x1FCF0]  }
0x3d6: {  	[tilespmem:v5+s22+$0x0] =	vst.idx.msk $0xffff, v19;
	v5 =	vld [tilespmem:$0x1FD00]  }
0x3d7: {  	[tilespmem:v6+s22+$0x0] =	vst.idx.msk $0xffff, v20;
	v6 =	vld [tilespmem:$0x1FD10]  }
0x3d8: {  	[tilespmem:v7+s22+$0x0] =	vst.idx.msk $0xffff, v22;
	v7 =	vld [tilespmem:$0x1FD20]  }
0x3d9: {  	v8 =	vor.u32 s13, v17  }
0x3da: {  	v9 =	vor.u32 s13, v18  }
0x3db: {  	v5 =	vor.u32 s13, v5  }
0x3dc: {  	v6 =	vor.u32 s13, v6  }
0x3dd: {  	v7 =	vor.u32 s13, v7  }
0x3de: {  	[tilespmem:v8+s22+$0x0] =	vst.idx.msk $0xffff, v45;
	v45 =	vld [tilespmem:$0x1FD30]  }
0x3df: {  	[tilespmem:v9+s22+$0x0] =	vst.idx.msk $0xffff, v46;
	v46 =	vld [tilespmem:$0x1FD40]  }
0x3e0: {  	[tilespmem:v5+s22+$0x0] =	vst.idx.msk $0xffff, v47;
	v5 =	vld [tilespmem:$0x1FD50]  }
0x3e1: {  	[tilespmem:v6+s22+$0x0] =	vst.idx.msk $0xffff, v21;
	v6 =	vld [tilespmem:$0x1FD60]  }
0x3e2: {  	[tilespmem:v7+s22+$0x0] =	vst.idx.msk $0xffff, v48;
	v7 =	vld [tilespmem:$0x1FD70]  }
0x3e3: {  	v8 =	vor.u32 s13, v45  }
0x3e4: {  	v9 =	vor.u32 s13, v46  }
0x3e5: {  	v5 =	vor.u32 s13, v5  }
0x3e6: {  	v6 =	vor.u32 s13, v6  }
0x3e7: {  	v7 =	vor.u32 s13, v7  }
0x3e8: {  	v59 =	vld [tilespmem:$0x1FD80];
	[tilespmem:v8+s22+$0x0] =	vst.idx.msk $0xffff, v49  }
0x3e9: {  	v60 =	vld [tilespmem:$0x1FD90];
	[tilespmem:v9+s22+$0x0] =	vst.idx.msk $0xffff, v50  }
0x3ea: {  	[tilespmem:v5+s22+$0x0] =	vst.idx.msk $0xffff, v51;
	v5 =	vld [tilespmem:$0x1FDA0]  }
0x3eb: {  	[tilespmem:v6+s22+$0x0] =	vst.idx.msk $0xffff, v52;
	v6 =	vld [tilespmem:$0x1FDB0]  }
0x3ec: {  	[tilespmem:v7+s22+$0x0] =	vst.idx.msk $0xffff, v53;
	v7 =	vld [tilespmem:$0x1FDC0]  }
0x3ed: {  	v8 =	vor.u32 s13, v59  }
0x3ee: {  	v9 =	vor.u32 s13, v60  }
0x3ef: {  	v5 =	vor.u32 s13, v5  }
0x3f0: {  	v6 =	vor.u32 s13, v6  }
0x3f1: {  	p1 =	sne.s32 s13, $0x70;
	v7 =	vor.u32 s13, v7  }
.Ltmp3:
0x3f2: {  	[tilespmem:v8+s22+$0x0] =	vst.idx.msk $0xffff, v54;
	(pc) =	sbr.rel @p1 .LBB2_9-.Ltmp3, $4  }
0x3f3: {  	[tilespmem:v9+s22+$0x0] =	vst.idx.msk $0xffff, v55  }
0x3f4: {  	[tilespmem:v5+s22+$0x0] =	vst.idx.msk $0xffff, v56  }
0x3f5: {  	v63 =	vmovc v33;
	v58 =	vmovc v43;
	v62 =	vmov v26;
	v48 =	vmov v27;
	v49 =	vmov v29;
	[tilespmem:v6+s22+$0x0] =	vst.idx.msk $0xffff, v57  }
0x3f6: {  	v61 =	vld [tilespmem:$0x1FDF0];
	v50 =	vmovc v32;
	v51 =	vmovc v31;
	v53 =	vmov v36;
	v54 =	vmov v39;
	s13 =	sadd.s32 $0x10, s13;
	v56 =	vmov v41;
	[tilespmem:v7+s22+$0x0] =	vst.idx.msk $0xffff, v37  }
0x3f7: {  	s0 =	sadd.s32 $0x3, s0  }
0x3f8: {  	s0 =	sshrl.u32 s0, $0x2  }
0x3f9: {  	[tilespmem:s18], [sflag:$0x1] =	stream.indirect.gather [hbm4b:s4+s16], $0x80, s17, s16, $0xb8;
	v5 =	vmov s0;
	[tilespmem:$0x13100] =	vst v63  }
0x3fa: {  	s12 =	sshll.u32 s30, $0x8;
	s8 =	sshll.u32 s30, $0x10;
	v7 =	vmov s3;
	v6 =	vshll.u32 v5, $0x9;
	v5 =	vshll.u32 v5, $0x7  }
0x3fb: {  	s8 =	sand.u32 $0x7E0000, s8;
	v7 =	vshll.u32 v7, $0x3;
	s0 =	sand.u32 $0x100, s12;
	v6 =	vand.u32 $0x7FFFF000, v6;
	v5 =	vand.u32 $0x380, v5  }
0x3fc: {  	v58 =	vor.u32 s3, v0;
	v59 =	vand.u32 $0xC00, v7;
	s0 =	sor.u32 s0, s8;
	v37 =	vor.u32 v6, v5  }
0x3fd: {  	s0 =	sor.u32 s5, s0;
	v5 =	vand.u32 $0x7F, v58;
	v6 =	vor.u32 v59, v37  }
0x3fe: {  	s9 =	sadd.s32 $0x10, s3;
	s13 =	sadd.s32 s1, s0;
	v5 =	vor.u32 v5, v6  }
0x3ff: {  	[hbm4b:s13+s23] =	stream.strided.scatter [tilespmem:s22], [sflag:$0x3], $0x2000, s14, s23, $0x38;
	[tilespmem:$0x13100] =	vst v63  }
0x400: {  	v60 =	vmov s9;
	_ =	swait.ge [sflag:s24], $0x4000  }
0x401: {  	v6 =	vshll.u32 v60, $0x3;
	[sflag:s24] =	ssyncset.done $0x0  }
0x402: {  	v63 =	vor.u32 s9, v0;
	v6 =	vand.u32 $0xC00, v6;
	[sflag:s24] =	ssyncadd.s32 $0xFFFFC000  }
0x403: {  	v7 =	vand.u32 $0x7F, v63;
	v6 =	vor.u32 v6, v37;
	v46 =	vld.idx.msk [tilespmem:v5+s2+$0x0], $0xffff  }
0x404: {  	v45 =	vor.u32 v7, v6;
	_ =	sdelay $0x1  }
0x405: {  	s3 =	simm.s32 $0x40;
	s9 =	sadd.s32 $0x10, s9  }
0x406: {  	s10 =	simm.s32 $0xC0;
	s11 =	simm.s32 $0x0;
	v47 =	vmov s9;
	s8 =	simm.s32 $0x80  }
.LBB2_11:
0x407: {  	p1 =	sne.s32 s10, $0x1C0;
	v5 =	vshll.u32 v47, $0x3;
	[tilespmem:s11+$0x13080] =	vst v46;
	s12 =	smov.u32 s8;
	s8 =	smov.u32 s10  }
0x408: {  	v6 =	vor.u32 s9, v0;
	v5 =	vand.u32 $0xC00, v5;
	v46 =	vld.idx.msk [tilespmem:v45+s2+$0x0], $0xffff  }
.Ltmp4:
0x409: {  	v6 =	vand.u32 $0x7F, v6;
	v5 =	vor.u32 v5, v37;
	(pc) =	sbr.rel @p1 .LBB2_11-.Ltmp4, $3  }
0x40a: {  	v45 =	vor.u32 v6, v5;
	_ =	sdelay $0x1  }
0x40b: {  	s9 =	sadd.s32 $0x10, s9  }
0x40c: {  	s10 =	sadd.s32 $0x40, s10;
	s11 =	sshra.s32 s3, $0x2;
	v47 =	vmov s9;
	s3 =	smov.u32 s12  }
0x40d: {  	_ =	sdelay $0x1  }
0x40e: {  	v5 =	vshll.u32 v47, $0x3  }
0x40f: {  	[tilespmem:s11+$0x13080] =	vst v46;
	v6 =	vor.u32 s9, v0;
	v5 =	vand.u32 $0xC00, v5  }
0x410: {  	v7 =	vld.idx.msk [tilespmem:v45+s2+$0x0], $0xffff;
	v6 =	vand.u32 $0x7F, v6;
	v5 =	vor.u32 v5, v37  }
0x411: {  	v5 =	vor.u32 v6, v5;
	_ =	sdelay $0x2  }
0x412: {  	s3 =	sshra.s32 s3, $0x2  }
0x413: {  	[tilespmem:s3+$0x13080] =	vst v7  }
0x414: {  	v5 =	vld.idx.msk [tilespmem:v5+s2+$0x0], $0xffff;
	_ =	sdelay $0x3  }
0x415: {  	s13 =	sshra.s32 s8, $0x2  }
0x416: {  	[tilespmem:s13+$0x13080] =	vst v5  }
0x417: {  	_ =	swait.ge [sflag:s28], $0x2000  }
0x418: {  	v35 =	vld [tilespmem:$0x1F4A0]  }
0x419: {  	v38 =	vld [tilespmem:$0x1F7B0]  }
0x41a: {  	v40 =	vld [tilespmem:$0x1F7C0]  }
0x41b: {  	v42 =	vld [tilespmem:$0x1F7D0]  }
0x41c: {  	v44 =	vld [tilespmem:$0x1F7E0]  }
0x41d: {  	v30 =	vld [tilespmem:$0x1F4C0]  }
0x41e: {  	v1 =	vld [tilespmem:$0x1F7F0]  }
0x41f: {  	v2 =	vld [tilespmem:$0x1F800]  }
0x420: {  	v3 =	vld [tilespmem:$0x1F810]  }
0x421: {  	v4 =	vld [tilespmem:$0x1F460]  }
0x422: {  	v34 =	vld [tilespmem:$0x1F830]  }
0x423: {  	v23 =	vld [tilespmem:$0x1F450]  }
0x424: {  	v25 =	vld [tilespmem:$0x1F440]  }
0x425: {  	[sflag:s28] =	ssyncset.done $0x0;
	v24 =	vld [tilespmem:$0x1F430]  }
0x426: {  	s3 =	simm.s32 $0x0;
	v28 =	vld [tilespmem:$0x1F420];
	[sflag:s28] =	ssyncadd.s32 $0xFFFFE000  }
.LBB2_13:
0x427: {  	v6 =	vld [tilespmem:$0x1FDD0]  }
0x428: {  	v7 =	vld [tilespmem:$0x1FE00]  }
0x429: {  	v8 =	vld [tilespmem:$0x1FE10]  }
0x42a: {  	v9 =	vld [tilespmem:$0x1FE20]  }
0x42b: {  	v10 =	vld [tilespmem:$0x1FE30]  }
0x42c: {  	v11 =	vld [tilespmem:$0x1FE40]  }
0x42d: {  	v12 =	vld [tilespmem:$0x1FE50]  }
0x42e: {  	v13 =	vld [tilespmem:$0x1FE60]  }
0x42f: {  	v14 =	vld [tilespmem:$0x1FE70]  }
0x430: {  	v15 =	vld [tilespmem:$0x1FE80]  }
0x431: {  	v16 =	vld [tilespmem:$0x1FE90]  }
0x432: {  	v17 =	vld [tilespmem:$0x1FEA0]  }
0x433: {  	v18 =	vld [tilespmem:$0x1FEB0]  }
0x434: {  	v19 =	vld [tilespmem:$0x1FEC0]  }
0x435: {  	v20 =	vld [tilespmem:$0x1FED0]  }
0x436: {  	v22 =	vld [tilespmem:$0x1FEE0]  }
0x437: {  	v45 =	vld [tilespmem:$0x1FEF0]  }
0x438: {  	v46 =	vld [tilespmem:$0x1FF00]  }
0x439: {  	v5 =	vmov s3;
	v47 =	vld [tilespmem:$0x1FF10]  }
0x43a: {  	v52 =	vld [tilespmem:$0x1FBC0];
	v5 =	vshll.u32 v5, $0x7  }
0x43b: {  	v55 =	vld [tilespmem:$0x1FF30];
	v37 =	vor.u32 v6, v5  }
0x43c: {  	v57 =	vld [tilespmem:$0x1FF40];
	v5 =	vor.u32 v0, v37  }
0x43d: {  	v59 =	vld [tilespmem:$0x1FF20];
	v7 =	vor.u32 v7, v37  }
0x43e: {  	v60 =	vld [tilespmem:$0x1FF50];
	v8 =	vor.u32 v8, v37  }
0x43f: {  	v6 =	vld [tilespmem:$0x1FDE0];
	v9 =	vor.u32 v9, v37  }
0x440: {  	v10 =	vor.u32 v10, v37;
	v21 =	vor.u32 v61, v37;
	v61 =	vor.u32 s3, v62;
	v62 =	vld [tilespmem:$0x1FBD0]  }
0x441: {  	v11 =	vor.u32 v11, v37;
	v5 =	vld.idx.msk [tilespmem:v5+s20+$0x0], $0xffff  }
0x442: {  	v12 =	vor.u32 v12, v37;
	v7 =	vld.idx.msk [tilespmem:v7+s20+$0x0], $0xffff  }
0x443: {  	v13 =	vor.u32 v13, v37;
	v8 =	vld.idx.msk [tilespmem:v8+s20+$0x0], $0xffff  }
0x444: {  	v14 =	vor.u32 v14, v37;
	v9 =	vld.idx.msk [tilespmem:v9+s20+$0x0], $0xffff  }
0x445: {  	v15 =	vor.u32 v15, v37;
	v10 =	vld.idx.msk [tilespmem:v10+s20+$0x0], $0xffff  }
0x446: {  	v16 =	vor.u32 v16, v37;
	v11 =	vld.idx.msk [tilespmem:v11+s20+$0x0], $0xffff  }
0x447: {  	v17 =	vor.u32 v17, v37;
	v12 =	vld.idx.msk [tilespmem:v12+s20+$0x0], $0xffff  }
0x448: {  	v18 =	vor.u32 v18, v37;
	v13 =	vld.idx.msk [tilespmem:v13+s20+$0x0], $0xffff  }
0x449: {  	v19 =	vor.u32 v19, v37;
	v14 =	vld.idx.msk [tilespmem:v14+s20+$0x0], $0xffff  }
0x44a: {  	v20 =	vor.u32 v20, v37;
	v15 =	vld.idx.msk [tilespmem:v15+s20+$0x0], $0xffff  }
0x44b: {  	v16 =	vld.idx.msk [tilespmem:v16+s20+$0x0], $0xffff  }
0x44c: {  	v22 =	vor.u32 v22, v37;
	v17 =	vld.idx.msk [tilespmem:v17+s20+$0x0], $0xffff  }
0x44d: {  	v45 =	vor.u32 v45, v37;
	v18 =	vld.idx.msk [tilespmem:v18+s20+$0x0], $0xffff  }
0x44e: {  	v46 =	vor.u32 v46, v37;
	v19 =	vld.idx.msk [tilespmem:v19+s20+$0x0], $0xffff  }
0x44f: {  	v47 =	vor.u32 v47, v37;
	v20 =	vld.idx.msk [tilespmem:v20+s20+$0x0], $0xffff  }
0x450: {  	v48 =	vor.u32 v27, v37;
	v21 =	vld.idx.msk [tilespmem:v21+s20+$0x0], $0xffff  }
0x451: {  	v49 =	vor.u32 v29, v37;
	v22 =	vld.idx.msk [tilespmem:v22+s20+$0x0], $0xffff  }
0x452: {  	v50 =	vor.u32 v32, v37;
	v45 =	vld.idx.msk [tilespmem:v45+s20+$0x0], $0xffff  }
0x453: {  	v51 =	vor.u32 v31, v37;
	v46 =	vld.idx.msk [tilespmem:v46+s20+$0x0], $0xffff  }
0x454: {  	v52 =	vor.u32 v52, v37;
	v47 =	vld.idx.msk [tilespmem:v47+s20+$0x0], $0xffff  }
0x455: {  	v53 =	vor.u32 v36, v37;
	v48 =	vld.idx.msk [tilespmem:v48+s20+$0x0], $0xffff  }
0x456: {  	v54 =	vor.u32 v39, v37;
	v49 =	vld.idx.msk [tilespmem:v49+s20+$0x0], $0xffff  }
0x457: {  	v55 =	vor.u32 v55, v37;
	v50 =	vld.idx.msk [tilespmem:v50+s20+$0x0], $0xffff  }
0x458: {  	v56 =	vor.u32 v41, v37;
	v51 =	vld.idx.msk [tilespmem:v51+s20+$0x0], $0xffff  }
0x459: {  	v6 =	vor.u32 v6, v37;
	v52 =	vld.idx.msk [tilespmem:v52+s20+$0x0], $0xffff  }
0x45a: {  	v57 =	vor.u32 v57, v37;
	v53 =	vld.idx.msk [tilespmem:v53+s20+$0x0], $0xffff  }
0x45b: {  	v58 =	vor.u32 v43, v37;
	v54 =	vld.idx.msk [tilespmem:v54+s20+$0x0], $0xffff  }
0x45c: {  	v59 =	vor.u32 s3, v59;
	v55 =	vld.idx.msk [tilespmem:v55+s20+$0x0], $0xffff  }
0x45d: {  	v56 =	vld.idx.msk [tilespmem:v56+s20+$0x0], $0xffff  }
0x45e: {  	v60 =	vor.u32 s3, v60;
	v6 =	vld.idx.msk [tilespmem:v6+s20+$0x0], $0xffff  }
0x45f: {  	v57 =	vld.idx.msk [tilespmem:v57+s20+$0x0], $0xffff  }
0x460: {  	v58 =	vld.idx.msk [tilespmem:v58+s20+$0x0], $0xffff  }
0x461: {  	[tilespmem:v59+s25+$0x0] =	vst.idx.msk $0xffff, v5;
	v5 =	vld [tilespmem:$0x1FBE0];
	_ =	sdelay $0x1  }
0x462: {  	[tilespmem:v60+s25+$0x0] =	vst.idx.msk $0xffff, v6;
	v6 =	vld [tilespmem:$0x1FBF0]  }
0x463: {  	v62 =	vor.u32 s3, v62  }
0x464: {  	v63 =	vor.u32 s3, v33;
	[tilespmem:v61+s25+$0x0] =	vst.idx.msk $0xffff, v7;
	v7 =	vld [tilespmem:$0x1FC00]  }
0x465: {  	v5 =	vor.u32 s3, v5;
	_ =	sdelay $0x1  }
0x466: {  	v59 =	vld [tilespmem:$0x1F5D0];
	v6 =	vor.u32 s3, v6  }
0x467: {  	[tilespmem:v62+s25+$0x0] =	vst.idx.msk $0xffff, v8;
	v62 =	vld [tilespmem:$0x1FC10]  }
0x468: {  	[tilespmem:v63+s25+$0x0] =	vst.idx.msk $0xffff, v9;
	v63 =	vld [tilespmem:$0x1F4E0];
	v7 =	vor.u32 s3, v7  }
0x469: {  	[tilespmem:v5+s25+$0x0] =	vst.idx.msk $0xffff, v10;
	v5 =	vld [tilespmem:$0x1F4F0]  }
0x46a: {  	v60 =	vld [tilespmem:$0x1F5E0]  }
0x46b: {  	[tilespmem:v6+s25+$0x0] =	vst.idx.msk $0xffff, v11;
	v6 =	vld [tilespmem:$0x1F500]  }
0x46c: {  	v61 =	vld [tilespmem:$0x1F5F0];
	v8 =	vor.u32 s3, v62  }
0x46d: {  	v9 =	vor.u32 s3, v63;
	[tilespmem:v7+s25+$0x0] =	vst.idx.msk $0xffff, v12;
	v7 =	vld [tilespmem:$0x1F510]  }
0x46e: {  	v62 =	vld [tilespmem:$0x1F600];
	v5 =	vor.u32 s3, v5  }
0x46f: {  	v12 =	vld [tilespmem:$0x1F520]  }
0x470: {  	v63 =	vld [tilespmem:$0x1F490];
	v6 =	vor.u32 s3, v6  }
0x471: {  	[tilespmem:v8+s25+$0x0] =	vst.idx.msk $0xffff, v13;
	v13 =	vld [tilespmem:$0x1F530]  }
0x472: {  	[tilespmem:v9+s25+$0x0] =	vst.idx.msk $0xffff, v14;
	v14 =	vld [tilespmem:$0x1F560];
	v7 =	vor.u32 s3, v7  }
0x473: {  	[tilespmem:v5+s25+$0x0] =	vst.idx.msk $0xffff, v15;
	v5 =	vld [tilespmem:$0x1F540]  }
0x474: {  	v8 =	vor.u32 s3, v12;
	v15 =	vld [tilespmem:$0x1F570]  }
0x475: {  	[tilespmem:v6+s25+$0x0] =	vst.idx.msk $0xffff, v16;
	v6 =	vld [tilespmem:$0x1F980]  }
0x476: {  	v9 =	vor.u32 s3, v13;
	v16 =	vld [tilespmem:$0x1F590]  }
0x477: {  	[tilespmem:v7+s25+$0x0] =	vst.idx.msk $0xffff, v17;
	v7 =	vld [tilespmem:$0x1F550]  }
0x478: {  	v17 =	vld [tilespmem:$0x1F5A0]  }
0x479: {  	v5 =	vor.u32 s3, v5;
	[tilespmem:v8+s25+$0x0] =	vst.idx.msk $0xffff, v18;
	v18 =	vld [tilespmem:$0x1F5B0]  }
0x47a: {  	v8 =	vor.u32 v14, v37;
	v14 =	vor.u32 v59, v37;
	v59 =	vld [tilespmem:$0x1F610]  }
0x47b: {  	[tilespmem:v9+s25+$0x0] =	vst.idx.msk $0xffff, v19;
	v19 =	vld [tilespmem:$0x1F5C0]  }
0x47c: {  	v9 =	vor.u32 v15, v37;
	v15 =	vor.u32 v60, v37;
	v60 =	vld [tilespmem:$0x1F4B0]  }
0x47d: {  	v10 =	vor.u32 v16, v37;
	v16 =	vor.u32 v61, v37;
	v61 =	vld [tilespmem:$0x1F640]  }
0x47e: {  	[tilespmem:v5+s25+$0x0] =	vst.idx.msk $0xffff, v20;
	v5 =	vld [tilespmem:$0x1F580]  }
0x47f: {  	v20 =	vld [tilespmem:$0x1F620]  }
0x480: {  	v11 =	vor.u32 v17, v37;
	v17 =	vor.u32 v62, v37;
	v62 =	vld [tilespmem:$0x1F4D0]  }
0x481: {  	v8 =	vld.idx.msk [tilespmem:v8+s20+$0x0], $0xffff  }
0x482: {  	v6 =	vor.u32 v6, v37;
	v14 =	vld.idx.msk [tilespmem:v14+s20+$0x0], $0xffff  }
0x483: {  	v12 =	vor.u32 v18, v37;
	v18 =	vor.u32 v63, v37;
	v63 =	vld [tilespmem:$0x1F650]  }
0x484: {  	v9 =	vld.idx.msk [tilespmem:v9+s20+$0x0], $0xffff  }
0x485: {  	v7 =	vor.u32 v7, v37;
	v15 =	vld.idx.msk [tilespmem:v15+s20+$0x0], $0xffff  }
0x486: {  	v13 =	vor.u32 v19, v37;
	v19 =	vor.u32 v59, v37;
	v59 =	vor.u32 s3, v60;
	v60 =	vld [tilespmem:$0x1F630]  }
0x487: {  	v6 =	vld.idx.msk [tilespmem:v6+s20+$0x0], $0xffff  }
0x488: {  	v10 =	vld.idx.msk [tilespmem:v10+s20+$0x0], $0xffff  }
0x489: {  	v16 =	vld.idx.msk [tilespmem:v16+s20+$0x0], $0xffff  }
0x48a: {  	v7 =	vld.idx.msk [tilespmem:v7+s20+$0x0], $0xffff  }
0x48b: {  	v11 =	vld.idx.msk [tilespmem:v11+s20+$0x0], $0xffff  }
0x48c: {  	v5 =	vor.u32 v5, v37;
	v17 =	vld.idx.msk [tilespmem:v17+s20+$0x0], $0xffff  }
0x48d: {  	v20 =	vor.u32 v20, v37;
	v12 =	vld.idx.msk [tilespmem:v12+s20+$0x0], $0xffff  }
0x48e: {  	v18 =	vld.idx.msk [tilespmem:v18+s20+$0x0], $0xffff  }
0x48f: {  	v13 =	vld.idx.msk [tilespmem:v13+s20+$0x0], $0xffff  }
0x490: {  	v60 =	vor.u32 s3, v60;
	v19 =	vld.idx.msk [tilespmem:v19+s20+$0x0], $0xffff  }
0x491: {  	v5 =	vld.idx.msk [tilespmem:v5+s20+$0x0], $0xffff  }
0x492: {  	v20 =	vld.idx.msk [tilespmem:v20+s20+$0x0], $0xffff  }
0x493: {  	v61 =	vor.u32 s3, v61;
	[tilespmem:v59+s25+$0x0] =	vst.idx.msk $0xffff, v21;
	v21 =	vld [tilespmem:$0x1F660]  }
0x494: {  	v62 =	vor.u32 s3, v62  }
0x495: {  	[tilespmem:v60+s25+$0x0] =	vst.idx.msk $0xffff, v22;
	v22 =	vld [tilespmem:$0x1F670];
	_ =	sdelay $0x1  }
0x496: {  	v63 =	vor.u32 s3, v63  }
0x497: {  	[tilespmem:v61+s25+$0x0] =	vst.idx.msk $0xffff, v45;
	v61 =	vld [tilespmem:$0x1F680];
	v21 =	vor.u32 s3, v21  }
0x498: {  	[tilespmem:v62+s25+$0x0] =	vst.idx.msk $0xffff, v46;
	v62 =	vld [tilespmem:$0x1F690]  }
0x499: {  	v22 =	vor.u32 s3, v22  }
0x49a: {  	v59 =	vld [tilespmem:$0x1F780]  }
0x49b: {  	[tilespmem:v63+s25+$0x0] =	vst.idx.msk $0xffff, v47;
	v63 =	vld [tilespmem:$0x1F6A0]  }
0x49c: {  	v45 =	vor.u32 s3, v61;
	[tilespmem:v21+s25+$0x0] =	vst.idx.msk $0xffff, v48;
	v21 =	vld [tilespmem:$0x1F6B0]  }
0x49d: {  	v60 =	vld [tilespmem:$0x1F480];
	v46 =	vor.u32 s3, v62  }
0x49e: {  	[tilespmem:v22+s25+$0x0] =	vst.idx.msk $0xffff, v49;
	v22 =	vld [tilespmem:$0x1F6C0]  }
0x49f: {  	v61 =	vld [tilespmem:$0x1F790]  }
0x4a0: {  	v47 =	vor.u32 s3, v63;
	v49 =	vld [tilespmem:$0x1F6D0]  }
0x4a1: {  	[tilespmem:v45+s25+$0x0] =	vst.idx.msk $0xffff, v50;
	v50 =	vld [tilespmem:$0x1F6E0];
	v21 =	vor.u32 s3, v21  }
0x4a2: {  	[tilespmem:v46+s25+$0x0] =	vst.idx.msk $0xffff, v51;
	v51 =	vld [tilespmem:$0x1F6F0]  }
0x4a3: {  	v62 =	vld [tilespmem:$0x1FB90];
	v22 =	vor.u32 s3, v22  }
0x4a4: {  	v63 =	vld [tilespmem:$0x1FCB0]  }
0x4a5: {  	[tilespmem:v47+s25+$0x0] =	vst.idx.msk $0xffff, v52;
	v52 =	vld [tilespmem:$0x1F710];
	v45 =	vor.u32 s3, v49  }
0x4a6: {  	v46 =	vor.u32 s3, v50;
	[tilespmem:v21+s25+$0x0] =	vst.idx.msk $0xffff, v53;
	v21 =	vld [tilespmem:$0x1F700]  }
0x4a7: {  	v47 =	vor.u32 s3, v51;
	v53 =	vld [tilespmem:$0x1F720]  }
0x4a8: {  	[tilespmem:v22+s25+$0x0] =	vst.idx.msk $0xffff, v54;
	v22 =	vld [tilespmem:$0x1FC20]  }
0x4a9: {  	v54 =	vld [tilespmem:$0x1F730]  }
0x4aa: {  	[tilespmem:v45+s25+$0x0] =	vst.idx.msk $0xffff, v55;
	v55 =	vld [tilespmem:$0x1F740]  }
0x4ab: {  	[tilespmem:v46+s25+$0x0] =	vst.idx.msk $0xffff, v56;
	v56 =	vld [tilespmem:$0x1F750]  }
0x4ac: {  	v21 =	vor.u32 s3, v21;
	[tilespmem:v47+s25+$0x0] =	vst.idx.msk $0xffff, v57;
	v57 =	vld [tilespmem:$0x1F760]  }
0x4ad: {  	v46 =	vor.u32 v53, v37;
	v53 =	vor.u32 v60, v37;
	v60 =	vld [tilespmem:$0x1FCC0]  }
0x4ae: {  	v45 =	vor.u32 v52, v37;
	v47 =	vor.u32 v54, v37;
	v54 =	vor.u32 v61, v37;
	v61 =	vld [tilespmem:$0x1FCD0]  }
0x4af: {  	v48 =	vor.u32 v55, v37;
	v55 =	vor.u32 v62, v37;
	v62 =	vld [tilespmem:$0x1F7A0]  }
0x4b0: {  	v52 =	vor.u32 v59, v37;
	v49 =	vor.u32 v56, v37;
	v56 =	vor.u32 v63, v37;
	v63 =	vld [tilespmem:$0x1F470]  }
0x4b1: {  	[tilespmem:v21+s25+$0x0] =	vst.idx.msk $0xffff, v58;
	v21 =	vld [tilespmem:$0x1FB10]  }
0x4b2: {  	v22 =	vor.u32 v22, v37;
	v58 =	vld [tilespmem:$0x1F770]  }
0x4b3: {  	v45 =	vld.idx.msk [tilespmem:v45+s20+$0x0], $0xffff  }
0x4b4: {  	v46 =	vld.idx.msk [tilespmem:v46+s20+$0x0], $0xffff  }
0x4b5: {  	v52 =	vld.idx.msk [tilespmem:v52+s20+$0x0], $0xffff  }
0x4b6: {  	v53 =	vld.idx.msk [tilespmem:v53+s20+$0x0], $0xffff  }
0x4b7: {  	v22 =	vld.idx.msk [tilespmem:v22+s20+$0x0], $0xffff  }
0x4b8: {  	v47 =	vld.idx.msk [tilespmem:v47+s20+$0x0], $0xffff  }
0x4b9: {  	v50 =	vor.u32 v57, v37;
	v54 =	vld.idx.msk [tilespmem:v54+s20+$0x0], $0xffff  }
0x4ba: {  	v57 =	vor.u32 v60, v37;
	v48 =	vld.idx.msk [tilespmem:v48+s20+$0x0], $0xffff  }
0x4bb: {  	v55 =	vld.idx.msk [tilespmem:v55+s20+$0x0], $0xffff;
	v21 =	vor.u32 v21, v37  }
0x4bc: {  	v49 =	vld.idx.msk [tilespmem:v49+s20+$0x0], $0xffff;
	v51 =	vor.u32 v58, v37  }
0x4bd: {  	v56 =	vld.idx.msk [tilespmem:v56+s20+$0x0], $0xffff;
	v37 =	vor.u32 v61, v37;
	v58 =	vor.u32 s3, v62  }
0x4be: {  	v59 =	vor.u32 s3, v63;
	v50 =	vld.idx.msk [tilespmem:v50+s20+$0x0], $0xffff  }
0x4bf: {  	v60 =	vor.u32 s3, v35;
	v57 =	vld.idx.msk [tilespmem:v57+s20+$0x0], $0xffff  }
0x4c0: {  	v61 =	vor.u32 s3, v38;
	v21 =	vld.idx.msk [tilespmem:v21+s20+$0x0], $0xffff  }
0x4c1: {  	v62 =	vor.u32 s3, v40;
	v51 =	vld.idx.msk [tilespmem:v51+s20+$0x0], $0xffff  }
0x4c2: {  	v37 =	vld.idx.msk [tilespmem:v37+s20+$0x0], $0xffff;
	[tilespmem:v58+s25+$0x0] =	vst.idx.msk $0xffff, v6;
	v6 =	vor.u32 s3, v42  }
0x4c3: {  	[tilespmem:v59+s25+$0x0] =	vst.idx.msk $0xffff, v7;
	v7 =	vor.u32 s3, v44  }
0x4c4: {  	v58 =	vor.u32 s3, v30;
	[tilespmem:v60+s25+$0x0] =	vst.idx.msk $0xffff, v8  }
0x4c5: {  	v59 =	vor.u32 s3, v1;
	[tilespmem:v61+s25+$0x0] =	vst.idx.msk $0xffff, v9  }
0x4c6: {  	[tilespmem:v62+s25+$0x0] =	vst.idx.msk $0xffff, v5;
	v5 =	vor.u32 s3, v2  }
0x4c7: {  	[tilespmem:v6+s25+$0x0] =	vst.idx.msk $0xffff, v10;
	v6 =	vor.u32 s3, v3  }
0x4c8: {  	[tilespmem:v7+s25+$0x0] =	vst.idx.msk $0xffff, v11;
	v7 =	vor.u32 s3, v4  }
0x4c9: {  	[tilespmem:v58+s25+$0x0] =	vst.idx.msk $0xffff, v12;
	v12 =	vor.u32 s3, v34  }
0x4ca: {  	[tilespmem:v59+s25+$0x0] =	vst.idx.msk $0xffff, v13;
	v13 =	vor.u32 s3, v23  }
0x4cb: {  	[tilespmem:v5+s25+$0x0] =	vst.idx.msk $0xffff, v14;
	v5 =	vor.u32 s3, v25  }
0x4cc: {  	[tilespmem:v6+s25+$0x0] =	vst.idx.msk $0xffff, v15;
	v6 =	vor.u32 s3, v24  }
0x4cd: {  	[tilespmem:v7+s25+$0x0] =	vst.idx.msk $0xffff, v16;
	v7 =	vor.u32 s3, v28  }
0x4ce: {  	[tilespmem:v12+s25+$0x0] =	vst.idx.msk $0xffff, v17;
	v17 =	vld [tilespmem:$0x1FCE0]  }
0x4cf: {  	[tilespmem:v13+s25+$0x0] =	vst.idx.msk $0xffff, v18;
	v18 =	vld [tilespmem:$0x1FCF0]  }
0x4d0: {  	[tilespmem:v5+s25+$0x0] =	vst.idx.msk $0xffff, v19;
	v5 =	vld [tilespmem:$0x1FD00]  }
0x4d1: {  	[tilespmem:v6+s25+$0x0] =	vst.idx.msk $0xffff, v20;
	v6 =	vld [tilespmem:$0x1FD10]  }
0x4d2: {  	[tilespmem:v7+s25+$0x0] =	vst.idx.msk $0xffff, v22;
	v7 =	vld [tilespmem:$0x1FD20]  }
0x4d3: {  	v8 =	vor.u32 s3, v17  }
0x4d4: {  	v9 =	vor.u32 s3, v18  }
0x4d5: {  	v5 =	vor.u32 s3, v5  }
0x4d6: {  	v6 =	vor.u32 s3, v6  }
0x4d7: {  	v7 =	vor.u32 s3, v7  }
0x4d8: {  	v58 =	vld [tilespmem:$0x1FD30];
	[tilespmem:v8+s25+$0x0] =	vst.idx.msk $0xffff, v45  }
0x4d9: {  	v59 =	vld [tilespmem:$0x1FD40];
	[tilespmem:v9+s25+$0x0] =	vst.idx.msk $0xffff, v46  }
0x4da: {  	[tilespmem:v5+s25+$0x0] =	vst.idx.msk $0xffff, v47;
	v5 =	vld [tilespmem:$0x1FD50]  }
0x4db: {  	[tilespmem:v6+s25+$0x0] =	vst.idx.msk $0xffff, v21;
	v6 =	vld [tilespmem:$0x1FD60]  }
0x4dc: {  	[tilespmem:v7+s25+$0x0] =	vst.idx.msk $0xffff, v48;
	v7 =	vld [tilespmem:$0x1FD70]  }
0x4dd: {  	v8 =	vor.u32 s3, v58  }
0x4de: {  	v9 =	vor.u32 s3, v59  }
0x4df: {  	v5 =	vor.u32 s3, v5  }
0x4e0: {  	v6 =	vor.u32 s3, v6  }
0x4e1: {  	v7 =	vor.u32 s3, v7  }
0x4e2: {  	v60 =	vld [tilespmem:$0x1FD80];
	[tilespmem:v8+s25+$0x0] =	vst.idx.msk $0xffff, v49  }
0x4e3: {  	v63 =	vld [tilespmem:$0x1FD90];
	[tilespmem:v9+s25+$0x0] =	vst.idx.msk $0xffff, v50  }
0x4e4: {  	[tilespmem:v5+s25+$0x0] =	vst.idx.msk $0xffff, v51;
	v5 =	vld [tilespmem:$0x1FDA0]  }
0x4e5: {  	[tilespmem:v6+s25+$0x0] =	vst.idx.msk $0xffff, v52;
	v6 =	vld [tilespmem:$0x1FDB0]  }
0x4e6: {  	[tilespmem:v7+s25+$0x0] =	vst.idx.msk $0xffff, v53;
	v7 =	vld [tilespmem:$0x1FDC0]  }
0x4e7: {  	v8 =	vor.u32 s3, v60  }
0x4e8: {  	v9 =	vor.u32 s3, v63  }
0x4e9: {  	v5 =	vor.u32 s3, v5  }
0x4ea: {  	v6 =	vor.u32 s3, v6  }
0x4eb: {  	p1 =	sne.s32 s3, $0x70;
	v7 =	vor.u32 s3, v7  }
.Ltmp5:
0x4ec: {  	[tilespmem:v8+s25+$0x0] =	vst.idx.msk $0xffff, v54;
	(pc) =	sbr.rel @p1 .LBB2_13-.Ltmp5, $4  }
0x4ed: {  	[tilespmem:v9+s25+$0x0] =	vst.idx.msk $0xffff, v55  }
0x4ee: {  	[tilespmem:v5+s25+$0x0] =	vst.idx.msk $0xffff, v56  }
0x4ef: {  	[tilespmem:v6+s25+$0x0] =	vst.idx.msk $0xffff, v57  }
0x4f0: {  	v61 =	vld [tilespmem:$0x1FDF0];
	v62 =	vmov v26;
	s3 =	sadd.s32 $0x10, s3;
	[tilespmem:v7+s25+$0x0] =	vst.idx.msk $0xffff, v37  }
0x4f1: {  	s30 =	sadd.s32 $0x1, s30  }
0x4f2: {  	p1 =	sne.s32 s30, $0x63  }
.Ltmp6:
0x4f3: {  	_ = 	snop;
	(pc) =	sbr.rel @p1 .LBB2_6-.Ltmp6, $4  }
0x4f4: {  	_ = 	snop  }
0x4f5: {  	[tilespmem:s20], [sflag:$0x2] =	stream.indirect.gather [hbm4b:s4+s16], $0x80, s19, s16, $0xb8;
	[tilespmem:$0x13100] =	vst v63  }
0x4f6: {  	v63 =	vmovc v33;
	v58 =	vmov v43;
	v48 =	vmov v27;
	v49 =	vmov v29;
	s0 =	sadd.s32 s0, s7;
	p0 =	por !p0, !p0;
	s31 =	sadd.s32 $0x2, s31  }
0x4f7: {  	v50 =	vmovc v32;
	v51 =	vmovc v31;
	v53 =	vmov v36;
	v54 =	vmov v39;
	v56 =	vmov v41;
	[hbm4b:s0+s23] =	stream.strided.scatter [tilespmem:s25], [sflag:$0x4], $0x2000, s14, s23, $0x38;
	[tilespmem:$0x13100] =	vst v63  }
0x4f8: {  	_ =	swait.ge [sflag:s21], $0x4000  }
0x4f9: {  	[sflag:s21] =	ssyncset.done $0x0  }
0x4fa: {  	[sflag:s21] =	ssyncadd.s32 $0xFFFFC000  }
0x4fb: {  	_ =	swait.ge [sflag:s26], $0x2000  }
0x4fc: {  	v59 =	vld [tilespmem:$0x1FCE0]  }
0x4fd: {  	v60 =	vld [tilespmem:$0x1FCF0]  }
0x4fe: {  	v21 =	vld [tilespmem:$0x1FD60]  }
0x4ff: {  	v52 =	vld [tilespmem:$0x1FDB0]  }
0x500: {  	v6 =	vld [tilespmem:$0x1FDD0]  }
0x501: {  	v53 =	vld [tilespmem:$0x1FDE0]  }
0x502: {  	v4 =	vld [tilespmem:$0x1FE00]  }
0x503: {  	v51 =	vld [tilespmem:$0x1FE10]  }
0x504: {  	v55 =	vld [tilespmem:$0x1FEF0]  }
0x505: {  	v54 =	vld [tilespmem:$0x1FBC0]  }
0x506: {  	v56 =	vld [tilespmem:$0x1FF30]  }
0x507: {  	v57 =	vld [tilespmem:$0x1FF40]  }
0x508: {  	[sflag:s26] =	ssyncset.done $0x0;
	v2 =	vld [tilespmem:$0x1F430]  }
0x509: {  	s0 =	simm.s32 $0x0;
	v1 =	vld [tilespmem:$0x1F420];
	[sflag:s26] =	ssyncadd.s32 $0xFFFFE000  }
.LBB2_16:
0x50a: {  	v9 =	vld [tilespmem:$0x1FE20]  }
0x50b: {  	v10 =	vld [tilespmem:$0x1FE30]  }
0x50c: {  	v11 =	vld [tilespmem:$0x1FE40]  }
0x50d: {  	v12 =	vld [tilespmem:$0x1FE50]  }
0x50e: {  	v13 =	vld [tilespmem:$0x1FE60]  }
0x50f: {  	v14 =	vld [tilespmem:$0x1FE70]  }
0x510: {  	v15 =	vld [tilespmem:$0x1FE80]  }
0x511: {  	v5 =	vmov s0;
	v16 =	vld [tilespmem:$0x1FE90]  }
0x512: {  	v17 =	vld [tilespmem:$0x1FEA0];
	v5 =	vshll.u32 v5, $0x7  }
0x513: {  	v18 =	vld [tilespmem:$0x1FEB0];
	v37 =	vor.u32 v6, v5  }
0x514: {  	v19 =	vld [tilespmem:$0x1FEC0];
	v5 =	vor.u32 v0, v37  }
0x515: {  	v28 =	vmov v6;
	v20 =	vld [tilespmem:$0x1FED0];
	v6 =	vor.u32 v53, v37  }
0x516: {  	v22 =	vld [tilespmem:$0x1FEE0];
	v7 =	vor.u32 v4, v37  }
0x517: {  	v34 =	vld [tilespmem:$0x1FF00];
	v8 =	vor.u32 v51, v37  }
0x518: {  	v58 =	vld [tilespmem:$0x1FF10];
	v45 =	vor.u32 v55, v37  }
0x519: {  	v48 =	vor.u32 v27, v37;
	v5 =	vld.idx.msk [tilespmem:v5+s18+$0x0], $0xffff  }
0x51a: {  	v49 =	vor.u32 v29, v37;
	v6 =	vld.idx.msk [tilespmem:v6+s18+$0x0], $0xffff  }
0x51b: {  	v50 =	vor.u32 v32, v37;
	v7 =	vld.idx.msk [tilespmem:v7+s18+$0x0], $0xffff  }
0x51c: {  	v63 =	vor.u32 v54, v37;
	v8 =	vld.idx.msk [tilespmem:v8+s18+$0x0], $0xffff  }
0x51d: {  	v35 =	vor.u32 v39, v37;
	v45 =	vld.idx.msk [tilespmem:v45+s18+$0x0], $0xffff  }
0x51e: {  	v48 =	vld.idx.msk [tilespmem:v48+s18+$0x0], $0xffff  }
0x51f: {  	v40 =	vor.u32 v56, v37;
	v49 =	vld.idx.msk [tilespmem:v49+s18+$0x0], $0xffff  }
0x520: {  	v24 =	vmov v56;
	v56 =	vor.u32 v41, v37;
	v50 =	vld.idx.msk [tilespmem:v50+s18+$0x0], $0xffff  }
0x521: {  	v3 =	vmov v52;
	v23 =	vmov v57;
	v57 =	vor.u32 v57, v37;
	v52 =	vld.idx.msk [tilespmem:v63+s18+$0x0], $0xffff  }
0x522: {  	v44 =	vmov v54;
	v54 =	vld.idx.msk [tilespmem:v35+s18+$0x0], $0xffff  }
0x523: {  	v42 =	vmov v21;
	v21 =	vor.u32 v61, v37;
	v35 =	vmov v59;
	v59 =	vld [tilespmem:$0x1FF20]  }
0x524: {  	v25 =	vmov v55;
	v61 =	vor.u32 v31, v37;
	v55 =	vld.idx.msk [tilespmem:v40+s18+$0x0], $0xffff  }
0x525: {  	v56 =	vld.idx.msk [tilespmem:v56+s18+$0x0], $0xffff  }
0x526: {  	v9 =	vor.u32 v9, v37;
	v57 =	vld.idx.msk [tilespmem:v57+s18+$0x0], $0xffff  }
0x527: {  	v10 =	vor.u32 v10, v37;
	v63 =	vld [tilespmem:$0x1FBD0]  }
0x528: {  	v11 =	vor.u32 v11, v37;
	v21 =	vld.idx.msk [tilespmem:v21+s18+$0x0], $0xffff  }
0x529: {  	v38 =	vmov v51;
	v12 =	vor.u32 v12, v37;
	v51 =	vld.idx.msk [tilespmem:v61+s18+$0x0], $0xffff  }
0x52a: {  	v13 =	vor.u32 v13, v37;
	v61 =	vld [tilespmem:$0x1FF50]  }
0x52b: {  	v14 =	vor.u32 v14, v37;
	v9 =	vld.idx.msk [tilespmem:v9+s18+$0x0], $0xffff  }
0x52c: {  	v15 =	vor.u32 v15, v37;
	v10 =	vld.idx.msk [tilespmem:v10+s18+$0x0], $0xffff  }
0x52d: {  	v16 =	vor.u32 v16, v37;
	v11 =	vld.idx.msk [tilespmem:v11+s18+$0x0], $0xffff  }
0x52e: {  	v17 =	vor.u32 v17, v37;
	v12 =	vld.idx.msk [tilespmem:v12+s18+$0x0], $0xffff  }
0x52f: {  	v18 =	vor.u32 v18, v37;
	v13 =	vld.idx.msk [tilespmem:v13+s18+$0x0], $0xffff  }
0x530: {  	v19 =	vor.u32 v19, v37;
	v14 =	vld.idx.msk [tilespmem:v14+s18+$0x0], $0xffff  }
0x531: {  	v20 =	vor.u32 v20, v37;
	v15 =	vld.idx.msk [tilespmem:v15+s18+$0x0], $0xffff  }
0x532: {  	v22 =	vor.u32 v22, v37;
	v16 =	vld.idx.msk [tilespmem:v16+s18+$0x0], $0xffff  }
0x533: {  	v46 =	vor.u32 v34, v37;
	v17 =	vld.idx.msk [tilespmem:v17+s18+$0x0], $0xffff  }
0x534: {  	v47 =	vor.u32 v58, v37;
	v18 =	vld.idx.msk [tilespmem:v18+s18+$0x0], $0xffff  }
0x535: {  	v34 =	vor.u32 v36, v37;
	v19 =	vld.idx.msk [tilespmem:v19+s18+$0x0], $0xffff  }
0x536: {  	v58 =	vor.u32 v43, v37;
	v20 =	vld.idx.msk [tilespmem:v20+s18+$0x0], $0xffff  }
0x537: {  	v22 =	vld.idx.msk [tilespmem:v22+s18+$0x0], $0xffff;
	v59 =	vor.u32 s0, v59  }
0x538: {  	v40 =	vmov v60;
	v46 =	vld.idx.msk [tilespmem:v46+s18+$0x0], $0xffff;
	v60 =	vor.u32 s0, v61  }
0x539: {  	v47 =	vld.idx.msk [tilespmem:v47+s18+$0x0], $0xffff;
	v61 =	vor.u32 s0, v62  }
0x53a: {  	v30 =	vmov v53;
	v53 =	vld.idx.msk [tilespmem:v34+s18+$0x0], $0xffff;
	v34 =	vor.u32 s0, v63  }
0x53b: {  	v58 =	vld.idx.msk [tilespmem:v58+s18+$0x0], $0xffff;
	v63 =	vor.u32 s0, v33  }
0x53c: {  	[tilespmem:v59+s22+$0x0] =	vst.idx.msk $0xffff, v5;
	v5 =	vld [tilespmem:$0x1FBE0]  }
0x53d: {  	[tilespmem:v60+s22+$0x0] =	vst.idx.msk $0xffff, v6;
	v6 =	vld [tilespmem:$0x1FBF0]  }
0x53e: {  	[tilespmem:v61+s22+$0x0] =	vst.idx.msk $0xffff, v7;
	v7 =	vld [tilespmem:$0x1FC00]  }
0x53f: {  	[tilespmem:v34+s22+$0x0] =	vst.idx.msk $0xffff, v8;
	v8 =	vld [tilespmem:$0x1FC10]  }
0x540: {  	[tilespmem:v63+s22+$0x0] =	vst.idx.msk $0xffff, v9;
	v63 =	vld [tilespmem:$0x1F4E0]  }
0x541: {  	v5 =	vor.u32 s0, v5  }
0x542: {  	v6 =	vor.u32 s0, v6  }
0x543: {  	v62 =	vld [tilespmem:$0x1F600];
	v7 =	vor.u32 s0, v7  }
0x544: {  	v59 =	vld [tilespmem:$0x1F5D0];
	v8 =	vor.u32 s0, v8  }
0x545: {  	v60 =	vld [tilespmem:$0x1F5E0];
	v9 =	vor.u32 s0, v63  }
0x546: {  	[tilespmem:v5+s22+$0x0] =	vst.idx.msk $0xffff, v10;
	v5 =	vld [tilespmem:$0x1F4F0]  }
0x547: {  	v34 =	vld [tilespmem:$0x1F5C0];
	[tilespmem:v6+s22+$0x0] =	vst.idx.msk $0xffff, v11  }
0x548: {  	v6 =	vld [tilespmem:$0x1F500];
	[tilespmem:v7+s22+$0x0] =	vst.idx.msk $0xffff, v12  }
0x549: {  	v7 =	vld [tilespmem:$0x1F510];
	[tilespmem:v8+s22+$0x0] =	vst.idx.msk $0xffff, v13  }
0x54a: {  	[tilespmem:v9+s22+$0x0] =	vst.idx.msk $0xffff, v14;
	v14 =	vld [tilespmem:$0x1F530]  }
0x54b: {  	v61 =	vld [tilespmem:$0x1F5F0];
	v5 =	vor.u32 s0, v5  }
0x54c: {  	v8 =	vld [tilespmem:$0x1F520]  }
0x54d: {  	v63 =	vld [tilespmem:$0x1F490];
	v6 =	vor.u32 s0, v6  }
0x54e: {  	v13 =	vor.u32 v34, v37;
	v34 =	vld [tilespmem:$0x1F610]  }
0x54f: {  	v7 =	vor.u32 s0, v7;
	v9 =	vor.u32 s0, v14;
	v14 =	vor.u32 v59, v37;
	v59 =	vld [tilespmem:$0x1F4B0]  }
0x550: {  	[tilespmem:v5+s22+$0x0] =	vst.idx.msk $0xffff, v15;
	v5 =	vld [tilespmem:$0x1F540]  }
0x551: {  	v8 =	vor.u32 s0, v8;
	v15 =	vor.u32 v60, v37;
	v60 =	vld [tilespmem:$0x1F630]  }
0x552: {  	[tilespmem:v6+s22+$0x0] =	vst.idx.msk $0xffff, v16;
	v6 =	vld [tilespmem:$0x1F980]  }
0x553: {  	v16 =	vld [tilespmem:$0x1F570]  }
0x554: {  	[tilespmem:v7+s22+$0x0] =	vst.idx.msk $0xffff, v17;
	v7 =	vld [tilespmem:$0x1F550]  }
0x555: {  	v17 =	vld [tilespmem:$0x1F590]  }
0x556: {  	[tilespmem:v8+s22+$0x0] =	vst.idx.msk $0xffff, v18;
	v18 =	vld [tilespmem:$0x1F5A0]  }
0x557: {  	v8 =	vld [tilespmem:$0x1F560];
	v5 =	vor.u32 s0, v5  }
0x558: {  	[tilespmem:v9+s22+$0x0] =	vst.idx.msk $0xffff, v19;
	v19 =	vld [tilespmem:$0x1F5B0]  }
0x559: {  	v6 =	vor.u32 v6, v37;
	v9 =	vor.u32 v16, v37;
	v16 =	vor.u32 v61, v37;
	v61 =	vld [tilespmem:$0x1F640]  }
0x55a: {  	v10 =	vor.u32 v17, v37;
	v17 =	vor.u32 v62, v37;
	v62 =	vld [tilespmem:$0x1F4D0]  }
0x55b: {  	v11 =	vor.u32 v18, v37;
	v18 =	vor.u32 v63, v37;
	v63 =	vld [tilespmem:$0x1F650]  }
0x55c: {  	[tilespmem:v5+s22+$0x0] =	vst.idx.msk $0xffff, v20;
	v5 =	vld [tilespmem:$0x1F580]  }
0x55d: {  	v20 =	vld [tilespmem:$0x1F620]  }
0x55e: {  	v6 =	vld.idx.msk [tilespmem:v6+s18+$0x0], $0xffff  }
0x55f: {  	v7 =	vor.u32 v7, v37;
	v9 =	vld.idx.msk [tilespmem:v9+s18+$0x0], $0xffff  }
0x560: {  	v13 =	vld.idx.msk [tilespmem:v13+s18+$0x0], $0xffff  }
0x561: {  	v14 =	vld.idx.msk [tilespmem:v14+s18+$0x0], $0xffff  }
0x562: {  	v8 =	vor.u32 v8, v37;
	v15 =	vld.idx.msk [tilespmem:v15+s18+$0x0], $0xffff  }
0x563: {  	v16 =	vld.idx.msk [tilespmem:v16+s18+$0x0], $0xffff  }
0x564: {  	v7 =	vld.idx.msk [tilespmem:v7+s18+$0x0], $0xffff  }
0x565: {  	v12 =	vor.u32 v19, v37;
	v10 =	vld.idx.msk [tilespmem:v10+s18+$0x0], $0xffff  }
0x566: {  	v19 =	vor.u32 v34, v37;
	v17 =	vld.idx.msk [tilespmem:v17+s18+$0x0], $0xffff  }
0x567: {  	v8 =	vld.idx.msk [tilespmem:v8+s18+$0x0], $0xffff;
	v5 =	vor.u32 v5, v37  }
0x568: {  	v11 =	vld.idx.msk [tilespmem:v11+s18+$0x0], $0xffff;
	v20 =	vor.u32 v20, v37  }
0x569: {  	v59 =	vor.u32 s0, v59;
	v18 =	vld.idx.msk [tilespmem:v18+s18+$0x0], $0xffff  }
0x56a: {  	v12 =	vld.idx.msk [tilespmem:v12+s18+$0x0], $0xffff  }
0x56b: {  	v60 =	vor.u32 s0, v60;
	v19 =	vld.idx.msk [tilespmem:v19+s18+$0x0], $0xffff  }
0x56c: {  	v5 =	vld.idx.msk [tilespmem:v5+s18+$0x0], $0xffff  }
0x56d: {  	v20 =	vld.idx.msk [tilespmem:v20+s18+$0x0], $0xffff  }
0x56e: {  	[tilespmem:v59+s22+$0x0] =	vst.idx.msk $0xffff, v21;
	v21 =	vld [tilespmem:$0x1F660]  }
0x56f: {  	v61 =	vor.u32 s0, v61  }
0x570: {  	[tilespmem:v60+s22+$0x0] =	vst.idx.msk $0xffff, v22;
	v22 =	vld [tilespmem:$0x1F670]  }
0x571: {  	v62 =	vor.u32 s0, v62  }
0x572: {  	v63 =	vor.u32 s0, v63  }
0x573: {  	v21 =	vor.u32 s0, v21  }
0x574: {  	[tilespmem:v61+s22+$0x0] =	vst.idx.msk $0xffff, v45;
	v45 =	vld [tilespmem:$0x1F680]  }
0x575: {  	v60 =	vld [tilespmem:$0x1F690];
	v22 =	vor.u32 s0, v22  }
0x576: {  	[tilespmem:v62+s22+$0x0] =	vst.idx.msk $0xffff, v46  }
0x577: {  	v62 =	vld [tilespmem:$0x1F6A0];
	[tilespmem:v63+s22+$0x0] =	vst.idx.msk $0xffff, v47  }
0x578: {  	[tilespmem:v21+s22+$0x0] =	vst.idx.msk $0xffff, v48;
	v21 =	vld [tilespmem:$0x1F6B0]  }
0x579: {  	v59 =	vor.u32 s0, v45  }
0x57a: {  	v61 =	vor.u32 s0, v60;
	[tilespmem:v22+s22+$0x0] =	vst.idx.msk $0xffff, v49;
	v22 =	vld [tilespmem:$0x1F6C0];
	_ =	sdelay $0x1  }
0x57b: {  	v63 =	vor.u32 s0, v62  }
0x57c: {  	v21 =	vor.u32 s0, v21  }
0x57d: {  	v49 =	vld [tilespmem:$0x1F6D0];
	[tilespmem:v59+s22+$0x0] =	vst.idx.msk $0xffff, v50  }
0x57e: {  	[tilespmem:v61+s22+$0x0] =	vst.idx.msk $0xffff, v51;
	v51 =	vld [tilespmem:$0x1F6E0];
	v22 =	vor.u32 s0, v22  }
0x57f: {  	v60 =	vld [tilespmem:$0x1F6F0]  }
0x580: {  	[tilespmem:v63+s22+$0x0] =	vst.idx.msk $0xffff, v52  }
0x581: {  	[tilespmem:v21+s22+$0x0] =	vst.idx.msk $0xffff, v53;
	v21 =	vld [tilespmem:$0x1F700]  }
0x582: {  	v62 =	vld [tilespmem:$0x1F710];
	v50 =	vor.u32 s0, v49  }
0x583: {  	v59 =	vor.u32 s0, v51;
	[tilespmem:v22+s22+$0x0] =	vst.idx.msk $0xffff, v54;
	v22 =	vld [tilespmem:$0x1FC20]  }
0x584: {  	v61 =	vor.u32 s0, v60;
	v60 =	vld [tilespmem:$0x1F760]  }
0x585: {  	v51 =	vld [tilespmem:$0x1F720]  }
0x586: {  	v53 =	vld [tilespmem:$0x1F730];
	v21 =	vor.u32 s0, v21  }
0x587: {  	v63 =	vor.u32 v62, v37;
	v62 =	vld [tilespmem:$0x1F770];
	[tilespmem:v50+s22+$0x0] =	vst.idx.msk $0xffff, v55  }
0x588: {  	v55 =	vld [tilespmem:$0x1F740];
	[tilespmem:v59+s22+$0x0] =	vst.idx.msk $0xffff, v56;
	v22 =	vor.u32 v22, v37  }
0x589: {  	[tilespmem:v61+s22+$0x0] =	vst.idx.msk $0xffff, v57;
	v57 =	vld [tilespmem:$0x1F780]  }
0x58a: {  	v52 =	vor.u32 v51, v37;
	v61 =	vor.u32 v60, v37;
	v60 =	vld [tilespmem:$0x1FB90]  }
0x58b: {  	v54 =	vor.u32 v53, v37;
	[tilespmem:v21+s22+$0x0] =	vst.idx.msk $0xffff, v58;
	v21 =	vld [tilespmem:$0x1FB10]  }
0x58c: {  	v58 =	vld [tilespmem:$0x1F750]  }
0x58d: {  	v22 =	vld.idx.msk [tilespmem:v22+s18+$0x0], $0xffff  }
0x58e: {  	v45 =	vld.idx.msk [tilespmem:v63+s18+$0x0], $0xffff  }
0x58f: {  	v46 =	vld.idx.msk [tilespmem:v52+s18+$0x0], $0xffff  }
0x590: {  	v56 =	vor.u32 v55, v37;
	v47 =	vld.idx.msk [tilespmem:v54+s18+$0x0], $0xffff  }
0x591: {  	v50 =	vld.idx.msk [tilespmem:v61+s18+$0x0], $0xffff  }
0x592: {  	v63 =	vor.u32 v62, v37;
	v62 =	vld [tilespmem:$0x1FCB0];
	v59 =	vor.u32 v58, v37  }
0x593: {  	v52 =	vor.u32 v57, v37;
	v57 =	vld [tilespmem:$0x1FCC0]  }
0x594: {  	v61 =	vor.u32 v60, v37;
	v60 =	vld [tilespmem:$0x1F470]  }
0x595: {  	v48 =	vld.idx.msk [tilespmem:v56+s18+$0x0], $0xffff  }
0x596: {  	v58 =	vld [tilespmem:$0x1F480]  }
0x597: {  	v49 =	vld.idx.msk [tilespmem:v59+s18+$0x0], $0xffff  }
0x598: {  	v59 =	vld [tilespmem:$0x1F790]  }
0x599: {  	v51 =	vld.idx.msk [tilespmem:v63+s18+$0x0], $0xffff  }
0x59a: {  	v52 =	vld.idx.msk [tilespmem:v52+s18+$0x0], $0xffff  }
0x59b: {  	v63 =	vor.u32 v62, v37;
	v55 =	vld.idx.msk [tilespmem:v61+s18+$0x0], $0xffff  }
0x59c: {  	v53 =	vor.u32 v58, v37;
	v58 =	vld [tilespmem:$0x1FCD0]  }
0x59d: {  	v21 =	vor.u32 v21, v37;
	v54 =	vor.u32 v59, v37;
	v59 =	vld [tilespmem:$0x1F7A0]  }
0x59e: {  	v57 =	vor.u32 v57, v37;
	v61 =	vld [tilespmem:$0x1F4A0]  }
0x59f: {  	v62 =	vld [tilespmem:$0x1F7B0]  }
0x5a0: {  	v56 =	vld.idx.msk [tilespmem:v63+s18+$0x0], $0xffff  }
0x5a1: {  	v63 =	vld [tilespmem:$0x1F7C0];
	v37 =	vor.u32 v58, v37  }
0x5a2: {  	v21 =	vld.idx.msk [tilespmem:v21+s18+$0x0], $0xffff;
	v58 =	vor.u32 s0, v59  }
0x5a3: {  	v57 =	vld.idx.msk [tilespmem:v57+s18+$0x0], $0xffff;
	v59 =	vor.u32 s0, v60  }
0x5a4: {  	v53 =	vld.idx.msk [tilespmem:v53+s18+$0x0], $0xffff;
	v60 =	vor.u32 s0, v61  }
0x5a5: {  	v54 =	vld.idx.msk [tilespmem:v54+s18+$0x0], $0xffff;
	v61 =	vor.u32 s0, v62  }
0x5a6: {  	v34 =	vor.u32 s0, v63;
	v37 =	vld.idx.msk [tilespmem:v37+s18+$0x0], $0xffff  }
0x5a7: {  	[tilespmem:v58+s22+$0x0] =	vst.idx.msk $0xffff, v6;
	v6 =	vld [tilespmem:$0x1F7D0]  }
0x5a8: {  	[tilespmem:v59+s22+$0x0] =	vst.idx.msk $0xffff, v7;
	v7 =	vld [tilespmem:$0x1F7E0]  }
0x5a9: {  	[tilespmem:v60+s22+$0x0] =	vst.idx.msk $0xffff, v8;
	v8 =	vld [tilespmem:$0x1F4C0]  }
0x5aa: {  	v63 =	vld [tilespmem:$0x1F7F0];
	[tilespmem:v61+s22+$0x0] =	vst.idx.msk $0xffff, v9  }
0x5ab: {  	[tilespmem:v34+s22+$0x0] =	vst.idx.msk $0xffff, v5;
	v5 =	vld [tilespmem:$0x1F800]  }
0x5ac: {  	v6 =	vor.u32 s0, v6  }
0x5ad: {  	v7 =	vor.u32 s0, v7  }
0x5ae: {  	v8 =	vor.u32 s0, v8  }
0x5af: {  	v9 =	vor.u32 s0, v63  }
0x5b0: {  	v5 =	vor.u32 s0, v5  }
0x5b1: {  	[tilespmem:v6+s22+$0x0] =	vst.idx.msk $0xffff, v10;
	v6 =	vld [tilespmem:$0x1F810]  }
0x5b2: {  	[tilespmem:v7+s22+$0x0] =	vst.idx.msk $0xffff, v11;
	v7 =	vld [tilespmem:$0x1F460]  }
0x5b3: {  	[tilespmem:v8+s22+$0x0] =	vst.idx.msk $0xffff, v12;
	v8 =	vld [tilespmem:$0x1F830]  }
0x5b4: {  	[tilespmem:v9+s22+$0x0] =	vst.idx.msk $0xffff, v13;
	v13 =	vld [tilespmem:$0x1F450]  }
0x5b5: {  	[tilespmem:v5+s22+$0x0] =	vst.idx.msk $0xffff, v14;
	v5 =	vld [tilespmem:$0x1F440]  }
0x5b6: {  	v6 =	vor.u32 s0, v6  }
0x5b7: {  	v7 =	vor.u32 s0, v7  }
0x5b8: {  	v8 =	vor.u32 s0, v8  }
0x5b9: {  	v9 =	vor.u32 s0, v13  }
0x5ba: {  	v5 =	vor.u32 s0, v5  }
0x5bb: {  	[tilespmem:v6+s22+$0x0] =	vst.idx.msk $0xffff, v15;
	v6 =	vor.u32 s0, v2  }
0x5bc: {  	[tilespmem:v7+s22+$0x0] =	vst.idx.msk $0xffff, v16;
	v7 =	vor.u32 s0, v1  }
0x5bd: {  	[tilespmem:v8+s22+$0x0] =	vst.idx.msk $0xffff, v17  }
0x5be: {  	[tilespmem:v9+s22+$0x0] =	vst.idx.msk $0xffff, v18  }
0x5bf: {  	[tilespmem:v5+s22+$0x0] =	vst.idx.msk $0xffff, v19;
	v5 =	vld [tilespmem:$0x1FD00]  }
0x5c0: {  	[tilespmem:v6+s22+$0x0] =	vst.idx.msk $0xffff, v20;
	v6 =	vld [tilespmem:$0x1FD10]  }
0x5c1: {  	[tilespmem:v7+s22+$0x0] =	vst.idx.msk $0xffff, v22;
	v7 =	vld [tilespmem:$0x1FD20]  }
0x5c2: {  	v8 =	vor.u32 s0, v35  }
0x5c3: {  	v34 =	vor.u32 s0, v40  }
0x5c4: {  	v5 =	vor.u32 s0, v5  }
0x5c5: {  	v6 =	vor.u32 s0, v6  }
0x5c6: {  	v7 =	vor.u32 s0, v7  }
0x5c7: {  	[tilespmem:v8+s22+$0x0] =	vst.idx.msk $0xffff, v45;
	v8 =	vld [tilespmem:$0x1FD30]  }
0x5c8: {  	v58 =	vld [tilespmem:$0x1FD40];
	[tilespmem:v34+s22+$0x0] =	vst.idx.msk $0xffff, v46  }
0x5c9: {  	[tilespmem:v5+s22+$0x0] =	vst.idx.msk $0xffff, v47;
	v5 =	vld [tilespmem:$0x1FD50]  }
0x5ca: {  	[tilespmem:v6+s22+$0x0] =	vst.idx.msk $0xffff, v21  }
0x5cb: {  	[tilespmem:v7+s22+$0x0] =	vst.idx.msk $0xffff, v48;
	v7 =	vld [tilespmem:$0x1FD70]  }
0x5cc: {  	v8 =	vor.u32 s0, v8  }
0x5cd: {  	v9 =	vor.u32 s0, v58  }
0x5ce: {  	v5 =	vor.u32 s0, v5  }
0x5cf: {  	v6 =	vor.u32 s0, v42  }
0x5d0: {  	v7 =	vor.u32 s0, v7  }
0x5d1: {  	[tilespmem:v8+s22+$0x0] =	vst.idx.msk $0xffff, v49;
	v8 =	vld [tilespmem:$0x1FD80]  }
0x5d2: {  	v63 =	vld [tilespmem:$0x1FD90];
	[tilespmem:v9+s22+$0x0] =	vst.idx.msk $0xffff, v50  }
0x5d3: {  	[tilespmem:v5+s22+$0x0] =	vst.idx.msk $0xffff, v51;
	v5 =	vld [tilespmem:$0x1FDA0]  }
0x5d4: {  	[tilespmem:v6+s22+$0x0] =	vst.idx.msk $0xffff, v52  }
0x5d5: {  	[tilespmem:v7+s22+$0x0] =	vst.idx.msk $0xffff, v53;
	v7 =	vld [tilespmem:$0x1FDC0]  }
0x5d6: {  	v8 =	vor.u32 s0, v8  }
0x5d7: {  	v9 =	vor.u32 s0, v63  }
0x5d8: {  	v5 =	vor.u32 s0, v5  }
0x5d9: {  	v6 =	vor.u32 s0, v3  }
0x5da: {  	p0 =	sne.s32 s0, $0x70;
	v7 =	vor.u32 s0, v7  }
.Ltmp7:
0x5db: {  	[tilespmem:v8+s22+$0x0] =	vst.idx.msk $0xffff, v54;
	(pc) =	sbr.rel @p0 .LBB2_16-.Ltmp7, $4  }
0x5dc: {  	[tilespmem:v9+s22+$0x0] =	vst.idx.msk $0xffff, v55  }
0x5dd: {  	v62 =	vmov v26;
	v59 =	vmov v35;
	[tilespmem:v5+s22+$0x0] =	vst.idx.msk $0xffff, v56  }
0x5de: {  	v60 =	vmovc v40;
	v21 =	vmovc v42;
	v51 =	vmov v38;
	v52 =	vmov v3;
	v53 =	vmov v30;
	[tilespmem:v6+s22+$0x0] =	vst.idx.msk $0xffff, v57  }
0x5df: {  	v61 =	vld [tilespmem:$0x1FDF0];
	v54 =	vmovc v44;
	v55 =	vmovc v25;
	s0 =	sadd.s32 $0x10, s0;
	v56 =	vmov v24;
	v57 =	vmov v23;
	v6 =	vmov v28;
	[tilespmem:v7+s22+$0x0] =	vst.idx.msk $0xffff, v37  }
0x5e0: {  	s0 =	rddreg [dreg:$0x6]  }
0x5e1: {  	[hbm4b:s0+s23] =	stream.strided.scatter [tilespmem:s22], [sflag:$0x3], $0x2000, s14, s23, $0x38;
	[tilespmem:$0x13100] =	vst v63  }
0x5e2: {  	_ =	swait.ge [sflag:s24], $0x4000  }
0x5e3: {  	[sflag:s24] =	ssyncset.done $0x0  }
0x5e4: {  	[sflag:s24] =	ssyncadd.s32 $0xFFFFC000  }
0x5e5: {  	_ =	swait.ge [sflag:s28], $0x2000  }
0x5e6: {  	[sflag:s28] =	ssyncset.done $0x0  }
0x5e7: {  	s0 =	simm.s32 $0x0;
	[sflag:s28] =	ssyncadd.s32 $0xFFFFE000  }
.LBB2_18:
0x5e8: {  	v9 =	vld [tilespmem:$0x1FE20]  }
0x5e9: {  	v10 =	vld [tilespmem:$0x1FE30]  }
0x5ea: {  	v11 =	vld [tilespmem:$0x1FE40]  }
0x5eb: {  	v12 =	vld [tilespmem:$0x1FE50]  }
0x5ec: {  	v13 =	vld [tilespmem:$0x1FE60]  }
0x5ed: {  	v14 =	vld [tilespmem:$0x1FE70]  }
0x5ee: {  	v15 =	vld [tilespmem:$0x1FE80]  }
0x5ef: {  	v5 =	vmov s0;
	v16 =	vld [tilespmem:$0x1FE90]  }
0x5f0: {  	v17 =	vld [tilespmem:$0x1FEA0];
	v5 =	vshll.u32 v5, $0x7  }
0x5f1: {  	v18 =	vld [tilespmem:$0x1FEB0];
	v37 =	vor.u32 v28, v5  }
0x5f2: {  	v19 =	vld [tilespmem:$0x1FEC0];
	v5 =	vor.u32 v0, v37  }
0x5f3: {  	v20 =	vld [tilespmem:$0x1FED0];
	v6 =	vor.u32 v53, v37  }
0x5f4: {  	v22 =	vld [tilespmem:$0x1FEE0];
	v7 =	vor.u32 v4, v37  }
0x5f5: {  	v34 =	vld [tilespmem:$0x1FF00];
	v8 =	vor.u32 v51, v37  }
0x5f6: {  	v58 =	vld [tilespmem:$0x1FF10];
	v45 =	vor.u32 v55, v37  }
0x5f7: {  	v48 =	vor.u32 v27, v37;
	v5 =	vld.idx.msk [tilespmem:v5+s20+$0x0], $0xffff  }
0x5f8: {  	v49 =	vor.u32 v29, v37;
	v6 =	vld.idx.msk [tilespmem:v6+s20+$0x0], $0xffff  }
0x5f9: {  	v50 =	vor.u32 v32, v37;
	v7 =	vld.idx.msk [tilespmem:v7+s20+$0x0], $0xffff  }
0x5fa: {  	v59 =	vor.u32 v31, v37;
	v8 =	vld.idx.msk [tilespmem:v8+s20+$0x0], $0xffff  }
0x5fb: {  	v52 =	vor.u32 v54, v37;
	v45 =	vld.idx.msk [tilespmem:v45+s20+$0x0], $0xffff  }
0x5fc: {  	v60 =	vor.u32 v36, v37;
	v48 =	vld.idx.msk [tilespmem:v48+s20+$0x0], $0xffff  }
0x5fd: {  	v49 =	vld.idx.msk [tilespmem:v49+s20+$0x0], $0xffff  }
0x5fe: {  	v63 =	vor.u32 v56, v37;
	v50 =	vld.idx.msk [tilespmem:v50+s20+$0x0], $0xffff  }
0x5ff: {  	v42 =	vor.u32 v41, v37;
	v51 =	vld.idx.msk [tilespmem:v59+s20+$0x0], $0xffff  }
0x600: {  	v57 =	vor.u32 v23, v37;
	v52 =	vld.idx.msk [tilespmem:v52+s20+$0x0], $0xffff  }
0x601: {  	v53 =	vld.idx.msk [tilespmem:v60+s20+$0x0], $0xffff  }
0x602: {  	v21 =	vor.u32 v61, v37;
	v60 =	vld [tilespmem:$0x1FF20]  }
0x603: {  	v61 =	vor.u32 v39, v37;
	v55 =	vld.idx.msk [tilespmem:v63+s20+$0x0], $0xffff  }
0x604: {  	v56 =	vld.idx.msk [tilespmem:v42+s20+$0x0], $0xffff  }
0x605: {  	v9 =	vor.u32 v9, v37;
	v57 =	vld.idx.msk [tilespmem:v57+s20+$0x0], $0xffff  }
0x606: {  	v10 =	vor.u32 v10, v37;
	v63 =	vld [tilespmem:$0x1FBD0]  }
0x607: {  	v11 =	vor.u32 v11, v37;
	v21 =	vld.idx.msk [tilespmem:v21+s20+$0x0], $0xffff  }
0x608: {  	v12 =	vor.u32 v12, v37;
	v54 =	vld.idx.msk [tilespmem:v61+s20+$0x0], $0xffff  }
0x609: {  	v13 =	vor.u32 v13, v37;
	v61 =	vld [tilespmem:$0x1FF50]  }
0x60a: {  	v14 =	vor.u32 v14, v37;
	v9 =	vld.idx.msk [tilespmem:v9+s20+$0x0], $0xffff  }
0x60b: {  	v15 =	vor.u32 v15, v37;
	v10 =	vld.idx.msk [tilespmem:v10+s20+$0x0], $0xffff  }
0x60c: {  	v16 =	vor.u32 v16, v37;
	v11 =	vld.idx.msk [tilespmem:v11+s20+$0x0], $0xffff  }
0x60d: {  	v17 =	vor.u32 v17, v37;
	v12 =	vld.idx.msk [tilespmem:v12+s20+$0x0], $0xffff  }
0x60e: {  	v18 =	vor.u32 v18, v37;
	v13 =	vld.idx.msk [tilespmem:v13+s20+$0x0], $0xffff  }
0x60f: {  	v19 =	vor.u32 v19, v37;
	v14 =	vld.idx.msk [tilespmem:v14+s20+$0x0], $0xffff  }
0x610: {  	v20 =	vor.u32 v20, v37;
	v15 =	vld.idx.msk [tilespmem:v15+s20+$0x0], $0xffff  }
0x611: {  	v22 =	vor.u32 v22, v37;
	v16 =	vld.idx.msk [tilespmem:v16+s20+$0x0], $0xffff  }
0x612: {  	v46 =	vor.u32 v34, v37;
	v17 =	vld.idx.msk [tilespmem:v17+s20+$0x0], $0xffff  }
0x613: {  	v47 =	vor.u32 v58, v37;
	v18 =	vld.idx.msk [tilespmem:v18+s20+$0x0], $0xffff  }
0x614: {  	v58 =	vor.u32 v43, v37;
	v19 =	vld.idx.msk [tilespmem:v19+s20+$0x0], $0xffff  }
0x615: {  	v20 =	vld.idx.msk [tilespmem:v20+s20+$0x0], $0xffff;
	v59 =	vor.u32 s0, v60  }
0x616: {  	v22 =	vld.idx.msk [tilespmem:v22+s20+$0x0], $0xffff  }
0x617: {  	v46 =	vld.idx.msk [tilespmem:v46+s20+$0x0], $0xffff;
	v60 =	vor.u32 s0, v61  }
0x618: {  	v47 =	vld.idx.msk [tilespmem:v47+s20+$0x0], $0xffff  }
0x619: {  	v58 =	vld.idx.msk [tilespmem:v58+s20+$0x0], $0xffff;
	v61 =	vor.u32 s0, v62  }
0x61a: {  	[tilespmem:v59+s25+$0x0] =	vst.idx.msk $0xffff, v5;
	v5 =	vld [tilespmem:$0x1FBE0]  }
0x61b: {  	v42 =	vor.u32 s0, v63;
	v62 =	vld [tilespmem:$0x1F4D0]  }
0x61c: {  	[tilespmem:v60+s25+$0x0] =	vst.idx.msk $0xffff, v6;
	v6 =	vld [tilespmem:$0x1FBF0]  }
0x61d: {  	v63 =	vor.u32 s0, v33;
	v59 =	vld [tilespmem:$0x1F4B0]  }
0x61e: {  	[tilespmem:v61+s25+$0x0] =	vst.idx.msk $0xffff, v7;
	v7 =	vld [tilespmem:$0x1FC00]  }
0x61f: {  	v60 =	vld [tilespmem:$0x1F630];
	v5 =	vor.u32 s0, v5  }
0x620: {  	[tilespmem:v42+s25+$0x0] =	vst.idx.msk $0xffff, v8;
	v8 =	vld [tilespmem:$0x1FC10]  }
0x621: {  	v61 =	vld [tilespmem:$0x1F640];
	v6 =	vor.u32 s0, v6  }
0x622: {  	[tilespmem:v63+s25+$0x0] =	vst.idx.msk $0xffff, v9;
	v9 =	vld [tilespmem:$0x1F4E0]  }
0x623: {  	v63 =	vld [tilespmem:$0x1F650];
	v7 =	vor.u32 s0, v7  }
0x624: {  	[tilespmem:v5+s25+$0x0] =	vst.idx.msk $0xffff, v10;
	v5 =	vld [tilespmem:$0x1F4F0]  }
0x625: {  	v8 =	vor.u32 s0, v8;
	v10 =	vld [tilespmem:$0x1F590]  }
0x626: {  	[tilespmem:v6+s25+$0x0] =	vst.idx.msk $0xffff, v11;
	v6 =	vld [tilespmem:$0x1F500]  }
0x627: {  	v9 =	vor.u32 s0, v9;
	v11 =	vld [tilespmem:$0x1F5A0]  }
0x628: {  	[tilespmem:v7+s25+$0x0] =	vst.idx.msk $0xffff, v12;
	v7 =	vld [tilespmem:$0x1F510]  }
0x629: {  	v12 =	vld [tilespmem:$0x1F5B0];
	v5 =	vor.u32 s0, v5  }
0x62a: {  	[tilespmem:v8+s25+$0x0] =	vst.idx.msk $0xffff, v13;
	v8 =	vld [tilespmem:$0x1F520]  }
0x62b: {  	v13 =	vld [tilespmem:$0x1F5C0];
	v6 =	vor.u32 s0, v6  }
0x62c: {  	[tilespmem:v9+s25+$0x0] =	vst.idx.msk $0xffff, v14;
	v9 =	vld [tilespmem:$0x1F530]  }
0x62d: {  	v14 =	vld [tilespmem:$0x1F5D0];
	v7 =	vor.u32 s0, v7  }
0x62e: {  	[tilespmem:v5+s25+$0x0] =	vst.idx.msk $0xffff, v15;
	v5 =	vld [tilespmem:$0x1F540]  }
0x62f: {  	v8 =	vor.u32 s0, v8;
	v15 =	vld [tilespmem:$0x1F5E0]  }
0x630: {  	[tilespmem:v6+s25+$0x0] =	vst.idx.msk $0xffff, v16;
	v6 =	vld [tilespmem:$0x1F980]  }
0x631: {  	v9 =	vor.u32 s0, v9;
	v16 =	vld [tilespmem:$0x1F5F0]  }
0x632: {  	[tilespmem:v7+s25+$0x0] =	vst.idx.msk $0xffff, v17;
	v7 =	vld [tilespmem:$0x1F550]  }
0x633: {  	v17 =	vld [tilespmem:$0x1F600];
	v5 =	vor.u32 s0, v5  }
0x634: {  	[tilespmem:v8+s25+$0x0] =	vst.idx.msk $0xffff, v18;
	v8 =	vld [tilespmem:$0x1F560]  }
0x635: {  	v18 =	vld [tilespmem:$0x1F490];
	v6 =	vor.u32 v6, v37  }
0x636: {  	v10 =	vor.u32 v10, v37;
	[tilespmem:v9+s25+$0x0] =	vst.idx.msk $0xffff, v19;
	v9 =	vld [tilespmem:$0x1F570]  }
0x637: {  	v11 =	vor.u32 v11, v37;
	v19 =	vld [tilespmem:$0x1F610]  }
0x638: {  	v12 =	vor.u32 v12, v37;
	[tilespmem:v5+s25+$0x0] =	vst.idx.msk $0xffff, v20;
	v5 =	vld [tilespmem:$0x1F580]  }
0x639: {  	v13 =	vor.u32 v13, v37;
	v20 =	vld [tilespmem:$0x1F620]  }
0x63a: {  	v14 =	vor.u32 v14, v37;
	v6 =	vld.idx.msk [tilespmem:v6+s20+$0x0], $0xffff  }
0x63b: {  	v15 =	vor.u32 v15, v37;
	v10 =	vld.idx.msk [tilespmem:v10+s20+$0x0], $0xffff  }
0x63c: {  	v16 =	vor.u32 v16, v37;
	v11 =	vld.idx.msk [tilespmem:v11+s20+$0x0], $0xffff  }
0x63d: {  	v7 =	vor.u32 v7, v37;
	v12 =	vld.idx.msk [tilespmem:v12+s20+$0x0], $0xffff  }
0x63e: {  	v17 =	vor.u32 v17, v37;
	v13 =	vld.idx.msk [tilespmem:v13+s20+$0x0], $0xffff  }
0x63f: {  	v8 =	vor.u32 v8, v37;
	v14 =	vld.idx.msk [tilespmem:v14+s20+$0x0], $0xffff  }
0x640: {  	v18 =	vor.u32 v18, v37;
	v15 =	vld.idx.msk [tilespmem:v15+s20+$0x0], $0xffff  }
0x641: {  	v9 =	vor.u32 v9, v37;
	v16 =	vld.idx.msk [tilespmem:v16+s20+$0x0], $0xffff  }
0x642: {  	v19 =	vor.u32 v19, v37;
	v7 =	vld.idx.msk [tilespmem:v7+s20+$0x0], $0xffff  }
0x643: {  	v17 =	vld.idx.msk [tilespmem:v17+s20+$0x0], $0xffff;
	v5 =	vor.u32 v5, v37  }
0x644: {  	v8 =	vld.idx.msk [tilespmem:v8+s20+$0x0], $0xffff;
	v20 =	vor.u32 v20, v37  }
0x645: {  	v59 =	vor.u32 s0, v59;
	v18 =	vld.idx.msk [tilespmem:v18+s20+$0x0], $0xffff  }
0x646: {  	v9 =	vld.idx.msk [tilespmem:v9+s20+$0x0], $0xffff  }
0x647: {  	v60 =	vor.u32 s0, v60;
	v19 =	vld.idx.msk [tilespmem:v19+s20+$0x0], $0xffff  }
0x648: {  	v5 =	vld.idx.msk [tilespmem:v5+s20+$0x0], $0xffff  }
0x649: {  	v20 =	vld.idx.msk [tilespmem:v20+s20+$0x0], $0xffff  }
0x64a: {  	[tilespmem:v59+s25+$0x0] =	vst.idx.msk $0xffff, v21;
	v21 =	vld [tilespmem:$0x1F660];
	_ =	sdelay $0x1  }
0x64b: {  	v61 =	vor.u32 s0, v61;
	[tilespmem:v60+s25+$0x0] =	vst.idx.msk $0xffff, v22;
	v22 =	vld [tilespmem:$0x1F670]  }
0x64c: {  	v62 =	vor.u32 s0, v62  }
0x64d: {  	v42 =	vor.u32 s0, v63  }
0x64e: {  	v21 =	vor.u32 s0, v21;
	_ =	sdelay $0x1  }
0x64f: {  	v59 =	vld [tilespmem:$0x1F680];
	[tilespmem:v61+s25+$0x0] =	vst.idx.msk $0xffff, v45;
	v22 =	vor.u32 s0, v22  }
0x650: {  	v61 =	vld [tilespmem:$0x1F690];
	[tilespmem:v62+s25+$0x0] =	vst.idx.msk $0xffff, v46  }
0x651: {  	v63 =	vld [tilespmem:$0x1F6A0];
	[tilespmem:v42+s25+$0x0] =	vst.idx.msk $0xffff, v47  }
0x652: {  	[tilespmem:v21+s25+$0x0] =	vst.idx.msk $0xffff, v48;
	v21 =	vld [tilespmem:$0x1F6B0];
	_ =	sdelay $0x1  }
0x653: {  	v60 =	vor.u32 s0, v59;
	[tilespmem:v22+s25+$0x0] =	vst.idx.msk $0xffff, v49;
	v22 =	vld [tilespmem:$0x1F6C0]  }
0x654: {  	v59 =	vld [tilespmem:$0x1F6E0];
	v62 =	vor.u32 s0, v61  }
0x655: {  	v42 =	vor.u32 s0, v63;
	v49 =	vld [tilespmem:$0x1F6D0]  }
0x656: {  	v21 =	vor.u32 s0, v21  }
0x657: {  	v61 =	vld [tilespmem:$0x1F6F0]  }
0x658: {  	[tilespmem:v60+s25+$0x0] =	vst.idx.msk $0xffff, v50;
	v22 =	vor.u32 s0, v22  }
0x659: {  	v63 =	vld [tilespmem:$0x1F710];
	[tilespmem:v62+s25+$0x0] =	vst.idx.msk $0xffff, v51  }
0x65a: {  	v60 =	vor.u32 s0, v59;
	v59 =	vld [tilespmem:$0x1F760];
	[tilespmem:v42+s25+$0x0] =	vst.idx.msk $0xffff, v52;
	v50 =	vor.u32 s0, v49  }
0x65b: {  	[tilespmem:v21+s25+$0x0] =	vst.idx.msk $0xffff, v53;
	v21 =	vld [tilespmem:$0x1F700]  }
0x65c: {  	v62 =	vor.u32 s0, v61;
	v51 =	vld [tilespmem:$0x1F720]  }
0x65d: {  	[tilespmem:v22+s25+$0x0] =	vst.idx.msk $0xffff, v54;
	v22 =	vld [tilespmem:$0x1FC20]  }
0x65e: {  	v61 =	vld [tilespmem:$0x1F770]  }
0x65f: {  	v42 =	vor.u32 v63, v37;
	v63 =	vld [tilespmem:$0x1F780];
	[tilespmem:v50+s25+$0x0] =	vst.idx.msk $0xffff, v55  }
0x660: {  	v53 =	vld [tilespmem:$0x1F730];
	[tilespmem:v60+s25+$0x0] =	vst.idx.msk $0xffff, v56;
	v21 =	vor.u32 s0, v21  }
0x661: {  	[tilespmem:v62+s25+$0x0] =	vst.idx.msk $0xffff, v57;
	v57 =	vld [tilespmem:$0x1F750]  }
0x662: {  	v55 =	vld [tilespmem:$0x1F740];
	v22 =	vor.u32 v22, v37  }
0x663: {  	v60 =	vor.u32 v59, v37;
	v59 =	vld [tilespmem:$0x1FB90]  }
0x664: {  	v52 =	vor.u32 v51, v37;
	v62 =	vor.u32 v61, v37;
	v61 =	vld [tilespmem:$0x1FCB0]  }
0x665: {  	v54 =	vor.u32 v53, v37;
	[tilespmem:v21+s25+$0x0] =	vst.idx.msk $0xffff, v58;
	v21 =	vld [tilespmem:$0x1FB10]  }
0x666: {  	v58 =	vor.u32 v57, v37;
	v57 =	vld [tilespmem:$0x1F480]  }
0x667: {  	v22 =	vld.idx.msk [tilespmem:v22+s20+$0x0], $0xffff  }
0x668: {  	v45 =	vld.idx.msk [tilespmem:v42+s20+$0x0], $0xffff  }
0x669: {  	v46 =	vld.idx.msk [tilespmem:v52+s20+$0x0], $0xffff  }
0x66a: {  	v47 =	vld.idx.msk [tilespmem:v54+s20+$0x0], $0xffff  }
0x66b: {  	v50 =	vld.idx.msk [tilespmem:v60+s20+$0x0], $0xffff  }
0x66c: {  	v51 =	vld.idx.msk [tilespmem:v62+s20+$0x0], $0xffff  }
0x66d: {  	v56 =	vor.u32 v55, v37;
	v42 =	vor.u32 v63, v37;
	v63 =	vld [tilespmem:$0x1FCC0]  }
0x66e: {  	v49 =	vld.idx.msk [tilespmem:v58+s20+$0x0], $0xffff  }
0x66f: {  	v58 =	vld [tilespmem:$0x1F790]  }
0x670: {  	v60 =	vor.u32 v59, v37;
	v59 =	vld [tilespmem:$0x1F7A0]  }
0x671: {  	v62 =	vor.u32 v61, v37;
	v61 =	vld [tilespmem:$0x1F4A0]  }
0x672: {  	v48 =	vld.idx.msk [tilespmem:v56+s20+$0x0], $0xffff  }
0x673: {  	v52 =	vld.idx.msk [tilespmem:v42+s20+$0x0], $0xffff  }
0x674: {  	v54 =	vor.u32 v58, v37;
	v58 =	vld [tilespmem:$0x1FCD0]  }
0x675: {  	v21 =	vor.u32 v21, v37;
	v55 =	vld.idx.msk [tilespmem:v60+s20+$0x0], $0xffff  }
0x676: {  	v53 =	vor.u32 v57, v37;
	v60 =	vld [tilespmem:$0x1F470]  }
0x677: {  	v42 =	vor.u32 v63, v37;
	v56 =	vld.idx.msk [tilespmem:v62+s20+$0x0], $0xffff  }
0x678: {  	v62 =	vld [tilespmem:$0x1F7B0]  }
0x679: {  	v63 =	vld [tilespmem:$0x1F7C0];
	v37 =	vor.u32 v58, v37  }
0x67a: {  	v21 =	vld.idx.msk [tilespmem:v21+s20+$0x0], $0xffff;
	v58 =	vor.u32 s0, v59  }
0x67b: {  	v53 =	vld.idx.msk [tilespmem:v53+s20+$0x0], $0xffff;
	v59 =	vor.u32 s0, v60  }
0x67c: {  	v57 =	vld.idx.msk [tilespmem:v42+s20+$0x0], $0xffff;
	v60 =	vor.u32 s0, v61  }
0x67d: {  	v54 =	vld.idx.msk [tilespmem:v54+s20+$0x0], $0xffff;
	v61 =	vor.u32 s0, v62  }
0x67e: {  	v42 =	vor.u32 s0, v63;
	v37 =	vld.idx.msk [tilespmem:v37+s20+$0x0], $0xffff  }
0x67f: {  	[tilespmem:v58+s25+$0x0] =	vst.idx.msk $0xffff, v6;
	v6 =	vld [tilespmem:$0x1F7D0]  }
0x680: {  	[tilespmem:v59+s25+$0x0] =	vst.idx.msk $0xffff, v7;
	v7 =	vld [tilespmem:$0x1F7E0]  }
0x681: {  	[tilespmem:v60+s25+$0x0] =	vst.idx.msk $0xffff, v8;
	v8 =	vld [tilespmem:$0x1F4C0]  }
0x682: {  	[tilespmem:v61+s25+$0x0] =	vst.idx.msk $0xffff, v9;
	v9 =	vld [tilespmem:$0x1F7F0]  }
0x683: {  	[tilespmem:v42+s25+$0x0] =	vst.idx.msk $0xffff, v5;
	v5 =	vld [tilespmem:$0x1F800]  }
0x684: {  	v6 =	vor.u32 s0, v6  }
0x685: {  	v7 =	vor.u32 s0, v7  }
0x686: {  	v8 =	vor.u32 s0, v8  }
0x687: {  	v9 =	vor.u32 s0, v9  }
0x688: {  	v5 =	vor.u32 s0, v5  }
0x689: {  	[tilespmem:v6+s25+$0x0] =	vst.idx.msk $0xffff, v10;
	v6 =	vld [tilespmem:$0x1F810]  }
0x68a: {  	[tilespmem:v7+s25+$0x0] =	vst.idx.msk $0xffff, v11;
	v7 =	vld [tilespmem:$0x1F460]  }
0x68b: {  	[tilespmem:v8+s25+$0x0] =	vst.idx.msk $0xffff, v12;
	v8 =	vld [tilespmem:$0x1F830]  }
0x68c: {  	[tilespmem:v9+s25+$0x0] =	vst.idx.msk $0xffff, v13;
	v9 =	vld [tilespmem:$0x1F450]  }
0x68d: {  	[tilespmem:v5+s25+$0x0] =	vst.idx.msk $0xffff, v14;
	v5 =	vld [tilespmem:$0x1F440]  }
0x68e: {  	v6 =	vor.u32 s0, v6  }
0x68f: {  	v7 =	vor.u32 s0, v7  }
0x690: {  	v8 =	vor.u32 s0, v8  }
0x691: {  	v9 =	vor.u32 s0, v9  }
0x692: {  	v5 =	vor.u32 s0, v5  }
0x693: {  	[tilespmem:v6+s25+$0x0] =	vst.idx.msk $0xffff, v15;
	v6 =	vor.u32 s0, v2  }
0x694: {  	[tilespmem:v7+s25+$0x0] =	vst.idx.msk $0xffff, v16;
	v7 =	vor.u32 s0, v1  }
0x695: {  	[tilespmem:v8+s25+$0x0] =	vst.idx.msk $0xffff, v17  }
0x696: {  	[tilespmem:v9+s25+$0x0] =	vst.idx.msk $0xffff, v18  }
0x697: {  	[tilespmem:v5+s25+$0x0] =	vst.idx.msk $0xffff, v19;
	v5 =	vld [tilespmem:$0x1FD00]  }
0x698: {  	[tilespmem:v6+s25+$0x0] =	vst.idx.msk $0xffff, v20;
	v6 =	vld [tilespmem:$0x1FD10]  }
0x699: {  	[tilespmem:v7+s25+$0x0] =	vst.idx.msk $0xffff, v22;
	v7 =	vld [tilespmem:$0x1FD20]  }
0x69a: {  	v8 =	vor.u32 s0, v35  }
0x69b: {  	v9 =	vor.u32 s0, v40  }
0x69c: {  	v5 =	vor.u32 s0, v5  }
0x69d: {  	v6 =	vor.u32 s0, v6  }
0x69e: {  	v7 =	vor.u32 s0, v7  }
0x69f: {  	[tilespmem:v8+s25+$0x0] =	vst.idx.msk $0xffff, v45;
	v8 =	vld [tilespmem:$0x1FD30]  }
0x6a0: {  	[tilespmem:v9+s25+$0x0] =	vst.idx.msk $0xffff, v46;
	v9 =	vld [tilespmem:$0x1FD40]  }
0x6a1: {  	[tilespmem:v5+s25+$0x0] =	vst.idx.msk $0xffff, v47;
	v5 =	vld [tilespmem:$0x1FD50]  }
0x6a2: {  	[tilespmem:v6+s25+$0x0] =	vst.idx.msk $0xffff, v21;
	v6 =	vld [tilespmem:$0x1FD60]  }
0x6a3: {  	[tilespmem:v7+s25+$0x0] =	vst.idx.msk $0xffff, v48;
	v7 =	vld [tilespmem:$0x1FD70]  }
0x6a4: {  	v8 =	vor.u32 s0, v8  }
0x6a5: {  	v61 =	vld [tilespmem:$0x1FDF0];
	v9 =	vor.u32 s0, v9  }
0x6a6: {  	v10 =	vld [tilespmem:$0x1FE30];
	v5 =	vor.u32 s0, v5  }
0x6a7: {  	v11 =	vld [tilespmem:$0x1FE40];
	v6 =	vor.u32 s0, v6  }
0x6a8: {  	v12 =	vld [tilespmem:$0x1FE50];
	v7 =	vor.u32 s0, v7  }
0x6a9: {  	[tilespmem:v8+s25+$0x0] =	vst.idx.msk $0xffff, v49;
	v8 =	vld [tilespmem:$0x1FD80]  }
0x6aa: {  	[tilespmem:v9+s25+$0x0] =	vst.idx.msk $0xffff, v50;
	v9 =	vld [tilespmem:$0x1FD90]  }
0x6ab: {  	[tilespmem:v5+s25+$0x0] =	vst.idx.msk $0xffff, v51;
	v5 =	vld [tilespmem:$0x1FDA0]  }
0x6ac: {  	[tilespmem:v6+s25+$0x0] =	vst.idx.msk $0xffff, v52;
	v6 =	vld [tilespmem:$0x1FDB0]  }
0x6ad: {  	[tilespmem:v7+s25+$0x0] =	vst.idx.msk $0xffff, v53;
	v7 =	vld [tilespmem:$0x1FDC0]  }
0x6ae: {  	v13 =	vld [tilespmem:$0x1FE60];
	v8 =	vor.u32 s0, v8  }
0x6af: {  	v14 =	vld [tilespmem:$0x1FE70];
	v9 =	vor.u32 s0, v9  }
0x6b0: {  	v15 =	vld [tilespmem:$0x1FE80];
	v5 =	vor.u32 s0, v5  }
0x6b1: {  	v16 =	vld [tilespmem:$0x1FE90];
	v6 =	vor.u32 s0, v6  }
0x6b2: {  	p0 =	sne.s32 s0, $0x70;
	v17 =	vld [tilespmem:$0x1FEA0];
	v7 =	vor.u32 s0, v7  }
.Ltmp8:
0x6b3: {  	v18 =	vld [tilespmem:$0x1FEB0];
	[tilespmem:v8+s25+$0x0] =	vst.idx.msk $0xffff, v54;
	(pc) =	sbr.rel @p0 .LBB2_18-.Ltmp8, $4  }
0x6b4: {  	v19 =	vld [tilespmem:$0x1FEC0];
	[tilespmem:v9+s25+$0x0] =	vst.idx.msk $0xffff, v55  }
0x6b5: {  	v20 =	vld [tilespmem:$0x1FED0];
	[tilespmem:v5+s25+$0x0] =	vst.idx.msk $0xffff, v56  }
0x6b6: {  	v62 =	vmov v26;
	v22 =	vld [tilespmem:$0x1FEE0];
	[tilespmem:v6+s25+$0x0] =	vst.idx.msk $0xffff, v57  }
0x6b7: {  	v51 =	vmovc v38;
	v53 =	vmovc v30;
	v54 =	vmov v44;
	v55 =	vmov v25;
	v9 =	vld [tilespmem:$0x1FE20];
	s0 =	sadd.s32 $0x10, s0;
	v56 =	vmov v24;
	[tilespmem:v7+s25+$0x0] =	vst.idx.msk $0xffff, v37  }
0x6b8: {  	s0 =	rddreg [dreg:$0x7]  }
0x6b9: {  	[hbm4b:s0+s23] =	stream.strided.scatter [tilespmem:s25], [sflag:$0x4], $0x2000, s14, s23, $0x38;
	[tilespmem:$0x13100] =	vst v63  }
0x6ba: {  	_ =	swait.ge [sflag:s26], $0x2000  }
0x6bb: {  	[sflag:s26] =	ssyncset.done $0x0  }
0x6bc: {  	[sflag:s26] =	ssyncadd.s32 $0xFFFFE000  }
0x6bd: {  	_ =	swait.ge [sflag:s28], $0x2000  }
0x6be: {  	s29 =	sadd.s32 $0x1, s29;
	s31 =	rddreg [dreg:$0x8]  }
0x6bf: {  	p0 =	sne.s32 s29, s31  }
.Ltmp9:
0x6c0: {  	v30 =	vld [tilespmem:$0x1FC50];
	(pc) =	sbr.rel @p0 .LBB2_1-.Ltmp9, $4  }
0x6c1: {  	v39 =	vld [tilespmem:$0x1FC60]  }
0x6c2: {  	v44 =	vld [tilespmem:$0x1FC70]  }
0x6c3: {  	[sflag:s28] =	ssyncset.done $0x0;
	v54 =	vld [tilespmem:$0x1FC80]  }
0x6c4: {  	v37 =	vmov v28;
	v21 =	vmov v55;
	v23 =	vld [tilespmem:$0x1FC20];
	[sflag:s28] =	ssyncadd.s32 $0xFFFFE000  }
0x6c5: {  	_ =	sfence.sel $0x180000  }
0x6c6: {  	[bflag:$0x0] =	sbarrier.arrive $0xFFFF  }
0x6c7: {  	_ =	strace $0x90000047  }
0x6c8: {  	s0 =	stileid.u32;
	[bflag:$0x2] =	sbarrier.arrive $0xFFFF  }
0x6c9: {  	p0 =	sne.s32 s0, $0x0;
	s0 =	rddreg [dreg:$0x3]  }
0x6ca: {  	s0 =	sadd.s32 @!p0 $0x100000, s0  }
0x6cb: {  	[sflag:s0] =	ssyncadd.tile.s32 @!p0 $0x1;
	_ =	shalt  }
.Lfunc_end2:
_tile_overlayer_lowered:
.L_overlay_start_2:
0x6cc: {  	(tag) =	ssettag $0x2  }
0x6cd: {  	s0 =	rddreg [dreg:$0x0];
	s2 =	stileid.u32  }
0x6ce: {  	s1 =	rddreg [dreg:$0x1];
	p0 =	sne.s32 s2, $0x0  }
0x6cf: {  	s3 =	rddreg [dreg:$0x2];
	[bflag:$0x3] =	sbarrier.arrive $0xFFFF;
	s2 =	simm.s32 @!p0 $0x1C05  }
0x6d0: {  	[timem:s3], [sflag:s2] =	dma.local @!p0 [hbm:s0], s1  }
0x6d1: {  	s0 =	simm.s32 @!p0 $0x5  }
0x6d2: {  	_ =	swait.ge @!p0 [sflag:s0], s1  }
0x6d3: {  	s1 =	ssub.s32 @!p0 $0x0, s1;
	[sflag:s0] =	ssyncset.done @!p0 $0x0  }
0x6d4: {  	[sflag:s0] =	ssyncadd.s32 @!p0 s1  }
0x6d5: {  	[bflag:$0x3] =	sbarrier.arrive $0xFFFF  }
0x6d6: {  	_ =	shalt  }

</sc_bundles>
